<compile_context>
chip_gen: v7x
topology: tpu7x:2x2x1
jax: 0.10.2.dev20260603
libtpu: 0.0.44.dev20260713+nightly
codegen_flags: <defaults>
</compile_context>

<pallas_src>
import jax
import jax.numpy as jnp
from jax.experimental import pallas as pl
from jax.experimental.pallas import tpu as pltpu
from jax.experimental.pallas import tpu_sc as plsc

_G = 32
_S = 2

_SC_B = 2
_SC_CH = 256
_NC = 2
_NS = 16
_L = 16
_SC_W = 128
_SC_RB = 8
_SC_NG = _SC_W // _L


def _part_scan(ref, base_slab, ng, d):
    mv = jnp.full((_G, d), jnp.inf, jnp.float32)
    mi = jnp.zeros((_G, d), jnp.int32)
    for g in range(ng):
        v = ref[0, pl.ds(g * _G, _G), :]
        mask = v < mv
        mv = jnp.where(mask, v, mv)
        mi = jnp.where(mask, jnp.int32(base_slab + g), mi)
    return mv, mi


def _tc_body(*refs):
    x_refs, o_ref = refs[:-1], refs[-1]
    nh, d = x_refs[0].shape[1], x_refs[0].shape[2]
    ng = nh // _G
    mv, mi = _part_scan(x_refs[0], 0, ng, d)
    for s in range(1, _S):
        mvs, mis = _part_scan(x_refs[s], s * ng, ng, d)
        take = mvs < mv
        mv = jnp.where(take, mvs, mv)
        mi = jnp.where(take, mis, mi)
    m = jnp.min(mv, axis=0)
    track = jax.lax.broadcasted_iota(jnp.int32, (_G, d), 0)
    full = mi * _G + track
    big = jnp.int32(2**30)
    cand = jnp.where(mv == m[None], full, big)
    o_ref[0, 0, :] = jnp.min(cand, axis=0)


def _tc_argmin(x, nb):
    B, N, D = x.shape
    Nh = N // _S
    out = pl.pallas_call(
        _tc_body,
        grid=(nb,),
        in_specs=[
            pl.BlockSpec((1, Nh, D), lambda b, s=s: (b, s, 0))
            for s in range(_S)
        ],
        out_specs=pl.BlockSpec((1, 1, D), lambda b: (b, 0, 0)),
        out_shape=jax.ShapeDtypeStruct((nb, 1, D), jnp.int32),
        compiler_params=pltpu.CompilerParams(
            dimension_semantics=("arbitrary",),
            skip_device_barrier=True,
        ),
    )(*([x] * _S))
    return out.reshape(nb, D)


def _sc_body(x_hbm, o_hbm, buf, loc_mv, loc_mi, sh_mv, sh_mi,
             mg_mv, mg_mi, sem0, sem1):
    nb = x_hbm.shape[0]
    n = x_hbm.shape[1]
    rows = n // _SC_RB
    nch = rows // _SC_CH
    cid = jax.lax.axis_index("c")
    sid = jax.lax.axis_index("s")
    b = nb - _SC_B + cid
    ch = sid // _SC_RB
    rb = sid % _SC_RB
    row0 = rb * rows
    col0 = ch * _SC_W
    sems = (sem0, sem1)

    def copy(k, do_start):
        cp = pltpu.make_async_copy(
            x_hbm.at[b, pl.ds(row0 + k * _SC_CH, _SC_CH),
                     pl.ds(col0, _SC_W)],
            buf.at[k % 2],
            sems[k % 2],
        )
        if do_start:
            cp.start()
        return cp

    copy(0, True)
    mv = [jnp.full((_L,), jnp.inf, jnp.float32) for _ in range(_SC_NG)]
    mi = [jnp.zeros((_L,), jnp.int32) for _ in range(_SC_NG)]
    for k in range(nch):
        if k + 1 < nch:
            copy(k + 1, True)
        copy(k, False).wait()
        bref = buf.at[k % 2]
        rv0 = jnp.zeros((_L,), jnp.int32) + (row0 + k * _SC_CH)

        def row_body(r, carry):
            mv, mi, rv = carry
            out_v, out_i = [], []
            for j in range(_SC_NG):
                v = bref[r, pl.ds(j * _L, _L)]
                mask = v < mv[j]
                out_v.append(jnp.where(mask, v, mv[j]))
                out_i.append(jnp.where(mask, rv, mi[j]))
            return out_v, out_i, rv + 1

        mv, mi, _ = jax.lax.fori_loop(0, _SC_CH, row_body, (mv, mi, rv0))
    for j in range(_SC_NG):
        loc_mv[pl.ds(j * _L, _L)] = mv[j]
        loc_mi[pl.ds(j * _L, _L)] = mi[j]
    pltpu.sync_copy(loc_mv, sh_mv.at[sid])
    pltpu.sync_copy(loc_mi, sh_mi.at[sid])
    plsc.subcore_barrier()

    @pl.when(sid < 2)
    def _merge():
        m = sid
        pltpu.sync_copy(sh_mv.at[pl.ds(m * _SC_RB, _SC_RB)], mg_mv)
        pltpu.sync_copy(sh_mi.at[pl.ds(m * _SC_RB, _SC_RB)], mg_mi)
        for j in range(_SC_NG):
            fv = mg_mv[0, pl.ds(j * _L, _L)]
            fi = mg_mi[0, pl.ds(j * _L, _L)]
            for k in range(1, _SC_RB):
                v = mg_mv[k, pl.ds(j * _L, _L)]
                i = mg_mi[k, pl.ds(j * _L, _L)]
                mask = v < fv
                fv = jnp.where(mask, v, fv)
                fi = jnp.where(mask, i, fi)
            loc_mi[pl.ds(j * _L, _L)] = fi
        d = _NC * _SC_W
        pltpu.sync_copy(loc_mi, o_hbm.at[pl.ds(cid * d + m * _SC_W, _SC_W)])


def _sc_argmin(x):
    _, N, D = x.shape
    Bsc = _SC_B
    mesh = plsc.VectorSubcoreMesh(
        core_axis_name="c", subcore_axis_name="s",
        num_cores=_NC, num_subcores=_NS,
    )
    k = pl.kernel(
        _sc_body,
        out_type=jax.ShapeDtypeStruct((Bsc * D,), jnp.int32),
        mesh=mesh,
        scratch_types=[
            pltpu.VMEM((2, _SC_CH, _SC_W), jnp.float32),
            pltpu.VMEM((_SC_W,), jnp.float32),
            pltpu.VMEM((_SC_W,), jnp.int32),
            pltpu.VMEM_SHARED((_NS, _SC_W), jnp.float32),
            pltpu.VMEM_SHARED((_NS, _SC_W), jnp.int32),
            pltpu.VMEM((_SC_RB, _SC_W), jnp.float32),
            pltpu.VMEM((_SC_RB, _SC_W), jnp.int32),
            pltpu.SemaphoreType.DMA,
            pltpu.SemaphoreType.DMA,
        ],
        compiler_params=pltpu.CompilerParams(skip_device_barrier=True),
    )
    return k(x).reshape(Bsc, D)


def kernel(x):
    B, N, D = x.shape
    out_sc = _sc_argmin(x)
    out_tc = _tc_argmin(x, B - _SC_B)
    out = jnp.concatenate([out_tc, out_sc], axis=0)
    return out.astype(jnp.int64)

# --- scband reference (transcript-rebuilt; emitter-appended) ---
"""Pipeline reference for scband-model-new-73315091744293 (READ-ONLY COPY).

The authoritative reference and input builder live on the scoring server;
editing this copy changes nothing except your own understanding.
"""

import jax, jax.numpy as jnp
import numpy as np

def setup_inputs(seed: int = 0) -> dict:
    key = jax.random.key(seed)
    x = jax.random.normal(key, (16, 8192, 256), dtype=jnp.float32)
    return {"x": x}

def reference(x):
    # Faithful translation of the CUDA argmin kernel: argmin over dim=1
    # with ties broken by the lowest index (jnp.argmin semantics match).
    # Output shape [batch, dim2], integer indices.
    out = jnp.argmin(x, axis=1)
    return out.astype(jnp.int64)

if __name__ == "__main__":
    import jax
    _d = setup_inputs()
    print(jax.jit(kernel)(*tuple(_d.values())))

</pallas_src>

<mosaic_0001>
#map = affine_map<(d0, d1) -> (0, 0, 0)>
#map1 = affine_map<(d0, d1) -> (0)>
module attributes {stable_mosaic.version = 14 : i64} {
  func.func @_sc_body(%arg0: i32, %arg1: i32, %arg2: memref<16x8192x256xf32, #tpu.memory_space<hbm>>, %arg3: memref<512xi32, #tpu.memory_space<hbm>>, %arg4: memref<2x256x128xf32, #tpu.memory_space<vmem>>, %arg5: memref<128xf32, #tpu.memory_space<vmem>>, %arg6: memref<128xi32, #tpu.memory_space<vmem>>, %arg7: memref<16x128xf32, #tpu.memory_space<vmem_shared>>, %arg8: memref<16x128xi32, #tpu.memory_space<vmem_shared>>, %arg9: memref<8x128xf32, #tpu.memory_space<vmem>>, %arg10: memref<8x128xi32, #tpu.memory_space<vmem>>, %arg11: memref<!tpu.dma_semaphore, #tpu.memory_space<semaphore_mem>>, %arg12: memref<!tpu.dma_semaphore, #tpu.memory_space<semaphore_mem>>) attributes {dimension_semantics = [#tpu.dimension_semantics<core_parallel>, #tpu.dimension_semantics<subcore_parallel>], iteration_bounds = array<i64: 2, 16>, scalar_prefetch = 0 : i64, scratch_operands = 9 : i64, tpu.core_type = #tpu.core_type<sc_vector_subcore>, window_params = [{transform_indices = #map}, {transform_indices = #map1}]} {
    %add3A = arith.constant 14 : i32
    %add3A_0 = arith.addi %add3A, %arg0 : i32
    %jit3A = arith.constant 8 : i32
    %div3A = arith.divsi %arg1, %jit3A : i32
    %sign3A = arith.constant 0 : i32
    %sign3A_1 = arith.cmpi sgt, %arg1, %sign3A : i32
    %sign3A_2 = arith.extui %sign3A_1 : i1 to i32
    %sign3A_3 = arith.constant 0 : i32
    %sign3A_4 = arith.cmpi slt, %arg1, %sign3A_3 : i32
    %sign3A_5 = arith.extui %sign3A_4 : i1 to i32
    %sign3A_6 = arith.subi %sign3A_2, %sign3A_5 : i32
    %sign3A_7 = arith.constant 0 : i32
    %sign3A_8 = arith.cmpi sgt, %jit3A, %sign3A_7 : i32
    %sign3A_9 = arith.extui %sign3A_8 : i1 to i32
    %sign3A_10 = arith.constant 0 : i32
    %sign3A_11 = arith.cmpi slt, %jit3A, %sign3A_10 : i32
    %sign3A_12 = arith.extui %sign3A_11 : i1 to i32
    %sign3A_13 = arith.subi %sign3A_9, %sign3A_12 : i32
    %ne3A = arith.cmpi ne, %sign3A_6, %sign3A_13 : i32
    %rem3A = arith.remsi %arg1, %jit3A : i32
    %ne3A_14 = arith.constant 0 : i32
    %ne3A_15 = arith.cmpi ne, %rem3A, %ne3A_14 : i32
    %and3A = arith.andi %ne3A, %ne3A_15 : i1
    %sub3A = arith.constant 1 : i32
    %sub3A_16 = arith.subi %div3A, %sub3A : i32
    %select_n3A = arith.select %and3A, %sub3A_16, %div3A : i32
    %jit3A_17 = arith.constant 8 : i32
    %eq3A = arith.constant 0 : i32
    %eq3A_18 = arith.cmpi eq, %jit3A_17, %eq3A : i32
    %jit3A_19 = arith.constant 1 : i32
    %select_n3A_20 = arith.select %eq3A_18, %jit3A_19, %jit3A_17 : i32
    %rem3A_21 = arith.remsi %arg1, %select_n3A_20 : i32
    %ne3A_22 = arith.constant 0 : i32
    %ne3A_23 = arith.cmpi ne, %rem3A_21, %ne3A_22 : i32
    %lt3A = arith.constant 0 : i32
    %lt3A_24 = arith.cmpi slt, %rem3A_21, %lt3A : i32
    %lt3A_25 = arith.constant 0 : i32
    %lt3A_26 = arith.cmpi slt, %select_n3A_20, %lt3A_25 : i32
    %ne3A_27 = arith.xori %lt3A_24, %lt3A_26 : i1
    %and3A_28 = arith.andi %ne3A_27, %ne3A_23 : i1
    %add3A_29 = arith.addi %rem3A_21, %select_n3A_20 : i32
    %select_n3A_30 = arith.select %and3A_28, %add3A_29, %rem3A_21 : i32
    %mul3A = arith.constant 1024 : i32
    %mul3A_31 = arith.muli %select_n3A_30, %mul3A : i32
    %mul3A_32 = arith.constant 128 : i32
    %mul3A_33 = arith.muli %select_n3A, %mul3A_32 : i32
    %add3A_34 = arith.constant 0 : i32
    %add3A_35 = arith.addi %mul3A_31, %add3A_34 : i32
    %dma_start3A = arith.constant 0 : i32
    %dma_start3A_36 = arith.constant 0 : i32
    %dma_start3A_37 = arith.constant 0 : i32
    %dma_start3A_38 = tpu.memref_slice %arg4[%dma_start3A, %dma_start3A_36, %dma_start3A_37] : memref<2x256x128xf32, #tpu.memory_space<vmem>> -> memref<1x256x128xf32, #tpu.memory_space<vmem>>
    %dma_start3A_39 = tpu.memref_squeeze %dma_start3A_38 : memref<1x256x128xf32, #tpu.memory_space<vmem>> -> memref<256x128xf32, #tpu.memory_space<vmem>>
    %dma_start3A_40 = tpu.memref_slice %arg2[%add3A_0, %add3A_35, %mul3A_33] : memref<16x8192x256xf32, #tpu.memory_space<hbm>> -> memref<1x256x128xf32, #tpu.memory_space<hbm>>
    %dma_start3A_41 = tpu.memref_squeeze %dma_start3A_40 : memref<1x256x128xf32, #tpu.memory_space<hbm>> -> memref<256x128xf32, #tpu.memory_space<hbm>>
    %dma_start3A_42 = arith.constant 0 : i32
    %dma_start3A_43 = arith.constant 0 : i32
    %dma_start3A_44 = tpu.memref_slice %arg4[%dma_start3A, %dma_start3A_42, %dma_start3A_43] : memref<2x256x128xf32, #tpu.memory_space<vmem>> -> memref<1x256x128xf32, #tpu.memory_space<vmem>>
    %dma_start3A_45 = tpu.memref_squeeze %dma_start3A_44 : memref<1x256x128xf32, #tpu.memory_space<vmem>> -> memref<256x128xf32, #tpu.memory_space<vmem>>
    %dma_start3A_46 = tpu.memref_slice %arg2[%add3A_0, %add3A_35, %mul3A_33] : memref<16x8192x256xf32, #tpu.memory_space<hbm>> -> memref<1x256x128xf32, #tpu.memory_space<hbm>>
    %dma_start3A_47 = tpu.memref_squeeze %dma_start3A_46 : memref<1x256x128xf32, #tpu.memory_space<hbm>> -> memref<256x128xf32, #tpu.memory_space<hbm>>
    tpu.enqueue_dma source(%dma_start3A_47 : memref<256x128xf32, #tpu.memory_space<hbm>>) target(%dma_start3A_45 : memref<256x128xf32, #tpu.memory_space<vmem>>) target_semaphore(%arg11 : memref<!tpu.dma_semaphore, #tpu.memory_space<semaphore_mem>>)
    %broadcast_in_dim3A = arith.constant 0x7F800000 : f32
    %broadcast_in_dim3A_48 = vector.broadcast %broadcast_in_dim3A : f32 to vector<16xf32>
    %broadcast_in_dim3A_49 = arith.constant 0x7F800000 : f32
    %broadcast_in_dim3A_50 = vector.broadcast %broadcast_in_dim3A_49 : f32 to vector<16xf32>
    %broadcast_in_dim3A_51 = arith.constant 0x7F800000 : f32
    %broadcast_in_dim3A_52 = vector.broadcast %broadcast_in_dim3A_51 : f32 to vector<16xf32>
    %broadcast_in_dim3A_53 = arith.constant 0x7F800000 : f32
    %broadcast_in_dim3A_54 = vector.broadcast %broadcast_in_dim3A_53 : f32 to vector<16xf32>
    %broadcast_in_dim3A_55 = arith.constant 0x7F800000 : f32
    %broadcast_in_dim3A_56 = vector.broadcast %broadcast_in_dim3A_55 : f32 to vector<16xf32>
    %broadcast_in_dim3A_57 = arith.constant 0x7F800000 : f32
    %broadcast_in_dim3A_58 = vector.broadcast %broadcast_in_dim3A_57 : f32 to vector<16xf32>
    %broadcast_in_dim3A_59 = arith.constant 0x7F800000 : f32
    %broadcast_in_dim3A_60 = vector.broadcast %broadcast_in_dim3A_59 : f32 to vector<16xf32>
    %broadcast_in_dim3A_61 = arith.constant 0x7F800000 : f32
    %broadcast_in_dim3A_62 = vector.broadcast %broadcast_in_dim3A_61 : f32 to vector<16xf32>
    %broadcast_in_dim3A_63 = arith.constant 0 : i32
    %broadcast_in_dim3A_64 = vector.broadcast %broadcast_in_dim3A_63 : i32 to vector<16xi32>
    %broadcast_in_dim3A_65 = arith.constant 0 : i32
    %broadcast_in_dim3A_66 = vector.broadcast %broadcast_in_dim3A_65 : i32 to vector<16xi32>
    %broadcast_in_dim3A_67 = arith.constant 0 : i32
    %broadcast_in_dim3A_68 = vector.broadcast %broadcast_in_dim3A_67 : i32 to vector<16xi32>
    %broadcast_in_dim3A_69 = arith.constant 0 : i32
    %broadcast_in_dim3A_70 = vector.broadcast %broadcast_in_dim3A_69 : i32 to vector<16xi32>
    %broadcast_in_dim3A_71 = arith.constant 0 : i32
    %broadcast_in_dim3A_72 = vector.broadcast %broadcast_in_dim3A_71 : i32 to vector<16xi32>
    %broadcast_in_dim3A_73 = arith.constant 0 : i32
    %broadcast_in_dim3A_74 = vector.broadcast %broadcast_in_dim3A_73 : i32 to vector<16xi32>
    %broadcast_in_dim3A_75 = arith.constant 0 : i32
    %broadcast_in_dim3A_76 = vector.broadcast %broadcast_in_dim3A_75 : i32 to vector<16xi32>
    %broadcast_in_dim3A_77 = arith.constant 0 : i32
    %broadcast_in_dim3A_78 = vector.broadcast %broadcast_in_dim3A_77 : i32 to vector<16xi32>
    %add3A_79 = arith.constant 256 : i32
    %add3A_80 = arith.addi %mul3A_31, %add3A_79 : i32
    %dma_start3A_81 = arith.constant 1 : i32
    %dma_start3A_82 = arith.constant 0 : i32
    %dma_start3A_83 = arith.constant 0 : i32
    %dma_start3A_84 = tpu.memref_slice %arg4[%dma_start3A_81, %dma_start3A_82, %dma_start3A_83] : memref<2x256x128xf32, #tpu.memory_space<vmem>> -> memref<1x256x128xf32, #tpu.memory_space<vmem>>
    %dma_start3A_85 = tpu.memref_squeeze %dma_start3A_84 : memref<1x256x128xf32, #tpu.memory_space<vmem>> -> memref<256x128xf32, #tpu.memory_space<vmem>>
    %dma_start3A_86 = tpu.memref_slice %arg2[%add3A_0, %add3A_80, %mul3A_33] : memref<16x8192x256xf32, #tpu.memory_space<hbm>> -> memref<1x256x128xf32, #tpu.memory_space<hbm>>
    %dma_start3A_87 = tpu.memref_squeeze %dma_start3A_86 : memref<1x256x128xf32, #tpu.memory_space<hbm>> -> memref<256x128xf32, #tpu.memory_space<hbm>>
    %dma_start3A_88 = arith.constant 0 : i32
    %dma_start3A_89 = arith.constant 0 : i32
    %dma_start3A_90 = tpu.memref_slice %arg4[%dma_start3A_81, %dma_start3A_88, %dma_start3A_89] : memref<2x256x128xf32, #tpu.memory_space<vmem>> -> memref<1x256x128xf32, #tpu.memory_space<vmem>>
    %dma_start3A_91 = tpu.memref_squeeze %dma_start3A_90 : memref<1x256x128xf32, #tpu.memory_space<vmem>> -> memref<256x128xf32, #tpu.memory_space<vmem>>
    %dma_start3A_92 = tpu.memref_slice %arg2[%add3A_0, %add3A_80, %mul3A_33] : memref<16x8192x256xf32, #tpu.memory_space<hbm>> -> memref<1x256x128xf32, #tpu.memory_space<hbm>>
    %dma_start3A_93 = tpu.memref_squeeze %dma_start3A_92 : memref<1x256x128xf32, #tpu.memory_space<hbm>> -> memref<256x128xf32, #tpu.memory_space<hbm>>
    tpu.enqueue_dma source(%dma_start3A_93 : memref<256x128xf32, #tpu.memory_space<hbm>>) target(%dma_start3A_91 : memref<256x128xf32, #tpu.memory_space<vmem>>) target_semaphore(%arg12 : memref<!tpu.dma_semaphore, #tpu.memory_space<semaphore_mem>>)
    %add3A_94 = arith.constant 0 : i32
    %add3A_95 = arith.addi %mul3A_31, %add3A_94 : i32
    %dma_wait3A = arith.constant 0 : i32
    %dma_wait3A_96 = arith.constant 0 : i32
    %dma_wait3A_97 = arith.constant 0 : i32
    %dma_wait3A_98 = tpu.memref_slice %arg4[%dma_wait3A, %dma_wait3A_96, %dma_wait3A_97] : memref<2x256x128xf32, #tpu.memory_space<vmem>> -> memref<1x256x128xf32, #tpu.memory_space<vmem>>
    %dma_wait3A_99 = tpu.memref_squeeze %dma_wait3A_98 : memref<1x256x128xf32, #tpu.memory_space<vmem>> -> memref<256x128xf32, #tpu.memory_space<vmem>>
    %dma_wait3A_100 = tpu.memref_slice %arg2[%add3A_0, %add3A_95, %mul3A_33] : memref<16x8192x256xf32, #tpu.memory_space<hbm>> -> memref<1x256x128xf32, #tpu.memory_space<hbm>>
    %dma_wait3A_101 = tpu.memref_squeeze %dma_wait3A_100 : memref<1x256x128xf32, #tpu.memory_space<hbm>> -> memref<256x128xf32, #tpu.memory_space<hbm>>
    %dma_wait3A_102 = arith.constant 0 : i32
    %dma_wait3A_103 = arith.constant 0 : i32
    %dma_wait3A_104 = tpu.memref_slice %arg4[%dma_wait3A, %dma_wait3A_102, %dma_wait3A_103] : memref<2x256x128xf32, #tpu.memory_space<vmem>> -> memref<1x256x128xf32, #tpu.memory_space<vmem>>
    %dma_wait3A_105 = tpu.memref_squeeze %dma_wait3A_104 : memref<1x256x128xf32, #tpu.memory_space<vmem>> -> memref<256x128xf32, #tpu.memory_space<vmem>>
    %dma_wait3A_106 = tpu.memref_slice %arg2[%add3A_0, %add3A_95, %mul3A_33] : memref<16x8192x256xf32, #tpu.memory_space<hbm>> -> memref<1x256x128xf32, #tpu.memory_space<hbm>>
    %dma_wait3A_107 = tpu.memref_squeeze %dma_wait3A_106 : memref<1x256x128xf32, #tpu.memory_space<hbm>> -> memref<256x128xf32, #tpu.memory_space<hbm>>
    tpu.wait_dma2 semaphore(%arg11 : memref<!tpu.dma_semaphore, #tpu.memory_space<semaphore_mem>>) src(%dma_wait3A_107 : memref<256x128xf32, #tpu.memory_space<hbm>>) dst(%dma_wait3A_105 : memref<256x128xf32, #tpu.memory_space<vmem>>)
    %broadcast_in_dim3A_108 = arith.constant 0 : i32
    %broadcast_in_dim3A_109 = vector.broadcast %broadcast_in_dim3A_108 : i32 to vector<16xi32>
    %add3A_110 = arith.constant 0 : i32
    %add3A_111 = arith.addi %mul3A_31, %add3A_110 : i32
    %add3A_112 = vector.broadcast %add3A_111 : i32 to vector<16xi32>
    %add3A_113 = arith.addi %broadcast_in_dim3A_109, %add3A_112 : vector<16xi32>
    %scan3A = arith.constant 0 : i32
    %scan3A_114 = arith.constant 0 : i32
    %scan3A_115 = arith.constant 256 : i32
    %scan3A_116 = arith.addi %scan3A_114, %scan3A_115 : i32
    %scan3A_117 = arith.constant 1 : i32
    %scan3A_118:17 = scf.for %scan3A_300 = %scan3A_114 to %scan3A_116 step %scan3A_117 iter_args(%scan3A_301 = %broadcast_in_dim3A_48, %scan3A_302 = %broadcast_in_dim3A_50, %scan3A_303 = %broadcast_in_dim3A_52, %scan3A_304 = %broadcast_in_dim3A_54, %scan3A_305 = %broadcast_in_dim3A_56, %scan3A_306 = %broadcast_in_dim3A_58, %scan3A_307 = %broadcast_in_dim3A_60, %scan3A_308 = %broadcast_in_dim3A_62, %scan3A_309 = %broadcast_in_dim3A_64, %scan3A_310 = %broadcast_in_dim3A_66, %scan3A_311 = %broadcast_in_dim3A_68, %scan3A_312 = %broadcast_in_dim3A_70, %scan3A_313 = %broadcast_in_dim3A_72, %scan3A_314 = %broadcast_in_dim3A_74, %scan3A_315 = %broadcast_in_dim3A_76, %scan3A_316 = %broadcast_in_dim3A_78, %scan3A_317 = %add3A_113) -> (vector<16xf32>, vector<16xf32>, vector<16xf32>, vector<16xf32>, vector<16xf32>, vector<16xf32>, vector<16xf32>, vector<16xf32>, vector<16xi32>, vector<16xi32>, vector<16xi32>, vector<16xi32>, vector<16xi32>, vector<16xi32>, vector<16xi32>, vector<16xi32>, vector<16xi32>)  : i32 {
      %get3A = arith.constant 0 : i32
      %get3A_318 = arith.constant 0 : i32
      %get3A_319 = tpu.memref_slice %arg4[%scan3A, %get3A, %get3A_318] : memref<2x256x128xf32, #tpu.memory_space<vmem>> -> memref<1x256x128xf32, #tpu.memory_space<vmem>>
      %get3A_320 = tpu.memref_squeeze %get3A_319 : memref<1x256x128xf32, #tpu.memory_space<vmem>> -> memref<256x128xf32, #tpu.memory_space<vmem>>
      %get3A_321 = arith.index_cast %scan3A_300 : i32 to index
      %get3A_322 = arith.constant 0 : index
      %get3A_323 = tpu.vector_load %get3A_320[%get3A_321, %get3A_322] {strides = array<i32>} : memref<256x128xf32, #tpu.memory_space<vmem>>, vector<1x16xf32>,
      %get3A_324 = vector.shape_cast %get3A_323 : vector<1x16xf32> to vector<16xf32>
      %lt3A_325 = arith.cmpf olt, %get3A_324, %scan3A_301 : vector<16xf32>
      %select_n3A_326 = arith.select %lt3A_325, %get3A_324, %scan3A_301 : vector<16xi1>, vector<16xf32>
      %select_n3A_327 = arith.select %lt3A_325, %scan3A_317, %scan3A_309 : vector<16xi1>, vector<16xi32>
      %get3A_328 = arith.constant 0 : i32
      %get3A_329 = arith.constant 0 : i32
      %get3A_330 = tpu.memref_slice %arg4[%scan3A, %get3A_328, %get3A_329] : memref<2x256x128xf32, #tpu.memory_space<vmem>> -> memref<1x256x128xf32, #tpu.memory_space<vmem>>
      %get3A_331 = tpu.memref_squeeze %get3A_330 : memref<1x256x128xf32, #tpu.memory_space<vmem>> -> memref<256x128xf32, #tpu.memory_space<vmem>>
      %get3A_332 = arith.index_cast %scan3A_300 : i32 to index
      %get3A_333 = arith.constant 16 : index
      %get3A_334 = tpu.vector_load %get3A_331[%get3A_332, %get3A_333] {strides = array<i32>} : memref<256x128xf32, #tpu.memory_space<vmem>>, vector<1x16xf32>,
      %get3A_335 = vector.shape_cast %get3A_334 : vector<1x16xf32> to vector<16xf32>
      %lt3A_336 = arith.cmpf olt, %get3A_335, %scan3A_302 : vector<16xf32>
      %select_n3A_337 = arith.select %lt3A_336, %get3A_335, %scan3A_302 : vector<16xi1>, vector<16xf32>
      %select_n3A_338 = arith.select %lt3A_336, %scan3A_317, %scan3A_310 : vector<16xi1>, vector<16xi32>
      %get3A_339 = arith.constant 0 : i32
      %get3A_340 = arith.constant 0 : i32
      %get3A_341 = tpu.memref_slice %arg4[%scan3A, %get3A_339, %get3A_340] : memref<2x256x128xf32, #tpu.memory_space<vmem>> -> memref<1x256x128xf32, #tpu.memory_space<vmem>>
      %get3A_342 = tpu.memref_squeeze %get3A_341 : memref<1x256x128xf32, #tpu.memory_space<vmem>> -> memref<256x128xf32, #tpu.memory_space<vmem>>
      %get3A_343 = arith.index_cast %scan3A_300 : i32 to index
      %get3A_344 = arith.constant 32 : index
      %get3A_345 = tpu.vector_load %get3A_342[%get3A_343, %get3A_344] {strides = array<i32>} : memref<256x128xf32, #tpu.memory_space<vmem>>, vector<1x16xf32>,
      %get3A_346 = vector.shape_cast %get3A_345 : vector<1x16xf32> to vector<16xf32>
      %lt3A_347 = arith.cmpf olt, %get3A_346, %scan3A_303 : vector<16xf32>
      %select_n3A_348 = arith.select %lt3A_347, %get3A_346, %scan3A_303 : vector<16xi1>, vector<16xf32>
      %select_n3A_349 = arith.select %lt3A_347, %scan3A_317, %scan3A_311 : vector<16xi1>, vector<16xi32>
      %get3A_350 = arith.constant 0 : i32
      %get3A_351 = arith.constant 0 : i32
      %get3A_352 = tpu.memref_slice %arg4[%scan3A, %get3A_350, %get3A_351] : memref<2x256x128xf32, #tpu.memory_space<vmem>> -> memref<1x256x128xf32, #tpu.memory_space<vmem>>
      %get3A_353 = tpu.memref_squeeze %get3A_352 : memref<1x256x128xf32, #tpu.memory_space<vmem>> -> memref<256x128xf32, #tpu.memory_space<vmem>>
      %get3A_354 = arith.index_cast %scan3A_300 : i32 to index
      %get3A_355 = arith.constant 48 : index
      %get3A_356 = tpu.vector_load %get3A_353[%get3A_354, %get3A_355] {strides = array<i32>} : memref<256x128xf32, #tpu.memory_space<vmem>>, vector<1x16xf32>,
      %get3A_357 = vector.shape_cast %get3A_356 : vector<1x16xf32> to vector<16xf32>
      %lt3A_358 = arith.cmpf olt, %get3A_357, %scan3A_304 : vector<16xf32>
      %select_n3A_359 = arith.select %lt3A_358, %get3A_357, %scan3A_304 : vector<16xi1>, vector<16xf32>
      %select_n3A_360 = arith.select %lt3A_358, %scan3A_317, %scan3A_312 : vector<16xi1>, vector<16xi32>
      %get3A_361 = arith.constant 0 : i32
      %get3A_362 = arith.constant 0 : i32
      %get3A_363 = tpu.memref_slice %arg4[%scan3A, %get3A_361, %get3A_362] : memref<2x256x128xf32, #tpu.memory_space<vmem>> -> memref<1x256x128xf32, #tpu.memory_space<vmem>>
      %get3A_364 = tpu.memref_squeeze %get3A_363 : memref<1x256x128xf32, #tpu.memory_space<vmem>> -> memref<256x128xf32, #tpu.memory_space<vmem>>
      %get3A_365 = arith.index_cast %scan3A_300 : i32 to index
      %get3A_366 = arith.constant 64 : index
      %get3A_367 = tpu.vector_load %get3A_364[%get3A_365, %get3A_366] {strides = array<i32>} : memref<256x128xf32, #tpu.memory_space<vmem>>, vector<1x16xf32>,
      %get3A_368 = vector.shape_cast %get3A_367 : vector<1x16xf32> to vector<16xf32>
      %lt3A_369 = arith.cmpf olt, %get3A_368, %scan3A_305 : vector<16xf32>
      %select_n3A_370 = arith.select %lt3A_369, %get3A_368, %scan3A_305 : vector<16xi1>, vector<16xf32>
      %select_n3A_371 = arith.select %lt3A_369, %scan3A_317, %scan3A_313 : vector<16xi1>, vector<16xi32>
      %get3A_372 = arith.constant 0 : i32
      %get3A_373 = arith.constant 0 : i32
      %get3A_374 = tpu.memref_slice %arg4[%scan3A, %get3A_372, %get3A_373] : memref<2x256x128xf32, #tpu.memory_space<vmem>> -> memref<1x256x128xf32, #tpu.memory_space<vmem>>
      %get3A_375 = tpu.memref_squeeze %get3A_374 : memref<1x256x128xf32, #tpu.memory_space<vmem>> -> memref<256x128xf32, #tpu.memory_space<vmem>>
      %get3A_376 = arith.index_cast %scan3A_300 : i32 to index
      %get3A_377 = arith.constant 80 : index
      %get3A_378 = tpu.vector_load %get3A_375[%get3A_376, %get3A_377] {strides = array<i32>} : memref<256x128xf32, #tpu.memory_space<vmem>>, vector<1x16xf32>,
      %get3A_379 = vector.shape_cast %get3A_378 : vector<1x16xf32> to vector<16xf32>
      %lt3A_380 = arith.cmpf olt, %get3A_379, %scan3A_306 : vector<16xf32>
      %select_n3A_381 = arith.select %lt3A_380, %get3A_379, %scan3A_306 : vector<16xi1>, vector<16xf32>
      %select_n3A_382 = arith.select %lt3A_380, %scan3A_317, %scan3A_314 : vector<16xi1>, vector<16xi32>
      %get3A_383 = arith.constant 0 : i32
      %get3A_384 = arith.constant 0 : i32
      %get3A_385 = tpu.memref_slice %arg4[%scan3A, %get3A_383, %get3A_384] : memref<2x256x128xf32, #tpu.memory_space<vmem>> -> memref<1x256x128xf32, #tpu.memory_space<vmem>>
      %get3A_386 = tpu.memref_squeeze %get3A_385 : memref<1x256x128xf32, #tpu.memory_space<vmem>> -> memref<256x128xf32, #tpu.memory_space<vmem>>
      %get3A_387 = arith.index_cast %scan3A_300 : i32 to index
      %get3A_388 = arith.constant 96 : index
      %get3A_389 = tpu.vector_load %get3A_386[%get3A_387, %get3A_388] {strides = array<i32>} : memref<256x128xf32, #tpu.memory_space<vmem>>, vector<1x16xf32>,
      %get3A_390 = vector.shape_cast %get3A_389 : vector<1x16xf32> to vector<16xf32>
      %lt3A_391 = arith.cmpf olt, %get3A_390, %scan3A_307 : vector<16xf32>
      %select_n3A_392 = arith.select %lt3A_391, %get3A_390, %scan3A_307 : vector<16xi1>, vector<16xf32>
      %select_n3A_393 = arith.select %lt3A_391, %scan3A_317, %scan3A_315 : vector<16xi1>, vector<16xi32>
      %get3A_394 = arith.constant 0 : i32
      %get3A_395 = arith.constant 0 : i32
      %get3A_396 = tpu.memref_slice %arg4[%scan3A, %get3A_394, %get3A_395] : memref<2x256x128xf32, #tpu.memory_space<vmem>> -> memref<1x256x128xf32, #tpu.memory_space<vmem>>
      %get3A_397 = tpu.memref_squeeze %get3A_396 : memref<1x256x128xf32, #tpu.memory_space<vmem>> -> memref<256x128xf32, #tpu.memory_space<vmem>>
      %get3A_398 = arith.index_cast %scan3A_300 : i32 to index
      %get3A_399 = arith.constant 112 : index
      %get3A_400 = tpu.vector_load %get3A_397[%get3A_398, %get3A_399] {strides = array<i32>} : memref<256x128xf32, #tpu.memory_space<vmem>>, vector<1x16xf32>,
      %get3A_401 = vector.shape_cast %get3A_400 : vector<1x16xf32> to vector<16xf32>
      %lt3A_402 = arith.cmpf olt, %get3A_401, %scan3A_308 : vector<16xf32>
      %select_n3A_403 = arith.select %lt3A_402, %get3A_401, %scan3A_308 : vector<16xi1>, vector<16xf32>
      %select_n3A_404 = arith.select %lt3A_402, %scan3A_317, %scan3A_316 : vector<16xi1>, vector<16xi32>
      %add3A_405 = arith.constant 1 : i32
      %add3A_406 = vector.broadcast %add3A_405 : i32 to vector<16xi32>
      %add3A_407 = arith.addi %scan3A_317, %add3A_406 : vector<16xi32>
      scf.yield %select_n3A_326, %select_n3A_337, %select_n3A_348, %select_n3A_359, %select_n3A_370, %select_n3A_381, %select_n3A_392, %select_n3A_403, %select_n3A_327, %select_n3A_338, %select_n3A_349, %select_n3A_360, %select_n3A_371, %select_n3A_382, %select_n3A_393, %select_n3A_404, %add3A_407 : vector<16xf32>, vector<16xf32>, vector<16xf32>, vector<16xf32>, vector<16xf32>, vector<16xf32>, vector<16xf32>, vector<16xf32>, vector<16xi32>, vector<16xi32>, vector<16xi32>, vector<16xi32>, vector<16xi32>, vector<16xi32>, vector<16xi32>, vector<16xi32>, vector<16xi32>
    }
    %scan3A_119 = arith.constant 256 : i32
    %add3A_120 = arith.constant 512 : i32
    %add3A_121 = arith.addi %mul3A_31, %add3A_120 : i32
    %dma_start3A_122 = arith.constant 0 : i32
    %dma_start3A_123 = arith.constant 0 : i32
    %dma_start3A_124 = arith.constant 0 : i32
    %dma_start3A_125 = tpu.memref_slice %arg4[%dma_start3A_122, %dma_start3A_123, %dma_start3A_124] : memref<2x256x128xf32, #tpu.memory_space<vmem>> -> memref<1x256x128xf32, #tpu.memory_space<vmem>>
    %dma_start3A_126 = tpu.memref_squeeze %dma_start3A_125 : memref<1x256x128xf32, #tpu.memory_space<vmem>> -> memref<256x128xf32, #tpu.memory_space<vmem>>
    %dma_start3A_127 = tpu.memref_slice %arg2[%add3A_0, %add3A_121, %mul3A_33] : memref<16x8192x256xf32, #tpu.memory_space<hbm>> -> memref<1x256x128xf32, #tpu.memory_space<hbm>>
    %dma_start3A_128 = tpu.memref_squeeze %dma_start3A_127 : memref<1x256x128xf32, #tpu.memory_space<hbm>> -> memref<256x128xf32, #tpu.memory_space<hbm>>
    %dma_start3A_129 = arith.constant 0 : i32
    %dma_start3A_130 = arith.constant 0 : i32
    %dma_start3A_131 = tpu.memref_slice %arg4[%dma_start3A_122, %dma_start3A_129, %dma_start3A_130] : memref<2x256x128xf32, #tpu.memory_space<vmem>> -> memref<1x256x128xf32, #tpu.memory_space<vmem>>
    %dma_start3A_132 = tpu.memref_squeeze %dma_start3A_131 : memref<1x256x128xf32, #tpu.memory_space<vmem>> -> memref<256x128xf32, #tpu.memory_space<vmem>>
    %dma_start3A_133 = tpu.memref_slice %arg2[%add3A_0, %add3A_121, %mul3A_33] : memref<16x8192x256xf32, #tpu.memory_space<hbm>> -> memref<1x256x128xf32, #tpu.memory_space<hbm>>
    %dma_start3A_134 = tpu.memref_squeeze %dma_start3A_133 : memref<1x256x128xf32, #tpu.memory_space<hbm>> -> memref<256x128xf32, #tpu.memory_space<hbm>>
    tpu.enqueue_dma source(%dma_start3A_134 : memref<256x128xf32, #tpu.memory_space<hbm>>) target(%dma_start3A_132 : memref<256x128xf32, #tpu.memory_space<vmem>>) target_semaphore(%arg11 : memref<!tpu.dma_semaphore, #tpu.memory_space<semaphore_mem>>)
    %add3A_135 = arith.constant 256 : i32
    %add3A_136 = arith.addi %mul3A_31, %add3A_135 : i32
    %dma_wait3A_137 = arith.constant 1 : i32
    %dma_wait3A_138 = arith.constant 0 : i32
    %dma_wait3A_139 = arith.constant 0 : i32
    %dma_wait3A_140 = tpu.memref_slice %arg4[%dma_wait3A_137, %dma_wait3A_138, %dma_wait3A_139] : memref<2x256x128xf32, #tpu.memory_space<vmem>> -> memref<1x256x128xf32, #tpu.memory_space<vmem>>
    %dma_wait3A_141 = tpu.memref_squeeze %dma_wait3A_140 : memref<1x256x128xf32, #tpu.memory_space<vmem>> -> memref<256x128xf32, #tpu.memory_space<vmem>>
    %dma_wait3A_142 = tpu.memref_slice %arg2[%add3A_0, %add3A_136, %mul3A_33] : memref<16x8192x256xf32, #tpu.memory_space<hbm>> -> memref<1x256x128xf32, #tpu.memory_space<hbm>>
    %dma_wait3A_143 = tpu.memref_squeeze %dma_wait3A_142 : memref<1x256x128xf32, #tpu.memory_space<hbm>> -> memref<256x128xf32, #tpu.memory_space<hbm>>
    %dma_wait3A_144 = arith.constant 0 : i32
    %dma_wait3A_145 = arith.constant 0 : i32
    %dma_wait3A_146 = tpu.memref_slice %arg4[%dma_wait3A_137, %dma_wait3A_144, %dma_wait3A_145] : memref<2x256x128xf32, #tpu.memory_space<vmem>> -> memref<1x256x128xf32, #tpu.memory_space<vmem>>
    %dma_wait3A_147 = tpu.memref_squeeze %dma_wait3A_146 : memref<1x256x128xf32, #tpu.memory_space<vmem>> -> memref<256x128xf32, #tpu.memory_space<vmem>>
    %dma_wait3A_148 = tpu.memref_slice %arg2[%add3A_0, %add3A_136, %mul3A_33] : memref<16x8192x256xf32, #tpu.memory_space<hbm>> -> memref<1x256x128xf32, #tpu.memory_space<hbm>>
    %dma_wait3A_149 = tpu.memref_squeeze %dma_wait3A_148 : memref<1x256x128xf32, #tpu.memory_space<hbm>> -> memref<256x128xf32, #tpu.memory_space<hbm>>
    tpu.wait_dma2 semaphore(%arg12 : memref<!tpu.dma_semaphore, #tpu.memory_space<semaphore_mem>>) src(%dma_wait3A_149 : memref<256x128xf32, #tpu.memory_space<hbm>>) dst(%dma_wait3A_147 : memref<256x128xf32, #tpu.memory_space<vmem>>)
    %broadcast_in_dim3A_150 = arith.constant 0 : i32
    %broadcast_in_dim3A_151 = vector.broadcast %broadcast_in_dim3A_150 : i32 to vector<16xi32>
    %add3A_152 = arith.constant 256 : i32
    %add3A_153 = arith.addi %mul3A_31, %add3A_152 : i32
    %add3A_154 = vector.broadcast %add3A_153 : i32 to vector<16xi32>
    %add3A_155 = arith.addi %broadcast_in_dim3A_151, %add3A_154 : vector<16xi32>
    %scan3A_156 = arith.constant 1 : i32
    %scan3A_157 = arith.constant 0 : i32
    %scan3A_158 = arith.constant 256 : i32
    %scan3A_159 = arith.addi %scan3A_157, %scan3A_158 : i32
    %scan3A_160 = arith.constant 1 : i32
    %scan3A_161:17 = scf.for %scan3A_300 = %scan3A_157 to %scan3A_159 step %scan3A_160 iter_args(%scan3A_301 = %scan3A_118#0, %scan3A_302 = %scan3A_118#1, %scan3A_303 = %scan3A_118#2, %scan3A_304 = %scan3A_118#3, %scan3A_305 = %scan3A_118#4, %scan3A_306 = %scan3A_118#5, %scan3A_307 = %scan3A_118#6, %scan3A_308 = %scan3A_118#7, %scan3A_309 = %scan3A_118#8, %scan3A_310 = %scan3A_118#9, %scan3A_311 = %scan3A_118#10, %scan3A_312 = %scan3A_118#11, %scan3A_313 = %scan3A_118#12, %scan3A_314 = %scan3A_118#13, %scan3A_315 = %scan3A_118#14, %scan3A_316 = %scan3A_118#15, %scan3A_317 = %add3A_155) -> (vector<16xf32>, vector<16xf32>, vector<16xf32>, vector<16xf32>, vector<16xf32>, vector<16xf32>, vector<16xf32>, vector<16xf32>, vector<16xi32>, vector<16xi32>, vector<16xi32>, vector<16xi32>, vector<16xi32>, vector<16xi32>, vector<16xi32>, vector<16xi32>, vector<16xi32>)  : i32 {
      %get3A = arith.constant 0 : i32
      %get3A_318 = arith.constant 0 : i32
      %get3A_319 = tpu.memref_slice %arg4[%scan3A_156, %get3A, %get3A_318] : memref<2x256x128xf32, #tpu.memory_space<vmem>> -> memref<1x256x128xf32, #tpu.memory_space<vmem>>
      %get3A_320 = tpu.memref_squeeze %get3A_319 : memref<1x256x128xf32, #tpu.memory_space<vmem>> -> memref<256x128xf32, #tpu.memory_space<vmem>>
      %get3A_321 = arith.index_cast %scan3A_300 : i32 to index
      %get3A_322 = arith.constant 0 : index
      %get3A_323 = tpu.vector_load %get3A_320[%get3A_321, %get3A_322] {strides = array<i32>} : memref<256x128xf32, #tpu.memory_space<vmem>>, vector<1x16xf32>,
      %get3A_324 = vector.shape_cast %get3A_323 : vector<1x16xf32> to vector<16xf32>
      %lt3A_325 = arith.cmpf olt, %get3A_324, %scan3A_301 : vector<16xf32>
      %select_n3A_326 = arith.select %lt3A_325, %get3A_324, %scan3A_301 : vector<16xi1>, vector<16xf32>
      %select_n3A_327 = arith.select %lt3A_325, %scan3A_317, %scan3A_309 : vector<16xi1>, vector<16xi32>
      %get3A_328 = arith.constant 0 : i32
      %get3A_329 = arith.constant 0 : i32
      %get3A_330 = tpu.memref_slice %arg4[%scan3A_156, %get3A_328, %get3A_329] : memref<2x256x128xf32, #tpu.memory_space<vmem>> -> memref<1x256x128xf32, #tpu.memory_space<vmem>>
      %get3A_331 = tpu.memref_squeeze %get3A_330 : memref<1x256x128xf32, #tpu.memory_space<vmem>> -> memref<256x128xf32, #tpu.memory_space<vmem>>
      %get3A_332 = arith.index_cast %scan3A_300 : i32 to index
      %get3A_333 = arith.constant 16 : index
      %get3A_334 = tpu.vector_load %get3A_331[%get3A_332, %get3A_333] {strides = array<i32>} : memref<256x128xf32, #tpu.memory_space<vmem>>, vector<1x16xf32>,
      %get3A_335 = vector.shape_cast %get3A_334 : vector<1x16xf32> to vector<16xf32>
      %lt3A_336 = arith.cmpf olt, %get3A_335, %scan3A_302 : vector<16xf32>
      %select_n3A_337 = arith.select %lt3A_336, %get3A_335, %scan3A_302 : vector<16xi1>, vector<16xf32>
      %select_n3A_338 = arith.select %lt3A_336, %scan3A_317, %scan3A_310 : vector<16xi1>, vector<16xi32>
      %get3A_339 = arith.constant 0 : i32
      %get3A_340 = arith.constant 0 : i32
      %get3A_341 = tpu.memref_slice %arg4[%scan3A_156, %get3A_339, %get3A_340] : memref<2x256x128xf32, #tpu.memory_space<vmem>> -> memref<1x256x128xf32, #tpu.memory_space<vmem>>
      %get3A_342 = tpu.memref_squeeze %get3A_341 : memref<1x256x128xf32, #tpu.memory_space<vmem>> -> memref<256x128xf32, #tpu.memory_space<vmem>>
      %get3A_343 = arith.index_cast %scan3A_300 : i32 to index
      %get3A_344 = arith.constant 32 : index
      %get3A_345 = tpu.vector_load %get3A_342[%get3A_343, %get3A_344] {strides = array<i32>} : memref<256x128xf32, #tpu.memory_space<vmem>>, vector<1x16xf32>,
      %get3A_346 = vector.shape_cast %get3A_345 : vector<1x16xf32> to vector<16xf32>
      %lt3A_347 = arith.cmpf olt, %get3A_346, %scan3A_303 : vector<16xf32>
      %select_n3A_348 = arith.select %lt3A_347, %get3A_346, %scan3A_303 : vector<16xi1>, vector<16xf32>
      %select_n3A_349 = arith.select %lt3A_347, %scan3A_317, %scan3A_311 : vector<16xi1>, vector<16xi32>
      %get3A_350 = arith.constant 0 : i32
      %get3A_351 = arith.constant 0 : i32
      %get3A_352 = tpu.memref_slice %arg4[%scan3A_156, %get3A_350, %get3A_351] : memref<2x256x128xf32, #tpu.memory_space<vmem>> -> memref<1x256x128xf32, #tpu.memory_space<vmem>>
      %get3A_353 = tpu.memref_squeeze %get3A_352 : memref<1x256x128xf32, #tpu.memory_space<vmem>> -> memref<256x128xf32, #tpu.memory_space<vmem>>
      %get3A_354 = arith.index_cast %scan3A_300 : i32 to index
      %get3A_355 = arith.constant 48 : index
      %get3A_356 = tpu.vector_load %get3A_353[%get3A_354, %get3A_355] {strides = array<i32>} : memref<256x128xf32, #tpu.memory_space<vmem>>, vector<1x16xf32>,
      %get3A_357 = vector.shape_cast %get3A_356 : vector<1x16xf32> to vector<16xf32>
      %lt3A_358 = arith.cmpf olt, %get3A_357, %scan3A_304 : vector<16xf32>
      %select_n3A_359 = arith.select %lt3A_358, %get3A_357, %scan3A_304 : vector<16xi1>, vector<16xf32>
      %select_n3A_360 = arith.select %lt3A_358, %scan3A_317, %scan3A_312 : vector<16xi1>, vector<16xi32>
      %get3A_361 = arith.constant 0 : i32
      %get3A_362 = arith.constant 0 : i32
      %get3A_363 = tpu.memref_slice %arg4[%scan3A_156, %get3A_361, %get3A_362] : memref<2x256x128xf32, #tpu.memory_space<vmem>> -> memref<1x256x128xf32, #tpu.memory_space<vmem>>
      %get3A_364 = tpu.memref_squeeze %get3A_363 : memref<1x256x128xf32, #tpu.memory_space<vmem>> -> memref<256x128xf32, #tpu.memory_space<vmem>>
      %get3A_365 = arith.index_cast %scan3A_300 : i32 to index
      %get3A_366 = arith.constant 64 : index
      %get3A_367 = tpu.vector_load %get3A_364[%get3A_365, %get3A_366] {strides = array<i32>} : memref<256x128xf32, #tpu.memory_space<vmem>>, vector<1x16xf32>,
      %get3A_368 = vector.shape_cast %get3A_367 : vector<1x16xf32> to vector<16xf32>
      %lt3A_369 = arith.cmpf olt, %get3A_368, %scan3A_305 : vector<16xf32>
      %select_n3A_370 = arith.select %lt3A_369, %get3A_368, %scan3A_305 : vector<16xi1>, vector<16xf32>
      %select_n3A_371 = arith.select %lt3A_369, %scan3A_317, %scan3A_313 : vector<16xi1>, vector<16xi32>
      %get3A_372 = arith.constant 0 : i32
      %get3A_373 = arith.constant 0 : i32
      %get3A_374 = tpu.memref_slice %arg4[%scan3A_156, %get3A_372, %get3A_373] : memref<2x256x128xf32, #tpu.memory_space<vmem>> -> memref<1x256x128xf32, #tpu.memory_space<vmem>>
      %get3A_375 = tpu.memref_squeeze %get3A_374 : memref<1x256x128xf32, #tpu.memory_space<vmem>> -> memref<256x128xf32, #tpu.memory_space<vmem>>
      %get3A_376 = arith.index_cast %scan3A_300 : i32 to index
      %get3A_377 = arith.constant 80 : index
      %get3A_378 = tpu.vector_load %get3A_375[%get3A_376, %get3A_377] {strides = array<i32>} : memref<256x128xf32, #tpu.memory_space<vmem>>, vector<1x16xf32>,
      %get3A_379 = vector.shape_cast %get3A_378 : vector<1x16xf32> to vector<16xf32>
      %lt3A_380 = arith.cmpf olt, %get3A_379, %scan3A_306 : vector<16xf32>
      %select_n3A_381 = arith.select %lt3A_380, %get3A_379, %scan3A_306 : vector<16xi1>, vector<16xf32>
      %select_n3A_382 = arith.select %lt3A_380, %scan3A_317, %scan3A_314 : vector<16xi1>, vector<16xi32>
      %get3A_383 = arith.constant 0 : i32
      %get3A_384 = arith.constant 0 : i32
      %get3A_385 = tpu.memref_slice %arg4[%scan3A_156, %get3A_383, %get3A_384] : memref<2x256x128xf32, #tpu.memory_space<vmem>> -> memref<1x256x128xf32, #tpu.memory_space<vmem>>
      %get3A_386 = tpu.memref_squeeze %get3A_385 : memref<1x256x128xf32, #tpu.memory_space<vmem>> -> memref<256x128xf32, #tpu.memory_space<vmem>>
      %get3A_387 = arith.index_cast %scan3A_300 : i32 to index
      %get3A_388 = arith.constant 96 : index
      %get3A_389 = tpu.vector_load %get3A_386[%get3A_387, %get3A_388] {strides = array<i32>} : memref<256x128xf32, #tpu.memory_space<vmem>>, vector<1x16xf32>,
      %get3A_390 = vector.shape_cast %get3A_389 : vector<1x16xf32> to vector<16xf32>
      %lt3A_391 = arith.cmpf olt, %get3A_390, %scan3A_307 : vector<16xf32>
      %select_n3A_392 = arith.select %lt3A_391, %get3A_390, %scan3A_307 : vector<16xi1>, vector<16xf32>
      %select_n3A_393 = arith.select %lt3A_391, %scan3A_317, %scan3A_315 : vector<16xi1>, vector<16xi32>
      %get3A_394 = arith.constant 0 : i32
      %get3A_395 = arith.constant 0 : i32
      %get3A_396 = tpu.memref_slice %arg4[%scan3A_156, %get3A_394, %get3A_395] : memref<2x256x128xf32, #tpu.memory_space<vmem>> -> memref<1x256x128xf32, #tpu.memory_space<vmem>>
      %get3A_397 = tpu.memref_squeeze %get3A_396 : memref<1x256x128xf32, #tpu.memory_space<vmem>> -> memref<256x128xf32, #tpu.memory_space<vmem>>
      %get3A_398 = arith.index_cast %scan3A_300 : i32 to index
      %get3A_399 = arith.constant 112 : index
      %get3A_400 = tpu.vector_load %get3A_397[%get3A_398, %get3A_399] {strides = array<i32>} : memref<256x128xf32, #tpu.memory_space<vmem>>, vector<1x16xf32>,
      %get3A_401 = vector.shape_cast %get3A_400 : vector<1x16xf32> to vector<16xf32>
      %lt3A_402 = arith.cmpf olt, %get3A_401, %scan3A_308 : vector<16xf32>
      %select_n3A_403 = arith.select %lt3A_402, %get3A_401, %scan3A_308 : vector<16xi1>, vector<16xf32>
      %select_n3A_404 = arith.select %lt3A_402, %scan3A_317, %scan3A_316 : vector<16xi1>, vector<16xi32>
      %add3A_405 = arith.constant 1 : i32
      %add3A_406 = vector.broadcast %add3A_405 : i32 to vector<16xi32>
      %add3A_407 = arith.addi %scan3A_317, %add3A_406 : vector<16xi32>
      scf.yield %select_n3A_326, %select_n3A_337, %select_n3A_348, %select_n3A_359, %select_n3A_370, %select_n3A_381, %select_n3A_392, %select_n3A_403, %select_n3A_327, %select_n3A_338, %select_n3A_349, %select_n3A_360, %select_n3A_371, %select_n3A_382, %select_n3A_393, %select_n3A_404, %add3A_407 : vector<16xf32>, vector<16xf32>, vector<16xf32>, vector<16xf32>, vector<16xf32>, vector<16xf32>, vector<16xf32>, vector<16xf32>, vector<16xi32>, vector<16xi32>, vector<16xi32>, vector<16xi32>, vector<16xi32>, vector<16xi32>, vector<16xi32>, vector<16xi32>, vector<16xi32>
    }
    %scan3A_162 = arith.constant 256 : i32
    %add3A_163 = arith.constant 768 : i32
    %add3A_164 = arith.addi %mul3A_31, %add3A_163 : i32
    %dma_start3A_165 = arith.constant 1 : i32
    %dma_start3A_166 = arith.constant 0 : i32
    %dma_start3A_167 = arith.constant 0 : i32
    %dma_start3A_168 = tpu.memref_slice %arg4[%dma_start3A_165, %dma_start3A_166, %dma_start3A_167] : memref<2x256x128xf32, #tpu.memory_space<vmem>> -> memref<1x256x128xf32, #tpu.memory_space<vmem>>
    %dma_start3A_169 = tpu.memref_squeeze %dma_start3A_168 : memref<1x256x128xf32, #tpu.memory_space<vmem>> -> memref<256x128xf32, #tpu.memory_space<vmem>>
    %dma_start3A_170 = tpu.memref_slice %arg2[%add3A_0, %add3A_164, %mul3A_33] : memref<16x8192x256xf32, #tpu.memory_space<hbm>> -> memref<1x256x128xf32, #tpu.memory_space<hbm>>
    %dma_start3A_171 = tpu.memref_squeeze %dma_start3A_170 : memref<1x256x128xf32, #tpu.memory_space<hbm>> -> memref<256x128xf32, #tpu.memory_space<hbm>>
    %dma_start3A_172 = arith.constant 0 : i32
    %dma_start3A_173 = arith.constant 0 : i32
    %dma_start3A_174 = tpu.memref_slice %arg4[%dma_start3A_165, %dma_start3A_172, %dma_start3A_173] : memref<2x256x128xf32, #tpu.memory_space<vmem>> -> memref<1x256x128xf32, #tpu.memory_space<vmem>>
    %dma_start3A_175 = tpu.memref_squeeze %dma_start3A_174 : memref<1x256x128xf32, #tpu.memory_space<vmem>> -> memref<256x128xf32, #tpu.memory_space<vmem>>
    %dma_start3A_176 = tpu.memref_slice %arg2[%add3A_0, %add3A_164, %mul3A_33] : memref<16x8192x256xf32, #tpu.memory_space<hbm>> -> memref<1x256x128xf32, #tpu.memory_space<hbm>>
    %dma_start3A_177 = tpu.memref_squeeze %dma_start3A_176 : memref<1x256x128xf32, #tpu.memory_space<hbm>> -> memref<256x128xf32, #tpu.memory_space<hbm>>
    tpu.enqueue_dma source(%dma_start3A_177 : memref<256x128xf32, #tpu.memory_space<hbm>>) target(%dma_start3A_175 : memref<256x128xf32, #tpu.memory_space<vmem>>) target_semaphore(%arg12 : memref<!tpu.dma_semaphore, #tpu.memory_space<semaphore_mem>>)
    %add3A_178 = arith.constant 512 : i32
    %add3A_179 = arith.addi %mul3A_31, %add3A_178 : i32
    %dma_wait3A_180 = arith.constant 0 : i32
    %dma_wait3A_181 = arith.constant 0 : i32
    %dma_wait3A_182 = arith.constant 0 : i32
    %dma_wait3A_183 = tpu.memref_slice %arg4[%dma_wait3A_180, %dma_wait3A_181, %dma_wait3A_182] : memref<2x256x128xf32, #tpu.memory_space<vmem>> -> memref<1x256x128xf32, #tpu.memory_space<vmem>>
    %dma_wait3A_184 = tpu.memref_squeeze %dma_wait3A_183 : memref<1x256x128xf32, #tpu.memory_space<vmem>> -> memref<256x128xf32, #tpu.memory_space<vmem>>
    %dma_wait3A_185 = tpu.memref_slice %arg2[%add3A_0, %add3A_179, %mul3A_33] : memref<16x8192x256xf32, #tpu.memory_space<hbm>> -> memref<1x256x128xf32, #tpu.memory_space<hbm>>
    %dma_wait3A_186 = tpu.memref_squeeze %dma_wait3A_185 : memref<1x256x128xf32, #tpu.memory_space<hbm>> -> memref<256x128xf32, #tpu.memory_space<hbm>>
    %dma_wait3A_187 = arith.constant 0 : i32
    %dma_wait3A_188 = arith.constant 0 : i32
    %dma_wait3A_189 = tpu.memref_slice %arg4[%dma_wait3A_180, %dma_wait3A_187, %dma_wait3A_188] : memref<2x256x128xf32, #tpu.memory_space<vmem>> -> memref<1x256x128xf32, #tpu.memory_space<vmem>>
    %dma_wait3A_190 = tpu.memref_squeeze %dma_wait3A_189 : memref<1x256x128xf32, #tpu.memory_space<vmem>> -> memref<256x128xf32, #tpu.memory_space<vmem>>
    %dma_wait3A_191 = tpu.memref_slice %arg2[%add3A_0, %add3A_179, %mul3A_33] : memref<16x8192x256xf32, #tpu.memory_space<hbm>> -> memref<1x256x128xf32, #tpu.memory_space<hbm>>
    %dma_wait3A_192 = tpu.memref_squeeze %dma_wait3A_191 : memref<1x256x128xf32, #tpu.memory_space<hbm>> -> memref<256x128xf32, #tpu.memory_space<hbm>>
    tpu.wait_dma2 semaphore(%arg11 : memref<!tpu.dma_semaphore, #tpu.memory_space<semaphore_mem>>) src(%dma_wait3A_192 : memref<256x128xf32, #tpu.memory_space<hbm>>) dst(%dma_wait3A_190 : memref<256x128xf32, #tpu.memory_space<vmem>>)
    %broadcast_in_dim3A_193 = arith.constant 0 : i32
    %broadcast_in_dim3A_194 = vector.broadcast %broadcast_in_dim3A_193 : i32 to vector<16xi32>
    %add3A_195 = arith.constant 512 : i32
    %add3A_196 = arith.addi %mul3A_31, %add3A_195 : i32
    %add3A_197 = vector.broadcast %add3A_196 : i32 to vector<16xi32>
    %add3A_198 = arith.addi %broadcast_in_dim3A_194, %add3A_197 : vector<16xi32>
    %scan3A_199 = arith.constant 0 : i32
    %scan3A_200 = arith.constant 0 : i32
    %scan3A_201 = arith.constant 256 : i32
    %scan3A_202 = arith.addi %scan3A_200, %scan3A_201 : i32
    %scan3A_203 = arith.constant 1 : i32
    %scan3A_204:17 = scf.for %scan3A_300 = %scan3A_200 to %scan3A_202 step %scan3A_203 iter_args(%scan3A_301 = %scan3A_161#0, %scan3A_302 = %scan3A_161#1, %scan3A_303 = %scan3A_161#2, %scan3A_304 = %scan3A_161#3, %scan3A_305 = %scan3A_161#4, %scan3A_306 = %scan3A_161#5, %scan3A_307 = %scan3A_161#6, %scan3A_308 = %scan3A_161#7, %scan3A_309 = %scan3A_161#8, %scan3A_310 = %scan3A_161#9, %scan3A_311 = %scan3A_161#10, %scan3A_312 = %scan3A_161#11, %scan3A_313 = %scan3A_161#12, %scan3A_314 = %scan3A_161#13, %scan3A_315 = %scan3A_161#14, %scan3A_316 = %scan3A_161#15, %scan3A_317 = %add3A_198) -> (vector<16xf32>, vector<16xf32>, vector<16xf32>, vector<16xf32>, vector<16xf32>, vector<16xf32>, vector<16xf32>, vector<16xf32>, vector<16xi32>, vector<16xi32>, vector<16xi32>, vector<16xi32>, vector<16xi32>, vector<16xi32>, vector<16xi32>, vector<16xi32>, vector<16xi32>)  : i32 {
      %get3A = arith.constant 0 : i32
      %get3A_318 = arith.constant 0 : i32
      %get3A_319 = tpu.memref_slice %arg4[%scan3A_199, %get3A, %get3A_318] : memref<2x256x128xf32, #tpu.memory_space<vmem>> -> memref<1x256x128xf32, #tpu.memory_space<vmem>>
      %get3A_320 = tpu.memref_squeeze %get3A_319 : memref<1x256x128xf32, #tpu.memory_space<vmem>> -> memref<256x128xf32, #tpu.memory_space<vmem>>
      %get3A_321 = arith.index_cast %scan3A_300 : i32 to index
      %get3A_322 = arith.constant 0 : index
      %get3A_323 = tpu.vector_load %get3A_320[%get3A_321, %get3A_322] {strides = array<i32>} : memref<256x128xf32, #tpu.memory_space<vmem>>, vector<1x16xf32>,
      %get3A_324 = vector.shape_cast %get3A_323 : vector<1x16xf32> to vector<16xf32>
      %lt3A_325 = arith.cmpf olt, %get3A_324, %scan3A_301 : vector<16xf32>
      %select_n3A_326 = arith.select %lt3A_325, %get3A_324, %scan3A_301 : vector<16xi1>, vector<16xf32>
      %select_n3A_327 = arith.select %lt3A_325, %scan3A_317, %scan3A_309 : vector<16xi1>, vector<16xi32>
      %get3A_328 = arith.constant 0 : i32
      %get3A_329 = arith.constant 0 : i32
      %get3A_330 = tpu.memref_slice %arg4[%scan3A_199, %get3A_328, %get3A_329] : memref<2x256x128xf32, #tpu.memory_space<vmem>> -> memref<1x256x128xf32, #tpu.memory_space<vmem>>
      %get3A_331 = tpu.memref_squeeze %get3A_330 : memref<1x256x128xf32, #tpu.memory_space<vmem>> -> memref<256x128xf32, #tpu.memory_space<vmem>>
      %get3A_332 = arith.index_cast %scan3A_300 : i32 to index
      %get3A_333 = arith.constant 16 : index
      %get3A_334 = tpu.vector_load %get3A_331[%get3A_332, %get3A_333] {strides = array<i32>} : memref<256x128xf32, #tpu.memory_space<vmem>>, vector<1x16xf32>,
      %get3A_335 = vector.shape_cast %get3A_334 : vector<1x16xf32> to vector<16xf32>
      %lt3A_336 = arith.cmpf olt, %get3A_335, %scan3A_302 : vector<16xf32>
      %select_n3A_337 = arith.select %lt3A_336, %get3A_335, %scan3A_302 : vector<16xi1>, vector<16xf32>
      %select_n3A_338 = arith.select %lt3A_336, %scan3A_317, %scan3A_310 : vector<16xi1>, vector<16xi32>
      %get3A_339 = arith.constant 0 : i32
      %get3A_340 = arith.constant 0 : i32
      %get3A_341 = tpu.memref_slice %arg4[%scan3A_199, %get3A_339, %get3A_340] : memref<2x256x128xf32, #tpu.memory_space<vmem>> -> memref<1x256x128xf32, #tpu.memory_space<vmem>>
      %get3A_342 = tpu.memref_squeeze %get3A_341 : memref<1x256x128xf32, #tpu.memory_space<vmem>> -> memref<256x128xf32, #tpu.memory_space<vmem>>
      %get3A_343 = arith.index_cast %scan3A_300 : i32 to index
      %get3A_344 = arith.constant 32 : index
      %get3A_345 = tpu.vector_load %get3A_342[%get3A_343, %get3A_344] {strides = array<i32>} : memref<256x128xf32, #tpu.memory_space<vmem>>, vector<1x16xf32>,
      %get3A_346 = vector.shape_cast %get3A_345 : vector<1x16xf32> to vector<16xf32>
      %lt3A_347 = arith.cmpf olt, %get3A_346, %scan3A_303 : vector<16xf32>
      %select_n3A_348 = arith.select %lt3A_347, %get3A_346, %scan3A_303 : vector<16xi1>, vector<16xf32>
      %select_n3A_349 = arith.select %lt3A_347, %scan3A_317, %scan3A_311 : vector<16xi1>, vector<16xi32>
      %get3A_350 = arith.constant 0 : i32
      %get3A_351 = arith.constant 0 : i32
      %get3A_352 = tpu.memref_slice %arg4[%scan3A_199, %get3A_350, %get3A_351] : memref<2x256x128xf32, #tpu.memory_space<vmem>> -> memref<1x256x128xf32, #tpu.memory_space<vmem>>
      %get3A_353 = tpu.memref_squeeze %get3A_352 : memref<1x256x128xf32, #tpu.memory_space<vmem>> -> memref<256x128xf32, #tpu.memory_space<vmem>>
      %get3A_354 = arith.index_cast %scan3A_300 : i32 to index
      %get3A_355 = arith.constant 48 : index
      %get3A_356 = tpu.vector_load %get3A_353[%get3A_354, %get3A_355] {strides = array<i32>} : memref<256x128xf32, #tpu.memory_space<vmem>>, vector<1x16xf32>,
      %get3A_357 = vector.shape_cast %get3A_356 : vector<1x16xf32> to vector<16xf32>
      %lt3A_358 = arith.cmpf olt, %get3A_357, %scan3A_304 : vector<16xf32>
      %select_n3A_359 = arith.select %lt3A_358, %get3A_357, %scan3A_304 : vector<16xi1>, vector<16xf32>
      %select_n3A_360 = arith.select %lt3A_358, %scan3A_317, %scan3A_312 : vector<16xi1>, vector<16xi32>
      %get3A_361 = arith.constant 0 : i32
      %get3A_362 = arith.constant 0 : i32
      %get3A_363 = tpu.memref_slice %arg4[%scan3A_199, %get3A_361, %get3A_362] : memref<2x256x128xf32, #tpu.memory_space<vmem>> -> memref<1x256x128xf32, #tpu.memory_space<vmem>>
      %get3A_364 = tpu.memref_squeeze %get3A_363 : memref<1x256x128xf32, #tpu.memory_space<vmem>> -> memref<256x128xf32, #tpu.memory_space<vmem>>
      %get3A_365 = arith.index_cast %scan3A_300 : i32 to index
      %get3A_366 = arith.constant 64 : index
      %get3A_367 = tpu.vector_load %get3A_364[%get3A_365, %get3A_366] {strides = array<i32>} : memref<256x128xf32, #tpu.memory_space<vmem>>, vector<1x16xf32>,
      %get3A_368 = vector.shape_cast %get3A_367 : vector<1x16xf32> to vector<16xf32>
      %lt3A_369 = arith.cmpf olt, %get3A_368, %scan3A_305 : vector<16xf32>
      %select_n3A_370 = arith.select %lt3A_369, %get3A_368, %scan3A_305 : vector<16xi1>, vector<16xf32>
      %select_n3A_371 = arith.select %lt3A_369, %scan3A_317, %scan3A_313 : vector<16xi1>, vector<16xi32>
      %get3A_372 = arith.constant 0 : i32
      %get3A_373 = arith.constant 0 : i32
      %get3A_374 = tpu.memref_slice %arg4[%scan3A_199, %get3A_372, %get3A_373] : memref<2x256x128xf32, #tpu.memory_space<vmem>> -> memref<1x256x128xf32, #tpu.memory_space<vmem>>
      %get3A_375 = tpu.memref_squeeze %get3A_374 : memref<1x256x128xf32, #tpu.memory_space<vmem>> -> memref<256x128xf32, #tpu.memory_space<vmem>>
      %get3A_376 = arith.index_cast %scan3A_300 : i32 to index
      %get3A_377 = arith.constant 80 : index
      %get3A_378 = tpu.vector_load %get3A_375[%get3A_376, %get3A_377] {strides = array<i32>} : memref<256x128xf32, #tpu.memory_space<vmem>>, vector<1x16xf32>,
      %get3A_379 = vector.shape_cast %get3A_378 : vector<1x16xf32> to vector<16xf32>
      %lt3A_380 = arith.cmpf olt, %get3A_379, %scan3A_306 : vector<16xf32>
      %select_n3A_381 = arith.select %lt3A_380, %get3A_379, %scan3A_306 : vector<16xi1>, vector<16xf32>
      %select_n3A_382 = arith.select %lt3A_380, %scan3A_317, %scan3A_314 : vector<16xi1>, vector<16xi32>
      %get3A_383 = arith.constant 0 : i32
      %get3A_384 = arith.constant 0 : i32
      %get3A_385 = tpu.memref_slice %arg4[%scan3A_199, %get3A_383, %get3A_384] : memref<2x256x128xf32, #tpu.memory_space<vmem>> -> memref<1x256x128xf32, #tpu.memory_space<vmem>>
      %get3A_386 = tpu.memref_squeeze %get3A_385 : memref<1x256x128xf32, #tpu.memory_space<vmem>> -> memref<256x128xf32, #tpu.memory_space<vmem>>
      %get3A_387 = arith.index_cast %scan3A_300 : i32 to index
      %get3A_388 = arith.constant 96 : index
      %get3A_389 = tpu.vector_load %get3A_386[%get3A_387, %get3A_388] {strides = array<i32>} : memref<256x128xf32, #tpu.memory_space<vmem>>, vector<1x16xf32>,
      %get3A_390 = vector.shape_cast %get3A_389 : vector<1x16xf32> to vector<16xf32>
      %lt3A_391 = arith.cmpf olt, %get3A_390, %scan3A_307 : vector<16xf32>
      %select_n3A_392 = arith.select %lt3A_391, %get3A_390, %scan3A_307 : vector<16xi1>, vector<16xf32>
      %select_n3A_393 = arith.select %lt3A_391, %scan3A_317, %scan3A_315 : vector<16xi1>, vector<16xi32>
      %get3A_394 = arith.constant 0 : i32
      %get3A_395 = arith.constant 0 : i32
      %get3A_396 = tpu.memref_slice %arg4[%scan3A_199, %get3A_394, %get3A_395] : memref<2x256x128xf32, #tpu.memory_space<vmem>> -> memref<1x256x128xf32, #tpu.memory_space<vmem>>
      %get3A_397 = tpu.memref_squeeze %get3A_396 : memref<1x256x128xf32, #tpu.memory_space<vmem>> -> memref<256x128xf32, #tpu.memory_space<vmem>>
      %get3A_398 = arith.index_cast %scan3A_300 : i32 to index
      %get3A_399 = arith.constant 112 : index
      %get3A_400 = tpu.vector_load %get3A_397[%get3A_398, %get3A_399] {strides = array<i32>} : memref<256x128xf32, #tpu.memory_space<vmem>>, vector<1x16xf32>,
      %get3A_401 = vector.shape_cast %get3A_400 : vector<1x16xf32> to vector<16xf32>
      %lt3A_402 = arith.cmpf olt, %get3A_401, %scan3A_308 : vector<16xf32>
      %select_n3A_403 = arith.select %lt3A_402, %get3A_401, %scan3A_308 : vector<16xi1>, vector<16xf32>
      %select_n3A_404 = arith.select %lt3A_402, %scan3A_317, %scan3A_316 : vector<16xi1>, vector<16xi32>
      %add3A_405 = arith.constant 1 : i32
      %add3A_406 = vector.broadcast %add3A_405 : i32 to vector<16xi32>
      %add3A_407 = arith.addi %scan3A_317, %add3A_406 : vector<16xi32>
      scf.yield %select_n3A_326, %select_n3A_337, %select_n3A_348, %select_n3A_359, %select_n3A_370, %select_n3A_381, %select_n3A_392, %select_n3A_403, %select_n3A_327, %select_n3A_338, %select_n3A_349, %select_n3A_360, %select_n3A_371, %select_n3A_382, %select_n3A_393, %select_n3A_404, %add3A_407 : vector<16xf32>, vector<16xf32>, vector<16xf32>, vector<16xf32>, vector<16xf32>, vector<16xf32>, vector<16xf32>, vector<16xf32>, vector<16xi32>, vector<16xi32>, vector<16xi32>, vector<16xi32>, vector<16xi32>, vector<16xi32>, vector<16xi32>, vector<16xi32>, vector<16xi32>
    }
    %scan3A_205 = arith.constant 256 : i32
    %add3A_206 = arith.constant 768 : i32
    %add3A_207 = arith.addi %mul3A_31, %add3A_206 : i32
    %dma_wait3A_208 = arith.constant 1 : i32
    %dma_wait3A_209 = arith.constant 0 : i32
    %dma_wait3A_210 = arith.constant 0 : i32
    %dma_wait3A_211 = tpu.memref_slice %arg4[%dma_wait3A_208, %dma_wait3A_209, %dma_wait3A_210] : memref<2x256x128xf32, #tpu.memory_space<vmem>> -> memref<1x256x128xf32, #tpu.memory_space<vmem>>
    %dma_wait3A_212 = tpu.memref_squeeze %dma_wait3A_211 : memref<1x256x128xf32, #tpu.memory_space<vmem>> -> memref<256x128xf32, #tpu.memory_space<vmem>>
    %dma_wait3A_213 = tpu.memref_slice %arg2[%add3A_0, %add3A_207, %mul3A_33] : memref<16x8192x256xf32, #tpu.memory_space<hbm>> -> memref<1x256x128xf32, #tpu.memory_space<hbm>>
    %dma_wait3A_214 = tpu.memref_squeeze %dma_wait3A_213 : memref<1x256x128xf32, #tpu.memory_space<hbm>> -> memref<256x128xf32, #tpu.memory_space<hbm>>
    %dma_wait3A_215 = arith.constant 0 : i32
    %dma_wait3A_216 = arith.constant 0 : i32
    %dma_wait3A_217 = tpu.memref_slice %arg4[%dma_wait3A_208, %dma_wait3A_215, %dma_wait3A_216] : memref<2x256x128xf32, #tpu.memory_space<vmem>> -> memref<1x256x128xf32, #tpu.memory_space<vmem>>
    %dma_wait3A_218 = tpu.memref_squeeze %dma_wait3A_217 : memref<1x256x128xf32, #tpu.memory_space<vmem>> -> memref<256x128xf32, #tpu.memory_space<vmem>>
    %dma_wait3A_219 = tpu.memref_slice %arg2[%add3A_0, %add3A_207, %mul3A_33] : memref<16x8192x256xf32, #tpu.memory_space<hbm>> -> memref<1x256x128xf32, #tpu.memory_space<hbm>>
    %dma_wait3A_220 = tpu.memref_squeeze %dma_wait3A_219 : memref<1x256x128xf32, #tpu.memory_space<hbm>> -> memref<256x128xf32, #tpu.memory_space<hbm>>
    tpu.wait_dma2 semaphore(%arg12 : memref<!tpu.dma_semaphore, #tpu.memory_space<semaphore_mem>>) src(%dma_wait3A_220 : memref<256x128xf32, #tpu.memory_space<hbm>>) dst(%dma_wait3A_218 : memref<256x128xf32, #tpu.memory_space<vmem>>)
    %broadcast_in_dim3A_221 = arith.constant 0 : i32
    %broadcast_in_dim3A_222 = vector.broadcast %broadcast_in_dim3A_221 : i32 to vector<16xi32>
    %add3A_223 = arith.constant 768 : i32
    %add3A_224 = arith.addi %mul3A_31, %add3A_223 : i32
    %add3A_225 = vector.broadcast %add3A_224 : i32 to vector<16xi32>
    %add3A_226 = arith.addi %broadcast_in_dim3A_222, %add3A_225 : vector<16xi32>
    %scan3A_227 = arith.constant 1 : i32
    %scan3A_228 = arith.constant 0 : i32
    %scan3A_229 = arith.constant 256 : i32
    %scan3A_230 = arith.addi %scan3A_228, %scan3A_229 : i32
    %scan3A_231 = arith.constant 1 : i32
    %scan3A_232:17 = scf.for %scan3A_300 = %scan3A_228 to %scan3A_230 step %scan3A_231 iter_args(%scan3A_301 = %scan3A_204#0, %scan3A_302 = %scan3A_204#1, %scan3A_303 = %scan3A_204#2, %scan3A_304 = %scan3A_204#3, %scan3A_305 = %scan3A_204#4, %scan3A_306 = %scan3A_204#5, %scan3A_307 = %scan3A_204#6, %scan3A_308 = %scan3A_204#7, %scan3A_309 = %scan3A_204#8, %scan3A_310 = %scan3A_204#9, %scan3A_311 = %scan3A_204#10, %scan3A_312 = %scan3A_204#11, %scan3A_313 = %scan3A_204#12, %scan3A_314 = %scan3A_204#13, %scan3A_315 = %scan3A_204#14, %scan3A_316 = %scan3A_204#15, %scan3A_317 = %add3A_226) -> (vector<16xf32>, vector<16xf32>, vector<16xf32>, vector<16xf32>, vector<16xf32>, vector<16xf32>, vector<16xf32>, vector<16xf32>, vector<16xi32>, vector<16xi32>, vector<16xi32>, vector<16xi32>, vector<16xi32>, vector<16xi32>, vector<16xi32>, vector<16xi32>, vector<16xi32>)  : i32 {
      %get3A = arith.constant 0 : i32
      %get3A_318 = arith.constant 0 : i32
      %get3A_319 = tpu.memref_slice %arg4[%scan3A_227, %get3A, %get3A_318] : memref<2x256x128xf32, #tpu.memory_space<vmem>> -> memref<1x256x128xf32, #tpu.memory_space<vmem>>
      %get3A_320 = tpu.memref_squeeze %get3A_319 : memref<1x256x128xf32, #tpu.memory_space<vmem>> -> memref<256x128xf32, #tpu.memory_space<vmem>>
      %get3A_321 = arith.index_cast %scan3A_300 : i32 to index
      %get3A_322 = arith.constant 0 : index
      %get3A_323 = tpu.vector_load %get3A_320[%get3A_321, %get3A_322] {strides = array<i32>} : memref<256x128xf32, #tpu.memory_space<vmem>>, vector<1x16xf32>,
      %get3A_324 = vector.shape_cast %get3A_323 : vector<1x16xf32> to vector<16xf32>
      %lt3A_325 = arith.cmpf olt, %get3A_324, %scan3A_301 : vector<16xf32>
      %select_n3A_326 = arith.select %lt3A_325, %get3A_324, %scan3A_301 : vector<16xi1>, vector<16xf32>
      %select_n3A_327 = arith.select %lt3A_325, %scan3A_317, %scan3A_309 : vector<16xi1>, vector<16xi32>
      %get3A_328 = arith.constant 0 : i32
      %get3A_329 = arith.constant 0 : i32
      %get3A_330 = tpu.memref_slice %arg4[%scan3A_227, %get3A_328, %get3A_329] : memref<2x256x128xf32, #tpu.memory_space<vmem>> -> memref<1x256x128xf32, #tpu.memory_space<vmem>>
      %get3A_331 = tpu.memref_squeeze %get3A_330 : memref<1x256x128xf32, #tpu.memory_space<vmem>> -> memref<256x128xf32, #tpu.memory_space<vmem>>
      %get3A_332 = arith.index_cast %scan3A_300 : i32 to index
      %get3A_333 = arith.constant 16 : index
      %get3A_334 = tpu.vector_load %get3A_331[%get3A_332, %get3A_333] {strides = array<i32>} : memref<256x128xf32, #tpu.memory_space<vmem>>, vector<1x16xf32>,
      %get3A_335 = vector.shape_cast %get3A_334 : vector<1x16xf32> to vector<16xf32>
      %lt3A_336 = arith.cmpf olt, %get3A_335, %scan3A_302 : vector<16xf32>
      %select_n3A_337 = arith.select %lt3A_336, %get3A_335, %scan3A_302 : vector<16xi1>, vector<16xf32>
      %select_n3A_338 = arith.select %lt3A_336, %scan3A_317, %scan3A_310 : vector<16xi1>, vector<16xi32>
      %get3A_339 = arith.constant 0 : i32
      %get3A_340 = arith.constant 0 : i32
      %get3A_341 = tpu.memref_slice %arg4[%scan3A_227, %get3A_339, %get3A_340] : memref<2x256x128xf32, #tpu.memory_space<vmem>> -> memref<1x256x128xf32, #tpu.memory_space<vmem>>
      %get3A_342 = tpu.memref_squeeze %get3A_341 : memref<1x256x128xf32, #tpu.memory_space<vmem>> -> memref<256x128xf32, #tpu.memory_space<vmem>>
      %get3A_343 = arith.index_cast %scan3A_300 : i32 to index
      %get3A_344 = arith.constant 32 : index
      %get3A_345 = tpu.vector_load %get3A_342[%get3A_343, %get3A_344] {strides = array<i32>} : memref<256x128xf32, #tpu.memory_space<vmem>>, vector<1x16xf32>,
      %get3A_346 = vector.shape_cast %get3A_345 : vector<1x16xf32> to vector<16xf32>
      %lt3A_347 = arith.cmpf olt, %get3A_346, %scan3A_303 : vector<16xf32>
      %select_n3A_348 = arith.select %lt3A_347, %get3A_346, %scan3A_303 : vector<16xi1>, vector<16xf32>
      %select_n3A_349 = arith.select %lt3A_347, %scan3A_317, %scan3A_311 : vector<16xi1>, vector<16xi32>
      %get3A_350 = arith.constant 0 : i32
      %get3A_351 = arith.constant 0 : i32
      %get3A_352 = tpu.memref_slice %arg4[%scan3A_227, %get3A_350, %get3A_351] : memref<2x256x128xf32, #tpu.memory_space<vmem>> -> memref<1x256x128xf32, #tpu.memory_space<vmem>>
      %get3A_353 = tpu.memref_squeeze %get3A_352 : memref<1x256x128xf32, #tpu.memory_space<vmem>> -> memref<256x128xf32, #tpu.memory_space<vmem>>
      %get3A_354 = arith.index_cast %scan3A_300 : i32 to index
      %get3A_355 = arith.constant 48 : index
      %get3A_356 = tpu.vector_load %get3A_353[%get3A_354, %get3A_355] {strides = array<i32>} : memref<256x128xf32, #tpu.memory_space<vmem>>, vector<1x16xf32>,
      %get3A_357 = vector.shape_cast %get3A_356 : vector<1x16xf32> to vector<16xf32>
      %lt3A_358 = arith.cmpf olt, %get3A_357, %scan3A_304 : vector<16xf32>
      %select_n3A_359 = arith.select %lt3A_358, %get3A_357, %scan3A_304 : vector<16xi1>, vector<16xf32>
      %select_n3A_360 = arith.select %lt3A_358, %scan3A_317, %scan3A_312 : vector<16xi1>, vector<16xi32>
      %get3A_361 = arith.constant 0 : i32
      %get3A_362 = arith.constant 0 : i32
      %get3A_363 = tpu.memref_slice %arg4[%scan3A_227, %get3A_361, %get3A_362] : memref<2x256x128xf32, #tpu.memory_space<vmem>> -> memref<1x256x128xf32, #tpu.memory_space<vmem>>
      %get3A_364 = tpu.memref_squeeze %get3A_363 : memref<1x256x128xf32, #tpu.memory_space<vmem>> -> memref<256x128xf32, #tpu.memory_space<vmem>>
      %get3A_365 = arith.index_cast %scan3A_300 : i32 to index
      %get3A_366 = arith.constant 64 : index
      %get3A_367 = tpu.vector_load %get3A_364[%get3A_365, %get3A_366] {strides = array<i32>} : memref<256x128xf32, #tpu.memory_space<vmem>>, vector<1x16xf32>,
      %get3A_368 = vector.shape_cast %get3A_367 : vector<1x16xf32> to vector<16xf32>
      %lt3A_369 = arith.cmpf olt, %get3A_368, %scan3A_305 : vector<16xf32>
      %select_n3A_370 = arith.select %lt3A_369, %get3A_368, %scan3A_305 : vector<16xi1>, vector<16xf32>
      %select_n3A_371 = arith.select %lt3A_369, %scan3A_317, %scan3A_313 : vector<16xi1>, vector<16xi32>
      %get3A_372 = arith.constant 0 : i32
      %get3A_373 = arith.constant 0 : i32
      %get3A_374 = tpu.memref_slice %arg4[%scan3A_227, %get3A_372, %get3A_373] : memref<2x256x128xf32, #tpu.memory_space<vmem>> -> memref<1x256x128xf32, #tpu.memory_space<vmem>>
      %get3A_375 = tpu.memref_squeeze %get3A_374 : memref<1x256x128xf32, #tpu.memory_space<vmem>> -> memref<256x128xf32, #tpu.memory_space<vmem>>
      %get3A_376 = arith.index_cast %scan3A_300 : i32 to index
      %get3A_377 = arith.constant 80 : index
      %get3A_378 = tpu.vector_load %get3A_375[%get3A_376, %get3A_377] {strides = array<i32>} : memref<256x128xf32, #tpu.memory_space<vmem>>, vector<1x16xf32>,
      %get3A_379 = vector.shape_cast %get3A_378 : vector<1x16xf32> to vector<16xf32>
      %lt3A_380 = arith.cmpf olt, %get3A_379, %scan3A_306 : vector<16xf32>
      %select_n3A_381 = arith.select %lt3A_380, %get3A_379, %scan3A_306 : vector<16xi1>, vector<16xf32>
      %select_n3A_382 = arith.select %lt3A_380, %scan3A_317, %scan3A_314 : vector<16xi1>, vector<16xi32>
      %get3A_383 = arith.constant 0 : i32
      %get3A_384 = arith.constant 0 : i32
      %get3A_385 = tpu.memref_slice %arg4[%scan3A_227, %get3A_383, %get3A_384] : memref<2x256x128xf32, #tpu.memory_space<vmem>> -> memref<1x256x128xf32, #tpu.memory_space<vmem>>
      %get3A_386 = tpu.memref_squeeze %get3A_385 : memref<1x256x128xf32, #tpu.memory_space<vmem>> -> memref<256x128xf32, #tpu.memory_space<vmem>>
      %get3A_387 = arith.index_cast %scan3A_300 : i32 to index
      %get3A_388 = arith.constant 96 : index
      %get3A_389 = tpu.vector_load %get3A_386[%get3A_387, %get3A_388] {strides = array<i32>} : memref<256x128xf32, #tpu.memory_space<vmem>>, vector<1x16xf32>,
      %get3A_390 = vector.shape_cast %get3A_389 : vector<1x16xf32> to vector<16xf32>
      %lt3A_391 = arith.cmpf olt, %get3A_390, %scan3A_307 : vector<16xf32>
      %select_n3A_392 = arith.select %lt3A_391, %get3A_390, %scan3A_307 : vector<16xi1>, vector<16xf32>
      %select_n3A_393 = arith.select %lt3A_391, %scan3A_317, %scan3A_315 : vector<16xi1>, vector<16xi32>
      %get3A_394 = arith.constant 0 : i32
      %get3A_395 = arith.constant 0 : i32
      %get3A_396 = tpu.memref_slice %arg4[%scan3A_227, %get3A_394, %get3A_395] : memref<2x256x128xf32, #tpu.memory_space<vmem>> -> memref<1x256x128xf32, #tpu.memory_space<vmem>>
      %get3A_397 = tpu.memref_squeeze %get3A_396 : memref<1x256x128xf32, #tpu.memory_space<vmem>> -> memref<256x128xf32, #tpu.memory_space<vmem>>
      %get3A_398 = arith.index_cast %scan3A_300 : i32 to index
      %get3A_399 = arith.constant 112 : index
      %get3A_400 = tpu.vector_load %get3A_397[%get3A_398, %get3A_399] {strides = array<i32>} : memref<256x128xf32, #tpu.memory_space<vmem>>, vector<1x16xf32>,
      %get3A_401 = vector.shape_cast %get3A_400 : vector<1x16xf32> to vector<16xf32>
      %lt3A_402 = arith.cmpf olt, %get3A_401, %scan3A_308 : vector<16xf32>
      %select_n3A_403 = arith.select %lt3A_402, %get3A_401, %scan3A_308 : vector<16xi1>, vector<16xf32>
      %select_n3A_404 = arith.select %lt3A_402, %scan3A_317, %scan3A_316 : vector<16xi1>, vector<16xi32>
      %add3A_405 = arith.constant 1 : i32
      %add3A_406 = vector.broadcast %add3A_405 : i32 to vector<16xi32>
      %add3A_407 = arith.addi %scan3A_317, %add3A_406 : vector<16xi32>
      scf.yield %select_n3A_326, %select_n3A_337, %select_n3A_348, %select_n3A_359, %select_n3A_370, %select_n3A_381, %select_n3A_392, %select_n3A_403, %select_n3A_327, %select_n3A_338, %select_n3A_349, %select_n3A_360, %select_n3A_371, %select_n3A_382, %select_n3A_393, %select_n3A_404, %add3A_407 : vector<16xf32>, vector<16xf32>, vector<16xf32>, vector<16xf32>, vector<16xf32>, vector<16xf32>, vector<16xf32>, vector<16xf32>, vector<16xi32>, vector<16xi32>, vector<16xi32>, vector<16xi32>, vector<16xi32>, vector<16xi32>, vector<16xi32>, vector<16xi32>, vector<16xi32>
    }
    %scan3A_233 = arith.constant 256 : i32
    %swap3A = arith.constant 0 : index
    %swap3A_234 = tpu.vector_load %arg5[%swap3A] {strides = array<i32>} : memref<128xf32, #tpu.memory_space<vmem>>, vector<16xf32>,
    %swap3A_235 = vector.shape_cast %swap3A_234 : vector<16xf32> to vector<16xf32>
    %swap3A_236 = vector.shape_cast %scan3A_232#0 : vector<16xf32> to vector<16xf32>
    tpu.vector_store %arg5[%swap3A], %swap3A_236 {strides = array<i32>} : memref<128xf32, #tpu.memory_space<vmem>>, vector<16xf32>,
    %swap3A_237 = arith.constant 0 : index
    %swap3A_238 = tpu.vector_load %arg6[%swap3A_237] {strides = array<i32>} : memref<128xi32, #tpu.memory_space<vmem>>, vector<16xi32>,
    %swap3A_239 = vector.shape_cast %swap3A_238 : vector<16xi32> to vector<16xi32>
    %swap3A_240 = vector.shape_cast %scan3A_232#8 : vector<16xi32> to vector<16xi32>
    tpu.vector_store %arg6[%swap3A_237], %swap3A_240 {strides = array<i32>} : memref<128xi32, #tpu.memory_space<vmem>>, vector<16xi32>,
    %swap3A_241 = arith.constant 16 : index
    %swap3A_242 = tpu.vector_load %arg5[%swap3A_241] {strides = array<i32>} : memref<128xf32, #tpu.memory_space<vmem>>, vector<16xf32>,
    %swap3A_243 = vector.shape_cast %swap3A_242 : vector<16xf32> to vector<16xf32>
    %swap3A_244 = vector.shape_cast %scan3A_232#1 : vector<16xf32> to vector<16xf32>
    tpu.vector_store %arg5[%swap3A_241], %swap3A_244 {strides = array<i32>} : memref<128xf32, #tpu.memory_space<vmem>>, vector<16xf32>,
    %swap3A_245 = arith.constant 16 : index
    %swap3A_246 = tpu.vector_load %arg6[%swap3A_245] {strides = array<i32>} : memref<128xi32, #tpu.memory_space<vmem>>, vector<16xi32>,
    %swap3A_247 = vector.shape_cast %swap3A_246 : vector<16xi32> to vector<16xi32>
    %swap3A_248 = vector.shape_cast %scan3A_232#9 : vector<16xi32> to vector<16xi32>
    tpu.vector_store %arg6[%swap3A_245], %swap3A_248 {strides = array<i32>} : memref<128xi32, #tpu.memory_space<vmem>>, vector<16xi32>,
    %swap3A_249 = arith.constant 32 : index
    %swap3A_250 = tpu.vector_load %arg5[%swap3A_249] {strides = array<i32>} : memref<128xf32, #tpu.memory_space<vmem>>, vector<16xf32>,
    %swap3A_251 = vector.shape_cast %swap3A_250 : vector<16xf32> to vector<16xf32>
    %swap3A_252 = vector.shape_cast %scan3A_232#2 : vector<16xf32> to vector<16xf32>
    tpu.vector_store %arg5[%swap3A_249], %swap3A_252 {strides = array<i32>} : memref<128xf32, #tpu.memory_space<vmem>>, vector<16xf32>,
    %swap3A_253 = arith.constant 32 : index
    %swap3A_254 = tpu.vector_load %arg6[%swap3A_253] {strides = array<i32>} : memref<128xi32, #tpu.memory_space<vmem>>, vector<16xi32>,
    %swap3A_255 = vector.shape_cast %swap3A_254 : vector<16xi32> to vector<16xi32>
    %swap3A_256 = vector.shape_cast %scan3A_232#10 : vector<16xi32> to vector<16xi32>
    tpu.vector_store %arg6[%swap3A_253], %swap3A_256 {strides = array<i32>} : memref<128xi32, #tpu.memory_space<vmem>>, vector<16xi32>,
    %swap3A_257 = arith.constant 48 : index
    %swap3A_258 = tpu.vector_load %arg5[%swap3A_257] {strides = array<i32>} : memref<128xf32, #tpu.memory_space<vmem>>, vector<16xf32>,
    %swap3A_259 = vector.shape_cast %swap3A_258 : vector<16xf32> to vector<16xf32>
    %swap3A_260 = vector.shape_cast %scan3A_232#3 : vector<16xf32> to vector<16xf32>
    tpu.vector_store %arg5[%swap3A_257], %swap3A_260 {strides = array<i32>} : memref<128xf32, #tpu.memory_space<vmem>>, vector<16xf32>,
    %swap3A_261 = arith.constant 48 : index
    %swap3A_262 = tpu.vector_load %arg6[%swap3A_261] {strides = array<i32>} : memref<128xi32, #tpu.memory_space<vmem>>, vector<16xi32>,
    %swap3A_263 = vector.shape_cast %swap3A_262 : vector<16xi32> to vector<16xi32>
    %swap3A_264 = vector.shape_cast %scan3A_232#11 : vector<16xi32> to vector<16xi32>
    tpu.vector_store %arg6[%swap3A_261], %swap3A_264 {strides = array<i32>} : memref<128xi32, #tpu.memory_space<vmem>>, vector<16xi32>,
    %swap3A_265 = arith.constant 64 : index
    %swap3A_266 = tpu.vector_load %arg5[%swap3A_265] {strides = array<i32>} : memref<128xf32, #tpu.memory_space<vmem>>, vector<16xf32>,
    %swap3A_267 = vector.shape_cast %swap3A_266 : vector<16xf32> to vector<16xf32>
    %swap3A_268 = vector.shape_cast %scan3A_232#4 : vector<16xf32> to vector<16xf32>
    tpu.vector_store %arg5[%swap3A_265], %swap3A_268 {strides = array<i32>} : memref<128xf32, #tpu.memory_space<vmem>>, vector<16xf32>,
    %swap3A_269 = arith.constant 64 : index
    %swap3A_270 = tpu.vector_load %arg6[%swap3A_269] {strides = array<i32>} : memref<128xi32, #tpu.memory_space<vmem>>, vector<16xi32>,
    %swap3A_271 = vector.shape_cast %swap3A_270 : vector<16xi32> to vector<16xi32>
    %swap3A_272 = vector.shape_cast %scan3A_232#12 : vector<16xi32> to vector<16xi32>
    tpu.vector_store %arg6[%swap3A_269], %swap3A_272 {strides = array<i32>} : memref<128xi32, #tpu.memory_space<vmem>>, vector<16xi32>,
    %swap3A_273 = arith.constant 80 : index
    %swap3A_274 = tpu.vector_load %arg5[%swap3A_273] {strides = array<i32>} : memref<128xf32, #tpu.memory_space<vmem>>, vector<16xf32>,
    %swap3A_275 = vector.shape_cast %swap3A_274 : vector<16xf32> to vector<16xf32>
    %swap3A_276 = vector.shape_cast %scan3A_232#5 : vector<16xf32> to vector<16xf32>
    tpu.vector_store %arg5[%swap3A_273], %swap3A_276 {strides = array<i32>} : memref<128xf32, #tpu.memory_space<vmem>>, vector<16xf32>,
    %swap3A_277 = arith.constant 80 : index
    %swap3A_278 = tpu.vector_load %arg6[%swap3A_277] {strides = array<i32>} : memref<128xi32, #tpu.memory_space<vmem>>, vector<16xi32>,
    %swap3A_279 = vector.shape_cast %swap3A_278 : vector<16xi32> to vector<16xi32>
    %swap3A_280 = vector.shape_cast %scan3A_232#13 : vector<16xi32> to vector<16xi32>
    tpu.vector_store %arg6[%swap3A_277], %swap3A_280 {strides = array<i32>} : memref<128xi32, #tpu.memory_space<vmem>>, vector<16xi32>,
    %swap3A_281 = arith.constant 96 : index
    %swap3A_282 = tpu.vector_load %arg5[%swap3A_281] {strides = array<i32>} : memref<128xf32, #tpu.memory_space<vmem>>, vector<16xf32>,
    %swap3A_283 = vector.shape_cast %swap3A_282 : vector<16xf32> to vector<16xf32>
    %swap3A_284 = vector.shape_cast %scan3A_232#6 : vector<16xf32> to vector<16xf32>
    tpu.vector_store %arg5[%swap3A_281], %swap3A_284 {strides = array<i32>} : memref<128xf32, #tpu.memory_space<vmem>>, vector<16xf32>,
    %swap3A_285 = arith.constant 96 : index
    %swap3A_286 = tpu.vector_load %arg6[%swap3A_285] {strides = array<i32>} : memref<128xi32, #tpu.memory_space<vmem>>, vector<16xi32>,
    %swap3A_287 = vector.shape_cast %swap3A_286 : vector<16xi32> to vector<16xi32>
    %swap3A_288 = vector.shape_cast %scan3A_232#14 : vector<16xi32> to vector<16xi32>
    tpu.vector_store %arg6[%swap3A_285], %swap3A_288 {strides = array<i32>} : memref<128xi32, #tpu.memory_space<vmem>>, vector<16xi32>,
    %swap3A_289 = arith.constant 112 : index
    %swap3A_290 = tpu.vector_load %arg5[%swap3A_289] {strides = array<i32>} : memref<128xf32, #tpu.memory_space<vmem>>, vector<16xf32>,
    %swap3A_291 = vector.shape_cast %swap3A_290 : vector<16xf32> to vector<16xf32>
    %swap3A_292 = vector.shape_cast %scan3A_232#7 : vector<16xf32> to vector<16xf32>
    tpu.vector_store %arg5[%swap3A_289], %swap3A_292 {strides = array<i32>} : memref<128xf32, #tpu.memory_space<vmem>>, vector<16xf32>,
    %swap3A_293 = arith.constant 112 : index
    %swap3A_294 = tpu.vector_load %arg6[%swap3A_293] {strides = array<i32>} : memref<128xi32, #tpu.memory_space<vmem>>, vector<16xi32>,
    %swap3A_295 = vector.shape_cast %swap3A_294 : vector<16xi32> to vector<16xi32>
    %swap3A_296 = vector.shape_cast %scan3A_232#15 : vector<16xi32> to vector<16xi32>
    tpu.vector_store %arg6[%swap3A_293], %swap3A_296 {strides = array<i32>} : memref<128xi32, #tpu.memory_space<vmem>>, vector<16xi32>,
    "tpu.region"() ({
      %run_scoped3A = tpu.sem_alloc : memref<!tpu.dma_semaphore, #tpu.memory_space<semaphore_mem>>
      %dma_start3A_300 = arith.constant 0 : i32
      %dma_start3A_301 = tpu.memref_slice %arg7[%arg1, %dma_start3A_300] : memref<16x128xf32, #tpu.memory_space<vmem_shared>> -> memref<1x128xf32, #tpu.memory_space<vmem_shared>>
      %dma_start3A_302 = tpu.memref_squeeze %dma_start3A_301 : memref<1x128xf32, #tpu.memory_space<vmem_shared>> -> memref<128xf32, #tpu.memory_space<vmem_shared>>
      %dma_start3A_303 = arith.constant 0 : i32
      %dma_start3A_304 = tpu.memref_slice %arg7[%arg1, %dma_start3A_303] : memref<16x128xf32, #tpu.memory_space<vmem_shared>> -> memref<1x128xf32, #tpu.memory_space<vmem_shared>>
      %dma_start3A_305 = tpu.memref_squeeze %dma_start3A_304 : memref<1x128xf32, #tpu.memory_space<vmem_shared>> -> memref<128xf32, #tpu.memory_space<vmem_shared>>
      tpu.enqueue_dma source(%arg5 : memref<128xf32, #tpu.memory_space<vmem>>) target(%dma_start3A_305 : memref<128xf32, #tpu.memory_space<vmem_shared>>) target_semaphore(%run_scoped3A : memref<!tpu.dma_semaphore, #tpu.memory_space<semaphore_mem>>)
      %dma_wait3A_306 = arith.constant 0 : i32
      %dma_wait3A_307 = tpu.memref_slice %arg7[%arg1, %dma_wait3A_306] : memref<16x128xf32, #tpu.memory_space<vmem_shared>> -> memref<1x128xf32, #tpu.memory_space<vmem_shared>>
      %dma_wait3A_308 = tpu.memref_squeeze %dma_wait3A_307 : memref<1x128xf32, #tpu.memory_space<vmem_shared>> -> memref<128xf32, #tpu.memory_space<vmem_shared>>
      %dma_wait3A_309 = arith.constant 0 : i32
      %dma_wait3A_310 = tpu.memref_slice %arg7[%arg1, %dma_wait3A_309] : memref<16x128xf32, #tpu.memory_space<vmem_shared>> -> memref<1x128xf32, #tpu.memory_space<vmem_shared>>
      %dma_wait3A_311 = tpu.memref_squeeze %dma_wait3A_310 : memref<1x128xf32, #tpu.memory_space<vmem_shared>> -> memref<128xf32, #tpu.memory_space<vmem_shared>>
      tpu.wait_dma2 semaphore(%run_scoped3A : memref<!tpu.dma_semaphore, #tpu.memory_space<semaphore_mem>>) src(%arg5 : memref<128xf32, #tpu.memory_space<vmem>>) dst(%dma_wait3A_311 : memref<128xf32, #tpu.memory_space<vmem_shared>>)
      tpu.yield
    }) : () -> ()
    "tpu.region"() ({
      %run_scoped3A = tpu.sem_alloc : memref<!tpu.dma_semaphore, #tpu.memory_space<semaphore_mem>>
      %dma_start3A_300 = arith.constant 0 : i32
      %dma_start3A_301 = tpu.memref_slice %arg8[%arg1, %dma_start3A_300] : memref<16x128xi32, #tpu.memory_space<vmem_shared>> -> memref<1x128xi32, #tpu.memory_space<vmem_shared>>
      %dma_start3A_302 = tpu.memref_squeeze %dma_start3A_301 : memref<1x128xi32, #tpu.memory_space<vmem_shared>> -> memref<128xi32, #tpu.memory_space<vmem_shared>>
      %dma_start3A_303 = arith.constant 0 : i32
      %dma_start3A_304 = tpu.memref_slice %arg8[%arg1, %dma_start3A_303] : memref<16x128xi32, #tpu.memory_space<vmem_shared>> -> memref<1x128xi32, #tpu.memory_space<vmem_shared>>
      %dma_start3A_305 = tpu.memref_squeeze %dma_start3A_304 : memref<1x128xi32, #tpu.memory_space<vmem_shared>> -> memref<128xi32, #tpu.memory_space<vmem_shared>>
      tpu.enqueue_dma source(%arg6 : memref<128xi32, #tpu.memory_space<vmem>>) target(%dma_start3A_305 : memref<128xi32, #tpu.memory_space<vmem_shared>>) target_semaphore(%run_scoped3A : memref<!tpu.dma_semaphore, #tpu.memory_space<semaphore_mem>>)
      %dma_wait3A_306 = arith.constant 0 : i32
      %dma_wait3A_307 = tpu.memref_slice %arg8[%arg1, %dma_wait3A_306] : memref<16x128xi32, #tpu.memory_space<vmem_shared>> -> memref<1x128xi32, #tpu.memory_space<vmem_shared>>
      %dma_wait3A_308 = tpu.memref_squeeze %dma_wait3A_307 : memref<1x128xi32, #tpu.memory_space<vmem_shared>> -> memref<128xi32, #tpu.memory_space<vmem_shared>>
      %dma_wait3A_309 = arith.constant 0 : i32
      %dma_wait3A_310 = tpu.memref_slice %arg8[%arg1, %dma_wait3A_309] : memref<16x128xi32, #tpu.memory_space<vmem_shared>> -> memref<1x128xi32, #tpu.memory_space<vmem_shared>>
      %dma_wait3A_311 = tpu.memref_squeeze %dma_wait3A_310 : memref<1x128xi32, #tpu.memory_space<vmem_shared>> -> memref<128xi32, #tpu.memory_space<vmem_shared>>
      tpu.wait_dma2 semaphore(%run_scoped3A : memref<!tpu.dma_semaphore, #tpu.memory_space<semaphore_mem>>) src(%arg6 : memref<128xi32, #tpu.memory_space<vmem>>) dst(%dma_wait3A_311 : memref<128xi32, #tpu.memory_space<vmem_shared>>)
      tpu.yield
    }) : () -> ()
    %barrier3A = arith.constant 0 : index
    tpu.barrier barrier_id(%barrier3A)
    %lt3A_297 = arith.constant 2 : i32
    %lt3A_298 = arith.cmpi slt, %arg1, %lt3A_297 : i32
    %convert_element_type3A = arith.extui %lt3A_298 : i1 to i32
    %cond3A = arith.constant 0 : i32
    %cond3A_299 = arith.cmpi ne, %convert_element_type3A, %cond3A : i32
    scf.if %cond3A_299 {
      %mul3A_300 = arith.constant 8 : i32
      %mul3A_301 = arith.muli %arg1, %mul3A_300 : i32
      "tpu.region"() ({
        %run_scoped3A = tpu.sem_alloc : memref<!tpu.dma_semaphore, #tpu.memory_space<semaphore_mem>>
        %dma_start3A_1148 = arith.constant 0 : i32
        %dma_start3A_1149 = tpu.memref_slice %arg7[%mul3A_301, %dma_start3A_1148] : memref<16x128xf32, #tpu.memory_space<vmem_shared>> -> memref<8x128xf32, #tpu.memory_space<vmem_shared>>
        %dma_start3A_1150 = arith.constant 0 : i32
        %dma_start3A_1151 = tpu.memref_slice %arg7[%mul3A_301, %dma_start3A_1150] : memref<16x128xf32, #tpu.memory_space<vmem_shared>> -> memref<8x128xf32, #tpu.memory_space<vmem_shared>>
        tpu.enqueue_dma source(%dma_start3A_1151 : memref<8x128xf32, #tpu.memory_space<vmem_shared>>) target(%arg9 : memref<8x128xf32, #tpu.memory_space<vmem>>) target_semaphore(%run_scoped3A : memref<!tpu.dma_semaphore, #tpu.memory_space<semaphore_mem>>)
        %dma_wait3A_1152 = arith.constant 0 : i32
        %dma_wait3A_1153 = tpu.memref_slice %arg7[%mul3A_301, %dma_wait3A_1152] : memref<16x128xf32, #tpu.memory_space<vmem_shared>> -> memref<8x128xf32, #tpu.memory_space<vmem_shared>>
        %dma_wait3A_1154 = arith.constant 0 : i32
        %dma_wait3A_1155 = tpu.memref_slice %arg7[%mul3A_301, %dma_wait3A_1154] : memref<16x128xf32, #tpu.memory_space<vmem_shared>> -> memref<8x128xf32, #tpu.memory_space<vmem_shared>>
        tpu.wait_dma2 semaphore(%run_scoped3A : memref<!tpu.dma_semaphore, #tpu.memory_space<semaphore_mem>>) src(%dma_wait3A_1155 : memref<8x128xf32, #tpu.memory_space<vmem_shared>>) dst(%arg9 : memref<8x128xf32, #tpu.memory_space<vmem>>)
        tpu.yield
      }) : () -> ()
      %mul3A_302 = arith.constant 8 : i32
      %mul3A_303 = arith.muli %arg1, %mul3A_302 : i32
      "tpu.region"() ({
        %run_scoped3A = tpu.sem_alloc : memref<!tpu.dma_semaphore, #tpu.memory_space<semaphore_mem>>
        %dma_start3A_1148 = arith.constant 0 : i32
        %dma_start3A_1149 = tpu.memref_slice %arg8[%mul3A_303, %dma_start3A_1148] : memref<16x128xi32, #tpu.memory_space<vmem_shared>> -> memref<8x128xi32, #tpu.memory_space<vmem_shared>>
        %dma_start3A_1150 = arith.constant 0 : i32
        %dma_start3A_1151 = tpu.memref_slice %arg8[%mul3A_303, %dma_start3A_1150] : memref<16x128xi32, #tpu.memory_space<vmem_shared>> -> memref<8x128xi32, #tpu.memory_space<vmem_shared>>
        tpu.enqueue_dma source(%dma_start3A_1151 : memref<8x128xi32, #tpu.memory_space<vmem_shared>>) target(%arg10 : memref<8x128xi32, #tpu.memory_space<vmem>>) target_semaphore(%run_scoped3A : memref<!tpu.dma_semaphore, #tpu.memory_space<semaphore_mem>>)
        %dma_wait3A_1152 = arith.constant 0 : i32
        %dma_wait3A_1153 = tpu.memref_slice %arg8[%mul3A_303, %dma_wait3A_1152] : memref<16x128xi32, #tpu.memory_space<vmem_shared>> -> memref<8x128xi32, #tpu.memory_space<vmem_shared>>
        %dma_wait3A_1154 = arith.constant 0 : i32
        %dma_wait3A_1155 = tpu.memref_slice %arg8[%mul3A_303, %dma_wait3A_1154] : memref<16x128xi32, #tpu.memory_space<vmem_shared>> -> memref<8x128xi32, #tpu.memory_space<vmem_shared>>
        tpu.wait_dma2 semaphore(%run_scoped3A : memref<!tpu.dma_semaphore, #tpu.memory_space<semaphore_mem>>) src(%dma_wait3A_1155 : memref<8x128xi32, #tpu.memory_space<vmem_shared>>) dst(%arg10 : memref<8x128xi32, #tpu.memory_space<vmem>>)
        tpu.yield
      }) : () -> ()
      %get3A = arith.constant 0 : i32
      %get3A_304 = arith.index_cast %get3A : i32 to index
      %get3A_305 = arith.constant 0 : index
      %get3A_306 = tpu.vector_load %arg9[%get3A_304, %get3A_305] {strides = array<i32>} : memref<8x128xf32, #tpu.memory_space<vmem>>, vector<1x16xf32>,
      %get3A_307 = vector.shape_cast %get3A_306 : vector<1x16xf32> to vector<16xf32>
      %get3A_308 = arith.constant 0 : i32
      %get3A_309 = arith.index_cast %get3A_308 : i32 to index
      %get3A_310 = arith.constant 0 : index
      %get3A_311 = tpu.vector_load %arg10[%get3A_309, %get3A_310] {strides = array<i32>} : memref<8x128xi32, #tpu.memory_space<vmem>>, vector<1x16xi32>,
      %get3A_312 = vector.shape_cast %get3A_311 : vector<1x16xi32> to vector<16xi32>
      %get3A_313 = arith.constant 1 : i32
      %get3A_314 = arith.index_cast %get3A_313 : i32 to index
      %get3A_315 = arith.constant 0 : index
      %get3A_316 = tpu.vector_load %arg9[%get3A_314, %get3A_315] {strides = array<i32>} : memref<8x128xf32, #tpu.memory_space<vmem>>, vector<1x16xf32>,
      %get3A_317 = vector.shape_cast %get3A_316 : vector<1x16xf32> to vector<16xf32>
      %get3A_318 = arith.constant 1 : i32
      %get3A_319 = arith.index_cast %get3A_318 : i32 to index
      %get3A_320 = arith.constant 0 : index
      %get3A_321 = tpu.vector_load %arg10[%get3A_319, %get3A_320] {strides = array<i32>} : memref<8x128xi32, #tpu.memory_space<vmem>>, vector<1x16xi32>,
      %get3A_322 = vector.shape_cast %get3A_321 : vector<1x16xi32> to vector<16xi32>
      %lt3A_323 = arith.cmpf olt, %get3A_317, %get3A_307 : vector<16xf32>
      %select_n3A_324 = arith.select %lt3A_323, %get3A_317, %get3A_307 : vector<16xi1>, vector<16xf32>
      %select_n3A_325 = arith.select %lt3A_323, %get3A_322, %get3A_312 : vector<16xi1>, vector<16xi32>
      %get3A_326 = arith.constant 2 : i32
      %get3A_327 = arith.index_cast %get3A_326 : i32 to index
      %get3A_328 = arith.constant 0 : index
      %get3A_329 = tpu.vector_load %arg9[%get3A_327, %get3A_328] {strides = array<i32>} : memref<8x128xf32, #tpu.memory_space<vmem>>, vector<1x16xf32>,
      %get3A_330 = vector.shape_cast %get3A_329 : vector<1x16xf32> to vector<16xf32>
      %get3A_331 = arith.constant 2 : i32
      %get3A_332 = arith.index_cast %get3A_331 : i32 to index
      %get3A_333 = arith.constant 0 : index
      %get3A_334 = tpu.vector_load %arg10[%get3A_332, %get3A_333] {strides = array<i32>} : memref<8x128xi32, #tpu.memory_space<vmem>>, vector<1x16xi32>,
      %get3A_335 = vector.shape_cast %get3A_334 : vector<1x16xi32> to vector<16xi32>
      %lt3A_336 = arith.cmpf olt, %get3A_330, %select_n3A_324 : vector<16xf32>
      %select_n3A_337 = arith.select %lt3A_336, %get3A_330, %select_n3A_324 : vector<16xi1>, vector<16xf32>
      %select_n3A_338 = arith.select %lt3A_336, %get3A_335, %select_n3A_325 : vector<16xi1>, vector<16xi32>
      %get3A_339 = arith.constant 3 : i32
      %get3A_340 = arith.index_cast %get3A_339 : i32 to index
      %get3A_341 = arith.constant 0 : index
      %get3A_342 = tpu.vector_load %arg9[%get3A_340, %get3A_341] {strides = array<i32>} : memref<8x128xf32, #tpu.memory_space<vmem>>, vector<1x16xf32>,
      %get3A_343 = vector.shape_cast %get3A_342 : vector<1x16xf32> to vector<16xf32>
      %get3A_344 = arith.constant 3 : i32
      %get3A_345 = arith.index_cast %get3A_344 : i32 to index
      %get3A_346 = arith.constant 0 : index
      %get3A_347 = tpu.vector_load %arg10[%get3A_345, %get3A_346] {strides = array<i32>} : memref<8x128xi32, #tpu.memory_space<vmem>>, vector<1x16xi32>,
      %get3A_348 = vector.shape_cast %get3A_347 : vector<1x16xi32> to vector<16xi32>
      %lt3A_349 = arith.cmpf olt, %get3A_343, %select_n3A_337 : vector<16xf32>
      %select_n3A_350 = arith.select %lt3A_349, %get3A_343, %select_n3A_337 : vector<16xi1>, vector<16xf32>
      %select_n3A_351 = arith.select %lt3A_349, %get3A_348, %select_n3A_338 : vector<16xi1>, vector<16xi32>
      %get3A_352 = arith.constant 4 : i32
      %get3A_353 = arith.index_cast %get3A_352 : i32 to index
      %get3A_354 = arith.constant 0 : index
      %get3A_355 = tpu.vector_load %arg9[%get3A_353, %get3A_354] {strides = array<i32>} : memref<8x128xf32, #tpu.memory_space<vmem>>, vector<1x16xf32>,
      %get3A_356 = vector.shape_cast %get3A_355 : vector<1x16xf32> to vector<16xf32>
      %get3A_357 = arith.constant 4 : i32
      %get3A_358 = arith.index_cast %get3A_357 : i32 to index
      %get3A_359 = arith.constant 0 : index
      %get3A_360 = tpu.vector_load %arg10[%get3A_358, %get3A_359] {strides = array<i32>} : memref<8x128xi32, #tpu.memory_space<vmem>>, vector<1x16xi32>,
      %get3A_361 = vector.shape_cast %get3A_360 : vector<1x16xi32> to vector<16xi32>
      %lt3A_362 = arith.cmpf olt, %get3A_356, %select_n3A_350 : vector<16xf32>
      %select_n3A_363 = arith.select %lt3A_362, %get3A_356, %select_n3A_350 : vector<16xi1>, vector<16xf32>
      %select_n3A_364 = arith.select %lt3A_362, %get3A_361, %select_n3A_351 : vector<16xi1>, vector<16xi32>
      %get3A_365 = arith.constant 5 : i32
      %get3A_366 = arith.index_cast %get3A_365 : i32 to index
      %get3A_367 = arith.constant 0 : index
      %get3A_368 = tpu.vector_load %arg9[%get3A_366, %get3A_367] {strides = array<i32>} : memref<8x128xf32, #tpu.memory_space<vmem>>, vector<1x16xf32>,
      %get3A_369 = vector.shape_cast %get3A_368 : vector<1x16xf32> to vector<16xf32>
      %get3A_370 = arith.constant 5 : i32
      %get3A_371 = arith.index_cast %get3A_370 : i32 to index
      %get3A_372 = arith.constant 0 : index
      %get3A_373 = tpu.vector_load %arg10[%get3A_371, %get3A_372] {strides = array<i32>} : memref<8x128xi32, #tpu.memory_space<vmem>>, vector<1x16xi32>,
      %get3A_374 = vector.shape_cast %get3A_373 : vector<1x16xi32> to vector<16xi32>
      %lt3A_375 = arith.cmpf olt, %get3A_369, %select_n3A_363 : vector<16xf32>
      %select_n3A_376 = arith.select %lt3A_375, %get3A_369, %select_n3A_363 : vector<16xi1>, vector<16xf32>
      %select_n3A_377 = arith.select %lt3A_375, %get3A_374, %select_n3A_364 : vector<16xi1>, vector<16xi32>
      %get3A_378 = arith.constant 6 : i32
      %get3A_379 = arith.index_cast %get3A_378 : i32 to index
      %get3A_380 = arith.constant 0 : index
      %get3A_381 = tpu.vector_load %arg9[%get3A_379, %get3A_380] {strides = array<i32>} : memref<8x128xf32, #tpu.memory_space<vmem>>, vector<1x16xf32>,
      %get3A_382 = vector.shape_cast %get3A_381 : vector<1x16xf32> to vector<16xf32>
      %get3A_383 = arith.constant 6 : i32
      %get3A_384 = arith.index_cast %get3A_383 : i32 to index
      %get3A_385 = arith.constant 0 : index
      %get3A_386 = tpu.vector_load %arg10[%get3A_384, %get3A_385] {strides = array<i32>} : memref<8x128xi32, #tpu.memory_space<vmem>>, vector<1x16xi32>,
      %get3A_387 = vector.shape_cast %get3A_386 : vector<1x16xi32> to vector<16xi32>
      %lt3A_388 = arith.cmpf olt, %get3A_382, %select_n3A_376 : vector<16xf32>
      %select_n3A_389 = arith.select %lt3A_388, %get3A_382, %select_n3A_376 : vector<16xi1>, vector<16xf32>
      %select_n3A_390 = arith.select %lt3A_388, %get3A_387, %select_n3A_377 : vector<16xi1>, vector<16xi32>
      %get3A_391 = arith.constant 7 : i32
      %get3A_392 = arith.index_cast %get3A_391 : i32 to index
      %get3A_393 = arith.constant 0 : index
      %get3A_394 = tpu.vector_load %arg9[%get3A_392, %get3A_393] {strides = array<i32>} : memref<8x128xf32, #tpu.memory_space<vmem>>, vector<1x16xf32>,
      %get3A_395 = vector.shape_cast %get3A_394 : vector<1x16xf32> to vector<16xf32>
      %get3A_396 = arith.constant 7 : i32
      %get3A_397 = arith.index_cast %get3A_396 : i32 to index
      %get3A_398 = arith.constant 0 : index
      %get3A_399 = tpu.vector_load %arg10[%get3A_397, %get3A_398] {strides = array<i32>} : memref<8x128xi32, #tpu.memory_space<vmem>>, vector<1x16xi32>,
      %get3A_400 = vector.shape_cast %get3A_399 : vector<1x16xi32> to vector<16xi32>
      %lt3A_401 = arith.cmpf olt, %get3A_395, %select_n3A_389 : vector<16xf32>
      %select_n3A_402 = arith.select %lt3A_401, %get3A_395, %select_n3A_389 : vector<16xi1>, vector<16xf32>
      %select_n3A_403 = arith.select %lt3A_401, %get3A_400, %select_n3A_390 : vector<16xi1>, vector<16xi32>
      %swap3A_404 = arith.constant 0 : index
      %swap3A_405 = tpu.vector_load %arg6[%swap3A_404] {strides = array<i32>} : memref<128xi32, #tpu.memory_space<vmem>>, vector<16xi32>,
      %swap3A_406 = vector.shape_cast %swap3A_405 : vector<16xi32> to vector<16xi32>
      %swap3A_407 = vector.shape_cast %select_n3A_403 : vector<16xi32> to vector<16xi32>
      tpu.vector_store %arg6[%swap3A_404], %swap3A_407 {strides = array<i32>} : memref<128xi32, #tpu.memory_space<vmem>>, vector<16xi32>,
      %get3A_408 = arith.constant 0 : i32
      %get3A_409 = arith.index_cast %get3A_408 : i32 to index
      %get3A_410 = arith.constant 16 : index
      %get3A_411 = tpu.vector_load %arg9[%get3A_409, %get3A_410] {strides = array<i32>} : memref<8x128xf32, #tpu.memory_space<vmem>>, vector<1x16xf32>,
      %get3A_412 = vector.shape_cast %get3A_411 : vector<1x16xf32> to vector<16xf32>
      %get3A_413 = arith.constant 0 : i32
      %get3A_414 = arith.index_cast %get3A_413 : i32 to index
      %get3A_415 = arith.constant 16 : index
      %get3A_416 = tpu.vector_load %arg10[%get3A_414, %get3A_415] {strides = array<i32>} : memref<8x128xi32, #tpu.memory_space<vmem>>, vector<1x16xi32>,
      %get3A_417 = vector.shape_cast %get3A_416 : vector<1x16xi32> to vector<16xi32>
      %get3A_418 = arith.constant 1 : i32
      %get3A_419 = arith.index_cast %get3A_418 : i32 to index
      %get3A_420 = arith.constant 16 : index
      %get3A_421 = tpu.vector_load %arg9[%get3A_419, %get3A_420] {strides = array<i32>} : memref<8x128xf32, #tpu.memory_space<vmem>>, vector<1x16xf32>,
      %get3A_422 = vector.shape_cast %get3A_421 : vector<1x16xf32> to vector<16xf32>
      %get3A_423 = arith.constant 1 : i32
      %get3A_424 = arith.index_cast %get3A_423 : i32 to index
      %get3A_425 = arith.constant 16 : index
      %get3A_426 = tpu.vector_load %arg10[%get3A_424, %get3A_425] {strides = array<i32>} : memref<8x128xi32, #tpu.memory_space<vmem>>, vector<1x16xi32>,
      %get3A_427 = vector.shape_cast %get3A_426 : vector<1x16xi32> to vector<16xi32>
      %lt3A_428 = arith.cmpf olt, %get3A_422, %get3A_412 : vector<16xf32>
      %select_n3A_429 = arith.select %lt3A_428, %get3A_422, %get3A_412 : vector<16xi1>, vector<16xf32>
      %select_n3A_430 = arith.select %lt3A_428, %get3A_427, %get3A_417 : vector<16xi1>, vector<16xi32>
      %get3A_431 = arith.constant 2 : i32
      %get3A_432 = arith.index_cast %get3A_431 : i32 to index
      %get3A_433 = arith.constant 16 : index
      %get3A_434 = tpu.vector_load %arg9[%get3A_432, %get3A_433] {strides = array<i32>} : memref<8x128xf32, #tpu.memory_space<vmem>>, vector<1x16xf32>,
      %get3A_435 = vector.shape_cast %get3A_434 : vector<1x16xf32> to vector<16xf32>
      %get3A_436 = arith.constant 2 : i32
      %get3A_437 = arith.index_cast %get3A_436 : i32 to index
      %get3A_438 = arith.constant 16 : index
      %get3A_439 = tpu.vector_load %arg10[%get3A_437, %get3A_438] {strides = array<i32>} : memref<8x128xi32, #tpu.memory_space<vmem>>, vector<1x16xi32>,
      %get3A_440 = vector.shape_cast %get3A_439 : vector<1x16xi32> to vector<16xi32>
      %lt3A_441 = arith.cmpf olt, %get3A_435, %select_n3A_429 : vector<16xf32>
      %select_n3A_442 = arith.select %lt3A_441, %get3A_435, %select_n3A_429 : vector<16xi1>, vector<16xf32>
      %select_n3A_443 = arith.select %lt3A_441, %get3A_440, %select_n3A_430 : vector<16xi1>, vector<16xi32>
      %get3A_444 = arith.constant 3 : i32
      %get3A_445 = arith.index_cast %get3A_444 : i32 to index
      %get3A_446 = arith.constant 16 : index
      %get3A_447 = tpu.vector_load %arg9[%get3A_445, %get3A_446] {strides = array<i32>} : memref<8x128xf32, #tpu.memory_space<vmem>>, vector<1x16xf32>,
      %get3A_448 = vector.shape_cast %get3A_447 : vector<1x16xf32> to vector<16xf32>
      %get3A_449 = arith.constant 3 : i32
      %get3A_450 = arith.index_cast %get3A_449 : i32 to index
      %get3A_451 = arith.constant 16 : index
      %get3A_452 = tpu.vector_load %arg10[%get3A_450, %get3A_451] {strides = array<i32>} : memref<8x128xi32, #tpu.memory_space<vmem>>, vector<1x16xi32>,
      %get3A_453 = vector.shape_cast %get3A_452 : vector<1x16xi32> to vector<16xi32>
      %lt3A_454 = arith.cmpf olt, %get3A_448, %select_n3A_442 : vector<16xf32>
      %select_n3A_455 = arith.select %lt3A_454, %get3A_448, %select_n3A_442 : vector<16xi1>, vector<16xf32>
      %select_n3A_456 = arith.select %lt3A_454, %get3A_453, %select_n3A_443 : vector<16xi1>, vector<16xi32>
      %get3A_457 = arith.constant 4 : i32
      %get3A_458 = arith.index_cast %get3A_457 : i32 to index
      %get3A_459 = arith.constant 16 : index
      %get3A_460 = tpu.vector_load %arg9[%get3A_458, %get3A_459] {strides = array<i32>} : memref<8x128xf32, #tpu.memory_space<vmem>>, vector<1x16xf32>,
      %get3A_461 = vector.shape_cast %get3A_460 : vector<1x16xf32> to vector<16xf32>
      %get3A_462 = arith.constant 4 : i32
      %get3A_463 = arith.index_cast %get3A_462 : i32 to index
      %get3A_464 = arith.constant 16 : index
      %get3A_465 = tpu.vector_load %arg10[%get3A_463, %get3A_464] {strides = array<i32>} : memref<8x128xi32, #tpu.memory_space<vmem>>, vector<1x16xi32>,
      %get3A_466 = vector.shape_cast %get3A_465 : vector<1x16xi32> to vector<16xi32>
      %lt3A_467 = arith.cmpf olt, %get3A_461, %select_n3A_455 : vector<16xf32>
      %select_n3A_468 = arith.select %lt3A_467, %get3A_461, %select_n3A_455 : vector<16xi1>, vector<16xf32>
      %select_n3A_469 = arith.select %lt3A_467, %get3A_466, %select_n3A_456 : vector<16xi1>, vector<16xi32>
      %get3A_470 = arith.constant 5 : i32
      %get3A_471 = arith.index_cast %get3A_470 : i32 to index
      %get3A_472 = arith.constant 16 : index
      %get3A_473 = tpu.vector_load %arg9[%get3A_471, %get3A_472] {strides = array<i32>} : memref<8x128xf32, #tpu.memory_space<vmem>>, vector<1x16xf32>,
      %get3A_474 = vector.shape_cast %get3A_473 : vector<1x16xf32> to vector<16xf32>
      %get3A_475 = arith.constant 5 : i32
      %get3A_476 = arith.index_cast %get3A_475 : i32 to index
      %get3A_477 = arith.constant 16 : index
      %get3A_478 = tpu.vector_load %arg10[%get3A_476, %get3A_477] {strides = array<i32>} : memref<8x128xi32, #tpu.memory_space<vmem>>, vector<1x16xi32>,
      %get3A_479 = vector.shape_cast %get3A_478 : vector<1x16xi32> to vector<16xi32>
      %lt3A_480 = arith.cmpf olt, %get3A_474, %select_n3A_468 : vector<16xf32>
      %select_n3A_481 = arith.select %lt3A_480, %get3A_474, %select_n3A_468 : vector<16xi1>, vector<16xf32>
      %select_n3A_482 = arith.select %lt3A_480, %get3A_479, %select_n3A_469 : vector<16xi1>, vector<16xi32>
      %get3A_483 = arith.constant 6 : i32
      %get3A_484 = arith.index_cast %get3A_483 : i32 to index
      %get3A_485 = arith.constant 16 : index
      %get3A_486 = tpu.vector_load %arg9[%get3A_484, %get3A_485] {strides = array<i32>} : memref<8x128xf32, #tpu.memory_space<vmem>>, vector<1x16xf32>,
      %get3A_487 = vector.shape_cast %get3A_486 : vector<1x16xf32> to vector<16xf32>
      %get3A_488 = arith.constant 6 : i32
      %get3A_489 = arith.index_cast %get3A_488 : i32 to index
      %get3A_490 = arith.constant 16 : index
      %get3A_491 = tpu.vector_load %arg10[%get3A_489, %get3A_490] {strides = array<i32>} : memref<8x128xi32, #tpu.memory_space<vmem>>, vector<1x16xi32>,
      %get3A_492 = vector.shape_cast %get3A_491 : vector<1x16xi32> to vector<16xi32>
      %lt3A_493 = arith.cmpf olt, %get3A_487, %select_n3A_481 : vector<16xf32>
      %select_n3A_494 = arith.select %lt3A_493, %get3A_487, %select_n3A_481 : vector<16xi1>, vector<16xf32>
      %select_n3A_495 = arith.select %lt3A_493, %get3A_492, %select_n3A_482 : vector<16xi1>, vector<16xi32>
      %get3A_496 = arith.constant 7 : i32
      %get3A_497 = arith.index_cast %get3A_496 : i32 to index
      %get3A_498 = arith.constant 16 : index
      %get3A_499 = tpu.vector_load %arg9[%get3A_497, %get3A_498] {strides = array<i32>} : memref<8x128xf32, #tpu.memory_space<vmem>>, vector<1x16xf32>,
      %get3A_500 = vector.shape_cast %get3A_499 : vector<1x16xf32> to vector<16xf32>
      %get3A_501 = arith.constant 7 : i32
      %get3A_502 = arith.index_cast %get3A_501 : i32 to index
      %get3A_503 = arith.constant 16 : index
      %get3A_504 = tpu.vector_load %arg10[%get3A_502, %get3A_503] {strides = array<i32>} : memref<8x128xi32, #tpu.memory_space<vmem>>, vector<1x16xi32>,
      %get3A_505 = vector.shape_cast %get3A_504 : vector<1x16xi32> to vector<16xi32>
      %lt3A_506 = arith.cmpf olt, %get3A_500, %select_n3A_494 : vector<16xf32>
      %select_n3A_507 = arith.select %lt3A_506, %get3A_500, %select_n3A_494 : vector<16xi1>, vector<16xf32>
      %select_n3A_508 = arith.select %lt3A_506, %get3A_505, %select_n3A_495 : vector<16xi1>, vector<16xi32>
      %swap3A_509 = arith.constant 16 : index
      %swap3A_510 = tpu.vector_load %arg6[%swap3A_509] {strides = array<i32>} : memref<128xi32, #tpu.memory_space<vmem>>, vector<16xi32>,
      %swap3A_511 = vector.shape_cast %swap3A_510 : vector<16xi32> to vector<16xi32>
      %swap3A_512 = vector.shape_cast %select_n3A_508 : vector<16xi32> to vector<16xi32>
      tpu.vector_store %arg6[%swap3A_509], %swap3A_512 {strides = array<i32>} : memref<128xi32, #tpu.memory_space<vmem>>, vector<16xi32>,
      %get3A_513 = arith.constant 0 : i32
      %get3A_514 = arith.index_cast %get3A_513 : i32 to index
      %get3A_515 = arith.constant 32 : index
      %get3A_516 = tpu.vector_load %arg9[%get3A_514, %get3A_515] {strides = array<i32>} : memref<8x128xf32, #tpu.memory_space<vmem>>, vector<1x16xf32>,
      %get3A_517 = vector.shape_cast %get3A_516 : vector<1x16xf32> to vector<16xf32>
      %get3A_518 = arith.constant 0 : i32
      %get3A_519 = arith.index_cast %get3A_518 : i32 to index
      %get3A_520 = arith.constant 32 : index
      %get3A_521 = tpu.vector_load %arg10[%get3A_519, %get3A_520] {strides = array<i32>} : memref<8x128xi32, #tpu.memory_space<vmem>>, vector<1x16xi32>,
      %get3A_522 = vector.shape_cast %get3A_521 : vector<1x16xi32> to vector<16xi32>
      %get3A_523 = arith.constant 1 : i32
      %get3A_524 = arith.index_cast %get3A_523 : i32 to index
      %get3A_525 = arith.constant 32 : index
      %get3A_526 = tpu.vector_load %arg9[%get3A_524, %get3A_525] {strides = array<i32>} : memref<8x128xf32, #tpu.memory_space<vmem>>, vector<1x16xf32>,
      %get3A_527 = vector.shape_cast %get3A_526 : vector<1x16xf32> to vector<16xf32>
      %get3A_528 = arith.constant 1 : i32
      %get3A_529 = arith.index_cast %get3A_528 : i32 to index
      %get3A_530 = arith.constant 32 : index
      %get3A_531 = tpu.vector_load %arg10[%get3A_529, %get3A_530] {strides = array<i32>} : memref<8x128xi32, #tpu.memory_space<vmem>>, vector<1x16xi32>,
      %get3A_532 = vector.shape_cast %get3A_531 : vector<1x16xi32> to vector<16xi32>
      %lt3A_533 = arith.cmpf olt, %get3A_527, %get3A_517 : vector<16xf32>
      %select_n3A_534 = arith.select %lt3A_533, %get3A_527, %get3A_517 : vector<16xi1>, vector<16xf32>
      %select_n3A_535 = arith.select %lt3A_533, %get3A_532, %get3A_522 : vector<16xi1>, vector<16xi32>
      %get3A_536 = arith.constant 2 : i32
      %get3A_537 = arith.index_cast %get3A_536 : i32 to index
      %get3A_538 = arith.constant 32 : index
      %get3A_539 = tpu.vector_load %arg9[%get3A_537, %get3A_538] {strides = array<i32>} : memref<8x128xf32, #tpu.memory_space<vmem>>, vector<1x16xf32>,
      %get3A_540 = vector.shape_cast %get3A_539 : vector<1x16xf32> to vector<16xf32>
      %get3A_541 = arith.constant 2 : i32
      %get3A_542 = arith.index_cast %get3A_541 : i32 to index
      %get3A_543 = arith.constant 32 : index
      %get3A_544 = tpu.vector_load %arg10[%get3A_542, %get3A_543] {strides = array<i32>} : memref<8x128xi32, #tpu.memory_space<vmem>>, vector<1x16xi32>,
      %get3A_545 = vector.shape_cast %get3A_544 : vector<1x16xi32> to vector<16xi32>
      %lt3A_546 = arith.cmpf olt, %get3A_540, %select_n3A_534 : vector<16xf32>
      %select_n3A_547 = arith.select %lt3A_546, %get3A_540, %select_n3A_534 : vector<16xi1>, vector<16xf32>
      %select_n3A_548 = arith.select %lt3A_546, %get3A_545, %select_n3A_535 : vector<16xi1>, vector<16xi32>
      %get3A_549 = arith.constant 3 : i32
      %get3A_550 = arith.index_cast %get3A_549 : i32 to index
      %get3A_551 = arith.constant 32 : index
      %get3A_552 = tpu.vector_load %arg9[%get3A_550, %get3A_551] {strides = array<i32>} : memref<8x128xf32, #tpu.memory_space<vmem>>, vector<1x16xf32>,
      %get3A_553 = vector.shape_cast %get3A_552 : vector<1x16xf32> to vector<16xf32>
      %get3A_554 = arith.constant 3 : i32
      %get3A_555 = arith.index_cast %get3A_554 : i32 to index
      %get3A_556 = arith.constant 32 : index
      %get3A_557 = tpu.vector_load %arg10[%get3A_555, %get3A_556] {strides = array<i32>} : memref<8x128xi32, #tpu.memory_space<vmem>>, vector<1x16xi32>,
      %get3A_558 = vector.shape_cast %get3A_557 : vector<1x16xi32> to vector<16xi32>
      %lt3A_559 = arith.cmpf olt, %get3A_553, %select_n3A_547 : vector<16xf32>
      %select_n3A_560 = arith.select %lt3A_559, %get3A_553, %select_n3A_547 : vector<16xi1>, vector<16xf32>
      %select_n3A_561 = arith.select %lt3A_559, %get3A_558, %select_n3A_548 : vector<16xi1>, vector<16xi32>
      %get3A_562 = arith.constant 4 : i32
      %get3A_563 = arith.index_cast %get3A_562 : i32 to index
      %get3A_564 = arith.constant 32 : index
      %get3A_565 = tpu.vector_load %arg9[%get3A_563, %get3A_564] {strides = array<i32>} : memref<8x128xf32, #tpu.memory_space<vmem>>, vector<1x16xf32>,
      %get3A_566 = vector.shape_cast %get3A_565 : vector<1x16xf32> to vector<16xf32>
      %get3A_567 = arith.constant 4 : i32
      %get3A_568 = arith.index_cast %get3A_567 : i32 to index
      %get3A_569 = arith.constant 32 : index
      %get3A_570 = tpu.vector_load %arg10[%get3A_568, %get3A_569] {strides = array<i32>} : memref<8x128xi32, #tpu.memory_space<vmem>>, vector<1x16xi32>,
      %get3A_571 = vector.shape_cast %get3A_570 : vector<1x16xi32> to vector<16xi32>
      %lt3A_572 = arith.cmpf olt, %get3A_566, %select_n3A_560 : vector<16xf32>
      %select_n3A_573 = arith.select %lt3A_572, %get3A_566, %select_n3A_560 : vector<16xi1>, vector<16xf32>
      %select_n3A_574 = arith.select %lt3A_572, %get3A_571, %select_n3A_561 : vector<16xi1>, vector<16xi32>
      %get3A_575 = arith.constant 5 : i32
      %get3A_576 = arith.index_cast %get3A_575 : i32 to index
      %get3A_577 = arith.constant 32 : index
      %get3A_578 = tpu.vector_load %arg9[%get3A_576, %get3A_577] {strides = array<i32>} : memref<8x128xf32, #tpu.memory_space<vmem>>, vector<1x16xf32>,
      %get3A_579 = vector.shape_cast %get3A_578 : vector<1x16xf32> to vector<16xf32>
      %get3A_580 = arith.constant 5 : i32
      %get3A_581 = arith.index_cast %get3A_580 : i32 to index
      %get3A_582 = arith.constant 32 : index
      %get3A_583 = tpu.vector_load %arg10[%get3A_581, %get3A_582] {strides = array<i32>} : memref<8x128xi32, #tpu.memory_space<vmem>>, vector<1x16xi32>,
      %get3A_584 = vector.shape_cast %get3A_583 : vector<1x16xi32> to vector<16xi32>
      %lt3A_585 = arith.cmpf olt, %get3A_579, %select_n3A_573 : vector<16xf32>
      %select_n3A_586 = arith.select %lt3A_585, %get3A_579, %select_n3A_573 : vector<16xi1>, vector<16xf32>
      %select_n3A_587 = arith.select %lt3A_585, %get3A_584, %select_n3A_574 : vector<16xi1>, vector<16xi32>
      %get3A_588 = arith.constant 6 : i32
      %get3A_589 = arith.index_cast %get3A_588 : i32 to index
      %get3A_590 = arith.constant 32 : index
      %get3A_591 = tpu.vector_load %arg9[%get3A_589, %get3A_590] {strides = array<i32>} : memref<8x128xf32, #tpu.memory_space<vmem>>, vector<1x16xf32>,
      %get3A_592 = vector.shape_cast %get3A_591 : vector<1x16xf32> to vector<16xf32>
      %get3A_593 = arith.constant 6 : i32
      %get3A_594 = arith.index_cast %get3A_593 : i32 to index
      %get3A_595 = arith.constant 32 : index
      %get3A_596 = tpu.vector_load %arg10[%get3A_594, %get3A_595] {strides = array<i32>} : memref<8x128xi32, #tpu.memory_space<vmem>>, vector<1x16xi32>,
      %get3A_597 = vector.shape_cast %get3A_596 : vector<1x16xi32> to vector<16xi32>
      %lt3A_598 = arith.cmpf olt, %get3A_592, %select_n3A_586 : vector<16xf32>
      %select_n3A_599 = arith.select %lt3A_598, %get3A_592, %select_n3A_586 : vector<16xi1>, vector<16xf32>
      %select_n3A_600 = arith.select %lt3A_598, %get3A_597, %select_n3A_587 : vector<16xi1>, vector<16xi32>
      %get3A_601 = arith.constant 7 : i32
      %get3A_602 = arith.index_cast %get3A_601 : i32 to index
      %get3A_603 = arith.constant 32 : index
      %get3A_604 = tpu.vector_load %arg9[%get3A_602, %get3A_603] {strides = array<i32>} : memref<8x128xf32, #tpu.memory_space<vmem>>, vector<1x16xf32>,
      %get3A_605 = vector.shape_cast %get3A_604 : vector<1x16xf32> to vector<16xf32>
      %get3A_606 = arith.constant 7 : i32
      %get3A_607 = arith.index_cast %get3A_606 : i32 to index
      %get3A_608 = arith.constant 32 : index
      %get3A_609 = tpu.vector_load %arg10[%get3A_607, %get3A_608] {strides = array<i32>} : memref<8x128xi32, #tpu.memory_space<vmem>>, vector<1x16xi32>,
      %get3A_610 = vector.shape_cast %get3A_609 : vector<1x16xi32> to vector<16xi32>
      %lt3A_611 = arith.cmpf olt, %get3A_605, %select_n3A_599 : vector<16xf32>
      %select_n3A_612 = arith.select %lt3A_611, %get3A_605, %select_n3A_599 : vector<16xi1>, vector<16xf32>
      %select_n3A_613 = arith.select %lt3A_611, %get3A_610, %select_n3A_600 : vector<16xi1>, vector<16xi32>
      %swap3A_614 = arith.constant 32 : index
      %swap3A_615 = tpu.vector_load %arg6[%swap3A_614] {strides = array<i32>} : memref<128xi32, #tpu.memory_space<vmem>>, vector<16xi32>,
      %swap3A_616 = vector.shape_cast %swap3A_615 : vector<16xi32> to vector<16xi32>
      %swap3A_617 = vector.shape_cast %select_n3A_613 : vector<16xi32> to vector<16xi32>
      tpu.vector_store %arg6[%swap3A_614], %swap3A_617 {strides = array<i32>} : memref<128xi32, #tpu.memory_space<vmem>>, vector<16xi32>,
      %get3A_618 = arith.constant 0 : i32
      %get3A_619 = arith.index_cast %get3A_618 : i32 to index
      %get3A_620 = arith.constant 48 : index
      %get3A_621 = tpu.vector_load %arg9[%get3A_619, %get3A_620] {strides = array<i32>} : memref<8x128xf32, #tpu.memory_space<vmem>>, vector<1x16xf32>,
      %get3A_622 = vector.shape_cast %get3A_621 : vector<1x16xf32> to vector<16xf32>
      %get3A_623 = arith.constant 0 : i32
      %get3A_624 = arith.index_cast %get3A_623 : i32 to index
      %get3A_625 = arith.constant 48 : index
      %get3A_626 = tpu.vector_load %arg10[%get3A_624, %get3A_625] {strides = array<i32>} : memref<8x128xi32, #tpu.memory_space<vmem>>, vector<1x16xi32>,
      %get3A_627 = vector.shape_cast %get3A_626 : vector<1x16xi32> to vector<16xi32>
      %get3A_628 = arith.constant 1 : i32
      %get3A_629 = arith.index_cast %get3A_628 : i32 to index
      %get3A_630 = arith.constant 48 : index
      %get3A_631 = tpu.vector_load %arg9[%get3A_629, %get3A_630] {strides = array<i32>} : memref<8x128xf32, #tpu.memory_space<vmem>>, vector<1x16xf32>,
      %get3A_632 = vector.shape_cast %get3A_631 : vector<1x16xf32> to vector<16xf32>
      %get3A_633 = arith.constant 1 : i32
      %get3A_634 = arith.index_cast %get3A_633 : i32 to index
      %get3A_635 = arith.constant 48 : index
      %get3A_636 = tpu.vector_load %arg10[%get3A_634, %get3A_635] {strides = array<i32>} : memref<8x128xi32, #tpu.memory_space<vmem>>, vector<1x16xi32>,
      %get3A_637 = vector.shape_cast %get3A_636 : vector<1x16xi32> to vector<16xi32>
      %lt3A_638 = arith.cmpf olt, %get3A_632, %get3A_622 : vector<16xf32>
      %select_n3A_639 = arith.select %lt3A_638, %get3A_632, %get3A_622 : vector<16xi1>, vector<16xf32>
      %select_n3A_640 = arith.select %lt3A_638, %get3A_637, %get3A_627 : vector<16xi1>, vector<16xi32>
      %get3A_641 = arith.constant 2 : i32
      %get3A_642 = arith.index_cast %get3A_641 : i32 to index
      %get3A_643 = arith.constant 48 : index
      %get3A_644 = tpu.vector_load %arg9[%get3A_642, %get3A_643] {strides = array<i32>} : memref<8x128xf32, #tpu.memory_space<vmem>>, vector<1x16xf32>,
      %get3A_645 = vector.shape_cast %get3A_644 : vector<1x16xf32> to vector<16xf32>
      %get3A_646 = arith.constant 2 : i32
      %get3A_647 = arith.index_cast %get3A_646 : i32 to index
      %get3A_648 = arith.constant 48 : index
      %get3A_649 = tpu.vector_load %arg10[%get3A_647, %get3A_648] {strides = array<i32>} : memref<8x128xi32, #tpu.memory_space<vmem>>, vector<1x16xi32>,
      %get3A_650 = vector.shape_cast %get3A_649 : vector<1x16xi32> to vector<16xi32>
      %lt3A_651 = arith.cmpf olt, %get3A_645, %select_n3A_639 : vector<16xf32>
      %select_n3A_652 = arith.select %lt3A_651, %get3A_645, %select_n3A_639 : vector<16xi1>, vector<16xf32>
      %select_n3A_653 = arith.select %lt3A_651, %get3A_650, %select_n3A_640 : vector<16xi1>, vector<16xi32>
      %get3A_654 = arith.constant 3 : i32
      %get3A_655 = arith.index_cast %get3A_654 : i32 to index
      %get3A_656 = arith.constant 48 : index
      %get3A_657 = tpu.vector_load %arg9[%get3A_655, %get3A_656] {strides = array<i32>} : memref<8x128xf32, #tpu.memory_space<vmem>>, vector<1x16xf32>,
      %get3A_658 = vector.shape_cast %get3A_657 : vector<1x16xf32> to vector<16xf32>
      %get3A_659 = arith.constant 3 : i32
      %get3A_660 = arith.index_cast %get3A_659 : i32 to index
      %get3A_661 = arith.constant 48 : index
      %get3A_662 = tpu.vector_load %arg10[%get3A_660, %get3A_661] {strides = array<i32>} : memref<8x128xi32, #tpu.memory_space<vmem>>, vector<1x16xi32>,
      %get3A_663 = vector.shape_cast %get3A_662 : vector<1x16xi32> to vector<16xi32>
      %lt3A_664 = arith.cmpf olt, %get3A_658, %select_n3A_652 : vector<16xf32>
      %select_n3A_665 = arith.select %lt3A_664, %get3A_658, %select_n3A_652 : vector<16xi1>, vector<16xf32>
      %select_n3A_666 = arith.select %lt3A_664, %get3A_663, %select_n3A_653 : vector<16xi1>, vector<16xi32>
      %get3A_667 = arith.constant 4 : i32
      %get3A_668 = arith.index_cast %get3A_667 : i32 to index
      %get3A_669 = arith.constant 48 : index
      %get3A_670 = tpu.vector_load %arg9[%get3A_668, %get3A_669] {strides = array<i32>} : memref<8x128xf32, #tpu.memory_space<vmem>>, vector<1x16xf32>,
      %get3A_671 = vector.shape_cast %get3A_670 : vector<1x16xf32> to vector<16xf32>
      %get3A_672 = arith.constant 4 : i32
      %get3A_673 = arith.index_cast %get3A_672 : i32 to index
      %get3A_674 = arith.constant 48 : index
      %get3A_675 = tpu.vector_load %arg10[%get3A_673, %get3A_674] {strides = array<i32>} : memref<8x128xi32, #tpu.memory_space<vmem>>, vector<1x16xi32>,
      %get3A_676 = vector.shape_cast %get3A_675 : vector<1x16xi32> to vector<16xi32>
      %lt3A_677 = arith.cmpf olt, %get3A_671, %select_n3A_665 : vector<16xf32>
      %select_n3A_678 = arith.select %lt3A_677, %get3A_671, %select_n3A_665 : vector<16xi1>, vector<16xf32>
      %select_n3A_679 = arith.select %lt3A_677, %get3A_676, %select_n3A_666 : vector<16xi1>, vector<16xi32>
      %get3A_680 = arith.constant 5 : i32
      %get3A_681 = arith.index_cast %get3A_680 : i32 to index
      %get3A_682 = arith.constant 48 : index
      %get3A_683 = tpu.vector_load %arg9[%get3A_681, %get3A_682] {strides = array<i32>} : memref<8x128xf32, #tpu.memory_space<vmem>>, vector<1x16xf32>,
      %get3A_684 = vector.shape_cast %get3A_683 : vector<1x16xf32> to vector<16xf32>
      %get3A_685 = arith.constant 5 : i32
      %get3A_686 = arith.index_cast %get3A_685 : i32 to index
      %get3A_687 = arith.constant 48 : index
      %get3A_688 = tpu.vector_load %arg10[%get3A_686, %get3A_687] {strides = array<i32>} : memref<8x128xi32, #tpu.memory_space<vmem>>, vector<1x16xi32>,
      %get3A_689 = vector.shape_cast %get3A_688 : vector<1x16xi32> to vector<16xi32>
      %lt3A_690 = arith.cmpf olt, %get3A_684, %select_n3A_678 : vector<16xf32>
      %select_n3A_691 = arith.select %lt3A_690, %get3A_684, %select_n3A_678 : vector<16xi1>, vector<16xf32>
      %select_n3A_692 = arith.select %lt3A_690, %get3A_689, %select_n3A_679 : vector<16xi1>, vector<16xi32>
      %get3A_693 = arith.constant 6 : i32
      %get3A_694 = arith.index_cast %get3A_693 : i32 to index
      %get3A_695 = arith.constant 48 : index
      %get3A_696 = tpu.vector_load %arg9[%get3A_694, %get3A_695] {strides = array<i32>} : memref<8x128xf32, #tpu.memory_space<vmem>>, vector<1x16xf32>,
      %get3A_697 = vector.shape_cast %get3A_696 : vector<1x16xf32> to vector<16xf32>
      %get3A_698 = arith.constant 6 : i32
      %get3A_699 = arith.index_cast %get3A_698 : i32 to index
      %get3A_700 = arith.constant 48 : index
      %get3A_701 = tpu.vector_load %arg10[%get3A_699, %get3A_700] {strides = array<i32>} : memref<8x128xi32, #tpu.memory_space<vmem>>, vector<1x16xi32>,
      %get3A_702 = vector.shape_cast %get3A_701 : vector<1x16xi32> to vector<16xi32>
      %lt3A_703 = arith.cmpf olt, %get3A_697, %select_n3A_691 : vector<16xf32>
      %select_n3A_704 = arith.select %lt3A_703, %get3A_697, %select_n3A_691 : vector<16xi1>, vector<16xf32>
      %select_n3A_705 = arith.select %lt3A_703, %get3A_702, %select_n3A_692 : vector<16xi1>, vector<16xi32>
      %get3A_706 = arith.constant 7 : i32
      %get3A_707 = arith.index_cast %get3A_706 : i32 to index
      %get3A_708 = arith.constant 48 : index
      %get3A_709 = tpu.vector_load %arg9[%get3A_707, %get3A_708] {strides = array<i32>} : memref<8x128xf32, #tpu.memory_space<vmem>>, vector<1x16xf32>,
      %get3A_710 = vector.shape_cast %get3A_709 : vector<1x16xf32> to vector<16xf32>
      %get3A_711 = arith.constant 7 : i32
      %get3A_712 = arith.index_cast %get3A_711 : i32 to index
      %get3A_713 = arith.constant 48 : index
      %get3A_714 = tpu.vector_load %arg10[%get3A_712, %get3A_713] {strides = array<i32>} : memref<8x128xi32, #tpu.memory_space<vmem>>, vector<1x16xi32>,
      %get3A_715 = vector.shape_cast %get3A_714 : vector<1x16xi32> to vector<16xi32>
      %lt3A_716 = arith.cmpf olt, %get3A_710, %select_n3A_704 : vector<16xf32>
      %select_n3A_717 = arith.select %lt3A_716, %get3A_710, %select_n3A_704 : vector<16xi1>, vector<16xf32>
      %select_n3A_718 = arith.select %lt3A_716, %get3A_715, %select_n3A_705 : vector<16xi1>, vector<16xi32>
      %swap3A_719 = arith.constant 48 : index
      %swap3A_720 = tpu.vector_load %arg6[%swap3A_719] {strides = array<i32>} : memref<128xi32, #tpu.memory_space<vmem>>, vector<16xi32>,
      %swap3A_721 = vector.shape_cast %swap3A_720 : vector<16xi32> to vector<16xi32>
      %swap3A_722 = vector.shape_cast %select_n3A_718 : vector<16xi32> to vector<16xi32>
      tpu.vector_store %arg6[%swap3A_719], %swap3A_722 {strides = array<i32>} : memref<128xi32, #tpu.memory_space<vmem>>, vector<16xi32>,
      %get3A_723 = arith.constant 0 : i32
      %get3A_724 = arith.index_cast %get3A_723 : i32 to index
      %get3A_725 = arith.constant 64 : index
      %get3A_726 = tpu.vector_load %arg9[%get3A_724, %get3A_725] {strides = array<i32>} : memref<8x128xf32, #tpu.memory_space<vmem>>, vector<1x16xf32>,
      %get3A_727 = vector.shape_cast %get3A_726 : vector<1x16xf32> to vector<16xf32>
      %get3A_728 = arith.constant 0 : i32
      %get3A_729 = arith.index_cast %get3A_728 : i32 to index
      %get3A_730 = arith.constant 64 : index
      %get3A_731 = tpu.vector_load %arg10[%get3A_729, %get3A_730] {strides = array<i32>} : memref<8x128xi32, #tpu.memory_space<vmem>>, vector<1x16xi32>,
      %get3A_732 = vector.shape_cast %get3A_731 : vector<1x16xi32> to vector<16xi32>
      %get3A_733 = arith.constant 1 : i32
      %get3A_734 = arith.index_cast %get3A_733 : i32 to index
      %get3A_735 = arith.constant 64 : index
      %get3A_736 = tpu.vector_load %arg9[%get3A_734, %get3A_735] {strides = array<i32>} : memref<8x128xf32, #tpu.memory_space<vmem>>, vector<1x16xf32>,
      %get3A_737 = vector.shape_cast %get3A_736 : vector<1x16xf32> to vector<16xf32>
      %get3A_738 = arith.constant 1 : i32
      %get3A_739 = arith.index_cast %get3A_738 : i32 to index
      %get3A_740 = arith.constant 64 : index
      %get3A_741 = tpu.vector_load %arg10[%get3A_739, %get3A_740] {strides = array<i32>} : memref<8x128xi32, #tpu.memory_space<vmem>>, vector<1x16xi32>,
      %get3A_742 = vector.shape_cast %get3A_741 : vector<1x16xi32> to vector<16xi32>
      %lt3A_743 = arith.cmpf olt, %get3A_737, %get3A_727 : vector<16xf32>
      %select_n3A_744 = arith.select %lt3A_743, %get3A_737, %get3A_727 : vector<16xi1>, vector<16xf32>
      %select_n3A_745 = arith.select %lt3A_743, %get3A_742, %get3A_732 : vector<16xi1>, vector<16xi32>
      %get3A_746 = arith.constant 2 : i32
      %get3A_747 = arith.index_cast %get3A_746 : i32 to index
      %get3A_748 = arith.constant 64 : index
      %get3A_749 = tpu.vector_load %arg9[%get3A_747, %get3A_748] {strides = array<i32>} : memref<8x128xf32, #tpu.memory_space<vmem>>, vector<1x16xf32>,
      %get3A_750 = vector.shape_cast %get3A_749 : vector<1x16xf32> to vector<16xf32>
      %get3A_751 = arith.constant 2 : i32
      %get3A_752 = arith.index_cast %get3A_751 : i32 to index
      %get3A_753 = arith.constant 64 : index
      %get3A_754 = tpu.vector_load %arg10[%get3A_752, %get3A_753] {strides = array<i32>} : memref<8x128xi32, #tpu.memory_space<vmem>>, vector<1x16xi32>,
      %get3A_755 = vector.shape_cast %get3A_754 : vector<1x16xi32> to vector<16xi32>
      %lt3A_756 = arith.cmpf olt, %get3A_750, %select_n3A_744 : vector<16xf32>
      %select_n3A_757 = arith.select %lt3A_756, %get3A_750, %select_n3A_744 : vector<16xi1>, vector<16xf32>
      %select_n3A_758 = arith.select %lt3A_756, %get3A_755, %select_n3A_745 : vector<16xi1>, vector<16xi32>
      %get3A_759 = arith.constant 3 : i32
      %get3A_760 = arith.index_cast %get3A_759 : i32 to index
      %get3A_761 = arith.constant 64 : index
      %get3A_762 = tpu.vector_load %arg9[%get3A_760, %get3A_761] {strides = array<i32>} : memref<8x128xf32, #tpu.memory_space<vmem>>, vector<1x16xf32>,
      %get3A_763 = vector.shape_cast %get3A_762 : vector<1x16xf32> to vector<16xf32>
      %get3A_764 = arith.constant 3 : i32
      %get3A_765 = arith.index_cast %get3A_764 : i32 to index
      %get3A_766 = arith.constant 64 : index
      %get3A_767 = tpu.vector_load %arg10[%get3A_765, %get3A_766] {strides = array<i32>} : memref<8x128xi32, #tpu.memory_space<vmem>>, vector<1x16xi32>,
      %get3A_768 = vector.shape_cast %get3A_767 : vector<1x16xi32> to vector<16xi32>
      %lt3A_769 = arith.cmpf olt, %get3A_763, %select_n3A_757 : vector<16xf32>
      %select_n3A_770 = arith.select %lt3A_769, %get3A_763, %select_n3A_757 : vector<16xi1>, vector<16xf32>
      %select_n3A_771 = arith.select %lt3A_769, %get3A_768, %select_n3A_758 : vector<16xi1>, vector<16xi32>
      %get3A_772 = arith.constant 4 : i32
      %get3A_773 = arith.index_cast %get3A_772 : i32 to index
      %get3A_774 = arith.constant 64 : index
      %get3A_775 = tpu.vector_load %arg9[%get3A_773, %get3A_774] {strides = array<i32>} : memref<8x128xf32, #tpu.memory_space<vmem>>, vector<1x16xf32>,
      %get3A_776 = vector.shape_cast %get3A_775 : vector<1x16xf32> to vector<16xf32>
      %get3A_777 = arith.constant 4 : i32
      %get3A_778 = arith.index_cast %get3A_777 : i32 to index
      %get3A_779 = arith.constant 64 : index
      %get3A_780 = tpu.vector_load %arg10[%get3A_778, %get3A_779] {strides = array<i32>} : memref<8x128xi32, #tpu.memory_space<vmem>>, vector<1x16xi32>,
      %get3A_781 = vector.shape_cast %get3A_780 : vector<1x16xi32> to vector<16xi32>
      %lt3A_782 = arith.cmpf olt, %get3A_776, %select_n3A_770 : vector<16xf32>
      %select_n3A_783 = arith.select %lt3A_782, %get3A_776, %select_n3A_770 : vector<16xi1>, vector<16xf32>
      %select_n3A_784 = arith.select %lt3A_782, %get3A_781, %select_n3A_771 : vector<16xi1>, vector<16xi32>
      %get3A_785 = arith.constant 5 : i32
      %get3A_786 = arith.index_cast %get3A_785 : i32 to index
      %get3A_787 = arith.constant 64 : index
      %get3A_788 = tpu.vector_load %arg9[%get3A_786, %get3A_787] {strides = array<i32>} : memref<8x128xf32, #tpu.memory_space<vmem>>, vector<1x16xf32>,
      %get3A_789 = vector.shape_cast %get3A_788 : vector<1x16xf32> to vector<16xf32>
      %get3A_790 = arith.constant 5 : i32
      %get3A_791 = arith.index_cast %get3A_790 : i32 to index
      %get3A_792 = arith.constant 64 : index
      %get3A_793 = tpu.vector_load %arg10[%get3A_791, %get3A_792] {strides = array<i32>} : memref<8x128xi32, #tpu.memory_space<vmem>>, vector<1x16xi32>,
      %get3A_794 = vector.shape_cast %get3A_793 : vector<1x16xi32> to vector<16xi32>
      %lt3A_795 = arith.cmpf olt, %get3A_789, %select_n3A_783 : vector<16xf32>
      %select_n3A_796 = arith.select %lt3A_795, %get3A_789, %select_n3A_783 : vector<16xi1>, vector<16xf32>
      %select_n3A_797 = arith.select %lt3A_795, %get3A_794, %select_n3A_784 : vector<16xi1>, vector<16xi32>
      %get3A_798 = arith.constant 6 : i32
      %get3A_799 = arith.index_cast %get3A_798 : i32 to index
      %get3A_800 = arith.constant 64 : index
      %get3A_801 = tpu.vector_load %arg9[%get3A_799, %get3A_800] {strides = array<i32>} : memref<8x128xf32, #tpu.memory_space<vmem>>, vector<1x16xf32>,
      %get3A_802 = vector.shape_cast %get3A_801 : vector<1x16xf32> to vector<16xf32>
      %get3A_803 = arith.constant 6 : i32
      %get3A_804 = arith.index_cast %get3A_803 : i32 to index
      %get3A_805 = arith.constant 64 : index
      %get3A_806 = tpu.vector_load %arg10[%get3A_804, %get3A_805] {strides = array<i32>} : memref<8x128xi32, #tpu.memory_space<vmem>>, vector<1x16xi32>,
      %get3A_807 = vector.shape_cast %get3A_806 : vector<1x16xi32> to vector<16xi32>
      %lt3A_808 = arith.cmpf olt, %get3A_802, %select_n3A_796 : vector<16xf32>
      %select_n3A_809 = arith.select %lt3A_808, %get3A_802, %select_n3A_796 : vector<16xi1>, vector<16xf32>
      %select_n3A_810 = arith.select %lt3A_808, %get3A_807, %select_n3A_797 : vector<16xi1>, vector<16xi32>
      %get3A_811 = arith.constant 7 : i32
      %get3A_812 = arith.index_cast %get3A_811 : i32 to index
      %get3A_813 = arith.constant 64 : index
      %get3A_814 = tpu.vector_load %arg9[%get3A_812, %get3A_813] {strides = array<i32>} : memref<8x128xf32, #tpu.memory_space<vmem>>, vector<1x16xf32>,
      %get3A_815 = vector.shape_cast %get3A_814 : vector<1x16xf32> to vector<16xf32>
      %get3A_816 = arith.constant 7 : i32
      %get3A_817 = arith.index_cast %get3A_816 : i32 to index
      %get3A_818 = arith.constant 64 : index
      %get3A_819 = tpu.vector_load %arg10[%get3A_817, %get3A_818] {strides = array<i32>} : memref<8x128xi32, #tpu.memory_space<vmem>>, vector<1x16xi32>,
      %get3A_820 = vector.shape_cast %get3A_819 : vector<1x16xi32> to vector<16xi32>
      %lt3A_821 = arith.cmpf olt, %get3A_815, %select_n3A_809 : vector<16xf32>
      %select_n3A_822 = arith.select %lt3A_821, %get3A_815, %select_n3A_809 : vector<16xi1>, vector<16xf32>
      %select_n3A_823 = arith.select %lt3A_821, %get3A_820, %select_n3A_810 : vector<16xi1>, vector<16xi32>
      %swap3A_824 = arith.constant 64 : index
      %swap3A_825 = tpu.vector_load %arg6[%swap3A_824] {strides = array<i32>} : memref<128xi32, #tpu.memory_space<vmem>>, vector<16xi32>,
      %swap3A_826 = vector.shape_cast %swap3A_825 : vector<16xi32> to vector<16xi32>
      %swap3A_827 = vector.shape_cast %select_n3A_823 : vector<16xi32> to vector<16xi32>
      tpu.vector_store %arg6[%swap3A_824], %swap3A_827 {strides = array<i32>} : memref<128xi32, #tpu.memory_space<vmem>>, vector<16xi32>,
      %get3A_828 = arith.constant 0 : i32
      %get3A_829 = arith.index_cast %get3A_828 : i32 to index
      %get3A_830 = arith.constant 80 : index
      %get3A_831 = tpu.vector_load %arg9[%get3A_829, %get3A_830] {strides = array<i32>} : memref<8x128xf32, #tpu.memory_space<vmem>>, vector<1x16xf32>,
      %get3A_832 = vector.shape_cast %get3A_831 : vector<1x16xf32> to vector<16xf32>
      %get3A_833 = arith.constant 0 : i32
      %get3A_834 = arith.index_cast %get3A_833 : i32 to index
      %get3A_835 = arith.constant 80 : index
      %get3A_836 = tpu.vector_load %arg10[%get3A_834, %get3A_835] {strides = array<i32>} : memref<8x128xi32, #tpu.memory_space<vmem>>, vector<1x16xi32>,
      %get3A_837 = vector.shape_cast %get3A_836 : vector<1x16xi32> to vector<16xi32>
      %get3A_838 = arith.constant 1 : i32
      %get3A_839 = arith.index_cast %get3A_838 : i32 to index
      %get3A_840 = arith.constant 80 : index
      %get3A_841 = tpu.vector_load %arg9[%get3A_839, %get3A_840] {strides = array<i32>} : memref<8x128xf32, #tpu.memory_space<vmem>>, vector<1x16xf32>,
      %get3A_842 = vector.shape_cast %get3A_841 : vector<1x16xf32> to vector<16xf32>
      %get3A_843 = arith.constant 1 : i32
      %get3A_844 = arith.index_cast %get3A_843 : i32 to index
      %get3A_845 = arith.constant 80 : index
      %get3A_846 = tpu.vector_load %arg10[%get3A_844, %get3A_845] {strides = array<i32>} : memref<8x128xi32, #tpu.memory_space<vmem>>, vector<1x16xi32>,
      %get3A_847 = vector.shape_cast %get3A_846 : vector<1x16xi32> to vector<16xi32>
      %lt3A_848 = arith.cmpf olt, %get3A_842, %get3A_832 : vector<16xf32>
      %select_n3A_849 = arith.select %lt3A_848, %get3A_842, %get3A_832 : vector<16xi1>, vector<16xf32>
      %select_n3A_850 = arith.select %lt3A_848, %get3A_847, %get3A_837 : vector<16xi1>, vector<16xi32>
      %get3A_851 = arith.constant 2 : i32
      %get3A_852 = arith.index_cast %get3A_851 : i32 to index
      %get3A_853 = arith.constant 80 : index
      %get3A_854 = tpu.vector_load %arg9[%get3A_852, %get3A_853] {strides = array<i32>} : memref<8x128xf32, #tpu.memory_space<vmem>>, vector<1x16xf32>,
      %get3A_855 = vector.shape_cast %get3A_854 : vector<1x16xf32> to vector<16xf32>
      %get3A_856 = arith.constant 2 : i32
      %get3A_857 = arith.index_cast %get3A_856 : i32 to index
      %get3A_858 = arith.constant 80 : index
      %get3A_859 = tpu.vector_load %arg10[%get3A_857, %get3A_858] {strides = array<i32>} : memref<8x128xi32, #tpu.memory_space<vmem>>, vector<1x16xi32>,
      %get3A_860 = vector.shape_cast %get3A_859 : vector<1x16xi32> to vector<16xi32>
      %lt3A_861 = arith.cmpf olt, %get3A_855, %select_n3A_849 : vector<16xf32>
      %select_n3A_862 = arith.select %lt3A_861, %get3A_855, %select_n3A_849 : vector<16xi1>, vector<16xf32>
      %select_n3A_863 = arith.select %lt3A_861, %get3A_860, %select_n3A_850 : vector<16xi1>, vector<16xi32>
      %get3A_864 = arith.constant 3 : i32
      %get3A_865 = arith.index_cast %get3A_864 : i32 to index
      %get3A_866 = arith.constant 80 : index
      %get3A_867 = tpu.vector_load %arg9[%get3A_865, %get3A_866] {strides = array<i32>} : memref<8x128xf32, #tpu.memory_space<vmem>>, vector<1x16xf32>,
      %get3A_868 = vector.shape_cast %get3A_867 : vector<1x16xf32> to vector<16xf32>
      %get3A_869 = arith.constant 3 : i32
      %get3A_870 = arith.index_cast %get3A_869 : i32 to index
      %get3A_871 = arith.constant 80 : index
      %get3A_872 = tpu.vector_load %arg10[%get3A_870, %get3A_871] {strides = array<i32>} : memref<8x128xi32, #tpu.memory_space<vmem>>, vector<1x16xi32>,
      %get3A_873 = vector.shape_cast %get3A_872 : vector<1x16xi32> to vector<16xi32>
      %lt3A_874 = arith.cmpf olt, %get3A_868, %select_n3A_862 : vector<16xf32>
      %select_n3A_875 = arith.select %lt3A_874, %get3A_868, %select_n3A_862 : vector<16xi1>, vector<16xf32>
      %select_n3A_876 = arith.select %lt3A_874, %get3A_873, %select_n3A_863 : vector<16xi1>, vector<16xi32>
      %get3A_877 = arith.constant 4 : i32
      %get3A_878 = arith.index_cast %get3A_877 : i32 to index
      %get3A_879 = arith.constant 80 : index
      %get3A_880 = tpu.vector_load %arg9[%get3A_878, %get3A_879] {strides = array<i32>} : memref<8x128xf32, #tpu.memory_space<vmem>>, vector<1x16xf32>,
      %get3A_881 = vector.shape_cast %get3A_880 : vector<1x16xf32> to vector<16xf32>
      %get3A_882 = arith.constant 4 : i32
      %get3A_883 = arith.index_cast %get3A_882 : i32 to index
      %get3A_884 = arith.constant 80 : index
      %get3A_885 = tpu.vector_load %arg10[%get3A_883, %get3A_884] {strides = array<i32>} : memref<8x128xi32, #tpu.memory_space<vmem>>, vector<1x16xi32>,
      %get3A_886 = vector.shape_cast %get3A_885 : vector<1x16xi32> to vector<16xi32>
      %lt3A_887 = arith.cmpf olt, %get3A_881, %select_n3A_875 : vector<16xf32>
      %select_n3A_888 = arith.select %lt3A_887, %get3A_881, %select_n3A_875 : vector<16xi1>, vector<16xf32>
      %select_n3A_889 = arith.select %lt3A_887, %get3A_886, %select_n3A_876 : vector<16xi1>, vector<16xi32>
      %get3A_890 = arith.constant 5 : i32
      %get3A_891 = arith.index_cast %get3A_890 : i32 to index
      %get3A_892 = arith.constant 80 : index
      %get3A_893 = tpu.vector_load %arg9[%get3A_891, %get3A_892] {strides = array<i32>} : memref<8x128xf32, #tpu.memory_space<vmem>>, vector<1x16xf32>,
      %get3A_894 = vector.shape_cast %get3A_893 : vector<1x16xf32> to vector<16xf32>
      %get3A_895 = arith.constant 5 : i32
      %get3A_896 = arith.index_cast %get3A_895 : i32 to index
      %get3A_897 = arith.constant 80 : index
      %get3A_898 = tpu.vector_load %arg10[%get3A_896, %get3A_897] {strides = array<i32>} : memref<8x128xi32, #tpu.memory_space<vmem>>, vector<1x16xi32>,
      %get3A_899 = vector.shape_cast %get3A_898 : vector<1x16xi32> to vector<16xi32>
      %lt3A_900 = arith.cmpf olt, %get3A_894, %select_n3A_888 : vector<16xf32>
      %select_n3A_901 = arith.select %lt3A_900, %get3A_894, %select_n3A_888 : vector<16xi1>, vector<16xf32>
      %select_n3A_902 = arith.select %lt3A_900, %get3A_899, %select_n3A_889 : vector<16xi1>, vector<16xi32>
      %get3A_903 = arith.constant 6 : i32
      %get3A_904 = arith.index_cast %get3A_903 : i32 to index
      %get3A_905 = arith.constant 80 : index
      %get3A_906 = tpu.vector_load %arg9[%get3A_904, %get3A_905] {strides = array<i32>} : memref<8x128xf32, #tpu.memory_space<vmem>>, vector<1x16xf32>,
      %get3A_907 = vector.shape_cast %get3A_906 : vector<1x16xf32> to vector<16xf32>
      %get3A_908 = arith.constant 6 : i32
      %get3A_909 = arith.index_cast %get3A_908 : i32 to index
      %get3A_910 = arith.constant 80 : index
      %get3A_911 = tpu.vector_load %arg10[%get3A_909, %get3A_910] {strides = array<i32>} : memref<8x128xi32, #tpu.memory_space<vmem>>, vector<1x16xi32>,
      %get3A_912 = vector.shape_cast %get3A_911 : vector<1x16xi32> to vector<16xi32>
      %lt3A_913 = arith.cmpf olt, %get3A_907, %select_n3A_901 : vector<16xf32>
      %select_n3A_914 = arith.select %lt3A_913, %get3A_907, %select_n3A_901 : vector<16xi1>, vector<16xf32>
      %select_n3A_915 = arith.select %lt3A_913, %get3A_912, %select_n3A_902 : vector<16xi1>, vector<16xi32>
      %get3A_916 = arith.constant 7 : i32
      %get3A_917 = arith.index_cast %get3A_916 : i32 to index
      %get3A_918 = arith.constant 80 : index
      %get3A_919 = tpu.vector_load %arg9[%get3A_917, %get3A_918] {strides = array<i32>} : memref<8x128xf32, #tpu.memory_space<vmem>>, vector<1x16xf32>,
      %get3A_920 = vector.shape_cast %get3A_919 : vector<1x16xf32> to vector<16xf32>
      %get3A_921 = arith.constant 7 : i32
      %get3A_922 = arith.index_cast %get3A_921 : i32 to index
      %get3A_923 = arith.constant 80 : index
      %get3A_924 = tpu.vector_load %arg10[%get3A_922, %get3A_923] {strides = array<i32>} : memref<8x128xi32, #tpu.memory_space<vmem>>, vector<1x16xi32>,
      %get3A_925 = vector.shape_cast %get3A_924 : vector<1x16xi32> to vector<16xi32>
      %lt3A_926 = arith.cmpf olt, %get3A_920, %select_n3A_914 : vector<16xf32>
      %select_n3A_927 = arith.select %lt3A_926, %get3A_920, %select_n3A_914 : vector<16xi1>, vector<16xf32>
      %select_n3A_928 = arith.select %lt3A_926, %get3A_925, %select_n3A_915 : vector<16xi1>, vector<16xi32>
      %swap3A_929 = arith.constant 80 : index
      %swap3A_930 = tpu.vector_load %arg6[%swap3A_929] {strides = array<i32>} : memref<128xi32, #tpu.memory_space<vmem>>, vector<16xi32>,
      %swap3A_931 = vector.shape_cast %swap3A_930 : vector<16xi32> to vector<16xi32>
      %swap3A_932 = vector.shape_cast %select_n3A_928 : vector<16xi32> to vector<16xi32>
      tpu.vector_store %arg6[%swap3A_929], %swap3A_932 {strides = array<i32>} : memref<128xi32, #tpu.memory_space<vmem>>, vector<16xi32>,
      %get3A_933 = arith.constant 0 : i32
      %get3A_934 = arith.index_cast %get3A_933 : i32 to index
      %get3A_935 = arith.constant 96 : index
      %get3A_936 = tpu.vector_load %arg9[%get3A_934, %get3A_935] {strides = array<i32>} : memref<8x128xf32, #tpu.memory_space<vmem>>, vector<1x16xf32>,
      %get3A_937 = vector.shape_cast %get3A_936 : vector<1x16xf32> to vector<16xf32>
      %get3A_938 = arith.constant 0 : i32
      %get3A_939 = arith.index_cast %get3A_938 : i32 to index
      %get3A_940 = arith.constant 96 : index
      %get3A_941 = tpu.vector_load %arg10[%get3A_939, %get3A_940] {strides = array<i32>} : memref<8x128xi32, #tpu.memory_space<vmem>>, vector<1x16xi32>,
      %get3A_942 = vector.shape_cast %get3A_941 : vector<1x16xi32> to vector<16xi32>
      %get3A_943 = arith.constant 1 : i32
      %get3A_944 = arith.index_cast %get3A_943 : i32 to index
      %get3A_945 = arith.constant 96 : index
      %get3A_946 = tpu.vector_load %arg9[%get3A_944, %get3A_945] {strides = array<i32>} : memref<8x128xf32, #tpu.memory_space<vmem>>, vector<1x16xf32>,
      %get3A_947 = vector.shape_cast %get3A_946 : vector<1x16xf32> to vector<16xf32>
      %get3A_948 = arith.constant 1 : i32
      %get3A_949 = arith.index_cast %get3A_948 : i32 to index
      %get3A_950 = arith.constant 96 : index
      %get3A_951 = tpu.vector_load %arg10[%get3A_949, %get3A_950] {strides = array<i32>} : memref<8x128xi32, #tpu.memory_space<vmem>>, vector<1x16xi32>,
      %get3A_952 = vector.shape_cast %get3A_951 : vector<1x16xi32> to vector<16xi32>
      %lt3A_953 = arith.cmpf olt, %get3A_947, %get3A_937 : vector<16xf32>
      %select_n3A_954 = arith.select %lt3A_953, %get3A_947, %get3A_937 : vector<16xi1>, vector<16xf32>
      %select_n3A_955 = arith.select %lt3A_953, %get3A_952, %get3A_942 : vector<16xi1>, vector<16xi32>
      %get3A_956 = arith.constant 2 : i32
      %get3A_957 = arith.index_cast %get3A_956 : i32 to index
      %get3A_958 = arith.constant 96 : index
      %get3A_959 = tpu.vector_load %arg9[%get3A_957, %get3A_958] {strides = array<i32>} : memref<8x128xf32, #tpu.memory_space<vmem>>, vector<1x16xf32>,
      %get3A_960 = vector.shape_cast %get3A_959 : vector<1x16xf32> to vector<16xf32>
      %get3A_961 = arith.constant 2 : i32
      %get3A_962 = arith.index_cast %get3A_961 : i32 to index
      %get3A_963 = arith.constant 96 : index
      %get3A_964 = tpu.vector_load %arg10[%get3A_962, %get3A_963] {strides = array<i32>} : memref<8x128xi32, #tpu.memory_space<vmem>>, vector<1x16xi32>,
      %get3A_965 = vector.shape_cast %get3A_964 : vector<1x16xi32> to vector<16xi32>
      %lt3A_966 = arith.cmpf olt, %get3A_960, %select_n3A_954 : vector<16xf32>
      %select_n3A_967 = arith.select %lt3A_966, %get3A_960, %select_n3A_954 : vector<16xi1>, vector<16xf32>
      %select_n3A_968 = arith.select %lt3A_966, %get3A_965, %select_n3A_955 : vector<16xi1>, vector<16xi32>
      %get3A_969 = arith.constant 3 : i32
      %get3A_970 = arith.index_cast %get3A_969 : i32 to index
      %get3A_971 = arith.constant 96 : index
      %get3A_972 = tpu.vector_load %arg9[%get3A_970, %get3A_971] {strides = array<i32>} : memref<8x128xf32, #tpu.memory_space<vmem>>, vector<1x16xf32>,
      %get3A_973 = vector.shape_cast %get3A_972 : vector<1x16xf32> to vector<16xf32>
      %get3A_974 = arith.constant 3 : i32
      %get3A_975 = arith.index_cast %get3A_974 : i32 to index
      %get3A_976 = arith.constant 96 : index
      %get3A_977 = tpu.vector_load %arg10[%get3A_975, %get3A_976] {strides = array<i32>} : memref<8x128xi32, #tpu.memory_space<vmem>>, vector<1x16xi32>,
      %get3A_978 = vector.shape_cast %get3A_977 : vector<1x16xi32> to vector<16xi32>
      %lt3A_979 = arith.cmpf olt, %get3A_973, %select_n3A_967 : vector<16xf32>
      %select_n3A_980 = arith.select %lt3A_979, %get3A_973, %select_n3A_967 : vector<16xi1>, vector<16xf32>
      %select_n3A_981 = arith.select %lt3A_979, %get3A_978, %select_n3A_968 : vector<16xi1>, vector<16xi32>
      %get3A_982 = arith.constant 4 : i32
      %get3A_983 = arith.index_cast %get3A_982 : i32 to index
      %get3A_984 = arith.constant 96 : index
      %get3A_985 = tpu.vector_load %arg9[%get3A_983, %get3A_984] {strides = array<i32>} : memref<8x128xf32, #tpu.memory_space<vmem>>, vector<1x16xf32>,
      %get3A_986 = vector.shape_cast %get3A_985 : vector<1x16xf32> to vector<16xf32>
      %get3A_987 = arith.constant 4 : i32
      %get3A_988 = arith.index_cast %get3A_987 : i32 to index
      %get3A_989 = arith.constant 96 : index
      %get3A_990 = tpu.vector_load %arg10[%get3A_988, %get3A_989] {strides = array<i32>} : memref<8x128xi32, #tpu.memory_space<vmem>>, vector<1x16xi32>,
      %get3A_991 = vector.shape_cast %get3A_990 : vector<1x16xi32> to vector<16xi32>
      %lt3A_992 = arith.cmpf olt, %get3A_986, %select_n3A_980 : vector<16xf32>
      %select_n3A_993 = arith.select %lt3A_992, %get3A_986, %select_n3A_980 : vector<16xi1>, vector<16xf32>
      %select_n3A_994 = arith.select %lt3A_992, %get3A_991, %select_n3A_981 : vector<16xi1>, vector<16xi32>
      %get3A_995 = arith.constant 5 : i32
      %get3A_996 = arith.index_cast %get3A_995 : i32 to index
      %get3A_997 = arith.constant 96 : index
      %get3A_998 = tpu.vector_load %arg9[%get3A_996, %get3A_997] {strides = array<i32>} : memref<8x128xf32, #tpu.memory_space<vmem>>, vector<1x16xf32>,
      %get3A_999 = vector.shape_cast %get3A_998 : vector<1x16xf32> to vector<16xf32>
      %get3A_1000 = arith.constant 5 : i32
      %get3A_1001 = arith.index_cast %get3A_1000 : i32 to index
      %get3A_1002 = arith.constant 96 : index
      %get3A_1003 = tpu.vector_load %arg10[%get3A_1001, %get3A_1002] {strides = array<i32>} : memref<8x128xi32, #tpu.memory_space<vmem>>, vector<1x16xi32>,
      %get3A_1004 = vector.shape_cast %get3A_1003 : vector<1x16xi32> to vector<16xi32>
      %lt3A_1005 = arith.cmpf olt, %get3A_999, %select_n3A_993 : vector<16xf32>
      %select_n3A_1006 = arith.select %lt3A_1005, %get3A_999, %select_n3A_993 : vector<16xi1>, vector<16xf32>
      %select_n3A_1007 = arith.select %lt3A_1005, %get3A_1004, %select_n3A_994 : vector<16xi1>, vector<16xi32>
      %get3A_1008 = arith.constant 6 : i32
      %get3A_1009 = arith.index_cast %get3A_1008 : i32 to index
      %get3A_1010 = arith.constant 96 : index
      %get3A_1011 = tpu.vector_load %arg9[%get3A_1009, %get3A_1010] {strides = array<i32>} : memref<8x128xf32, #tpu.memory_space<vmem>>, vector<1x16xf32>,
      %get3A_1012 = vector.shape_cast %get3A_1011 : vector<1x16xf32> to vector<16xf32>
      %get3A_1013 = arith.constant 6 : i32
      %get3A_1014 = arith.index_cast %get3A_1013 : i32 to index
      %get3A_1015 = arith.constant 96 : index
      %get3A_1016 = tpu.vector_load %arg10[%get3A_1014, %get3A_1015] {strides = array<i32>} : memref<8x128xi32, #tpu.memory_space<vmem>>, vector<1x16xi32>,
      %get3A_1017 = vector.shape_cast %get3A_1016 : vector<1x16xi32> to vector<16xi32>
      %lt3A_1018 = arith.cmpf olt, %get3A_1012, %select_n3A_1006 : vector<16xf32>
      %select_n3A_1019 = arith.select %lt3A_1018, %get3A_1012, %select_n3A_1006 : vector<16xi1>, vector<16xf32>
      %select_n3A_1020 = arith.select %lt3A_1018, %get3A_1017, %select_n3A_1007 : vector<16xi1>, vector<16xi32>
      %get3A_1021 = arith.constant 7 : i32
      %get3A_1022 = arith.index_cast %get3A_1021 : i32 to index
      %get3A_1023 = arith.constant 96 : index
      %get3A_1024 = tpu.vector_load %arg9[%get3A_1022, %get3A_1023] {strides = array<i32>} : memref<8x128xf32, #tpu.memory_space<vmem>>, vector<1x16xf32>,
      %get3A_1025 = vector.shape_cast %get3A_1024 : vector<1x16xf32> to vector<16xf32>
      %get3A_1026 = arith.constant 7 : i32
      %get3A_1027 = arith.index_cast %get3A_1026 : i32 to index
      %get3A_1028 = arith.constant 96 : index
      %get3A_1029 = tpu.vector_load %arg10[%get3A_1027, %get3A_1028] {strides = array<i32>} : memref<8x128xi32, #tpu.memory_space<vmem>>, vector<1x16xi32>,
      %get3A_1030 = vector.shape_cast %get3A_1029 : vector<1x16xi32> to vector<16xi32>
      %lt3A_1031 = arith.cmpf olt, %get3A_1025, %select_n3A_1019 : vector<16xf32>
      %select_n3A_1032 = arith.select %lt3A_1031, %get3A_1025, %select_n3A_1019 : vector<16xi1>, vector<16xf32>
      %select_n3A_1033 = arith.select %lt3A_1031, %get3A_1030, %select_n3A_1020 : vector<16xi1>, vector<16xi32>
      %swap3A_1034 = arith.constant 96 : index
      %swap3A_1035 = tpu.vector_load %arg6[%swap3A_1034] {strides = array<i32>} : memref<128xi32, #tpu.memory_space<vmem>>, vector<16xi32>,
      %swap3A_1036 = vector.shape_cast %swap3A_1035 : vector<16xi32> to vector<16xi32>
      %swap3A_1037 = vector.shape_cast %select_n3A_1033 : vector<16xi32> to vector<16xi32>
      tpu.vector_store %arg6[%swap3A_1034], %swap3A_1037 {strides = array<i32>} : memref<128xi32, #tpu.memory_space<vmem>>, vector<16xi32>,
      %get3A_1038 = arith.constant 0 : i32
      %get3A_1039 = arith.index_cast %get3A_1038 : i32 to index
      %get3A_1040 = arith.constant 112 : index
      %get3A_1041 = tpu.vector_load %arg9[%get3A_1039, %get3A_1040] {strides = array<i32>} : memref<8x128xf32, #tpu.memory_space<vmem>>, vector<1x16xf32>,
      %get3A_1042 = vector.shape_cast %get3A_1041 : vector<1x16xf32> to vector<16xf32>
      %get3A_1043 = arith.constant 0 : i32
      %get3A_1044 = arith.index_cast %get3A_1043 : i32 to index
      %get3A_1045 = arith.constant 112 : index
      %get3A_1046 = tpu.vector_load %arg10[%get3A_1044, %get3A_1045] {strides = array<i32>} : memref<8x128xi32, #tpu.memory_space<vmem>>, vector<1x16xi32>,
      %get3A_1047 = vector.shape_cast %get3A_1046 : vector<1x16xi32> to vector<16xi32>
      %get3A_1048 = arith.constant 1 : i32
      %get3A_1049 = arith.index_cast %get3A_1048 : i32 to index
      %get3A_1050 = arith.constant 112 : index
      %get3A_1051 = tpu.vector_load %arg9[%get3A_1049, %get3A_1050] {strides = array<i32>} : memref<8x128xf32, #tpu.memory_space<vmem>>, vector<1x16xf32>,
      %get3A_1052 = vector.shape_cast %get3A_1051 : vector<1x16xf32> to vector<16xf32>
      %get3A_1053 = arith.constant 1 : i32
      %get3A_1054 = arith.index_cast %get3A_1053 : i32 to index
      %get3A_1055 = arith.constant 112 : index
      %get3A_1056 = tpu.vector_load %arg10[%get3A_1054, %get3A_1055] {strides = array<i32>} : memref<8x128xi32, #tpu.memory_space<vmem>>, vector<1x16xi32>,
      %get3A_1057 = vector.shape_cast %get3A_1056 : vector<1x16xi32> to vector<16xi32>
      %lt3A_1058 = arith.cmpf olt, %get3A_1052, %get3A_1042 : vector<16xf32>
      %select_n3A_1059 = arith.select %lt3A_1058, %get3A_1052, %get3A_1042 : vector<16xi1>, vector<16xf32>
      %select_n3A_1060 = arith.select %lt3A_1058, %get3A_1057, %get3A_1047 : vector<16xi1>, vector<16xi32>
      %get3A_1061 = arith.constant 2 : i32
      %get3A_1062 = arith.index_cast %get3A_1061 : i32 to index
      %get3A_1063 = arith.constant 112 : index
      %get3A_1064 = tpu.vector_load %arg9[%get3A_1062, %get3A_1063] {strides = array<i32>} : memref<8x128xf32, #tpu.memory_space<vmem>>, vector<1x16xf32>,
      %get3A_1065 = vector.shape_cast %get3A_1064 : vector<1x16xf32> to vector<16xf32>
      %get3A_1066 = arith.constant 2 : i32
      %get3A_1067 = arith.index_cast %get3A_1066 : i32 to index
      %get3A_1068 = arith.constant 112 : index
      %get3A_1069 = tpu.vector_load %arg10[%get3A_1067, %get3A_1068] {strides = array<i32>} : memref<8x128xi32, #tpu.memory_space<vmem>>, vector<1x16xi32>,
      %get3A_1070 = vector.shape_cast %get3A_1069 : vector<1x16xi32> to vector<16xi32>
      %lt3A_1071 = arith.cmpf olt, %get3A_1065, %select_n3A_1059 : vector<16xf32>
      %select_n3A_1072 = arith.select %lt3A_1071, %get3A_1065, %select_n3A_1059 : vector<16xi1>, vector<16xf32>
      %select_n3A_1073 = arith.select %lt3A_1071, %get3A_1070, %select_n3A_1060 : vector<16xi1>, vector<16xi32>
      %get3A_1074 = arith.constant 3 : i32
      %get3A_1075 = arith.index_cast %get3A_1074 : i32 to index
      %get3A_1076 = arith.constant 112 : index
      %get3A_1077 = tpu.vector_load %arg9[%get3A_1075, %get3A_1076] {strides = array<i32>} : memref<8x128xf32, #tpu.memory_space<vmem>>, vector<1x16xf32>,
      %get3A_1078 = vector.shape_cast %get3A_1077 : vector<1x16xf32> to vector<16xf32>
      %get3A_1079 = arith.constant 3 : i32
      %get3A_1080 = arith.index_cast %get3A_1079 : i32 to index
      %get3A_1081 = arith.constant 112 : index
      %get3A_1082 = tpu.vector_load %arg10[%get3A_1080, %get3A_1081] {strides = array<i32>} : memref<8x128xi32, #tpu.memory_space<vmem>>, vector<1x16xi32>,
      %get3A_1083 = vector.shape_cast %get3A_1082 : vector<1x16xi32> to vector<16xi32>
      %lt3A_1084 = arith.cmpf olt, %get3A_1078, %select_n3A_1072 : vector<16xf32>
      %select_n3A_1085 = arith.select %lt3A_1084, %get3A_1078, %select_n3A_1072 : vector<16xi1>, vector<16xf32>
      %select_n3A_1086 = arith.select %lt3A_1084, %get3A_1083, %select_n3A_1073 : vector<16xi1>, vector<16xi32>
      %get3A_1087 = arith.constant 4 : i32
      %get3A_1088 = arith.index_cast %get3A_1087 : i32 to index
      %get3A_1089 = arith.constant 112 : index
      %get3A_1090 = tpu.vector_load %arg9[%get3A_1088, %get3A_1089] {strides = array<i32>} : memref<8x128xf32, #tpu.memory_space<vmem>>, vector<1x16xf32>,
      %get3A_1091 = vector.shape_cast %get3A_1090 : vector<1x16xf32> to vector<16xf32>
      %get3A_1092 = arith.constant 4 : i32
      %get3A_1093 = arith.index_cast %get3A_1092 : i32 to index
      %get3A_1094 = arith.constant 112 : index
      %get3A_1095 = tpu.vector_load %arg10[%get3A_1093, %get3A_1094] {strides = array<i32>} : memref<8x128xi32, #tpu.memory_space<vmem>>, vector<1x16xi32>,
      %get3A_1096 = vector.shape_cast %get3A_1095 : vector<1x16xi32> to vector<16xi32>
      %lt3A_1097 = arith.cmpf olt, %get3A_1091, %select_n3A_1085 : vector<16xf32>
      %select_n3A_1098 = arith.select %lt3A_1097, %get3A_1091, %select_n3A_1085 : vector<16xi1>, vector<16xf32>
      %select_n3A_1099 = arith.select %lt3A_1097, %get3A_1096, %select_n3A_1086 : vector<16xi1>, vector<16xi32>
      %get3A_1100 = arith.constant 5 : i32
      %get3A_1101 = arith.index_cast %get3A_1100 : i32 to index
      %get3A_1102 = arith.constant 112 : index
      %get3A_1103 = tpu.vector_load %arg9[%get3A_1101, %get3A_1102] {strides = array<i32>} : memref<8x128xf32, #tpu.memory_space<vmem>>, vector<1x16xf32>,
      %get3A_1104 = vector.shape_cast %get3A_1103 : vector<1x16xf32> to vector<16xf32>
      %get3A_1105 = arith.constant 5 : i32
      %get3A_1106 = arith.index_cast %get3A_1105 : i32 to index
      %get3A_1107 = arith.constant 112 : index
      %get3A_1108 = tpu.vector_load %arg10[%get3A_1106, %get3A_1107] {strides = array<i32>} : memref<8x128xi32, #tpu.memory_space<vmem>>, vector<1x16xi32>,
      %get3A_1109 = vector.shape_cast %get3A_1108 : vector<1x16xi32> to vector<16xi32>
      %lt3A_1110 = arith.cmpf olt, %get3A_1104, %select_n3A_1098 : vector<16xf32>
      %select_n3A_1111 = arith.select %lt3A_1110, %get3A_1104, %select_n3A_1098 : vector<16xi1>, vector<16xf32>
      %select_n3A_1112 = arith.select %lt3A_1110, %get3A_1109, %select_n3A_1099 : vector<16xi1>, vector<16xi32>
      %get3A_1113 = arith.constant 6 : i32
      %get3A_1114 = arith.index_cast %get3A_1113 : i32 to index
      %get3A_1115 = arith.constant 112 : index
      %get3A_1116 = tpu.vector_load %arg9[%get3A_1114, %get3A_1115] {strides = array<i32>} : memref<8x128xf32, #tpu.memory_space<vmem>>, vector<1x16xf32>,
      %get3A_1117 = vector.shape_cast %get3A_1116 : vector<1x16xf32> to vector<16xf32>
      %get3A_1118 = arith.constant 6 : i32
      %get3A_1119 = arith.index_cast %get3A_1118 : i32 to index
      %get3A_1120 = arith.constant 112 : index
      %get3A_1121 = tpu.vector_load %arg10[%get3A_1119, %get3A_1120] {strides = array<i32>} : memref<8x128xi32, #tpu.memory_space<vmem>>, vector<1x16xi32>,
      %get3A_1122 = vector.shape_cast %get3A_1121 : vector<1x16xi32> to vector<16xi32>
      %lt3A_1123 = arith.cmpf olt, %get3A_1117, %select_n3A_1111 : vector<16xf32>
      %select_n3A_1124 = arith.select %lt3A_1123, %get3A_1117, %select_n3A_1111 : vector<16xi1>, vector<16xf32>
      %select_n3A_1125 = arith.select %lt3A_1123, %get3A_1122, %select_n3A_1112 : vector<16xi1>, vector<16xi32>
      %get3A_1126 = arith.constant 7 : i32
      %get3A_1127 = arith.index_cast %get3A_1126 : i32 to index
      %get3A_1128 = arith.constant 112 : index
      %get3A_1129 = tpu.vector_load %arg9[%get3A_1127, %get3A_1128] {strides = array<i32>} : memref<8x128xf32, #tpu.memory_space<vmem>>, vector<1x16xf32>,
      %get3A_1130 = vector.shape_cast %get3A_1129 : vector<1x16xf32> to vector<16xf32>
      %get3A_1131 = arith.constant 7 : i32
      %get3A_1132 = arith.index_cast %get3A_1131 : i32 to index
      %get3A_1133 = arith.constant 112 : index
      %get3A_1134 = tpu.vector_load %arg10[%get3A_1132, %get3A_1133] {strides = array<i32>} : memref<8x128xi32, #tpu.memory_space<vmem>>, vector<1x16xi32>,
      %get3A_1135 = vector.shape_cast %get3A_1134 : vector<1x16xi32> to vector<16xi32>
      %lt3A_1136 = arith.cmpf olt, %get3A_1130, %select_n3A_1124 : vector<16xf32>
      %select_n3A_1137 = arith.select %lt3A_1136, %get3A_1130, %select_n3A_1124 : vector<16xi1>, vector<16xf32>
      %select_n3A_1138 = arith.select %lt3A_1136, %get3A_1135, %select_n3A_1125 : vector<16xi1>, vector<16xi32>
      %swap3A_1139 = arith.constant 112 : index
      %swap3A_1140 = tpu.vector_load %arg6[%swap3A_1139] {strides = array<i32>} : memref<128xi32, #tpu.memory_space<vmem>>, vector<16xi32>,
      %swap3A_1141 = vector.shape_cast %swap3A_1140 : vector<16xi32> to vector<16xi32>
      %swap3A_1142 = vector.shape_cast %select_n3A_1138 : vector<16xi32> to vector<16xi32>
      tpu.vector_store %arg6[%swap3A_1139], %swap3A_1142 {strides = array<i32>} : memref<128xi32, #tpu.memory_space<vmem>>, vector<16xi32>,
      %mul3A_1143 = arith.constant 256 : i32
      %mul3A_1144 = arith.muli %arg0, %mul3A_1143 : i32
      %mul3A_1145 = arith.constant 128 : i32
      %mul3A_1146 = arith.muli %arg1, %mul3A_1145 : i32
      %add3A_1147 = arith.addi %mul3A_1144, %mul3A_1146 : i32
      "tpu.region"() ({
        %run_scoped3A = tpu.sem_alloc : memref<!tpu.dma_semaphore, #tpu.memory_space<semaphore_mem>>
        %dma_start3A_1148 = tpu.memref_slice %arg3[%add3A_1147] : memref<512xi32, #tpu.memory_space<hbm>> -> memref<128xi32, #tpu.memory_space<hbm>>
        %dma_start3A_1149 = tpu.memref_slice %arg3[%add3A_1147] : memref<512xi32, #tpu.memory_space<hbm>> -> memref<128xi32, #tpu.memory_space<hbm>>
        tpu.enqueue_dma source(%arg6 : memref<128xi32, #tpu.memory_space<vmem>>) target(%dma_start3A_1149 : memref<128xi32, #tpu.memory_space<hbm>>) target_semaphore(%run_scoped3A : memref<!tpu.dma_semaphore, #tpu.memory_space<semaphore_mem>>)
        %dma_wait3A_1150 = tpu.memref_slice %arg3[%add3A_1147] : memref<512xi32, #tpu.memory_space<hbm>> -> memref<128xi32, #tpu.memory_space<hbm>>
        %dma_wait3A_1151 = tpu.memref_slice %arg3[%add3A_1147] : memref<512xi32, #tpu.memory_space<hbm>> -> memref<128xi32, #tpu.memory_space<hbm>>
        tpu.wait_dma2 semaphore(%run_scoped3A : memref<!tpu.dma_semaphore, #tpu.memory_space<semaphore_mem>>) src(%arg6 : memref<128xi32, #tpu.memory_space<vmem>>) dst(%dma_wait3A_1151 : memref<128xi32, #tpu.memory_space<hbm>>)
        tpu.yield
      }) : () -> ()
    } else {
    }
    return
  }
}

module attributes {stable_mosaic.version = 14 : i64} {
  func.func @_tc_body(%arg0: i32, %arg1: memref<1x4096x256xf32, #tpu.memory_space<vmem>>, %arg2: memref<1x4096x256xf32, #tpu.memory_space<vmem>>, %arg3: memref<1x1x256xi32, #tpu.memory_space<vmem>>) attributes {dimension_semantics = [#tpu.dimension_semantics<arbitrary>], iteration_bounds = array<i64: 14>, scalar_prefetch = 0 : i64, scratch_operands = 0 : i64, tpu.core_type = #tpu.core_type<tc>, window_params = [{transform_indices = @transform_0, window_bounds = array<i64: 1, 4096, 256>}, {transform_indices = @transform_1, window_bounds = array<i64: 1, 4096, 256>}, {transform_indices = @transform_2, window_bounds = array<i64: 1, 1, 256>}]} {
    %broadcast_in_dim3A = arith.constant 0x7F800000 : f32
    %broadcast_in_dim3A_0 = vector.broadcast %broadcast_in_dim3A : f32 to vector<32x256xf32>
    %broadcast_in_dim3A_1 = arith.constant 0 : i32
    %broadcast_in_dim3A_2 = vector.broadcast %broadcast_in_dim3A_1 : i32 to vector<32x256xi32>
    %get3A = arith.constant 0 : index
    %get3A_3 = arith.constant 0 : index
    %get3A_4 = arith.constant 0 : index
    %get3A_5 = vector.load %arg1[%get3A, %get3A_3, %get3A_4] : memref<1x4096x256xf32, #tpu.memory_space<vmem>>, vector<1x32x256xf32>
    %get3A_6 = vector.shape_cast %get3A_5 : vector<1x32x256xf32> to vector<32x256xf32>
    %lt3A = arith.cmpf olt, %get3A_6, %broadcast_in_dim3A_0 : vector<32x256xf32>
    %select_n3A = arith.select %lt3A, %get3A_6, %broadcast_in_dim3A_0 : vector<32x256xi1>, vector<32x256xf32>
    %jit3A = arith.constant 0 : i32
    %broadcast_in_dim3A_7 = vector.broadcast %jit3A : i32 to vector<32x256xi32>
    %select_n3A_8 = arith.select %lt3A, %broadcast_in_dim3A_7, %broadcast_in_dim3A_2 : vector<32x256xi1>, vector<32x256xi32>
    %get3A_9 = arith.constant 0 : index
    %get3A_10 = arith.constant 32 : index
    %get3A_11 = arith.constant 0 : index
    %get3A_12 = vector.load %arg1[%get3A_9, %get3A_10, %get3A_11] : memref<1x4096x256xf32, #tpu.memory_space<vmem>>, vector<1x32x256xf32>
    %get3A_13 = vector.shape_cast %get3A_12 : vector<1x32x256xf32> to vector<32x256xf32>
    %lt3A_14 = arith.cmpf olt, %get3A_13, %select_n3A : vector<32x256xf32>
    %select_n3A_15 = arith.select %lt3A_14, %get3A_13, %select_n3A : vector<32x256xi1>, vector<32x256xf32>
    %jit3A_16 = arith.constant 1 : i32
    %broadcast_in_dim3A_17 = vector.broadcast %jit3A_16 : i32 to vector<32x256xi32>
    %select_n3A_18 = arith.select %lt3A_14, %broadcast_in_dim3A_17, %select_n3A_8 : vector<32x256xi1>, vector<32x256xi32>
    %get3A_19 = arith.constant 0 : index
    %get3A_20 = arith.constant 64 : index
    %get3A_21 = arith.constant 0 : index
    %get3A_22 = vector.load %arg1[%get3A_19, %get3A_20, %get3A_21] : memref<1x4096x256xf32, #tpu.memory_space<vmem>>, vector<1x32x256xf32>
    %get3A_23 = vector.shape_cast %get3A_22 : vector<1x32x256xf32> to vector<32x256xf32>
    %lt3A_24 = arith.cmpf olt, %get3A_23, %select_n3A_15 : vector<32x256xf32>
    %select_n3A_25 = arith.select %lt3A_24, %get3A_23, %select_n3A_15 : vector<32x256xi1>, vector<32x256xf32>
    %jit3A_26 = arith.constant 2 : i32
    %broadcast_in_dim3A_27 = vector.broadcast %jit3A_26 : i32 to vector<32x256xi32>
    %select_n3A_28 = arith.select %lt3A_24, %broadcast_in_dim3A_27, %select_n3A_18 : vector<32x256xi1>, vector<32x256xi32>
    %get3A_29 = arith.constant 0 : index
    %get3A_30 = arith.constant 96 : index
    %get3A_31 = arith.constant 0 : index
    %get3A_32 = vector.load %arg1[%get3A_29, %get3A_30, %get3A_31] : memref<1x4096x256xf32, #tpu.memory_space<vmem>>, vector<1x32x256xf32>
    %get3A_33 = vector.shape_cast %get3A_32 : vector<1x32x256xf32> to vector<32x256xf32>
    %lt3A_34 = arith.cmpf olt, %get3A_33, %select_n3A_25 : vector<32x256xf32>
    %select_n3A_35 = arith.select %lt3A_34, %get3A_33, %select_n3A_25 : vector<32x256xi1>, vector<32x256xf32>
    %jit3A_36 = arith.constant 3 : i32
    %broadcast_in_dim3A_37 = vector.broadcast %jit3A_36 : i32 to vector<32x256xi32>
    %select_n3A_38 = arith.select %lt3A_34, %broadcast_in_dim3A_37, %select_n3A_28 : vector<32x256xi1>, vector<32x256xi32>
    %get3A_39 = arith.constant 0 : index
    %get3A_40 = arith.constant 128 : index
    %get3A_41 = arith.constant 0 : index
    %get3A_42 = vector.load %arg1[%get3A_39, %get3A_40, %get3A_41] : memref<1x4096x256xf32, #tpu.memory_space<vmem>>, vector<1x32x256xf32>
    %get3A_43 = vector.shape_cast %get3A_42 : vector<1x32x256xf32> to vector<32x256xf32>
    %lt3A_44 = arith.cmpf olt, %get3A_43, %select_n3A_35 : vector<32x256xf32>
    %select_n3A_45 = arith.select %lt3A_44, %get3A_43, %select_n3A_35 : vector<32x256xi1>, vector<32x256xf32>
    %jit3A_46 = arith.constant 4 : i32
    %broadcast_in_dim3A_47 = vector.broadcast %jit3A_46 : i32 to vector<32x256xi32>
    %select_n3A_48 = arith.select %lt3A_44, %broadcast_in_dim3A_47, %select_n3A_38 : vector<32x256xi1>, vector<32x256xi32>
    %get3A_49 = arith.constant 0 : index
    %get3A_50 = arith.constant 160 : index
    %get3A_51 = arith.constant 0 : index
    %get3A_52 = vector.load %arg1[%get3A_49, %get3A_50, %get3A_51] : memref<1x4096x256xf32, #tpu.memory_space<vmem>>, vector<1x32x256xf32>
    %get3A_53 = vector.shape_cast %get3A_52 : vector<1x32x256xf32> to vector<32x256xf32>
    %lt3A_54 = arith.cmpf olt, %get3A_53, %select_n3A_45 : vector<32x256xf32>
    %select_n3A_55 = arith.select %lt3A_54, %get3A_53, %select_n3A_45 : vector<32x256xi1>, vector<32x256xf32>
    %jit3A_56 = arith.constant 5 : i32
    %broadcast_in_dim3A_57 = vector.broadcast %jit3A_56 : i32 to vector<32x256xi32>
    %select_n3A_58 = arith.select %lt3A_54, %broadcast_in_dim3A_57, %select_n3A_48 : vector<32x256xi1>, vector<32x256xi32>
    %get3A_59 = arith.constant 0 : index
    %get3A_60 = arith.constant 192 : index
    %get3A_61 = arith.constant 0 : index
    %get3A_62 = vector.load %arg1[%get3A_59, %get3A_60, %get3A_61] : memref<1x4096x256xf32, #tpu.memory_space<vmem>>, vector<1x32x256xf32>
    %get3A_63 = vector.shape_cast %get3A_62 : vector<1x32x256xf32> to vector<32x256xf32>
    %lt3A_64 = arith.cmpf olt, %get3A_63, %select_n3A_55 : vector<32x256xf32>
    %select_n3A_65 = arith.select %lt3A_64, %get3A_63, %select_n3A_55 : vector<32x256xi1>, vector<32x256xf32>
    %jit3A_66 = arith.constant 6 : i32
    %broadcast_in_dim3A_67 = vector.broadcast %jit3A_66 : i32 to vector<32x256xi32>
    %select_n3A_68 = arith.select %lt3A_64, %broadcast_in_dim3A_67, %select_n3A_58 : vector<32x256xi1>, vector<32x256xi32>
    %get3A_69 = arith.constant 0 : index
    %get3A_70 = arith.constant 224 : index
    %get3A_71 = arith.constant 0 : index
    %get3A_72 = vector.load %arg1[%get3A_69, %get3A_70, %get3A_71] : memref<1x4096x256xf32, #tpu.memory_space<vmem>>, vector<1x32x256xf32>
    %get3A_73 = vector.shape_cast %get3A_72 : vector<1x32x256xf32> to vector<32x256xf32>
    %lt3A_74 = arith.cmpf olt, %get3A_73, %select_n3A_65 : vector<32x256xf32>
    %select_n3A_75 = arith.select %lt3A_74, %get3A_73, %select_n3A_65 : vector<32x256xi1>, vector<32x256xf32>
    %jit3A_76 = arith.constant 7 : i32
    %broadcast_in_dim3A_77 = vector.broadcast %jit3A_76 : i32 to vector<32x256xi32>
    %select_n3A_78 = arith.select %lt3A_74, %broadcast_in_dim3A_77, %select_n3A_68 : vector<32x256xi1>, vector<32x256xi32>
    %get3A_79 = arith.constant 0 : index
    %get3A_80 = arith.constant 256 : index
    %get3A_81 = arith.constant 0 : index
    %get3A_82 = vector.load %arg1[%get3A_79, %get3A_80, %get3A_81] : memref<1x4096x256xf32, #tpu.memory_space<vmem>>, vector<1x32x256xf32>
    %get3A_83 = vector.shape_cast %get3A_82 : vector<1x32x256xf32> to vector<32x256xf32>
    %lt3A_84 = arith.cmpf olt, %get3A_83, %select_n3A_75 : vector<32x256xf32>
    %select_n3A_85 = arith.select %lt3A_84, %get3A_83, %select_n3A_75 : vector<32x256xi1>, vector<32x256xf32>
    %jit3A_86 = arith.constant 8 : i32
    %broadcast_in_dim3A_87 = vector.broadcast %jit3A_86 : i32 to vector<32x256xi32>
    %select_n3A_88 = arith.select %lt3A_84, %broadcast_in_dim3A_87, %select_n3A_78 : vector<32x256xi1>, vector<32x256xi32>
    %get3A_89 = arith.constant 0 : index
    %get3A_90 = arith.constant 288 : index
    %get3A_91 = arith.constant 0 : index
    %get3A_92 = vector.load %arg1[%get3A_89, %get3A_90, %get3A_91] : memref<1x4096x256xf32, #tpu.memory_space<vmem>>, vector<1x32x256xf32>
    %get3A_93 = vector.shape_cast %get3A_92 : vector<1x32x256xf32> to vector<32x256xf32>
    %lt3A_94 = arith.cmpf olt, %get3A_93, %select_n3A_85 : vector<32x256xf32>
    %select_n3A_95 = arith.select %lt3A_94, %get3A_93, %select_n3A_85 : vector<32x256xi1>, vector<32x256xf32>
    %jit3A_96 = arith.constant 9 : i32
    %broadcast_in_dim3A_97 = vector.broadcast %jit3A_96 : i32 to vector<32x256xi32>
    %select_n3A_98 = arith.select %lt3A_94, %broadcast_in_dim3A_97, %select_n3A_88 : vector<32x256xi1>, vector<32x256xi32>
    %get3A_99 = arith.constant 0 : index
    %get3A_100 = arith.constant 320 : index
    %get3A_101 = arith.constant 0 : index
    %get3A_102 = vector.load %arg1[%get3A_99, %get3A_100, %get3A_101] : memref<1x4096x256xf32, #tpu.memory_space<vmem>>, vector<1x32x256xf32>
    %get3A_103 = vector.shape_cast %get3A_102 : vector<1x32x256xf32> to vector<32x256xf32>
    %lt3A_104 = arith.cmpf olt, %get3A_103, %select_n3A_95 : vector<32x256xf32>
    %select_n3A_105 = arith.select %lt3A_104, %get3A_103, %select_n3A_95 : vector<32x256xi1>, vector<32x256xf32>
    %jit3A_106 = arith.constant 10 : i32
    %broadcast_in_dim3A_107 = vector.broadcast %jit3A_106 : i32 to vector<32x256xi32>
    %select_n3A_108 = arith.select %lt3A_104, %broadcast_in_dim3A_107, %select_n3A_98 : vector<32x256xi1>, vector<32x256xi32>
    %get3A_109 = arith.constant 0 : index
    %get3A_110 = arith.constant 352 : index
    %get3A_111 = arith.constant 0 : index
    %get3A_112 = vector.load %arg1[%get3A_109, %get3A_110, %get3A_111] : memref<1x4096x256xf32, #tpu.memory_space<vmem>>, vector<1x32x256xf32>
    %get3A_113 = vector.shape_cast %get3A_112 : vector<1x32x256xf32> to vector<32x256xf32>
    %lt3A_114 = arith.cmpf olt, %get3A_113, %select_n3A_105 : vector<32x256xf32>
    %select_n3A_115 = arith.select %lt3A_114, %get3A_113, %select_n3A_105 : vector<32x256xi1>, vector<32x256xf32>
    %jit3A_116 = arith.constant 11 : i32
    %broadcast_in_dim3A_117 = vector.broadcast %jit3A_116 : i32 to vector<32x256xi32>
    %select_n3A_118 = arith.select %lt3A_114, %broadcast_in_dim3A_117, %select_n3A_108 : vector<32x256xi1>, vector<32x256xi32>
    %get3A_119 = arith.constant 0 : index
    %get3A_120 = arith.constant 384 : index
    %get3A_121 = arith.constant 0 : index
    %get3A_122 = vector.load %arg1[%get3A_119, %get3A_120, %get3A_121] : memref<1x4096x256xf32, #tpu.memory_space<vmem>>, vector<1x32x256xf32>
    %get3A_123 = vector.shape_cast %get3A_122 : vector<1x32x256xf32> to vector<32x256xf32>
    %lt3A_124 = arith.cmpf olt, %get3A_123, %select_n3A_115 : vector<32x256xf32>
    %select_n3A_125 = arith.select %lt3A_124, %get3A_123, %select_n3A_115 : vector<32x256xi1>, vector<32x256xf32>
    %jit3A_126 = arith.constant 12 : i32
    %broadcast_in_dim3A_127 = vector.broadcast %jit3A_126 : i32 to vector<32x256xi32>
    %select_n3A_128 = arith.select %lt3A_124, %broadcast_in_dim3A_127, %select_n3A_118 : vector<32x256xi1>, vector<32x256xi32>
    %get3A_129 = arith.constant 0 : index
    %get3A_130 = arith.constant 416 : index
    %get3A_131 = arith.constant 0 : index
    %get3A_132 = vector.load %arg1[%get3A_129, %get3A_130, %get3A_131] : memref<1x4096x256xf32, #tpu.memory_space<vmem>>, vector<1x32x256xf32>
    %get3A_133 = vector.shape_cast %get3A_132 : vector<1x32x256xf32> to vector<32x256xf32>
    %lt3A_134 = arith.cmpf olt, %get3A_133, %select_n3A_125 : vector<32x256xf32>
    %select_n3A_135 = arith.select %lt3A_134, %get3A_133, %select_n3A_125 : vector<32x256xi1>, vector<32x256xf32>
    %jit3A_136 = arith.constant 13 : i32
    %broadcast_in_dim3A_137 = vector.broadcast %jit3A_136 : i32 to vector<32x256xi32>
    %select_n3A_138 = arith.select %lt3A_134, %broadcast_in_dim3A_137, %select_n3A_128 : vector<32x256xi1>, vector<32x256xi32>
    %get3A_139 = arith.constant 0 : index
    %get3A_140 = arith.constant 448 : index
    %get3A_141 = arith.constant 0 : index
    %get3A_142 = vector.load %arg1[%get3A_139, %get3A_140, %get3A_141] : memref<1x4096x256xf32, #tpu.memory_space<vmem>>, vector<1x32x256xf32>
    %get3A_143 = vector.shape_cast %get3A_142 : vector<1x32x256xf32> to vector<32x256xf32>
    %lt3A_144 = arith.cmpf olt, %get3A_143, %select_n3A_135 : vector<32x256xf32>
    %select_n3A_145 = arith.select %lt3A_144, %get3A_143, %select_n3A_135 : vector<32x256xi1>, vector<32x256xf32>
    %jit3A_146 = arith.constant 14 : i32
    %broadcast_in_dim3A_147 = vector.broadcast %jit3A_146 : i32 to vector<32x256xi32>
    %select_n3A_148 = arith.select %lt3A_144, %broadcast_in_dim3A_147, %select_n3A_138 : vector<32x256xi1>, vector<32x256xi32>
    %get3A_149 = arith.constant 0 : index
    %get3A_150 = arith.constant 480 : index
    %get3A_151 = arith.constant 0 : index
    %get3A_152 = vector.load %arg1[%get3A_149, %get3A_150, %get3A_151] : memref<1x4096x256xf32, #tpu.memory_space<vmem>>, vector<1x32x256xf32>
    %get3A_153 = vector.shape_cast %get3A_152 : vector<1x32x256xf32> to vector<32x256xf32>
    %lt3A_154 = arith.cmpf olt, %get3A_153, %select_n3A_145 : vector<32x256xf32>
    %select_n3A_155 = arith.select %lt3A_154, %get3A_153, %select_n3A_145 : vector<32x256xi1>, vector<32x256xf32>
    %jit3A_156 = arith.constant 15 : i32
    %broadcast_in_dim3A_157 = vector.broadcast %jit3A_156 : i32 to vector<32x256xi32>
    %select_n3A_158 = arith.select %lt3A_154, %broadcast_in_dim3A_157, %select_n3A_148 : vector<32x256xi1>, vector<32x256xi32>
    %get3A_159 = arith.constant 0 : index
    %get3A_160 = arith.constant 512 : index
    %get3A_161 = arith.constant 0 : index
    %get3A_162 = vector.load %arg1[%get3A_159, %get3A_160, %get3A_161] : memref<1x4096x256xf32, #tpu.memory_space<vmem>>, vector<1x32x256xf32>
    %get3A_163 = vector.shape_cast %get3A_162 : vector<1x32x256xf32> to vector<32x256xf32>
    %lt3A_164 = arith.cmpf olt, %get3A_163, %select_n3A_155 : vector<32x256xf32>
    %select_n3A_165 = arith.select %lt3A_164, %get3A_163, %select_n3A_155 : vector<32x256xi1>, vector<32x256xf32>
    %jit3A_166 = arith.constant 16 : i32
    %broadcast_in_dim3A_167 = vector.broadcast %jit3A_166 : i32 to vector<32x256xi32>
    %select_n3A_168 = arith.select %lt3A_164, %broadcast_in_dim3A_167, %select_n3A_158 : vector<32x256xi1>, vector<32x256xi32>
    %get3A_169 = arith.constant 0 : index
    %get3A_170 = arith.constant 544 : index
    %get3A_171 = arith.constant 0 : index
    %get3A_172 = vector.load %arg1[%get3A_169, %get3A_170, %get3A_171] : memref<1x4096x256xf32, #tpu.memory_space<vmem>>, vector<1x32x256xf32>
    %get3A_173 = vector.shape_cast %get3A_172 : vector<1x32x256xf32> to vector<32x256xf32>
    %lt3A_174 = arith.cmpf olt, %get3A_173, %select_n3A_165 : vector<32x256xf32>
    %select_n3A_175 = arith.select %lt3A_174, %get3A_173, %select_n3A_165 : vector<32x256xi1>, vector<32x256xf32>
    %jit3A_176 = arith.constant 17 : i32
    %broadcast_in_dim3A_177 = vector.broadcast %jit3A_176 : i32 to vector<32x256xi32>
    %select_n3A_178 = arith.select %lt3A_174, %broadcast_in_dim3A_177, %select_n3A_168 : vector<32x256xi1>, vector<32x256xi32>
    %get3A_179 = arith.constant 0 : index
    %get3A_180 = arith.constant 576 : index
    %get3A_181 = arith.constant 0 : index
    %get3A_182 = vector.load %arg1[%get3A_179, %get3A_180, %get3A_181] : memref<1x4096x256xf32, #tpu.memory_space<vmem>>, vector<1x32x256xf32>
    %get3A_183 = vector.shape_cast %get3A_182 : vector<1x32x256xf32> to vector<32x256xf32>
    %lt3A_184 = arith.cmpf olt, %get3A_183, %select_n3A_175 : vector<32x256xf32>
    %select_n3A_185 = arith.select %lt3A_184, %get3A_183, %select_n3A_175 : vector<32x256xi1>, vector<32x256xf32>
    %jit3A_186 = arith.constant 18 : i32
    %broadcast_in_dim3A_187 = vector.broadcast %jit3A_186 : i32 to vector<32x256xi32>
    %select_n3A_188 = arith.select %lt3A_184, %broadcast_in_dim3A_187, %select_n3A_178 : vector<32x256xi1>, vector<32x256xi32>
    %get3A_189 = arith.constant 0 : index
    %get3A_190 = arith.constant 608 : index
    %get3A_191 = arith.constant 0 : index
    %get3A_192 = vector.load %arg1[%get3A_189, %get3A_190, %get3A_191] : memref<1x4096x256xf32, #tpu.memory_space<vmem>>, vector<1x32x256xf32>
    %get3A_193 = vector.shape_cast %get3A_192 : vector<1x32x256xf32> to vector<32x256xf32>
    %lt3A_194 = arith.cmpf olt, %get3A_193, %select_n3A_185 : vector<32x256xf32>
    %select_n3A_195 = arith.select %lt3A_194, %get3A_193, %select_n3A_185 : vector<32x256xi1>, vector<32x256xf32>
    %jit3A_196 = arith.constant 19 : i32
    %broadcast_in_dim3A_197 = vector.broadcast %jit3A_196 : i32 to vector<32x256xi32>
    %select_n3A_198 = arith.select %lt3A_194, %broadcast_in_dim3A_197, %select_n3A_188 : vector<32x256xi1>, vector<32x256xi32>
    %get3A_199 = arith.constant 0 : index
    %get3A_200 = arith.constant 640 : index
    %get3A_201 = arith.constant 0 : index
    %get3A_202 = vector.load %arg1[%get3A_199, %get3A_200, %get3A_201] : memref<1x4096x256xf32, #tpu.memory_space<vmem>>, vector<1x32x256xf32>
    %get3A_203 = vector.shape_cast %get3A_202 : vector<1x32x256xf32> to vector<32x256xf32>
    %lt3A_204 = arith.cmpf olt, %get3A_203, %select_n3A_195 : vector<32x256xf32>
    %select_n3A_205 = arith.select %lt3A_204, %get3A_203, %select_n3A_195 : vector<32x256xi1>, vector<32x256xf32>
    %jit3A_206 = arith.constant 20 : i32
    %broadcast_in_dim3A_207 = vector.broadcast %jit3A_206 : i32 to vector<32x256xi32>
    %select_n3A_208 = arith.select %lt3A_204, %broadcast_in_dim3A_207, %select_n3A_198 : vector<32x256xi1>, vector<32x256xi32>
    %get3A_209 = arith.constant 0 : index
    %get3A_210 = arith.constant 672 : index
    %get3A_211 = arith.constant 0 : index
    %get3A_212 = vector.load %arg1[%get3A_209, %get3A_210, %get3A_211] : memref<1x4096x256xf32, #tpu.memory_space<vmem>>, vector<1x32x256xf32>
    %get3A_213 = vector.shape_cast %get3A_212 : vector<1x32x256xf32> to vector<32x256xf32>
    %lt3A_214 = arith.cmpf olt, %get3A_213, %select_n3A_205 : vector<32x256xf32>
    %select_n3A_215 = arith.select %lt3A_214, %get3A_213, %select_n3A_205 : vector<32x256xi1>, vector<32x256xf32>
    %jit3A_216 = arith.constant 21 : i32
    %broadcast_in_dim3A_217 = vector.broadcast %jit3A_216 : i32 to vector<32x256xi32>
    %select_n3A_218 = arith.select %lt3A_214, %broadcast_in_dim3A_217, %select_n3A_208 : vector<32x256xi1>, vector<32x256xi32>
    %get3A_219 = arith.constant 0 : index
    %get3A_220 = arith.constant 704 : index
    %get3A_221 = arith.constant 0 : index
    %get3A_222 = vector.load %arg1[%get3A_219, %get3A_220, %get3A_221] : memref<1x4096x256xf32, #tpu.memory_space<vmem>>, vector<1x32x256xf32>
    %get3A_223 = vector.shape_cast %get3A_222 : vector<1x32x256xf32> to vector<32x256xf32>
    %lt3A_224 = arith.cmpf olt, %get3A_223, %select_n3A_215 : vector<32x256xf32>
    %select_n3A_225 = arith.select %lt3A_224, %get3A_223, %select_n3A_215 : vector<32x256xi1>, vector<32x256xf32>
    %jit3A_226 = arith.constant 22 : i32
    %broadcast_in_dim3A_227 = vector.broadcast %jit3A_226 : i32 to vector<32x256xi32>
    %select_n3A_228 = arith.select %lt3A_224, %broadcast_in_dim3A_227, %select_n3A_218 : vector<32x256xi1>, vector<32x256xi32>
    %get3A_229 = arith.constant 0 : index
    %get3A_230 = arith.constant 736 : index
    %get3A_231 = arith.constant 0 : index
    %get3A_232 = vector.load %arg1[%get3A_229, %get3A_230, %get3A_231] : memref<1x4096x256xf32, #tpu.memory_space<vmem>>, vector<1x32x256xf32>
    %get3A_233 = vector.shape_cast %get3A_232 : vector<1x32x256xf32> to vector<32x256xf32>
    %lt3A_234 = arith.cmpf olt, %get3A_233, %select_n3A_225 : vector<32x256xf32>
    %select_n3A_235 = arith.select %lt3A_234, %get3A_233, %select_n3A_225 : vector<32x256xi1>, vector<32x256xf32>
    %jit3A_236 = arith.constant 23 : i32
    %broadcast_in_dim3A_237 = vector.broadcast %jit3A_236 : i32 to vector<32x256xi32>
    %select_n3A_238 = arith.select %lt3A_234, %broadcast_in_dim3A_237, %select_n3A_228 : vector<32x256xi1>, vector<32x256xi32>
    %get3A_239 = arith.constant 0 : index
    %get3A_240 = arith.constant 768 : index
    %get3A_241 = arith.constant 0 : index
    %get3A_242 = vector.load %arg1[%get3A_239, %get3A_240, %get3A_241] : memref<1x4096x256xf32, #tpu.memory_space<vmem>>, vector<1x32x256xf32>
    %get3A_243 = vector.shape_cast %get3A_242 : vector<1x32x256xf32> to vector<32x256xf32>
    %lt3A_244 = arith.cmpf olt, %get3A_243, %select_n3A_235 : vector<32x256xf32>
    %select_n3A_245 = arith.select %lt3A_244, %get3A_243, %select_n3A_235 : vector<32x256xi1>, vector<32x256xf32>
    %jit3A_246 = arith.constant 24 : i32
    %broadcast_in_dim3A_247 = vector.broadcast %jit3A_246 : i32 to vector<32x256xi32>
    %select_n3A_248 = arith.select %lt3A_244, %broadcast_in_dim3A_247, %select_n3A_238 : vector<32x256xi1>, vector<32x256xi32>
    %get3A_249 = arith.constant 0 : index
    %get3A_250 = arith.constant 800 : index
    %get3A_251 = arith.constant 0 : index
    %get3A_252 = vector.load %arg1[%get3A_249, %get3A_250, %get3A_251] : memref<1x4096x256xf32, #tpu.memory_space<vmem>>, vector<1x32x256xf32>
    %get3A_253 = vector.shape_cast %get3A_252 : vector<1x32x256xf32> to vector<32x256xf32>
    %lt3A_254 = arith.cmpf olt, %get3A_253, %select_n3A_245 : vector<32x256xf32>
    %select_n3A_255 = arith.select %lt3A_254, %get3A_253, %select_n3A_245 : vector<32x256xi1>, vector<32x256xf32>
    %jit3A_256 = arith.constant 25 : i32
    %broadcast_in_dim3A_257 = vector.broadcast %jit3A_256 : i32 to vector<32x256xi32>
    %select_n3A_258 = arith.select %lt3A_254, %broadcast_in_dim3A_257, %select_n3A_248 : vector<32x256xi1>, vector<32x256xi32>
    %get3A_259 = arith.constant 0 : index
    %get3A_260 = arith.constant 832 : index
    %get3A_261 = arith.constant 0 : index
    %get3A_262 = vector.load %arg1[%get3A_259, %get3A_260, %get3A_261] : memref<1x4096x256xf32, #tpu.memory_space<vmem>>, vector<1x32x256xf32>
    %get3A_263 = vector.shape_cast %get3A_262 : vector<1x32x256xf32> to vector<32x256xf32>
    %lt3A_264 = arith.cmpf olt, %get3A_263, %select_n3A_255 : vector<32x256xf32>
    %select_n3A_265 = arith.select %lt3A_264, %get3A_263, %select_n3A_255 : vector<32x256xi1>, vector<32x256xf32>
    %jit3A_266 = arith.constant 26 : i32
    %broadcast_in_dim3A_267 = vector.broadcast %jit3A_266 : i32 to vector<32x256xi32>
    %select_n3A_268 = arith.select %lt3A_264, %broadcast_in_dim3A_267, %select_n3A_258 : vector<32x256xi1>, vector<32x256xi32>
    %get3A_269 = arith.constant 0 : index
    %get3A_270 = arith.constant 864 : index
    %get3A_271 = arith.constant 0 : index
    %get3A_272 = vector.load %arg1[%get3A_269, %get3A_270, %get3A_271] : memref<1x4096x256xf32, #tpu.memory_space<vmem>>, vector<1x32x256xf32>
    %get3A_273 = vector.shape_cast %get3A_272 : vector<1x32x256xf32> to vector<32x256xf32>
    %lt3A_274 = arith.cmpf olt, %get3A_273, %select_n3A_265 : vector<32x256xf32>
    %select_n3A_275 = arith.select %lt3A_274, %get3A_273, %select_n3A_265 : vector<32x256xi1>, vector<32x256xf32>
    %jit3A_276 = arith.constant 27 : i32
    %broadcast_in_dim3A_277 = vector.broadcast %jit3A_276 : i32 to vector<32x256xi32>
    %select_n3A_278 = arith.select %lt3A_274, %broadcast_in_dim3A_277, %select_n3A_268 : vector<32x256xi1>, vector<32x256xi32>
    %get3A_279 = arith.constant 0 : index
    %get3A_280 = arith.constant 896 : index
    %get3A_281 = arith.constant 0 : index
    %get3A_282 = vector.load %arg1[%get3A_279, %get3A_280, %get3A_281] : memref<1x4096x256xf32, #tpu.memory_space<vmem>>, vector<1x32x256xf32>
    %get3A_283 = vector.shape_cast %get3A_282 : vector<1x32x256xf32> to vector<32x256xf32>
    %lt3A_284 = arith.cmpf olt, %get3A_283, %select_n3A_275 : vector<32x256xf32>
    %select_n3A_285 = arith.select %lt3A_284, %get3A_283, %select_n3A_275 : vector<32x256xi1>, vector<32x256xf32>
    %jit3A_286 = arith.constant 28 : i32
    %broadcast_in_dim3A_287 = vector.broadcast %jit3A_286 : i32 to vector<32x256xi32>
    %select_n3A_288 = arith.select %lt3A_284, %broadcast_in_dim3A_287, %select_n3A_278 : vector<32x256xi1>, vector<32x256xi32>
    %get3A_289 = arith.constant 0 : index
    %get3A_290 = arith.constant 928 : index
    %get3A_291 = arith.constant 0 : index
    %get3A_292 = vector.load %arg1[%get3A_289, %get3A_290, %get3A_291] : memref<1x4096x256xf32, #tpu.memory_space<vmem>>, vector<1x32x256xf32>
    %get3A_293 = vector.shape_cast %get3A_292 : vector<1x32x256xf32> to vector<32x256xf32>
    %lt3A_294 = arith.cmpf olt, %get3A_293, %select_n3A_285 : vector<32x256xf32>
    %select_n3A_295 = arith.select %lt3A_294, %get3A_293, %select_n3A_285 : vector<32x256xi1>, vector<32x256xf32>
    %jit3A_296 = arith.constant 29 : i32
    %broadcast_in_dim3A_297 = vector.broadcast %jit3A_296 : i32 to vector<32x256xi32>
    %select_n3A_298 = arith.select %lt3A_294, %broadcast_in_dim3A_297, %select_n3A_288 : vector<32x256xi1>, vector<32x256xi32>
    %get3A_299 = arith.constant 0 : index
    %get3A_300 = arith.constant 960 : index
    %get3A_301 = arith.constant 0 : index
    %get3A_302 = vector.load %arg1[%get3A_299, %get3A_300, %get3A_301] : memref<1x4096x256xf32, #tpu.memory_space<vmem>>, vector<1x32x256xf32>
    %get3A_303 = vector.shape_cast %get3A_302 : vector<1x32x256xf32> to vector<32x256xf32>
    %lt3A_304 = arith.cmpf olt, %get3A_303, %select_n3A_295 : vector<32x256xf32>
    %select_n3A_305 = arith.select %lt3A_304, %get3A_303, %select_n3A_295 : vector<32x256xi1>, vector<32x256xf32>
    %jit3A_306 = arith.constant 30 : i32
    %broadcast_in_dim3A_307 = vector.broadcast %jit3A_306 : i32 to vector<32x256xi32>
    %select_n3A_308 = arith.select %lt3A_304, %broadcast_in_dim3A_307, %select_n3A_298 : vector<32x256xi1>, vector<32x256xi32>
    %get3A_309 = arith.constant 0 : index
    %get3A_310 = arith.constant 992 : index
    %get3A_311 = arith.constant 0 : index
    %get3A_312 = vector.load %arg1[%get3A_309, %get3A_310, %get3A_311] : memref<1x4096x256xf32, #tpu.memory_space<vmem>>, vector<1x32x256xf32>
    %get3A_313 = vector.shape_cast %get3A_312 : vector<1x32x256xf32> to vector<32x256xf32>
    %lt3A_314 = arith.cmpf olt, %get3A_313, %select_n3A_305 : vector<32x256xf32>
    %select_n3A_315 = arith.select %lt3A_314, %get3A_313, %select_n3A_305 : vector<32x256xi1>, vector<32x256xf32>
    %jit3A_316 = arith.constant 31 : i32
    %broadcast_in_dim3A_317 = vector.broadcast %jit3A_316 : i32 to vector<32x256xi32>
    %select_n3A_318 = arith.select %lt3A_314, %broadcast_in_dim3A_317, %select_n3A_308 : vector<32x256xi1>, vector<32x256xi32>
    %get3A_319 = arith.constant 0 : index
    %get3A_320 = arith.constant 1024 : index
    %get3A_321 = arith.constant 0 : index
    %get3A_322 = vector.load %arg1[%get3A_319, %get3A_320, %get3A_321] : memref<1x4096x256xf32, #tpu.memory_space<vmem>>, vector<1x32x256xf32>
    %get3A_323 = vector.shape_cast %get3A_322 : vector<1x32x256xf32> to vector<32x256xf32>
    %lt3A_324 = arith.cmpf olt, %get3A_323, %select_n3A_315 : vector<32x256xf32>
    %select_n3A_325 = arith.select %lt3A_324, %get3A_323, %select_n3A_315 : vector<32x256xi1>, vector<32x256xf32>
    %jit3A_326 = arith.constant 32 : i32
    %broadcast_in_dim3A_327 = vector.broadcast %jit3A_326 : i32 to vector<32x256xi32>
    %select_n3A_328 = arith.select %lt3A_324, %broadcast_in_dim3A_327, %select_n3A_318 : vector<32x256xi1>, vector<32x256xi32>
    %get3A_329 = arith.constant 0 : index
    %get3A_330 = arith.constant 1056 : index
    %get3A_331 = arith.constant 0 : index
    %get3A_332 = vector.load %arg1[%get3A_329, %get3A_330, %get3A_331] : memref<1x4096x256xf32, #tpu.memory_space<vmem>>, vector<1x32x256xf32>
    %get3A_333 = vector.shape_cast %get3A_332 : vector<1x32x256xf32> to vector<32x256xf32>
    %lt3A_334 = arith.cmpf olt, %get3A_333, %select_n3A_325 : vector<32x256xf32>
    %select_n3A_335 = arith.select %lt3A_334, %get3A_333, %select_n3A_325 : vector<32x256xi1>, vector<32x256xf32>
    %jit3A_336 = arith.constant 33 : i32
    %broadcast_in_dim3A_337 = vector.broadcast %jit3A_336 : i32 to vector<32x256xi32>
    %select_n3A_338 = arith.select %lt3A_334, %broadcast_in_dim3A_337, %select_n3A_328 : vector<32x256xi1>, vector<32x256xi32>
    %get3A_339 = arith.constant 0 : index
    %get3A_340 = arith.constant 1088 : index
    %get3A_341 = arith.constant 0 : index
    %get3A_342 = vector.load %arg1[%get3A_339, %get3A_340, %get3A_341] : memref<1x4096x256xf32, #tpu.memory_space<vmem>>, vector<1x32x256xf32>
    %get3A_343 = vector.shape_cast %get3A_342 : vector<1x32x256xf32> to vector<32x256xf32>
    %lt3A_344 = arith.cmpf olt, %get3A_343, %select_n3A_335 : vector<32x256xf32>
    %select_n3A_345 = arith.select %lt3A_344, %get3A_343, %select_n3A_335 : vector<32x256xi1>, vector<32x256xf32>
    %jit3A_346 = arith.constant 34 : i32
    %broadcast_in_dim3A_347 = vector.broadcast %jit3A_346 : i32 to vector<32x256xi32>
    %select_n3A_348 = arith.select %lt3A_344, %broadcast_in_dim3A_347, %select_n3A_338 : vector<32x256xi1>, vector<32x256xi32>
    %get3A_349 = arith.constant 0 : index
    %get3A_350 = arith.constant 1120 : index
    %get3A_351 = arith.constant 0 : index
    %get3A_352 = vector.load %arg1[%get3A_349, %get3A_350, %get3A_351] : memref<1x4096x256xf32, #tpu.memory_space<vmem>>, vector<1x32x256xf32>
    %get3A_353 = vector.shape_cast %get3A_352 : vector<1x32x256xf32> to vector<32x256xf32>
    %lt3A_354 = arith.cmpf olt, %get3A_353, %select_n3A_345 : vector<32x256xf32>
    %select_n3A_355 = arith.select %lt3A_354, %get3A_353, %select_n3A_345 : vector<32x256xi1>, vector<32x256xf32>
    %jit3A_356 = arith.constant 35 : i32
    %broadcast_in_dim3A_357 = vector.broadcast %jit3A_356 : i32 to vector<32x256xi32>
    %select_n3A_358 = arith.select %lt3A_354, %broadcast_in_dim3A_357, %select_n3A_348 : vector<32x256xi1>, vector<32x256xi32>
    %get3A_359 = arith.constant 0 : index
    %get3A_360 = arith.constant 1152 : index
    %get3A_361 = arith.constant 0 : index
    %get3A_362 = vector.load %arg1[%get3A_359, %get3A_360, %get3A_361] : memref<1x4096x256xf32, #tpu.memory_space<vmem>>, vector<1x32x256xf32>
    %get3A_363 = vector.shape_cast %get3A_362 : vector<1x32x256xf32> to vector<32x256xf32>
    %lt3A_364 = arith.cmpf olt, %get3A_363, %select_n3A_355 : vector<32x256xf32>
    %select_n3A_365 = arith.select %lt3A_364, %get3A_363, %select_n3A_355 : vector<32x256xi1>, vector<32x256xf32>
    %jit3A_366 = arith.constant 36 : i32
    %broadcast_in_dim3A_367 = vector.broadcast %jit3A_366 : i32 to vector<32x256xi32>
    %select_n3A_368 = arith.select %lt3A_364, %broadcast_in_dim3A_367, %select_n3A_358 : vector<32x256xi1>, vector<32x256xi32>
    %get3A_369 = arith.constant 0 : index
    %get3A_370 = arith.constant 1184 : index
    %get3A_371 = arith.constant 0 : index
    %get3A_372 = vector.load %arg1[%get3A_369, %get3A_370, %get3A_371] : memref<1x4096x256xf32, #tpu.memory_space<vmem>>, vector<1x32x256xf32>
    %get3A_373 = vector.shape_cast %get3A_372 : vector<1x32x256xf32> to vector<32x256xf32>
    %lt3A_374 = arith.cmpf olt, %get3A_373, %select_n3A_365 : vector<32x256xf32>
    %select_n3A_375 = arith.select %lt3A_374, %get3A_373, %select_n3A_365 : vector<32x256xi1>, vector<32x256xf32>
    %jit3A_376 = arith.constant 37 : i32
    %broadcast_in_dim3A_377 = vector.broadcast %jit3A_376 : i32 to vector<32x256xi32>
    %select_n3A_378 = arith.select %lt3A_374, %broadcast_in_dim3A_377, %select_n3A_368 : vector<32x256xi1>, vector<32x256xi32>
    %get3A_379 = arith.constant 0 : index
    %get3A_380 = arith.constant 1216 : index
    %get3A_381 = arith.constant 0 : index
    %get3A_382 = vector.load %arg1[%get3A_379, %get3A_380, %get3A_381] : memref<1x4096x256xf32, #tpu.memory_space<vmem>>, vector<1x32x256xf32>
    %get3A_383 = vector.shape_cast %get3A_382 : vector<1x32x256xf32> to vector<32x256xf32>
    %lt3A_384 = arith.cmpf olt, %get3A_383, %select_n3A_375 : vector<32x256xf32>
    %select_n3A_385 = arith.select %lt3A_384, %get3A_383, %select_n3A_375 : vector<32x256xi1>, vector<32x256xf32>
    %jit3A_386 = arith.constant 38 : i32
    %broadcast_in_dim3A_387 = vector.broadcast %jit3A_386 : i32 to vector<32x256xi32>
    %select_n3A_388 = arith.select %lt3A_384, %broadcast_in_dim3A_387, %select_n3A_378 : vector<32x256xi1>, vector<32x256xi32>
    %get3A_389 = arith.constant 0 : index
    %get3A_390 = arith.constant 1248 : index
    %get3A_391 = arith.constant 0 : index
    %get3A_392 = vector.load %arg1[%get3A_389, %get3A_390, %get3A_391] : memref<1x4096x256xf32, #tpu.memory_space<vmem>>, vector<1x32x256xf32>
    %get3A_393 = vector.shape_cast %get3A_392 : vector<1x32x256xf32> to vector<32x256xf32>
    %lt3A_394 = arith.cmpf olt, %get3A_393, %select_n3A_385 : vector<32x256xf32>
    %select_n3A_395 = arith.select %lt3A_394, %get3A_393, %select_n3A_385 : vector<32x256xi1>, vector<32x256xf32>
    %jit3A_396 = arith.constant 39 : i32
    %broadcast_in_dim3A_397 = vector.broadcast %jit3A_396 : i32 to vector<32x256xi32>
    %select_n3A_398 = arith.select %lt3A_394, %broadcast_in_dim3A_397, %select_n3A_388 : vector<32x256xi1>, vector<32x256xi32>
    %get3A_399 = arith.constant 0 : index
    %get3A_400 = arith.constant 1280 : index
    %get3A_401 = arith.constant 0 : index
    %get3A_402 = vector.load %arg1[%get3A_399, %get3A_400, %get3A_401] : memref<1x4096x256xf32, #tpu.memory_space<vmem>>, vector<1x32x256xf32>
    %get3A_403 = vector.shape_cast %get3A_402 : vector<1x32x256xf32> to vector<32x256xf32>
    %lt3A_404 = arith.cmpf olt, %get3A_403, %select_n3A_395 : vector<32x256xf32>
    %select_n3A_405 = arith.select %lt3A_404, %get3A_403, %select_n3A_395 : vector<32x256xi1>, vector<32x256xf32>
    %jit3A_406 = arith.constant 40 : i32
    %broadcast_in_dim3A_407 = vector.broadcast %jit3A_406 : i32 to vector<32x256xi32>
    %select_n3A_408 = arith.select %lt3A_404, %broadcast_in_dim3A_407, %select_n3A_398 : vector<32x256xi1>, vector<32x256xi32>
    %get3A_409 = arith.constant 0 : index
    %get3A_410 = arith.constant 1312 : index
    %get3A_411 = arith.constant 0 : index
    %get3A_412 = vector.load %arg1[%get3A_409, %get3A_410, %get3A_411] : memref<1x4096x256xf32, #tpu.memory_space<vmem>>, vector<1x32x256xf32>
    %get3A_413 = vector.shape_cast %get3A_412 : vector<1x32x256xf32> to vector<32x256xf32>
    %lt3A_414 = arith.cmpf olt, %get3A_413, %select_n3A_405 : vector<32x256xf32>
    %select_n3A_415 = arith.select %lt3A_414, %get3A_413, %select_n3A_405 : vector<32x256xi1>, vector<32x256xf32>
    %jit3A_416 = arith.constant 41 : i32
    %broadcast_in_dim3A_417 = vector.broadcast %jit3A_416 : i32 to vector<32x256xi32>
    %select_n3A_418 = arith.select %lt3A_414, %broadcast_in_dim3A_417, %select_n3A_408 : vector<32x256xi1>, vector<32x256xi32>
    %get3A_419 = arith.constant 0 : index
    %get3A_420 = arith.constant 1344 : index
    %get3A_421 = arith.constant 0 : index
    %get3A_422 = vector.load %arg1[%get3A_419, %get3A_420, %get3A_421] : memref<1x4096x256xf32, #tpu.memory_space<vmem>>, vector<1x32x256xf32>
    %get3A_423 = vector.shape_cast %get3A_422 : vector<1x32x256xf32> to vector<32x256xf32>
    %lt3A_424 = arith.cmpf olt, %get3A_423, %select_n3A_415 : vector<32x256xf32>
    %select_n3A_425 = arith.select %lt3A_424, %get3A_423, %select_n3A_415 : vector<32x256xi1>, vector<32x256xf32>
    %jit3A_426 = arith.constant 42 : i32
    %broadcast_in_dim3A_427 = vector.broadcast %jit3A_426 : i32 to vector<32x256xi32>
    %select_n3A_428 = arith.select %lt3A_424, %broadcast_in_dim3A_427, %select_n3A_418 : vector<32x256xi1>, vector<32x256xi32>
    %get3A_429 = arith.constant 0 : index
    %get3A_430 = arith.constant 1376 : index
    %get3A_431 = arith.constant 0 : index
    %get3A_432 = vector.load %arg1[%get3A_429, %get3A_430, %get3A_431] : memref<1x4096x256xf32, #tpu.memory_space<vmem>>, vector<1x32x256xf32>
    %get3A_433 = vector.shape_cast %get3A_432 : vector<1x32x256xf32> to vector<32x256xf32>
    %lt3A_434 = arith.cmpf olt, %get3A_433, %select_n3A_425 : vector<32x256xf32>
    %select_n3A_435 = arith.select %lt3A_434, %get3A_433, %select_n3A_425 : vector<32x256xi1>, vector<32x256xf32>
    %jit3A_436 = arith.constant 43 : i32
    %broadcast_in_dim3A_437 = vector.broadcast %jit3A_436 : i32 to vector<32x256xi32>
    %select_n3A_438 = arith.select %lt3A_434, %broadcast_in_dim3A_437, %select_n3A_428 : vector<32x256xi1>, vector<32x256xi32>
    %get3A_439 = arith.constant 0 : index
    %get3A_440 = arith.constant 1408 : index
    %get3A_441 = arith.constant 0 : index
    %get3A_442 = vector.load %arg1[%get3A_439, %get3A_440, %get3A_441] : memref<1x4096x256xf32, #tpu.memory_space<vmem>>, vector<1x32x256xf32>
    %get3A_443 = vector.shape_cast %get3A_442 : vector<1x32x256xf32> to vector<32x256xf32>
    %lt3A_444 = arith.cmpf olt, %get3A_443, %select_n3A_435 : vector<32x256xf32>
    %select_n3A_445 = arith.select %lt3A_444, %get3A_443, %select_n3A_435 : vector<32x256xi1>, vector<32x256xf32>
    %jit3A_446 = arith.constant 44 : i32
    %broadcast_in_dim3A_447 = vector.broadcast %jit3A_446 : i32 to vector<32x256xi32>
    %select_n3A_448 = arith.select %lt3A_444, %broadcast_in_dim3A_447, %select_n3A_438 : vector<32x256xi1>, vector<32x256xi32>
    %get3A_449 = arith.constant 0 : index
    %get3A_450 = arith.constant 1440 : index
    %get3A_451 = arith.constant 0 : index
    %get3A_452 = vector.load %arg1[%get3A_449, %get3A_450, %get3A_451] : memref<1x4096x256xf32, #tpu.memory_space<vmem>>, vector<1x32x256xf32>
    %get3A_453 = vector.shape_cast %get3A_452 : vector<1x32x256xf32> to vector<32x256xf32>
    %lt3A_454 = arith.cmpf olt, %get3A_453, %select_n3A_445 : vector<32x256xf32>
    %select_n3A_455 = arith.select %lt3A_454, %get3A_453, %select_n3A_445 : vector<32x256xi1>, vector<32x256xf32>
    %jit3A_456 = arith.constant 45 : i32
    %broadcast_in_dim3A_457 = vector.broadcast %jit3A_456 : i32 to vector<32x256xi32>
    %select_n3A_458 = arith.select %lt3A_454, %broadcast_in_dim3A_457, %select_n3A_448 : vector<32x256xi1>, vector<32x256xi32>
    %get3A_459 = arith.constant 0 : index
    %get3A_460 = arith.constant 1472 : index
    %get3A_461 = arith.constant 0 : index
    %get3A_462 = vector.load %arg1[%get3A_459, %get3A_460, %get3A_461] : memref<1x4096x256xf32, #tpu.memory_space<vmem>>, vector<1x32x256xf32>
    %get3A_463 = vector.shape_cast %get3A_462 : vector<1x32x256xf32> to vector<32x256xf32>
    %lt3A_464 = arith.cmpf olt, %get3A_463, %select_n3A_455 : vector<32x256xf32>
    %select_n3A_465 = arith.select %lt3A_464, %get3A_463, %select_n3A_455 : vector<32x256xi1>, vector<32x256xf32>
    %jit3A_466 = arith.constant 46 : i32
    %broadcast_in_dim3A_467 = vector.broadcast %jit3A_466 : i32 to vector<32x256xi32>
    %select_n3A_468 = arith.select %lt3A_464, %broadcast_in_dim3A_467, %select_n3A_458 : vector<32x256xi1>, vector<32x256xi32>
    %get3A_469 = arith.constant 0 : index
    %get3A_470 = arith.constant 1504 : index
    %get3A_471 = arith.constant 0 : index
    %get3A_472 = vector.load %arg1[%get3A_469, %get3A_470, %get3A_471] : memref<1x4096x256xf32, #tpu.memory_space<vmem>>, vector<1x32x256xf32>
    %get3A_473 = vector.shape_cast %get3A_472 : vector<1x32x256xf32> to vector<32x256xf32>
    %lt3A_474 = arith.cmpf olt, %get3A_473, %select_n3A_465 : vector<32x256xf32>
    %select_n3A_475 = arith.select %lt3A_474, %get3A_473, %select_n3A_465 : vector<32x256xi1>, vector<32x256xf32>
    %jit3A_476 = arith.constant 47 : i32
    %broadcast_in_dim3A_477 = vector.broadcast %jit3A_476 : i32 to vector<32x256xi32>
    %select_n3A_478 = arith.select %lt3A_474, %broadcast_in_dim3A_477, %select_n3A_468 : vector<32x256xi1>, vector<32x256xi32>
    %get3A_479 = arith.constant 0 : index
    %get3A_480 = arith.constant 1536 : index
    %get3A_481 = arith.constant 0 : index
    %get3A_482 = vector.load %arg1[%get3A_479, %get3A_480, %get3A_481] : memref<1x4096x256xf32, #tpu.memory_space<vmem>>, vector<1x32x256xf32>
    %get3A_483 = vector.shape_cast %get3A_482 : vector<1x32x256xf32> to vector<32x256xf32>
    %lt3A_484 = arith.cmpf olt, %get3A_483, %select_n3A_475 : vector<32x256xf32>
    %select_n3A_485 = arith.select %lt3A_484, %get3A_483, %select_n3A_475 : vector<32x256xi1>, vector<32x256xf32>
    %jit3A_486 = arith.constant 48 : i32
    %broadcast_in_dim3A_487 = vector.broadcast %jit3A_486 : i32 to vector<32x256xi32>
    %select_n3A_488 = arith.select %lt3A_484, %broadcast_in_dim3A_487, %select_n3A_478 : vector<32x256xi1>, vector<32x256xi32>
    %get3A_489 = arith.constant 0 : index
    %get3A_490 = arith.constant 1568 : index
    %get3A_491 = arith.constant 0 : index
    %get3A_492 = vector.load %arg1[%get3A_489, %get3A_490, %get3A_491] : memref<1x4096x256xf32, #tpu.memory_space<vmem>>, vector<1x32x256xf32>
    %get3A_493 = vector.shape_cast %get3A_492 : vector<1x32x256xf32> to vector<32x256xf32>
    %lt3A_494 = arith.cmpf olt, %get3A_493, %select_n3A_485 : vector<32x256xf32>
    %select_n3A_495 = arith.select %lt3A_494, %get3A_493, %select_n3A_485 : vector<32x256xi1>, vector<32x256xf32>
    %jit3A_496 = arith.constant 49 : i32
    %broadcast_in_dim3A_497 = vector.broadcast %jit3A_496 : i32 to vector<32x256xi32>
    %select_n3A_498 = arith.select %lt3A_494, %broadcast_in_dim3A_497, %select_n3A_488 : vector<32x256xi1>, vector<32x256xi32>
    %get3A_499 = arith.constant 0 : index
    %get3A_500 = arith.constant 1600 : index
    %get3A_501 = arith.constant 0 : index
    %get3A_502 = vector.load %arg1[%get3A_499, %get3A_500, %get3A_501] : memref<1x4096x256xf32, #tpu.memory_space<vmem>>, vector<1x32x256xf32>
    %get3A_503 = vector.shape_cast %get3A_502 : vector<1x32x256xf32> to vector<32x256xf32>
    %lt3A_504 = arith.cmpf olt, %get3A_503, %select_n3A_495 : vector<32x256xf32>
    %select_n3A_505 = arith.select %lt3A_504, %get3A_503, %select_n3A_495 : vector<32x256xi1>, vector<32x256xf32>
    %jit3A_506 = arith.constant 50 : i32
    %broadcast_in_dim3A_507 = vector.broadcast %jit3A_506 : i32 to vector<32x256xi32>
    %select_n3A_508 = arith.select %lt3A_504, %broadcast_in_dim3A_507, %select_n3A_498 : vector<32x256xi1>, vector<32x256xi32>
    %get3A_509 = arith.constant 0 : index
    %get3A_510 = arith.constant 1632 : index
    %get3A_511 = arith.constant 0 : index
    %get3A_512 = vector.load %arg1[%get3A_509, %get3A_510, %get3A_511] : memref<1x4096x256xf32, #tpu.memory_space<vmem>>, vector<1x32x256xf32>
    %get3A_513 = vector.shape_cast %get3A_512 : vector<1x32x256xf32> to vector<32x256xf32>
    %lt3A_514 = arith.cmpf olt, %get3A_513, %select_n3A_505 : vector<32x256xf32>
    %select_n3A_515 = arith.select %lt3A_514, %get3A_513, %select_n3A_505 : vector<32x256xi1>, vector<32x256xf32>
    %jit3A_516 = arith.constant 51 : i32
    %broadcast_in_dim3A_517 = vector.broadcast %jit3A_516 : i32 to vector<32x256xi32>
    %select_n3A_518 = arith.select %lt3A_514, %broadcast_in_dim3A_517, %select_n3A_508 : vector<32x256xi1>, vector<32x256xi32>
    %get3A_519 = arith.constant 0 : index
    %get3A_520 = arith.constant 1664 : index
    %get3A_521 = arith.constant 0 : index
    %get3A_522 = vector.load %arg1[%get3A_519, %get3A_520, %get3A_521] : memref<1x4096x256xf32, #tpu.memory_space<vmem>>, vector<1x32x256xf32>
    %get3A_523 = vector.shape_cast %get3A_522 : vector<1x32x256xf32> to vector<32x256xf32>
    %lt3A_524 = arith.cmpf olt, %get3A_523, %select_n3A_515 : vector<32x256xf32>
    %select_n3A_525 = arith.select %lt3A_524, %get3A_523, %select_n3A_515 : vector<32x256xi1>, vector<32x256xf32>
    %jit3A_526 = arith.constant 52 : i32
    %broadcast_in_dim3A_527 = vector.broadcast %jit3A_526 : i32 to vector<32x256xi32>
    %select_n3A_528 = arith.select %lt3A_524, %broadcast_in_dim3A_527, %select_n3A_518 : vector<32x256xi1>, vector<32x256xi32>
    %get3A_529 = arith.constant 0 : index
    %get3A_530 = arith.constant 1696 : index
    %get3A_531 = arith.constant 0 : index
    %get3A_532 = vector.load %arg1[%get3A_529, %get3A_530, %get3A_531] : memref<1x4096x256xf32, #tpu.memory_space<vmem>>, vector<1x32x256xf32>
    %get3A_533 = vector.shape_cast %get3A_532 : vector<1x32x256xf32> to vector<32x256xf32>
    %lt3A_534 = arith.cmpf olt, %get3A_533, %select_n3A_525 : vector<32x256xf32>
    %select_n3A_535 = arith.select %lt3A_534, %get3A_533, %select_n3A_525 : vector<32x256xi1>, vector<32x256xf32>
    %jit3A_536 = arith.constant 53 : i32
    %broadcast_in_dim3A_537 = vector.broadcast %jit3A_536 : i32 to vector<32x256xi32>
    %select_n3A_538 = arith.select %lt3A_534, %broadcast_in_dim3A_537, %select_n3A_528 : vector<32x256xi1>, vector<32x256xi32>
    %get3A_539 = arith.constant 0 : index
    %get3A_540 = arith.constant 1728 : index
    %get3A_541 = arith.constant 0 : index
    %get3A_542 = vector.load %arg1[%get3A_539, %get3A_540, %get3A_541] : memref<1x4096x256xf32, #tpu.memory_space<vmem>>, vector<1x32x256xf32>
    %get3A_543 = vector.shape_cast %get3A_542 : vector<1x32x256xf32> to vector<32x256xf32>
    %lt3A_544 = arith.cmpf olt, %get3A_543, %select_n3A_535 : vector<32x256xf32>
    %select_n3A_545 = arith.select %lt3A_544, %get3A_543, %select_n3A_535 : vector<32x256xi1>, vector<32x256xf32>
    %jit3A_546 = arith.constant 54 : i32
    %broadcast_in_dim3A_547 = vector.broadcast %jit3A_546 : i32 to vector<32x256xi32>
    %select_n3A_548 = arith.select %lt3A_544, %broadcast_in_dim3A_547, %select_n3A_538 : vector<32x256xi1>, vector<32x256xi32>
    %get3A_549 = arith.constant 0 : index
    %get3A_550 = arith.constant 1760 : index
    %get3A_551 = arith.constant 0 : index
    %get3A_552 = vector.load %arg1[%get3A_549, %get3A_550, %get3A_551] : memref<1x4096x256xf32, #tpu.memory_space<vmem>>, vector<1x32x256xf32>
    %get3A_553 = vector.shape_cast %get3A_552 : vector<1x32x256xf32> to vector<32x256xf32>
    %lt3A_554 = arith.cmpf olt, %get3A_553, %select_n3A_545 : vector<32x256xf32>
    %select_n3A_555 = arith.select %lt3A_554, %get3A_553, %select_n3A_545 : vector<32x256xi1>, vector<32x256xf32>
    %jit3A_556 = arith.constant 55 : i32
    %broadcast_in_dim3A_557 = vector.broadcast %jit3A_556 : i32 to vector<32x256xi32>
    %select_n3A_558 = arith.select %lt3A_554, %broadcast_in_dim3A_557, %select_n3A_548 : vector<32x256xi1>, vector<32x256xi32>
    %get3A_559 = arith.constant 0 : index
    %get3A_560 = arith.constant 1792 : index
    %get3A_561 = arith.constant 0 : index
    %get3A_562 = vector.load %arg1[%get3A_559, %get3A_560, %get3A_561] : memref<1x4096x256xf32, #tpu.memory_space<vmem>>, vector<1x32x256xf32>
    %get3A_563 = vector.shape_cast %get3A_562 : vector<1x32x256xf32> to vector<32x256xf32>
    %lt3A_564 = arith.cmpf olt, %get3A_563, %select_n3A_555 : vector<32x256xf32>
    %select_n3A_565 = arith.select %lt3A_564, %get3A_563, %select_n3A_555 : vector<32x256xi1>, vector<32x256xf32>
    %jit3A_566 = arith.constant 56 : i32
    %broadcast_in_dim3A_567 = vector.broadcast %jit3A_566 : i32 to vector<32x256xi32>
    %select_n3A_568 = arith.select %lt3A_564, %broadcast_in_dim3A_567, %select_n3A_558 : vector<32x256xi1>, vector<32x256xi32>
    %get3A_569 = arith.constant 0 : index
    %get3A_570 = arith.constant 1824 : index
    %get3A_571 = arith.constant 0 : index
    %get3A_572 = vector.load %arg1[%get3A_569, %get3A_570, %get3A_571] : memref<1x4096x256xf32, #tpu.memory_space<vmem>>, vector<1x32x256xf32>
    %get3A_573 = vector.shape_cast %get3A_572 : vector<1x32x256xf32> to vector<32x256xf32>
    %lt3A_574 = arith.cmpf olt, %get3A_573, %select_n3A_565 : vector<32x256xf32>
    %select_n3A_575 = arith.select %lt3A_574, %get3A_573, %select_n3A_565 : vector<32x256xi1>, vector<32x256xf32>
    %jit3A_576 = arith.constant 57 : i32
    %broadcast_in_dim3A_577 = vector.broadcast %jit3A_576 : i32 to vector<32x256xi32>
    %select_n3A_578 = arith.select %lt3A_574, %broadcast_in_dim3A_577, %select_n3A_568 : vector<32x256xi1>, vector<32x256xi32>
    %get3A_579 = arith.constant 0 : index
    %get3A_580 = arith.constant 1856 : index
    %get3A_581 = arith.constant 0 : index
    %get3A_582 = vector.load %arg1[%get3A_579, %get3A_580, %get3A_581] : memref<1x4096x256xf32, #tpu.memory_space<vmem>>, vector<1x32x256xf32>
    %get3A_583 = vector.shape_cast %get3A_582 : vector<1x32x256xf32> to vector<32x256xf32>
    %lt3A_584 = arith.cmpf olt, %get3A_583, %select_n3A_575 : vector<32x256xf32>
    %select_n3A_585 = arith.select %lt3A_584, %get3A_583, %select_n3A_575 : vector<32x256xi1>, vector<32x256xf32>
    %jit3A_586 = arith.constant 58 : i32
    %broadcast_in_dim3A_587 = vector.broadcast %jit3A_586 : i32 to vector<32x256xi32>
    %select_n3A_588 = arith.select %lt3A_584, %broadcast_in_dim3A_587, %select_n3A_578 : vector<32x256xi1>, vector<32x256xi32>
    %get3A_589 = arith.constant 0 : index
    %get3A_590 = arith.constant 1888 : index
    %get3A_591 = arith.constant 0 : index
    %get3A_592 = vector.load %arg1[%get3A_589, %get3A_590, %get3A_591] : memref<1x4096x256xf32, #tpu.memory_space<vmem>>, vector<1x32x256xf32>
    %get3A_593 = vector.shape_cast %get3A_592 : vector<1x32x256xf32> to vector<32x256xf32>
    %lt3A_594 = arith.cmpf olt, %get3A_593, %select_n3A_585 : vector<32x256xf32>
    %select_n3A_595 = arith.select %lt3A_594, %get3A_593, %select_n3A_585 : vector<32x256xi1>, vector<32x256xf32>
    %jit3A_596 = arith.constant 59 : i32
    %broadcast_in_dim3A_597 = vector.broadcast %jit3A_596 : i32 to vector<32x256xi32>
    %select_n3A_598 = arith.select %lt3A_594, %broadcast_in_dim3A_597, %select_n3A_588 : vector<32x256xi1>, vector<32x256xi32>
    %get3A_599 = arith.constant 0 : index
    %get3A_600 = arith.constant 1920 : index
    %get3A_601 = arith.constant 0 : index
    %get3A_602 = vector.load %arg1[%get3A_599, %get3A_600, %get3A_601] : memref<1x4096x256xf32, #tpu.memory_space<vmem>>, vector<1x32x256xf32>
    %get3A_603 = vector.shape_cast %get3A_602 : vector<1x32x256xf32> to vector<32x256xf32>
    %lt3A_604 = arith.cmpf olt, %get3A_603, %select_n3A_595 : vector<32x256xf32>
    %select_n3A_605 = arith.select %lt3A_604, %get3A_603, %select_n3A_595 : vector<32x256xi1>, vector<32x256xf32>
    %jit3A_606 = arith.constant 60 : i32
    %broadcast_in_dim3A_607 = vector.broadcast %jit3A_606 : i32 to vector<32x256xi32>
    %select_n3A_608 = arith.select %lt3A_604, %broadcast_in_dim3A_607, %select_n3A_598 : vector<32x256xi1>, vector<32x256xi32>
    %get3A_609 = arith.constant 0 : index
    %get3A_610 = arith.constant 1952 : index
    %get3A_611 = arith.constant 0 : index
    %get3A_612 = vector.load %arg1[%get3A_609, %get3A_610, %get3A_611] : memref<1x4096x256xf32, #tpu.memory_space<vmem>>, vector<1x32x256xf32>
    %get3A_613 = vector.shape_cast %get3A_612 : vector<1x32x256xf32> to vector<32x256xf32>
    %lt3A_614 = arith.cmpf olt, %get3A_613, %select_n3A_605 : vector<32x256xf32>
    %select_n3A_615 = arith.select %lt3A_614, %get3A_613, %select_n3A_605 : vector<32x256xi1>, vector<32x256xf32>
    %jit3A_616 = arith.constant 61 : i32
    %broadcast_in_dim3A_617 = vector.broadcast %jit3A_616 : i32 to vector<32x256xi32>
    %select_n3A_618 = arith.select %lt3A_614, %broadcast_in_dim3A_617, %select_n3A_608 : vector<32x256xi1>, vector<32x256xi32>
    %get3A_619 = arith.constant 0 : index
    %get3A_620 = arith.constant 1984 : index
    %get3A_621 = arith.constant 0 : index
    %get3A_622 = vector.load %arg1[%get3A_619, %get3A_620, %get3A_621] : memref<1x4096x256xf32, #tpu.memory_space<vmem>>, vector<1x32x256xf32>
    %get3A_623 = vector.shape_cast %get3A_622 : vector<1x32x256xf32> to vector<32x256xf32>
    %lt3A_624 = arith.cmpf olt, %get3A_623, %select_n3A_615 : vector<32x256xf32>
    %select_n3A_625 = arith.select %lt3A_624, %get3A_623, %select_n3A_615 : vector<32x256xi1>, vector<32x256xf32>
    %jit3A_626 = arith.constant 62 : i32
    %broadcast_in_dim3A_627 = vector.broadcast %jit3A_626 : i32 to vector<32x256xi32>
    %select_n3A_628 = arith.select %lt3A_624, %broadcast_in_dim3A_627, %select_n3A_618 : vector<32x256xi1>, vector<32x256xi32>
    %get3A_629 = arith.constant 0 : index
    %get3A_630 = arith.constant 2016 : index
    %get3A_631 = arith.constant 0 : index
    %get3A_632 = vector.load %arg1[%get3A_629, %get3A_630, %get3A_631] : memref<1x4096x256xf32, #tpu.memory_space<vmem>>, vector<1x32x256xf32>
    %get3A_633 = vector.shape_cast %get3A_632 : vector<1x32x256xf32> to vector<32x256xf32>
    %lt3A_634 = arith.cmpf olt, %get3A_633, %select_n3A_625 : vector<32x256xf32>
    %select_n3A_635 = arith.select %lt3A_634, %get3A_633, %select_n3A_625 : vector<32x256xi1>, vector<32x256xf32>
    %jit3A_636 = arith.constant 63 : i32
    %broadcast_in_dim3A_637 = vector.broadcast %jit3A_636 : i32 to vector<32x256xi32>
    %select_n3A_638 = arith.select %lt3A_634, %broadcast_in_dim3A_637, %select_n3A_628 : vector<32x256xi1>, vector<32x256xi32>
    %get3A_639 = arith.constant 0 : index
    %get3A_640 = arith.constant 2048 : index
    %get3A_641 = arith.constant 0 : index
    %get3A_642 = vector.load %arg1[%get3A_639, %get3A_640, %get3A_641] : memref<1x4096x256xf32, #tpu.memory_space<vmem>>, vector<1x32x256xf32>
    %get3A_643 = vector.shape_cast %get3A_642 : vector<1x32x256xf32> to vector<32x256xf32>
    %lt3A_644 = arith.cmpf olt, %get3A_643, %select_n3A_635 : vector<32x256xf32>
    %select_n3A_645 = arith.select %lt3A_644, %get3A_643, %select_n3A_635 : vector<32x256xi1>, vector<32x256xf32>
    %jit3A_646 = arith.constant 64 : i32
    %broadcast_in_dim3A_647 = vector.broadcast %jit3A_646 : i32 to vector<32x256xi32>
    %select_n3A_648 = arith.select %lt3A_644, %broadcast_in_dim3A_647, %select_n3A_638 : vector<32x256xi1>, vector<32x256xi32>
    %get3A_649 = arith.constant 0 : index
    %get3A_650 = arith.constant 2080 : index
    %get3A_651 = arith.constant 0 : index
    %get3A_652 = vector.load %arg1[%get3A_649, %get3A_650, %get3A_651] : memref<1x4096x256xf32, #tpu.memory_space<vmem>>, vector<1x32x256xf32>
    %get3A_653 = vector.shape_cast %get3A_652 : vector<1x32x256xf32> to vector<32x256xf32>
    %lt3A_654 = arith.cmpf olt, %get3A_653, %select_n3A_645 : vector<32x256xf32>
    %select_n3A_655 = arith.select %lt3A_654, %get3A_653, %select_n3A_645 : vector<32x256xi1>, vector<32x256xf32>
    %jit3A_656 = arith.constant 65 : i32
    %broadcast_in_dim3A_657 = vector.broadcast %jit3A_656 : i32 to vector<32x256xi32>
    %select_n3A_658 = arith.select %lt3A_654, %broadcast_in_dim3A_657, %select_n3A_648 : vector<32x256xi1>, vector<32x256xi32>
    %get3A_659 = arith.constant 0 : index
    %get3A_660 = arith.constant 2112 : index
    %get3A_661 = arith.constant 0 : index
    %get3A_662 = vector.load %arg1[%get3A_659, %get3A_660, %get3A_661] : memref<1x4096x256xf32, #tpu.memory_space<vmem>>, vector<1x32x256xf32>
    %get3A_663 = vector.shape_cast %get3A_662 : vector<1x32x256xf32> to vector<32x256xf32>
    %lt3A_664 = arith.cmpf olt, %get3A_663, %select_n3A_655 : vector<32x256xf32>
    %select_n3A_665 = arith.select %lt3A_664, %get3A_663, %select_n3A_655 : vector<32x256xi1>, vector<32x256xf32>
    %jit3A_666 = arith.constant 66 : i32
    %broadcast_in_dim3A_667 = vector.broadcast %jit3A_666 : i32 to vector<32x256xi32>
    %select_n3A_668 = arith.select %lt3A_664, %broadcast_in_dim3A_667, %select_n3A_658 : vector<32x256xi1>, vector<32x256xi32>
    %get3A_669 = arith.constant 0 : index
    %get3A_670 = arith.constant 2144 : index
    %get3A_671 = arith.constant 0 : index
    %get3A_672 = vector.load %arg1[%get3A_669, %get3A_670, %get3A_671] : memref<1x4096x256xf32, #tpu.memory_space<vmem>>, vector<1x32x256xf32>
    %get3A_673 = vector.shape_cast %get3A_672 : vector<1x32x256xf32> to vector<32x256xf32>
    %lt3A_674 = arith.cmpf olt, %get3A_673, %select_n3A_665 : vector<32x256xf32>
    %select_n3A_675 = arith.select %lt3A_674, %get3A_673, %select_n3A_665 : vector<32x256xi1>, vector<32x256xf32>
    %jit3A_676 = arith.constant 67 : i32
    %broadcast_in_dim3A_677 = vector.broadcast %jit3A_676 : i32 to vector<32x256xi32>
    %select_n3A_678 = arith.select %lt3A_674, %broadcast_in_dim3A_677, %select_n3A_668 : vector<32x256xi1>, vector<32x256xi32>
    %get3A_679 = arith.constant 0 : index
    %get3A_680 = arith.constant 2176 : index
    %get3A_681 = arith.constant 0 : index
    %get3A_682 = vector.load %arg1[%get3A_679, %get3A_680, %get3A_681] : memref<1x4096x256xf32, #tpu.memory_space<vmem>>, vector<1x32x256xf32>
    %get3A_683 = vector.shape_cast %get3A_682 : vector<1x32x256xf32> to vector<32x256xf32>
    %lt3A_684 = arith.cmpf olt, %get3A_683, %select_n3A_675 : vector<32x256xf32>
    %select_n3A_685 = arith.select %lt3A_684, %get3A_683, %select_n3A_675 : vector<32x256xi1>, vector<32x256xf32>
    %jit3A_686 = arith.constant 68 : i32
    %broadcast_in_dim3A_687 = vector.broadcast %jit3A_686 : i32 to vector<32x256xi32>
    %select_n3A_688 = arith.select %lt3A_684, %broadcast_in_dim3A_687, %select_n3A_678 : vector<32x256xi1>, vector<32x256xi32>
    %get3A_689 = arith.constant 0 : index
    %get3A_690 = arith.constant 2208 : index
    %get3A_691 = arith.constant 0 : index
    %get3A_692 = vector.load %arg1[%get3A_689, %get3A_690, %get3A_691] : memref<1x4096x256xf32, #tpu.memory_space<vmem>>, vector<1x32x256xf32>
    %get3A_693 = vector.shape_cast %get3A_692 : vector<1x32x256xf32> to vector<32x256xf32>
    %lt3A_694 = arith.cmpf olt, %get3A_693, %select_n3A_685 : vector<32x256xf32>
    %select_n3A_695 = arith.select %lt3A_694, %get3A_693, %select_n3A_685 : vector<32x256xi1>, vector<32x256xf32>
    %jit3A_696 = arith.constant 69 : i32
    %broadcast_in_dim3A_697 = vector.broadcast %jit3A_696 : i32 to vector<32x256xi32>
    %select_n3A_698 = arith.select %lt3A_694, %broadcast_in_dim3A_697, %select_n3A_688 : vector<32x256xi1>, vector<32x256xi32>
    %get3A_699 = arith.constant 0 : index
    %get3A_700 = arith.constant 2240 : index
    %get3A_701 = arith.constant 0 : index
    %get3A_702 = vector.load %arg1[%get3A_699, %get3A_700, %get3A_701] : memref<1x4096x256xf32, #tpu.memory_space<vmem>>, vector<1x32x256xf32>
    %get3A_703 = vector.shape_cast %get3A_702 : vector<1x32x256xf32> to vector<32x256xf32>
    %lt3A_704 = arith.cmpf olt, %get3A_703, %select_n3A_695 : vector<32x256xf32>
    %select_n3A_705 = arith.select %lt3A_704, %get3A_703, %select_n3A_695 : vector<32x256xi1>, vector<32x256xf32>
    %jit3A_706 = arith.constant 70 : i32
    %broadcast_in_dim3A_707 = vector.broadcast %jit3A_706 : i32 to vector<32x256xi32>
    %select_n3A_708 = arith.select %lt3A_704, %broadcast_in_dim3A_707, %select_n3A_698 : vector<32x256xi1>, vector<32x256xi32>
    %get3A_709 = arith.constant 0 : index
    %get3A_710 = arith.constant 2272 : index
    %get3A_711 = arith.constant 0 : index
    %get3A_712 = vector.load %arg1[%get3A_709, %get3A_710, %get3A_711] : memref<1x4096x256xf32, #tpu.memory_space<vmem>>, vector<1x32x256xf32>
    %get3A_713 = vector.shape_cast %get3A_712 : vector<1x32x256xf32> to vector<32x256xf32>
    %lt3A_714 = arith.cmpf olt, %get3A_713, %select_n3A_705 : vector<32x256xf32>
    %select_n3A_715 = arith.select %lt3A_714, %get3A_713, %select_n3A_705 : vector<32x256xi1>, vector<32x256xf32>
    %jit3A_716 = arith.constant 71 : i32
    %broadcast_in_dim3A_717 = vector.broadcast %jit3A_716 : i32 to vector<32x256xi32>
    %select_n3A_718 = arith.select %lt3A_714, %broadcast_in_dim3A_717, %select_n3A_708 : vector<32x256xi1>, vector<32x256xi32>
    %get3A_719 = arith.constant 0 : index
    %get3A_720 = arith.constant 2304 : index
    %get3A_721 = arith.constant 0 : index
    %get3A_722 = vector.load %arg1[%get3A_719, %get3A_720, %get3A_721] : memref<1x4096x256xf32, #tpu.memory_space<vmem>>, vector<1x32x256xf32>
    %get3A_723 = vector.shape_cast %get3A_722 : vector<1x32x256xf32> to vector<32x256xf32>
    %lt3A_724 = arith.cmpf olt, %get3A_723, %select_n3A_715 : vector<32x256xf32>
    %select_n3A_725 = arith.select %lt3A_724, %get3A_723, %select_n3A_715 : vector<32x256xi1>, vector<32x256xf32>
    %jit3A_726 = arith.constant 72 : i32
    %broadcast_in_dim3A_727 = vector.broadcast %jit3A_726 : i32 to vector<32x256xi32>
    %select_n3A_728 = arith.select %lt3A_724, %broadcast_in_dim3A_727, %select_n3A_718 : vector<32x256xi1>, vector<32x256xi32>
    %get3A_729 = arith.constant 0 : index
    %get3A_730 = arith.constant 2336 : index
    %get3A_731 = arith.constant 0 : index
    %get3A_732 = vector.load %arg1[%get3A_729, %get3A_730, %get3A_731] : memref<1x4096x256xf32, #tpu.memory_space<vmem>>, vector<1x32x256xf32>
    %get3A_733 = vector.shape_cast %get3A_732 : vector<1x32x256xf32> to vector<32x256xf32>
    %lt3A_734 = arith.cmpf olt, %get3A_733, %select_n3A_725 : vector<32x256xf32>
    %select_n3A_735 = arith.select %lt3A_734, %get3A_733, %select_n3A_725 : vector<32x256xi1>, vector<32x256xf32>
    %jit3A_736 = arith.constant 73 : i32
    %broadcast_in_dim3A_737 = vector.broadcast %jit3A_736 : i32 to vector<32x256xi32>
    %select_n3A_738 = arith.select %lt3A_734, %broadcast_in_dim3A_737, %select_n3A_728 : vector<32x256xi1>, vector<32x256xi32>
    %get3A_739 = arith.constant 0 : index
    %get3A_740 = arith.constant 2368 : index
    %get3A_741 = arith.constant 0 : index
    %get3A_742 = vector.load %arg1[%get3A_739, %get3A_740, %get3A_741] : memref<1x4096x256xf32, #tpu.memory_space<vmem>>, vector<1x32x256xf32>
    %get3A_743 = vector.shape_cast %get3A_742 : vector<1x32x256xf32> to vector<32x256xf32>
    %lt3A_744 = arith.cmpf olt, %get3A_743, %select_n3A_735 : vector<32x256xf32>
    %select_n3A_745 = arith.select %lt3A_744, %get3A_743, %select_n3A_735 : vector<32x256xi1>, vector<32x256xf32>
    %jit3A_746 = arith.constant 74 : i32
    %broadcast_in_dim3A_747 = vector.broadcast %jit3A_746 : i32 to vector<32x256xi32>
    %select_n3A_748 = arith.select %lt3A_744, %broadcast_in_dim3A_747, %select_n3A_738 : vector<32x256xi1>, vector<32x256xi32>
    %get3A_749 = arith.constant 0 : index
    %get3A_750 = arith.constant 2400 : index
    %get3A_751 = arith.constant 0 : index
    %get3A_752 = vector.load %arg1[%get3A_749, %get3A_750, %get3A_751] : memref<1x4096x256xf32, #tpu.memory_space<vmem>>, vector<1x32x256xf32>
    %get3A_753 = vector.shape_cast %get3A_752 : vector<1x32x256xf32> to vector<32x256xf32>
    %lt3A_754 = arith.cmpf olt, %get3A_753, %select_n3A_745 : vector<32x256xf32>
    %select_n3A_755 = arith.select %lt3A_754, %get3A_753, %select_n3A_745 : vector<32x256xi1>, vector<32x256xf32>
    %jit3A_756 = arith.constant 75 : i32
    %broadcast_in_dim3A_757 = vector.broadcast %jit3A_756 : i32 to vector<32x256xi32>
    %select_n3A_758 = arith.select %lt3A_754, %broadcast_in_dim3A_757, %select_n3A_748 : vector<32x256xi1>, vector<32x256xi32>
    %get3A_759 = arith.constant 0 : index
    %get3A_760 = arith.constant 2432 : index
    %get3A_761 = arith.constant 0 : index
    %get3A_762 = vector.load %arg1[%get3A_759, %get3A_760, %get3A_761] : memref<1x4096x256xf32, #tpu.memory_space<vmem>>, vector<1x32x256xf32>
    %get3A_763 = vector.shape_cast %get3A_762 : vector<1x32x256xf32> to vector<32x256xf32>
    %lt3A_764 = arith.cmpf olt, %get3A_763, %select_n3A_755 : vector<32x256xf32>
    %select_n3A_765 = arith.select %lt3A_764, %get3A_763, %select_n3A_755 : vector<32x256xi1>, vector<32x256xf32>
    %jit3A_766 = arith.constant 76 : i32
    %broadcast_in_dim3A_767 = vector.broadcast %jit3A_766 : i32 to vector<32x256xi32>
    %select_n3A_768 = arith.select %lt3A_764, %broadcast_in_dim3A_767, %select_n3A_758 : vector<32x256xi1>, vector<32x256xi32>
    %get3A_769 = arith.constant 0 : index
    %get3A_770 = arith.constant 2464 : index
    %get3A_771 = arith.constant 0 : index
    %get3A_772 = vector.load %arg1[%get3A_769, %get3A_770, %get3A_771] : memref<1x4096x256xf32, #tpu.memory_space<vmem>>, vector<1x32x256xf32>
    %get3A_773 = vector.shape_cast %get3A_772 : vector<1x32x256xf32> to vector<32x256xf32>
    %lt3A_774 = arith.cmpf olt, %get3A_773, %select_n3A_765 : vector<32x256xf32>
    %select_n3A_775 = arith.select %lt3A_774, %get3A_773, %select_n3A_765 : vector<32x256xi1>, vector<32x256xf32>
    %jit3A_776 = arith.constant 77 : i32
    %broadcast_in_dim3A_777 = vector.broadcast %jit3A_776 : i32 to vector<32x256xi32>
    %select_n3A_778 = arith.select %lt3A_774, %broadcast_in_dim3A_777, %select_n3A_768 : vector<32x256xi1>, vector<32x256xi32>
    %get3A_779 = arith.constant 0 : index
    %get3A_780 = arith.constant 2496 : index
    %get3A_781 = arith.constant 0 : index
    %get3A_782 = vector.load %arg1[%get3A_779, %get3A_780, %get3A_781] : memref<1x4096x256xf32, #tpu.memory_space<vmem>>, vector<1x32x256xf32>
    %get3A_783 = vector.shape_cast %get3A_782 : vector<1x32x256xf32> to vector<32x256xf32>
    %lt3A_784 = arith.cmpf olt, %get3A_783, %select_n3A_775 : vector<32x256xf32>
    %select_n3A_785 = arith.select %lt3A_784, %get3A_783, %select_n3A_775 : vector<32x256xi1>, vector<32x256xf32>
    %jit3A_786 = arith.constant 78 : i32
    %broadcast_in_dim3A_787 = vector.broadcast %jit3A_786 : i32 to vector<32x256xi32>
    %select_n3A_788 = arith.select %lt3A_784, %broadcast_in_dim3A_787, %select_n3A_778 : vector<32x256xi1>, vector<32x256xi32>
    %get3A_789 = arith.constant 0 : index
    %get3A_790 = arith.constant 2528 : index
    %get3A_791 = arith.constant 0 : index
    %get3A_792 = vector.load %arg1[%get3A_789, %get3A_790, %get3A_791] : memref<1x4096x256xf32, #tpu.memory_space<vmem>>, vector<1x32x256xf32>
    %get3A_793 = vector.shape_cast %get3A_792 : vector<1x32x256xf32> to vector<32x256xf32>
    %lt3A_794 = arith.cmpf olt, %get3A_793, %select_n3A_785 : vector<32x256xf32>
    %select_n3A_795 = arith.select %lt3A_794, %get3A_793, %select_n3A_785 : vector<32x256xi1>, vector<32x256xf32>
    %jit3A_796 = arith.constant 79 : i32
    %broadcast_in_dim3A_797 = vector.broadcast %jit3A_796 : i32 to vector<32x256xi32>
    %select_n3A_798 = arith.select %lt3A_794, %broadcast_in_dim3A_797, %select_n3A_788 : vector<32x256xi1>, vector<32x256xi32>
    %get3A_799 = arith.constant 0 : index
    %get3A_800 = arith.constant 2560 : index
    %get3A_801 = arith.constant 0 : index
    %get3A_802 = vector.load %arg1[%get3A_799, %get3A_800, %get3A_801] : memref<1x4096x256xf32, #tpu.memory_space<vmem>>, vector<1x32x256xf32>
    %get3A_803 = vector.shape_cast %get3A_802 : vector<1x32x256xf32> to vector<32x256xf32>
    %lt3A_804 = arith.cmpf olt, %get3A_803, %select_n3A_795 : vector<32x256xf32>
    %select_n3A_805 = arith.select %lt3A_804, %get3A_803, %select_n3A_795 : vector<32x256xi1>, vector<32x256xf32>
    %jit3A_806 = arith.constant 80 : i32
    %broadcast_in_dim3A_807 = vector.broadcast %jit3A_806 : i32 to vector<32x256xi32>
    %select_n3A_808 = arith.select %lt3A_804, %broadcast_in_dim3A_807, %select_n3A_798 : vector<32x256xi1>, vector<32x256xi32>
    %get3A_809 = arith.constant 0 : index
    %get3A_810 = arith.constant 2592 : index
    %get3A_811 = arith.constant 0 : index
    %get3A_812 = vector.load %arg1[%get3A_809, %get3A_810, %get3A_811] : memref<1x4096x256xf32, #tpu.memory_space<vmem>>, vector<1x32x256xf32>
    %get3A_813 = vector.shape_cast %get3A_812 : vector<1x32x256xf32> to vector<32x256xf32>
    %lt3A_814 = arith.cmpf olt, %get3A_813, %select_n3A_805 : vector<32x256xf32>
    %select_n3A_815 = arith.select %lt3A_814, %get3A_813, %select_n3A_805 : vector<32x256xi1>, vector<32x256xf32>
    %jit3A_816 = arith.constant 81 : i32
    %broadcast_in_dim3A_817 = vector.broadcast %jit3A_816 : i32 to vector<32x256xi32>
    %select_n3A_818 = arith.select %lt3A_814, %broadcast_in_dim3A_817, %select_n3A_808 : vector<32x256xi1>, vector<32x256xi32>
    %get3A_819 = arith.constant 0 : index
    %get3A_820 = arith.constant 2624 : index
    %get3A_821 = arith.constant 0 : index
    %get3A_822 = vector.load %arg1[%get3A_819, %get3A_820, %get3A_821] : memref<1x4096x256xf32, #tpu.memory_space<vmem>>, vector<1x32x256xf32>
    %get3A_823 = vector.shape_cast %get3A_822 : vector<1x32x256xf32> to vector<32x256xf32>
    %lt3A_824 = arith.cmpf olt, %get3A_823, %select_n3A_815 : vector<32x256xf32>
    %select_n3A_825 = arith.select %lt3A_824, %get3A_823, %select_n3A_815 : vector<32x256xi1>, vector<32x256xf32>
    %jit3A_826 = arith.constant 82 : i32
    %broadcast_in_dim3A_827 = vector.broadcast %jit3A_826 : i32 to vector<32x256xi32>
    %select_n3A_828 = arith.select %lt3A_824, %broadcast_in_dim3A_827, %select_n3A_818 : vector<32x256xi1>, vector<32x256xi32>
    %get3A_829 = arith.constant 0 : index
    %get3A_830 = arith.constant 2656 : index
    %get3A_831 = arith.constant 0 : index
    %get3A_832 = vector.load %arg1[%get3A_829, %get3A_830, %get3A_831] : memref<1x4096x256xf32, #tpu.memory_space<vmem>>, vector<1x32x256xf32>
    %get3A_833 = vector.shape_cast %get3A_832 : vector<1x32x256xf32> to vector<32x256xf32>
    %lt3A_834 = arith.cmpf olt, %get3A_833, %select_n3A_825 : vector<32x256xf32>
    %select_n3A_835 = arith.select %lt3A_834, %get3A_833, %select_n3A_825 : vector<32x256xi1>, vector<32x256xf32>
    %jit3A_836 = arith.constant 83 : i32
    %broadcast_in_dim3A_837 = vector.broadcast %jit3A_836 : i32 to vector<32x256xi32>
    %select_n3A_838 = arith.select %lt3A_834, %broadcast_in_dim3A_837, %select_n3A_828 : vector<32x256xi1>, vector<32x256xi32>
    %get3A_839 = arith.constant 0 : index
    %get3A_840 = arith.constant 2688 : index
    %get3A_841 = arith.constant 0 : index
    %get3A_842 = vector.load %arg1[%get3A_839, %get3A_840, %get3A_841] : memref<1x4096x256xf32, #tpu.memory_space<vmem>>, vector<1x32x256xf32>
    %get3A_843 = vector.shape_cast %get3A_842 : vector<1x32x256xf32> to vector<32x256xf32>
    %lt3A_844 = arith.cmpf olt, %get3A_843, %select_n3A_835 : vector<32x256xf32>
    %select_n3A_845 = arith.select %lt3A_844, %get3A_843, %select_n3A_835 : vector<32x256xi1>, vector<32x256xf32>
    %jit3A_846 = arith.constant 84 : i32
    %broadcast_in_dim3A_847 = vector.broadcast %jit3A_846 : i32 to vector<32x256xi32>
    %select_n3A_848 = arith.select %lt3A_844, %broadcast_in_dim3A_847, %select_n3A_838 : vector<32x256xi1>, vector<32x256xi32>
    %get3A_849 = arith.constant 0 : index
    %get3A_850 = arith.constant 2720 : index
    %get3A_851 = arith.constant 0 : index
    %get3A_852 = vector.load %arg1[%get3A_849, %get3A_850, %get3A_851] : memref<1x4096x256xf32, #tpu.memory_space<vmem>>, vector<1x32x256xf32>
    %get3A_853 = vector.shape_cast %get3A_852 : vector<1x32x256xf32> to vector<32x256xf32>
    %lt3A_854 = arith.cmpf olt, %get3A_853, %select_n3A_845 : vector<32x256xf32>
    %select_n3A_855 = arith.select %lt3A_854, %get3A_853, %select_n3A_845 : vector<32x256xi1>, vector<32x256xf32>
    %jit3A_856 = arith.constant 85 : i32
    %broadcast_in_dim3A_857 = vector.broadcast %jit3A_856 : i32 to vector<32x256xi32>
    %select_n3A_858 = arith.select %lt3A_854, %broadcast_in_dim3A_857, %select_n3A_848 : vector<32x256xi1>, vector<32x256xi32>
    %get3A_859 = arith.constant 0 : index
    %get3A_860 = arith.constant 2752 : index
    %get3A_861 = arith.constant 0 : index
    %get3A_862 = vector.load %arg1[%get3A_859, %get3A_860, %get3A_861] : memref<1x4096x256xf32, #tpu.memory_space<vmem>>, vector<1x32x256xf32>
    %get3A_863 = vector.shape_cast %get3A_862 : vector<1x32x256xf32> to vector<32x256xf32>
    %lt3A_864 = arith.cmpf olt, %get3A_863, %select_n3A_855 : vector<32x256xf32>
    %select_n3A_865 = arith.select %lt3A_864, %get3A_863, %select_n3A_855 : vector<32x256xi1>, vector<32x256xf32>
    %jit3A_866 = arith.constant 86 : i32
    %broadcast_in_dim3A_867 = vector.broadcast %jit3A_866 : i32 to vector<32x256xi32>
    %select_n3A_868 = arith.select %lt3A_864, %broadcast_in_dim3A_867, %select_n3A_858 : vector<32x256xi1>, vector<32x256xi32>
    %get3A_869 = arith.constant 0 : index
    %get3A_870 = arith.constant 2784 : index
    %get3A_871 = arith.constant 0 : index
    %get3A_872 = vector.load %arg1[%get3A_869, %get3A_870, %get3A_871] : memref<1x4096x256xf32, #tpu.memory_space<vmem>>, vector<1x32x256xf32>
    %get3A_873 = vector.shape_cast %get3A_872 : vector<1x32x256xf32> to vector<32x256xf32>
    %lt3A_874 = arith.cmpf olt, %get3A_873, %select_n3A_865 : vector<32x256xf32>
    %select_n3A_875 = arith.select %lt3A_874, %get3A_873, %select_n3A_865 : vector<32x256xi1>, vector<32x256xf32>
    %jit3A_876 = arith.constant 87 : i32
    %broadcast_in_dim3A_877 = vector.broadcast %jit3A_876 : i32 to vector<32x256xi32>
    %select_n3A_878 = arith.select %lt3A_874, %broadcast_in_dim3A_877, %select_n3A_868 : vector<32x256xi1>, vector<32x256xi32>
    %get3A_879 = arith.constant 0 : index
    %get3A_880 = arith.constant 2816 : index
    %get3A_881 = arith.constant 0 : index
    %get3A_882 = vector.load %arg1[%get3A_879, %get3A_880, %get3A_881] : memref<1x4096x256xf32, #tpu.memory_space<vmem>>, vector<1x32x256xf32>
    %get3A_883 = vector.shape_cast %get3A_882 : vector<1x32x256xf32> to vector<32x256xf32>
    %lt3A_884 = arith.cmpf olt, %get3A_883, %select_n3A_875 : vector<32x256xf32>
    %select_n3A_885 = arith.select %lt3A_884, %get3A_883, %select_n3A_875 : vector<32x256xi1>, vector<32x256xf32>
    %jit3A_886 = arith.constant 88 : i32
    %broadcast_in_dim3A_887 = vector.broadcast %jit3A_886 : i32 to vector<32x256xi32>
    %select_n3A_888 = arith.select %lt3A_884, %broadcast_in_dim3A_887, %select_n3A_878 : vector<32x256xi1>, vector<32x256xi32>
    %get3A_889 = arith.constant 0 : index
    %get3A_890 = arith.constant 2848 : index
    %get3A_891 = arith.constant 0 : index
    %get3A_892 = vector.load %arg1[%get3A_889, %get3A_890, %get3A_891] : memref<1x4096x256xf32, #tpu.memory_space<vmem>>, vector<1x32x256xf32>
    %get3A_893 = vector.shape_cast %get3A_892 : vector<1x32x256xf32> to vector<32x256xf32>
    %lt3A_894 = arith.cmpf olt, %get3A_893, %select_n3A_885 : vector<32x256xf32>
    %select_n3A_895 = arith.select %lt3A_894, %get3A_893, %select_n3A_885 : vector<32x256xi1>, vector<32x256xf32>
    %jit3A_896 = arith.constant 89 : i32
    %broadcast_in_dim3A_897 = vector.broadcast %jit3A_896 : i32 to vector<32x256xi32>
    %select_n3A_898 = arith.select %lt3A_894, %broadcast_in_dim3A_897, %select_n3A_888 : vector<32x256xi1>, vector<32x256xi32>
    %get3A_899 = arith.constant 0 : index
    %get3A_900 = arith.constant 2880 : index
    %get3A_901 = arith.constant 0 : index
    %get3A_902 = vector.load %arg1[%get3A_899, %get3A_900, %get3A_901] : memref<1x4096x256xf32, #tpu.memory_space<vmem>>, vector<1x32x256xf32>
    %get3A_903 = vector.shape_cast %get3A_902 : vector<1x32x256xf32> to vector<32x256xf32>
    %lt3A_904 = arith.cmpf olt, %get3A_903, %select_n3A_895 : vector<32x256xf32>
    %select_n3A_905 = arith.select %lt3A_904, %get3A_903, %select_n3A_895 : vector<32x256xi1>, vector<32x256xf32>
    %jit3A_906 = arith.constant 90 : i32
    %broadcast_in_dim3A_907 = vector.broadcast %jit3A_906 : i32 to vector<32x256xi32>
    %select_n3A_908 = arith.select %lt3A_904, %broadcast_in_dim3A_907, %select_n3A_898 : vector<32x256xi1>, vector<32x256xi32>
    %get3A_909 = arith.constant 0 : index
    %get3A_910 = arith.constant 2912 : index
    %get3A_911 = arith.constant 0 : index
    %get3A_912 = vector.load %arg1[%get3A_909, %get3A_910, %get3A_911] : memref<1x4096x256xf32, #tpu.memory_space<vmem>>, vector<1x32x256xf32>
    %get3A_913 = vector.shape_cast %get3A_912 : vector<1x32x256xf32> to vector<32x256xf32>
    %lt3A_914 = arith.cmpf olt, %get3A_913, %select_n3A_905 : vector<32x256xf32>
    %select_n3A_915 = arith.select %lt3A_914, %get3A_913, %select_n3A_905 : vector<32x256xi1>, vector<32x256xf32>
    %jit3A_916 = arith.constant 91 : i32
    %broadcast_in_dim3A_917 = vector.broadcast %jit3A_916 : i32 to vector<32x256xi32>
    %select_n3A_918 = arith.select %lt3A_914, %broadcast_in_dim3A_917, %select_n3A_908 : vector<32x256xi1>, vector<32x256xi32>
    %get3A_919 = arith.constant 0 : index
    %get3A_920 = arith.constant 2944 : index
    %get3A_921 = arith.constant 0 : index
    %get3A_922 = vector.load %arg1[%get3A_919, %get3A_920, %get3A_921] : memref<1x4096x256xf32, #tpu.memory_space<vmem>>, vector<1x32x256xf32>
    %get3A_923 = vector.shape_cast %get3A_922 : vector<1x32x256xf32> to vector<32x256xf32>
    %lt3A_924 = arith.cmpf olt, %get3A_923, %select_n3A_915 : vector<32x256xf32>
    %select_n3A_925 = arith.select %lt3A_924, %get3A_923, %select_n3A_915 : vector<32x256xi1>, vector<32x256xf32>
    %jit3A_926 = arith.constant 92 : i32
    %broadcast_in_dim3A_927 = vector.broadcast %jit3A_926 : i32 to vector<32x256xi32>
    %select_n3A_928 = arith.select %lt3A_924, %broadcast_in_dim3A_927, %select_n3A_918 : vector<32x256xi1>, vector<32x256xi32>
    %get3A_929 = arith.constant 0 : index
    %get3A_930 = arith.constant 2976 : index
    %get3A_931 = arith.constant 0 : index
    %get3A_932 = vector.load %arg1[%get3A_929, %get3A_930, %get3A_931] : memref<1x4096x256xf32, #tpu.memory_space<vmem>>, vector<1x32x256xf32>
    %get3A_933 = vector.shape_cast %get3A_932 : vector<1x32x256xf32> to vector<32x256xf32>
    %lt3A_934 = arith.cmpf olt, %get3A_933, %select_n3A_925 : vector<32x256xf32>
    %select_n3A_935 = arith.select %lt3A_934, %get3A_933, %select_n3A_925 : vector<32x256xi1>, vector<32x256xf32>
    %jit3A_936 = arith.constant 93 : i32
    %broadcast_in_dim3A_937 = vector.broadcast %jit3A_936 : i32 to vector<32x256xi32>
    %select_n3A_938 = arith.select %lt3A_934, %broadcast_in_dim3A_937, %select_n3A_928 : vector<32x256xi1>, vector<32x256xi32>
    %get3A_939 = arith.constant 0 : index
    %get3A_940 = arith.constant 3008 : index
    %get3A_941 = arith.constant 0 : index
    %get3A_942 = vector.load %arg1[%get3A_939, %get3A_940, %get3A_941] : memref<1x4096x256xf32, #tpu.memory_space<vmem>>, vector<1x32x256xf32>
    %get3A_943 = vector.shape_cast %get3A_942 : vector<1x32x256xf32> to vector<32x256xf32>
    %lt3A_944 = arith.cmpf olt, %get3A_943, %select_n3A_935 : vector<32x256xf32>
    %select_n3A_945 = arith.select %lt3A_944, %get3A_943, %select_n3A_935 : vector<32x256xi1>, vector<32x256xf32>
    %jit3A_946 = arith.constant 94 : i32
    %broadcast_in_dim3A_947 = vector.broadcast %jit3A_946 : i32 to vector<32x256xi32>
    %select_n3A_948 = arith.select %lt3A_944, %broadcast_in_dim3A_947, %select_n3A_938 : vector<32x256xi1>, vector<32x256xi32>
    %get3A_949 = arith.constant 0 : index
    %get3A_950 = arith.constant 3040 : index
    %get3A_951 = arith.constant 0 : index
    %get3A_952 = vector.load %arg1[%get3A_949, %get3A_950, %get3A_951] : memref<1x4096x256xf32, #tpu.memory_space<vmem>>, vector<1x32x256xf32>
    %get3A_953 = vector.shape_cast %get3A_952 : vector<1x32x256xf32> to vector<32x256xf32>
    %lt3A_954 = arith.cmpf olt, %get3A_953, %select_n3A_945 : vector<32x256xf32>
    %select_n3A_955 = arith.select %lt3A_954, %get3A_953, %select_n3A_945 : vector<32x256xi1>, vector<32x256xf32>
    %jit3A_956 = arith.constant 95 : i32
    %broadcast_in_dim3A_957 = vector.broadcast %jit3A_956 : i32 to vector<32x256xi32>
    %select_n3A_958 = arith.select %lt3A_954, %broadcast_in_dim3A_957, %select_n3A_948 : vector<32x256xi1>, vector<32x256xi32>
    %get3A_959 = arith.constant 0 : index
    %get3A_960 = arith.constant 3072 : index
    %get3A_961 = arith.constant 0 : index
    %get3A_962 = vector.load %arg1[%get3A_959, %get3A_960, %get3A_961] : memref<1x4096x256xf32, #tpu.memory_space<vmem>>, vector<1x32x256xf32>
    %get3A_963 = vector.shape_cast %get3A_962 : vector<1x32x256xf32> to vector<32x256xf32>
    %lt3A_964 = arith.cmpf olt, %get3A_963, %select_n3A_955 : vector<32x256xf32>
    %select_n3A_965 = arith.select %lt3A_964, %get3A_963, %select_n3A_955 : vector<32x256xi1>, vector<32x256xf32>
    %jit3A_966 = arith.constant 96 : i32
    %broadcast_in_dim3A_967 = vector.broadcast %jit3A_966 : i32 to vector<32x256xi32>
    %select_n3A_968 = arith.select %lt3A_964, %broadcast_in_dim3A_967, %select_n3A_958 : vector<32x256xi1>, vector<32x256xi32>
    %get3A_969 = arith.constant 0 : index
    %get3A_970 = arith.constant 3104 : index
    %get3A_971 = arith.constant 0 : index
    %get3A_972 = vector.load %arg1[%get3A_969, %get3A_970, %get3A_971] : memref<1x4096x256xf32, #tpu.memory_space<vmem>>, vector<1x32x256xf32>
    %get3A_973 = vector.shape_cast %get3A_972 : vector<1x32x256xf32> to vector<32x256xf32>
    %lt3A_974 = arith.cmpf olt, %get3A_973, %select_n3A_965 : vector<32x256xf32>
    %select_n3A_975 = arith.select %lt3A_974, %get3A_973, %select_n3A_965 : vector<32x256xi1>, vector<32x256xf32>
    %jit3A_976 = arith.constant 97 : i32
    %broadcast_in_dim3A_977 = vector.broadcast %jit3A_976 : i32 to vector<32x256xi32>
    %select_n3A_978 = arith.select %lt3A_974, %broadcast_in_dim3A_977, %select_n3A_968 : vector<32x256xi1>, vector<32x256xi32>
    %get3A_979 = arith.constant 0 : index
    %get3A_980 = arith.constant 3136 : index
    %get3A_981 = arith.constant 0 : index
    %get3A_982 = vector.load %arg1[%get3A_979, %get3A_980, %get3A_981] : memref<1x4096x256xf32, #tpu.memory_space<vmem>>, vector<1x32x256xf32>
    %get3A_983 = vector.shape_cast %get3A_982 : vector<1x32x256xf32> to vector<32x256xf32>
    %lt3A_984 = arith.cmpf olt, %get3A_983, %select_n3A_975 : vector<32x256xf32>
    %select_n3A_985 = arith.select %lt3A_984, %get3A_983, %select_n3A_975 : vector<32x256xi1>, vector<32x256xf32>
    %jit3A_986 = arith.constant 98 : i32
    %broadcast_in_dim3A_987 = vector.broadcast %jit3A_986 : i32 to vector<32x256xi32>
    %select_n3A_988 = arith.select %lt3A_984, %broadcast_in_dim3A_987, %select_n3A_978 : vector<32x256xi1>, vector<32x256xi32>
    %get3A_989 = arith.constant 0 : index
    %get3A_990 = arith.constant 3168 : index
    %get3A_991 = arith.constant 0 : index
    %get3A_992 = vector.load %arg1[%get3A_989, %get3A_990, %get3A_991] : memref<1x4096x256xf32, #tpu.memory_space<vmem>>, vector<1x32x256xf32>
    %get3A_993 = vector.shape_cast %get3A_992 : vector<1x32x256xf32> to vector<32x256xf32>
    %lt3A_994 = arith.cmpf olt, %get3A_993, %select_n3A_985 : vector<32x256xf32>
    %select_n3A_995 = arith.select %lt3A_994, %get3A_993, %select_n3A_985 : vector<32x256xi1>, vector<32x256xf32>
    %jit3A_996 = arith.constant 99 : i32
    %broadcast_in_dim3A_997 = vector.broadcast %jit3A_996 : i32 to vector<32x256xi32>
    %select_n3A_998 = arith.select %lt3A_994, %broadcast_in_dim3A_997, %select_n3A_988 : vector<32x256xi1>, vector<32x256xi32>
    %get3A_999 = arith.constant 0 : index
    %get3A_1000 = arith.constant 3200 : index
    %get3A_1001 = arith.constant 0 : index
    %get3A_1002 = vector.load %arg1[%get3A_999, %get3A_1000, %get3A_1001] : memref<1x4096x256xf32, #tpu.memory_space<vmem>>, vector<1x32x256xf32>
    %get3A_1003 = vector.shape_cast %get3A_1002 : vector<1x32x256xf32> to vector<32x256xf32>
    %lt3A_1004 = arith.cmpf olt, %get3A_1003, %select_n3A_995 : vector<32x256xf32>
    %select_n3A_1005 = arith.select %lt3A_1004, %get3A_1003, %select_n3A_995 : vector<32x256xi1>, vector<32x256xf32>
    %jit3A_1006 = arith.constant 100 : i32
    %broadcast_in_dim3A_1007 = vector.broadcast %jit3A_1006 : i32 to vector<32x256xi32>
    %select_n3A_1008 = arith.select %lt3A_1004, %broadcast_in_dim3A_1007, %select_n3A_998 : vector<32x256xi1>, vector<32x256xi32>
    %get3A_1009 = arith.constant 0 : index
    %get3A_1010 = arith.constant 3232 : index
    %get3A_1011 = arith.constant 0 : index
    %get3A_1012 = vector.load %arg1[%get3A_1009, %get3A_1010, %get3A_1011] : memref<1x4096x256xf32, #tpu.memory_space<vmem>>, vector<1x32x256xf32>
    %get3A_1013 = vector.shape_cast %get3A_1012 : vector<1x32x256xf32> to vector<32x256xf32>
    %lt3A_1014 = arith.cmpf olt, %get3A_1013, %select_n3A_1005 : vector<32x256xf32>
    %select_n3A_1015 = arith.select %lt3A_1014, %get3A_1013, %select_n3A_1005 : vector<32x256xi1>, vector<32x256xf32>
    %jit3A_1016 = arith.constant 101 : i32
    %broadcast_in_dim3A_1017 = vector.broadcast %jit3A_1016 : i32 to vector<32x256xi32>
    %select_n3A_1018 = arith.select %lt3A_1014, %broadcast_in_dim3A_1017, %select_n3A_1008 : vector<32x256xi1>, vector<32x256xi32>
    %get3A_1019 = arith.constant 0 : index
    %get3A_1020 = arith.constant 3264 : index
    %get3A_1021 = arith.constant 0 : index
    %get3A_1022 = vector.load %arg1[%get3A_1019, %get3A_1020, %get3A_1021] : memref<1x4096x256xf32, #tpu.memory_space<vmem>>, vector<1x32x256xf32>
    %get3A_1023 = vector.shape_cast %get3A_1022 : vector<1x32x256xf32> to vector<32x256xf32>
    %lt3A_1024 = arith.cmpf olt, %get3A_1023, %select_n3A_1015 : vector<32x256xf32>
    %select_n3A_1025 = arith.select %lt3A_1024, %get3A_1023, %select_n3A_1015 : vector<32x256xi1>, vector<32x256xf32>
    %jit3A_1026 = arith.constant 102 : i32
    %broadcast_in_dim3A_1027 = vector.broadcast %jit3A_1026 : i32 to vector<32x256xi32>
    %select_n3A_1028 = arith.select %lt3A_1024, %broadcast_in_dim3A_1027, %select_n3A_1018 : vector<32x256xi1>, vector<32x256xi32>
    %get3A_1029 = arith.constant 0 : index
    %get3A_1030 = arith.constant 3296 : index
    %get3A_1031 = arith.constant 0 : index
    %get3A_1032 = vector.load %arg1[%get3A_1029, %get3A_1030, %get3A_1031] : memref<1x4096x256xf32, #tpu.memory_space<vmem>>, vector<1x32x256xf32>
    %get3A_1033 = vector.shape_cast %get3A_1032 : vector<1x32x256xf32> to vector<32x256xf32>
    %lt3A_1034 = arith.cmpf olt, %get3A_1033, %select_n3A_1025 : vector<32x256xf32>
    %select_n3A_1035 = arith.select %lt3A_1034, %get3A_1033, %select_n3A_1025 : vector<32x256xi1>, vector<32x256xf32>
    %jit3A_1036 = arith.constant 103 : i32
    %broadcast_in_dim3A_1037 = vector.broadcast %jit3A_1036 : i32 to vector<32x256xi32>
    %select_n3A_1038 = arith.select %lt3A_1034, %broadcast_in_dim3A_1037, %select_n3A_1028 : vector<32x256xi1>, vector<32x256xi32>
    %get3A_1039 = arith.constant 0 : index
    %get3A_1040 = arith.constant 3328 : index
    %get3A_1041 = arith.constant 0 : index
    %get3A_1042 = vector.load %arg1[%get3A_1039, %get3A_1040, %get3A_1041] : memref<1x4096x256xf32, #tpu.memory_space<vmem>>, vector<1x32x256xf32>
    %get3A_1043 = vector.shape_cast %get3A_1042 : vector<1x32x256xf32> to vector<32x256xf32>
    %lt3A_1044 = arith.cmpf olt, %get3A_1043, %select_n3A_1035 : vector<32x256xf32>
    %select_n3A_1045 = arith.select %lt3A_1044, %get3A_1043, %select_n3A_1035 : vector<32x256xi1>, vector<32x256xf32>
    %jit3A_1046 = arith.constant 104 : i32
    %broadcast_in_dim3A_1047 = vector.broadcast %jit3A_1046 : i32 to vector<32x256xi32>
    %select_n3A_1048 = arith.select %lt3A_1044, %broadcast_in_dim3A_1047, %select_n3A_1038 : vector<32x256xi1>, vector<32x256xi32>
    %get3A_1049 = arith.constant 0 : index
    %get3A_1050 = arith.constant 3360 : index
    %get3A_1051 = arith.constant 0 : index
    %get3A_1052 = vector.load %arg1[%get3A_1049, %get3A_1050, %get3A_1051] : memref<1x4096x256xf32, #tpu.memory_space<vmem>>, vector<1x32x256xf32>
    %get3A_1053 = vector.shape_cast %get3A_1052 : vector<1x32x256xf32> to vector<32x256xf32>
    %lt3A_1054 = arith.cmpf olt, %get3A_1053, %select_n3A_1045 : vector<32x256xf32>
    %select_n3A_1055 = arith.select %lt3A_1054, %get3A_1053, %select_n3A_1045 : vector<32x256xi1>, vector<32x256xf32>
    %jit3A_1056 = arith.constant 105 : i32
    %broadcast_in_dim3A_1057 = vector.broadcast %jit3A_1056 : i32 to vector<32x256xi32>
    %select_n3A_1058 = arith.select %lt3A_1054, %broadcast_in_dim3A_1057, %select_n3A_1048 : vector<32x256xi1>, vector<32x256xi32>
    %get3A_1059 = arith.constant 0 : index
    %get3A_1060 = arith.constant 3392 : index
    %get3A_1061 = arith.constant 0 : index
    %get3A_1062 = vector.load %arg1[%get3A_1059, %get3A_1060, %get3A_1061] : memref<1x4096x256xf32, #tpu.memory_space<vmem>>, vector<1x32x256xf32>
    %get3A_1063 = vector.shape_cast %get3A_1062 : vector<1x32x256xf32> to vector<32x256xf32>
    %lt3A_1064 = arith.cmpf olt, %get3A_1063, %select_n3A_1055 : vector<32x256xf32>
    %select_n3A_1065 = arith.select %lt3A_1064, %get3A_1063, %select_n3A_1055 : vector<32x256xi1>, vector<32x256xf32>
    %jit3A_1066 = arith.constant 106 : i32
    %broadcast_in_dim3A_1067 = vector.broadcast %jit3A_1066 : i32 to vector<32x256xi32>
    %select_n3A_1068 = arith.select %lt3A_1064, %broadcast_in_dim3A_1067, %select_n3A_1058 : vector<32x256xi1>, vector<32x256xi32>
    %get3A_1069 = arith.constant 0 : index
    %get3A_1070 = arith.constant 3424 : index
    %get3A_1071 = arith.constant 0 : index
    %get3A_1072 = vector.load %arg1[%get3A_1069, %get3A_1070, %get3A_1071] : memref<1x4096x256xf32, #tpu.memory_space<vmem>>, vector<1x32x256xf32>
    %get3A_1073 = vector.shape_cast %get3A_1072 : vector<1x32x256xf32> to vector<32x256xf32>
    %lt3A_1074 = arith.cmpf olt, %get3A_1073, %select_n3A_1065 : vector<32x256xf32>
    %select_n3A_1075 = arith.select %lt3A_1074, %get3A_1073, %select_n3A_1065 : vector<32x256xi1>, vector<32x256xf32>
    %jit3A_1076 = arith.constant 107 : i32
    %broadcast_in_dim3A_1077 = vector.broadcast %jit3A_1076 : i32 to vector<32x256xi32>
    %select_n3A_1078 = arith.select %lt3A_1074, %broadcast_in_dim3A_1077, %select_n3A_1068 : vector<32x256xi1>, vector<32x256xi32>
    %get3A_1079 = arith.constant 0 : index
    %get3A_1080 = arith.constant 3456 : index
    %get3A_1081 = arith.constant 0 : index
    %get3A_1082 = vector.load %arg1[%get3A_1079, %get3A_1080, %get3A_1081] : memref<1x4096x256xf32, #tpu.memory_space<vmem>>, vector<1x32x256xf32>
    %get3A_1083 = vector.shape_cast %get3A_1082 : vector<1x32x256xf32> to vector<32x256xf32>
    %lt3A_1084 = arith.cmpf olt, %get3A_1083, %select_n3A_1075 : vector<32x256xf32>
    %select_n3A_1085 = arith.select %lt3A_1084, %get3A_1083, %select_n3A_1075 : vector<32x256xi1>, vector<32x256xf32>
    %jit3A_1086 = arith.constant 108 : i32
    %broadcast_in_dim3A_1087 = vector.broadcast %jit3A_1086 : i32 to vector<32x256xi32>
    %select_n3A_1088 = arith.select %lt3A_1084, %broadcast_in_dim3A_1087, %select_n3A_1078 : vector<32x256xi1>, vector<32x256xi32>
    %get3A_1089 = arith.constant 0 : index
    %get3A_1090 = arith.constant 3488 : index
    %get3A_1091 = arith.constant 0 : index
    %get3A_1092 = vector.load %arg1[%get3A_1089, %get3A_1090, %get3A_1091] : memref<1x4096x256xf32, #tpu.memory_space<vmem>>, vector<1x32x256xf32>
    %get3A_1093 = vector.shape_cast %get3A_1092 : vector<1x32x256xf32> to vector<32x256xf32>
    %lt3A_1094 = arith.cmpf olt, %get3A_1093, %select_n3A_1085 : vector<32x256xf32>
    %select_n3A_1095 = arith.select %lt3A_1094, %get3A_1093, %select_n3A_1085 : vector<32x256xi1>, vector<32x256xf32>
    %jit3A_1096 = arith.constant 109 : i32
    %broadcast_in_dim3A_1097 = vector.broadcast %jit3A_1096 : i32 to vector<32x256xi32>
    %select_n3A_1098 = arith.select %lt3A_1094, %broadcast_in_dim3A_1097, %select_n3A_1088 : vector<32x256xi1>, vector<32x256xi32>
    %get3A_1099 = arith.constant 0 : index
    %get3A_1100 = arith.constant 3520 : index
    %get3A_1101 = arith.constant 0 : index
    %get3A_1102 = vector.load %arg1[%get3A_1099, %get3A_1100, %get3A_1101] : memref<1x4096x256xf32, #tpu.memory_space<vmem>>, vector<1x32x256xf32>
    %get3A_1103 = vector.shape_cast %get3A_1102 : vector<1x32x256xf32> to vector<32x256xf32>
    %lt3A_1104 = arith.cmpf olt, %get3A_1103, %select_n3A_1095 : vector<32x256xf32>
    %select_n3A_1105 = arith.select %lt3A_1104, %get3A_1103, %select_n3A_1095 : vector<32x256xi1>, vector<32x256xf32>
    %jit3A_1106 = arith.constant 110 : i32
    %broadcast_in_dim3A_1107 = vector.broadcast %jit3A_1106 : i32 to vector<32x256xi32>
    %select_n3A_1108 = arith.select %lt3A_1104, %broadcast_in_dim3A_1107, %select_n3A_1098 : vector<32x256xi1>, vector<32x256xi32>
    %get3A_1109 = arith.constant 0 : index
    %get3A_1110 = arith.constant 3552 : index
    %get3A_1111 = arith.constant 0 : index
    %get3A_1112 = vector.load %arg1[%get3A_1109, %get3A_1110, %get3A_1111] : memref<1x4096x256xf32, #tpu.memory_space<vmem>>, vector<1x32x256xf32>
    %get3A_1113 = vector.shape_cast %get3A_1112 : vector<1x32x256xf32> to vector<32x256xf32>
    %lt3A_1114 = arith.cmpf olt, %get3A_1113, %select_n3A_1105 : vector<32x256xf32>
    %select_n3A_1115 = arith.select %lt3A_1114, %get3A_1113, %select_n3A_1105 : vector<32x256xi1>, vector<32x256xf32>
    %jit3A_1116 = arith.constant 111 : i32
    %broadcast_in_dim3A_1117 = vector.broadcast %jit3A_1116 : i32 to vector<32x256xi32>
    %select_n3A_1118 = arith.select %lt3A_1114, %broadcast_in_dim3A_1117, %select_n3A_1108 : vector<32x256xi1>, vector<32x256xi32>
    %get3A_1119 = arith.constant 0 : index
    %get3A_1120 = arith.constant 3584 : index
    %get3A_1121 = arith.constant 0 : index
    %get3A_1122 = vector.load %arg1[%get3A_1119, %get3A_1120, %get3A_1121] : memref<1x4096x256xf32, #tpu.memory_space<vmem>>, vector<1x32x256xf32>
    %get3A_1123 = vector.shape_cast %get3A_1122 : vector<1x32x256xf32> to vector<32x256xf32>
    %lt3A_1124 = arith.cmpf olt, %get3A_1123, %select_n3A_1115 : vector<32x256xf32>
    %select_n3A_1125 = arith.select %lt3A_1124, %get3A_1123, %select_n3A_1115 : vector<32x256xi1>, vector<32x256xf32>
    %jit3A_1126 = arith.constant 112 : i32
    %broadcast_in_dim3A_1127 = vector.broadcast %jit3A_1126 : i32 to vector<32x256xi32>
    %select_n3A_1128 = arith.select %lt3A_1124, %broadcast_in_dim3A_1127, %select_n3A_1118 : vector<32x256xi1>, vector<32x256xi32>
    %get3A_1129 = arith.constant 0 : index
    %get3A_1130 = arith.constant 3616 : index
    %get3A_1131 = arith.constant 0 : index
    %get3A_1132 = vector.load %arg1[%get3A_1129, %get3A_1130, %get3A_1131] : memref<1x4096x256xf32, #tpu.memory_space<vmem>>, vector<1x32x256xf32>
    %get3A_1133 = vector.shape_cast %get3A_1132 : vector<1x32x256xf32> to vector<32x256xf32>
    %lt3A_1134 = arith.cmpf olt, %get3A_1133, %select_n3A_1125 : vector<32x256xf32>
    %select_n3A_1135 = arith.select %lt3A_1134, %get3A_1133, %select_n3A_1125 : vector<32x256xi1>, vector<32x256xf32>
    %jit3A_1136 = arith.constant 113 : i32
    %broadcast_in_dim3A_1137 = vector.broadcast %jit3A_1136 : i32 to vector<32x256xi32>
    %select_n3A_1138 = arith.select %lt3A_1134, %broadcast_in_dim3A_1137, %select_n3A_1128 : vector<32x256xi1>, vector<32x256xi32>
    %get3A_1139 = arith.constant 0 : index
    %get3A_1140 = arith.constant 3648 : index
    %get3A_1141 = arith.constant 0 : index
    %get3A_1142 = vector.load %arg1[%get3A_1139, %get3A_1140, %get3A_1141] : memref<1x4096x256xf32, #tpu.memory_space<vmem>>, vector<1x32x256xf32>
    %get3A_1143 = vector.shape_cast %get3A_1142 : vector<1x32x256xf32> to vector<32x256xf32>
    %lt3A_1144 = arith.cmpf olt, %get3A_1143, %select_n3A_1135 : vector<32x256xf32>
    %select_n3A_1145 = arith.select %lt3A_1144, %get3A_1143, %select_n3A_1135 : vector<32x256xi1>, vector<32x256xf32>
    %jit3A_1146 = arith.constant 114 : i32
    %broadcast_in_dim3A_1147 = vector.broadcast %jit3A_1146 : i32 to vector<32x256xi32>
    %select_n3A_1148 = arith.select %lt3A_1144, %broadcast_in_dim3A_1147, %select_n3A_1138 : vector<32x256xi1>, vector<32x256xi32>
    %get3A_1149 = arith.constant 0 : index
    %get3A_1150 = arith.constant 3680 : index
    %get3A_1151 = arith.constant 0 : index
    %get3A_1152 = vector.load %arg1[%get3A_1149, %get3A_1150, %get3A_1151] : memref<1x4096x256xf32, #tpu.memory_space<vmem>>, vector<1x32x256xf32>
    %get3A_1153 = vector.shape_cast %get3A_1152 : vector<1x32x256xf32> to vector<32x256xf32>
    %lt3A_1154 = arith.cmpf olt, %get3A_1153, %select_n3A_1145 : vector<32x256xf32>
    %select_n3A_1155 = arith.select %lt3A_1154, %get3A_1153, %select_n3A_1145 : vector<32x256xi1>, vector<32x256xf32>
    %jit3A_1156 = arith.constant 115 : i32
    %broadcast_in_dim3A_1157 = vector.broadcast %jit3A_1156 : i32 to vector<32x256xi32>
    %select_n3A_1158 = arith.select %lt3A_1154, %broadcast_in_dim3A_1157, %select_n3A_1148 : vector<32x256xi1>, vector<32x256xi32>
    %get3A_1159 = arith.constant 0 : index
    %get3A_1160 = arith.constant 3712 : index
    %get3A_1161 = arith.constant 0 : index
    %get3A_1162 = vector.load %arg1[%get3A_1159, %get3A_1160, %get3A_1161] : memref<1x4096x256xf32, #tpu.memory_space<vmem>>, vector<1x32x256xf32>
    %get3A_1163 = vector.shape_cast %get3A_1162 : vector<1x32x256xf32> to vector<32x256xf32>
    %lt3A_1164 = arith.cmpf olt, %get3A_1163, %select_n3A_1155 : vector<32x256xf32>
    %select_n3A_1165 = arith.select %lt3A_1164, %get3A_1163, %select_n3A_1155 : vector<32x256xi1>, vector<32x256xf32>
    %jit3A_1166 = arith.constant 116 : i32
    %broadcast_in_dim3A_1167 = vector.broadcast %jit3A_1166 : i32 to vector<32x256xi32>
    %select_n3A_1168 = arith.select %lt3A_1164, %broadcast_in_dim3A_1167, %select_n3A_1158 : vector<32x256xi1>, vector<32x256xi32>
    %get3A_1169 = arith.constant 0 : index
    %get3A_1170 = arith.constant 3744 : index
    %get3A_1171 = arith.constant 0 : index
    %get3A_1172 = vector.load %arg1[%get3A_1169, %get3A_1170, %get3A_1171] : memref<1x4096x256xf32, #tpu.memory_space<vmem>>, vector<1x32x256xf32>
    %get3A_1173 = vector.shape_cast %get3A_1172 : vector<1x32x256xf32> to vector<32x256xf32>
    %lt3A_1174 = arith.cmpf olt, %get3A_1173, %select_n3A_1165 : vector<32x256xf32>
    %select_n3A_1175 = arith.select %lt3A_1174, %get3A_1173, %select_n3A_1165 : vector<32x256xi1>, vector<32x256xf32>
    %jit3A_1176 = arith.constant 117 : i32
    %broadcast_in_dim3A_1177 = vector.broadcast %jit3A_1176 : i32 to vector<32x256xi32>
    %select_n3A_1178 = arith.select %lt3A_1174, %broadcast_in_dim3A_1177, %select_n3A_1168 : vector<32x256xi1>, vector<32x256xi32>
    %get3A_1179 = arith.constant 0 : index
    %get3A_1180 = arith.constant 3776 : index
    %get3A_1181 = arith.constant 0 : index
    %get3A_1182 = vector.load %arg1[%get3A_1179, %get3A_1180, %get3A_1181] : memref<1x4096x256xf32, #tpu.memory_space<vmem>>, vector<1x32x256xf32>
    %get3A_1183 = vector.shape_cast %get3A_1182 : vector<1x32x256xf32> to vector<32x256xf32>
    %lt3A_1184 = arith.cmpf olt, %get3A_1183, %select_n3A_1175 : vector<32x256xf32>
    %select_n3A_1185 = arith.select %lt3A_1184, %get3A_1183, %select_n3A_1175 : vector<32x256xi1>, vector<32x256xf32>
    %jit3A_1186 = arith.constant 118 : i32
    %broadcast_in_dim3A_1187 = vector.broadcast %jit3A_1186 : i32 to vector<32x256xi32>
    %select_n3A_1188 = arith.select %lt3A_1184, %broadcast_in_dim3A_1187, %select_n3A_1178 : vector<32x256xi1>, vector<32x256xi32>
    %get3A_1189 = arith.constant 0 : index
    %get3A_1190 = arith.constant 3808 : index
    %get3A_1191 = arith.constant 0 : index
    %get3A_1192 = vector.load %arg1[%get3A_1189, %get3A_1190, %get3A_1191] : memref<1x4096x256xf32, #tpu.memory_space<vmem>>, vector<1x32x256xf32>
    %get3A_1193 = vector.shape_cast %get3A_1192 : vector<1x32x256xf32> to vector<32x256xf32>
    %lt3A_1194 = arith.cmpf olt, %get3A_1193, %select_n3A_1185 : vector<32x256xf32>
    %select_n3A_1195 = arith.select %lt3A_1194, %get3A_1193, %select_n3A_1185 : vector<32x256xi1>, vector<32x256xf32>
    %jit3A_1196 = arith.constant 119 : i32
    %broadcast_in_dim3A_1197 = vector.broadcast %jit3A_1196 : i32 to vector<32x256xi32>
    %select_n3A_1198 = arith.select %lt3A_1194, %broadcast_in_dim3A_1197, %select_n3A_1188 : vector<32x256xi1>, vector<32x256xi32>
    %get3A_1199 = arith.constant 0 : index
    %get3A_1200 = arith.constant 3840 : index
    %get3A_1201 = arith.constant 0 : index
    %get3A_1202 = vector.load %arg1[%get3A_1199, %get3A_1200, %get3A_1201] : memref<1x4096x256xf32, #tpu.memory_space<vmem>>, vector<1x32x256xf32>
    %get3A_1203 = vector.shape_cast %get3A_1202 : vector<1x32x256xf32> to vector<32x256xf32>
    %lt3A_1204 = arith.cmpf olt, %get3A_1203, %select_n3A_1195 : vector<32x256xf32>
    %select_n3A_1205 = arith.select %lt3A_1204, %get3A_1203, %select_n3A_1195 : vector<32x256xi1>, vector<32x256xf32>
    %jit3A_1206 = arith.constant 120 : i32
    %broadcast_in_dim3A_1207 = vector.broadcast %jit3A_1206 : i32 to vector<32x256xi32>
    %select_n3A_1208 = arith.select %lt3A_1204, %broadcast_in_dim3A_1207, %select_n3A_1198 : vector<32x256xi1>, vector<32x256xi32>
    %get3A_1209 = arith.constant 0 : index
    %get3A_1210 = arith.constant 3872 : index
    %get3A_1211 = arith.constant 0 : index
    %get3A_1212 = vector.load %arg1[%get3A_1209, %get3A_1210, %get3A_1211] : memref<1x4096x256xf32, #tpu.memory_space<vmem>>, vector<1x32x256xf32>
    %get3A_1213 = vector.shape_cast %get3A_1212 : vector<1x32x256xf32> to vector<32x256xf32>
    %lt3A_1214 = arith.cmpf olt, %get3A_1213, %select_n3A_1205 : vector<32x256xf32>
    %select_n3A_1215 = arith.select %lt3A_1214, %get3A_1213, %select_n3A_1205 : vector<32x256xi1>, vector<32x256xf32>
    %jit3A_1216 = arith.constant 121 : i32
    %broadcast_in_dim3A_1217 = vector.broadcast %jit3A_1216 : i32 to vector<32x256xi32>
    %select_n3A_1218 = arith.select %lt3A_1214, %broadcast_in_dim3A_1217, %select_n3A_1208 : vector<32x256xi1>, vector<32x256xi32>
    %get3A_1219 = arith.constant 0 : index
    %get3A_1220 = arith.constant 3904 : index
    %get3A_1221 = arith.constant 0 : index
    %get3A_1222 = vector.load %arg1[%get3A_1219, %get3A_1220, %get3A_1221] : memref<1x4096x256xf32, #tpu.memory_space<vmem>>, vector<1x32x256xf32>
    %get3A_1223 = vector.shape_cast %get3A_1222 : vector<1x32x256xf32> to vector<32x256xf32>
    %lt3A_1224 = arith.cmpf olt, %get3A_1223, %select_n3A_1215 : vector<32x256xf32>
    %select_n3A_1225 = arith.select %lt3A_1224, %get3A_1223, %select_n3A_1215 : vector<32x256xi1>, vector<32x256xf32>
    %jit3A_1226 = arith.constant 122 : i32
    %broadcast_in_dim3A_1227 = vector.broadcast %jit3A_1226 : i32 to vector<32x256xi32>
    %select_n3A_1228 = arith.select %lt3A_1224, %broadcast_in_dim3A_1227, %select_n3A_1218 : vector<32x256xi1>, vector<32x256xi32>
    %get3A_1229 = arith.constant 0 : index
    %get3A_1230 = arith.constant 3936 : index
    %get3A_1231 = arith.constant 0 : index
    %get3A_1232 = vector.load %arg1[%get3A_1229, %get3A_1230, %get3A_1231] : memref<1x4096x256xf32, #tpu.memory_space<vmem>>, vector<1x32x256xf32>
    %get3A_1233 = vector.shape_cast %get3A_1232 : vector<1x32x256xf32> to vector<32x256xf32>
    %lt3A_1234 = arith.cmpf olt, %get3A_1233, %select_n3A_1225 : vector<32x256xf32>
    %select_n3A_1235 = arith.select %lt3A_1234, %get3A_1233, %select_n3A_1225 : vector<32x256xi1>, vector<32x256xf32>
    %jit3A_1236 = arith.constant 123 : i32
    %broadcast_in_dim3A_1237 = vector.broadcast %jit3A_1236 : i32 to vector<32x256xi32>
    %select_n3A_1238 = arith.select %lt3A_1234, %broadcast_in_dim3A_1237, %select_n3A_1228 : vector<32x256xi1>, vector<32x256xi32>
    %get3A_1239 = arith.constant 0 : index
    %get3A_1240 = arith.constant 3968 : index
    %get3A_1241 = arith.constant 0 : index
    %get3A_1242 = vector.load %arg1[%get3A_1239, %get3A_1240, %get3A_1241] : memref<1x4096x256xf32, #tpu.memory_space<vmem>>, vector<1x32x256xf32>
    %get3A_1243 = vector.shape_cast %get3A_1242 : vector<1x32x256xf32> to vector<32x256xf32>
    %lt3A_1244 = arith.cmpf olt, %get3A_1243, %select_n3A_1235 : vector<32x256xf32>
    %select_n3A_1245 = arith.select %lt3A_1244, %get3A_1243, %select_n3A_1235 : vector<32x256xi1>, vector<32x256xf32>
    %jit3A_1246 = arith.constant 124 : i32
    %broadcast_in_dim3A_1247 = vector.broadcast %jit3A_1246 : i32 to vector<32x256xi32>
    %select_n3A_1248 = arith.select %lt3A_1244, %broadcast_in_dim3A_1247, %select_n3A_1238 : vector<32x256xi1>, vector<32x256xi32>
    %get3A_1249 = arith.constant 0 : index
    %get3A_1250 = arith.constant 4000 : index
    %get3A_1251 = arith.constant 0 : index
    %get3A_1252 = vector.load %arg1[%get3A_1249, %get3A_1250, %get3A_1251] : memref<1x4096x256xf32, #tpu.memory_space<vmem>>, vector<1x32x256xf32>
    %get3A_1253 = vector.shape_cast %get3A_1252 : vector<1x32x256xf32> to vector<32x256xf32>
    %lt3A_1254 = arith.cmpf olt, %get3A_1253, %select_n3A_1245 : vector<32x256xf32>
    %select_n3A_1255 = arith.select %lt3A_1254, %get3A_1253, %select_n3A_1245 : vector<32x256xi1>, vector<32x256xf32>
    %jit3A_1256 = arith.constant 125 : i32
    %broadcast_in_dim3A_1257 = vector.broadcast %jit3A_1256 : i32 to vector<32x256xi32>
    %select_n3A_1258 = arith.select %lt3A_1254, %broadcast_in_dim3A_1257, %select_n3A_1248 : vector<32x256xi1>, vector<32x256xi32>
    %get3A_1259 = arith.constant 0 : index
    %get3A_1260 = arith.constant 4032 : index
    %get3A_1261 = arith.constant 0 : index
    %get3A_1262 = vector.load %arg1[%get3A_1259, %get3A_1260, %get3A_1261] : memref<1x4096x256xf32, #tpu.memory_space<vmem>>, vector<1x32x256xf32>
    %get3A_1263 = vector.shape_cast %get3A_1262 : vector<1x32x256xf32> to vector<32x256xf32>
    %lt3A_1264 = arith.cmpf olt, %get3A_1263, %select_n3A_1255 : vector<32x256xf32>
    %select_n3A_1265 = arith.select %lt3A_1264, %get3A_1263, %select_n3A_1255 : vector<32x256xi1>, vector<32x256xf32>
    %jit3A_1266 = arith.constant 126 : i32
    %broadcast_in_dim3A_1267 = vector.broadcast %jit3A_1266 : i32 to vector<32x256xi32>
    %select_n3A_1268 = arith.select %lt3A_1264, %broadcast_in_dim3A_1267, %select_n3A_1258 : vector<32x256xi1>, vector<32x256xi32>
    %get3A_1269 = arith.constant 0 : index
    %get3A_1270 = arith.constant 4064 : index
    %get3A_1271 = arith.constant 0 : index
    %get3A_1272 = vector.load %arg1[%get3A_1269, %get3A_1270, %get3A_1271] : memref<1x4096x256xf32, #tpu.memory_space<vmem>>, vector<1x32x256xf32>
    %get3A_1273 = vector.shape_cast %get3A_1272 : vector<1x32x256xf32> to vector<32x256xf32>
    %lt3A_1274 = arith.cmpf olt, %get3A_1273, %select_n3A_1265 : vector<32x256xf32>
    %select_n3A_1275 = arith.select %lt3A_1274, %get3A_1273, %select_n3A_1265 : vector<32x256xi1>, vector<32x256xf32>
    %jit3A_1276 = arith.constant 127 : i32
    %broadcast_in_dim3A_1277 = vector.broadcast %jit3A_1276 : i32 to vector<32x256xi32>
    %select_n3A_1278 = arith.select %lt3A_1274, %broadcast_in_dim3A_1277, %select_n3A_1268 : vector<32x256xi1>, vector<32x256xi32>
    %broadcast_in_dim3A_1279 = arith.constant 0x7F800000 : f32
    %broadcast_in_dim3A_1280 = vector.broadcast %broadcast_in_dim3A_1279 : f32 to vector<32x256xf32>
    %broadcast_in_dim3A_1281 = arith.constant 0 : i32
    %broadcast_in_dim3A_1282 = vector.broadcast %broadcast_in_dim3A_1281 : i32 to vector<32x256xi32>
    %get3A_1283 = arith.constant 0 : index
    %get3A_1284 = arith.constant 0 : index
    %get3A_1285 = arith.constant 0 : index
    %get3A_1286 = vector.load %arg2[%get3A_1283, %get3A_1284, %get3A_1285] : memref<1x4096x256xf32, #tpu.memory_space<vmem>>, vector<1x32x256xf32>
    %get3A_1287 = vector.shape_cast %get3A_1286 : vector<1x32x256xf32> to vector<32x256xf32>
    %lt3A_1288 = arith.cmpf olt, %get3A_1287, %broadcast_in_dim3A_1280 : vector<32x256xf32>
    %select_n3A_1289 = arith.select %lt3A_1288, %get3A_1287, %broadcast_in_dim3A_1280 : vector<32x256xi1>, vector<32x256xf32>
    %jit3A_1290 = arith.constant 128 : i32
    %broadcast_in_dim3A_1291 = vector.broadcast %jit3A_1290 : i32 to vector<32x256xi32>
    %select_n3A_1292 = arith.select %lt3A_1288, %broadcast_in_dim3A_1291, %broadcast_in_dim3A_1282 : vector<32x256xi1>, vector<32x256xi32>
    %get3A_1293 = arith.constant 0 : index
    %get3A_1294 = arith.constant 32 : index
    %get3A_1295 = arith.constant 0 : index
    %get3A_1296 = vector.load %arg2[%get3A_1293, %get3A_1294, %get3A_1295] : memref<1x4096x256xf32, #tpu.memory_space<vmem>>, vector<1x32x256xf32>
    %get3A_1297 = vector.shape_cast %get3A_1296 : vector<1x32x256xf32> to vector<32x256xf32>
    %lt3A_1298 = arith.cmpf olt, %get3A_1297, %select_n3A_1289 : vector<32x256xf32>
    %select_n3A_1299 = arith.select %lt3A_1298, %get3A_1297, %select_n3A_1289 : vector<32x256xi1>, vector<32x256xf32>
    %jit3A_1300 = arith.constant 129 : i32
    %broadcast_in_dim3A_1301 = vector.broadcast %jit3A_1300 : i32 to vector<32x256xi32>
    %select_n3A_1302 = arith.select %lt3A_1298, %broadcast_in_dim3A_1301, %select_n3A_1292 : vector<32x256xi1>, vector<32x256xi32>
    %get3A_1303 = arith.constant 0 : index
    %get3A_1304 = arith.constant 64 : index
    %get3A_1305 = arith.constant 0 : index
    %get3A_1306 = vector.load %arg2[%get3A_1303, %get3A_1304, %get3A_1305] : memref<1x4096x256xf32, #tpu.memory_space<vmem>>, vector<1x32x256xf32>
    %get3A_1307 = vector.shape_cast %get3A_1306 : vector<1x32x256xf32> to vector<32x256xf32>
    %lt3A_1308 = arith.cmpf olt, %get3A_1307, %select_n3A_1299 : vector<32x256xf32>
    %select_n3A_1309 = arith.select %lt3A_1308, %get3A_1307, %select_n3A_1299 : vector<32x256xi1>, vector<32x256xf32>
    %jit3A_1310 = arith.constant 130 : i32
    %broadcast_in_dim3A_1311 = vector.broadcast %jit3A_1310 : i32 to vector<32x256xi32>
    %select_n3A_1312 = arith.select %lt3A_1308, %broadcast_in_dim3A_1311, %select_n3A_1302 : vector<32x256xi1>, vector<32x256xi32>
    %get3A_1313 = arith.constant 0 : index
    %get3A_1314 = arith.constant 96 : index
    %get3A_1315 = arith.constant 0 : index
    %get3A_1316 = vector.load %arg2[%get3A_1313, %get3A_1314, %get3A_1315] : memref<1x4096x256xf32, #tpu.memory_space<vmem>>, vector<1x32x256xf32>
    %get3A_1317 = vector.shape_cast %get3A_1316 : vector<1x32x256xf32> to vector<32x256xf32>
    %lt3A_1318 = arith.cmpf olt, %get3A_1317, %select_n3A_1309 : vector<32x256xf32>
    %select_n3A_1319 = arith.select %lt3A_1318, %get3A_1317, %select_n3A_1309 : vector<32x256xi1>, vector<32x256xf32>
    %jit3A_1320 = arith.constant 131 : i32
    %broadcast_in_dim3A_1321 = vector.broadcast %jit3A_1320 : i32 to vector<32x256xi32>
    %select_n3A_1322 = arith.select %lt3A_1318, %broadcast_in_dim3A_1321, %select_n3A_1312 : vector<32x256xi1>, vector<32x256xi32>
    %get3A_1323 = arith.constant 0 : index
    %get3A_1324 = arith.constant 128 : index
    %get3A_1325 = arith.constant 0 : index
    %get3A_1326 = vector.load %arg2[%get3A_1323, %get3A_1324, %get3A_1325] : memref<1x4096x256xf32, #tpu.memory_space<vmem>>, vector<1x32x256xf32>
    %get3A_1327 = vector.shape_cast %get3A_1326 : vector<1x32x256xf32> to vector<32x256xf32>
    %lt3A_1328 = arith.cmpf olt, %get3A_1327, %select_n3A_1319 : vector<32x256xf32>
    %select_n3A_1329 = arith.select %lt3A_1328, %get3A_1327, %select_n3A_1319 : vector<32x256xi1>, vector<32x256xf32>
    %jit3A_1330 = arith.constant 132 : i32
    %broadcast_in_dim3A_1331 = vector.broadcast %jit3A_1330 : i32 to vector<32x256xi32>
    %select_n3A_1332 = arith.select %lt3A_1328, %broadcast_in_dim3A_1331, %select_n3A_1322 : vector<32x256xi1>, vector<32x256xi32>
    %get3A_1333 = arith.constant 0 : index
    %get3A_1334 = arith.constant 160 : index
    %get3A_1335 = arith.constant 0 : index
    %get3A_1336 = vector.load %arg2[%get3A_1333, %get3A_1334, %get3A_1335] : memref<1x4096x256xf32, #tpu.memory_space<vmem>>, vector<1x32x256xf32>
    %get3A_1337 = vector.shape_cast %get3A_1336 : vector<1x32x256xf32> to vector<32x256xf32>
    %lt3A_1338 = arith.cmpf olt, %get3A_1337, %select_n3A_1329 : vector<32x256xf32>
    %select_n3A_1339 = arith.select %lt3A_1338, %get3A_1337, %select_n3A_1329 : vector<32x256xi1>, vector<32x256xf32>
    %jit3A_1340 = arith.constant 133 : i32
    %broadcast_in_dim3A_1341 = vector.broadcast %jit3A_1340 : i32 to vector<32x256xi32>
    %select_n3A_1342 = arith.select %lt3A_1338, %broadcast_in_dim3A_1341, %select_n3A_1332 : vector<32x256xi1>, vector<32x256xi32>
    %get3A_1343 = arith.constant 0 : index
    %get3A_1344 = arith.constant 192 : index
    %get3A_1345 = arith.constant 0 : index
    %get3A_1346 = vector.load %arg2[%get3A_1343, %get3A_1344, %get3A_1345] : memref<1x4096x256xf32, #tpu.memory_space<vmem>>, vector<1x32x256xf32>
    %get3A_1347 = vector.shape_cast %get3A_1346 : vector<1x32x256xf32> to vector<32x256xf32>
    %lt3A_1348 = arith.cmpf olt, %get3A_1347, %select_n3A_1339 : vector<32x256xf32>
    %select_n3A_1349 = arith.select %lt3A_1348, %get3A_1347, %select_n3A_1339 : vector<32x256xi1>, vector<32x256xf32>
    %jit3A_1350 = arith.constant 134 : i32
    %broadcast_in_dim3A_1351 = vector.broadcast %jit3A_1350 : i32 to vector<32x256xi32>
    %select_n3A_1352 = arith.select %lt3A_1348, %broadcast_in_dim3A_1351, %select_n3A_1342 : vector<32x256xi1>, vector<32x256xi32>
    %get3A_1353 = arith.constant 0 : index
    %get3A_1354 = arith.constant 224 : index
    %get3A_1355 = arith.constant 0 : index
    %get3A_1356 = vector.load %arg2[%get3A_1353, %get3A_1354, %get3A_1355] : memref<1x4096x256xf32, #tpu.memory_space<vmem>>, vector<1x32x256xf32>
    %get3A_1357 = vector.shape_cast %get3A_1356 : vector<1x32x256xf32> to vector<32x256xf32>
    %lt3A_1358 = arith.cmpf olt, %get3A_1357, %select_n3A_1349 : vector<32x256xf32>
    %select_n3A_1359 = arith.select %lt3A_1358, %get3A_1357, %select_n3A_1349 : vector<32x256xi1>, vector<32x256xf32>
    %jit3A_1360 = arith.constant 135 : i32
    %broadcast_in_dim3A_1361 = vector.broadcast %jit3A_1360 : i32 to vector<32x256xi32>
    %select_n3A_1362 = arith.select %lt3A_1358, %broadcast_in_dim3A_1361, %select_n3A_1352 : vector<32x256xi1>, vector<32x256xi32>
    %get3A_1363 = arith.constant 0 : index
    %get3A_1364 = arith.constant 256 : index
    %get3A_1365 = arith.constant 0 : index
    %get3A_1366 = vector.load %arg2[%get3A_1363, %get3A_1364, %get3A_1365] : memref<1x4096x256xf32, #tpu.memory_space<vmem>>, vector<1x32x256xf32>
    %get3A_1367 = vector.shape_cast %get3A_1366 : vector<1x32x256xf32> to vector<32x256xf32>
    %lt3A_1368 = arith.cmpf olt, %get3A_1367, %select_n3A_1359 : vector<32x256xf32>
    %select_n3A_1369 = arith.select %lt3A_1368, %get3A_1367, %select_n3A_1359 : vector<32x256xi1>, vector<32x256xf32>
    %jit3A_1370 = arith.constant 136 : i32
    %broadcast_in_dim3A_1371 = vector.broadcast %jit3A_1370 : i32 to vector<32x256xi32>
    %select_n3A_1372 = arith.select %lt3A_1368, %broadcast_in_dim3A_1371, %select_n3A_1362 : vector<32x256xi1>, vector<32x256xi32>
    %get3A_1373 = arith.constant 0 : index
    %get3A_1374 = arith.constant 288 : index
    %get3A_1375 = arith.constant 0 : index
    %get3A_1376 = vector.load %arg2[%get3A_1373, %get3A_1374, %get3A_1375] : memref<1x4096x256xf32, #tpu.memory_space<vmem>>, vector<1x32x256xf32>
    %get3A_1377 = vector.shape_cast %get3A_1376 : vector<1x32x256xf32> to vector<32x256xf32>
    %lt3A_1378 = arith.cmpf olt, %get3A_1377, %select_n3A_1369 : vector<32x256xf32>
    %select_n3A_1379 = arith.select %lt3A_1378, %get3A_1377, %select_n3A_1369 : vector<32x256xi1>, vector<32x256xf32>
    %jit3A_1380 = arith.constant 137 : i32
    %broadcast_in_dim3A_1381 = vector.broadcast %jit3A_1380 : i32 to vector<32x256xi32>
    %select_n3A_1382 = arith.select %lt3A_1378, %broadcast_in_dim3A_1381, %select_n3A_1372 : vector<32x256xi1>, vector<32x256xi32>
    %get3A_1383 = arith.constant 0 : index
    %get3A_1384 = arith.constant 320 : index
    %get3A_1385 = arith.constant 0 : index
    %get3A_1386 = vector.load %arg2[%get3A_1383, %get3A_1384, %get3A_1385] : memref<1x4096x256xf32, #tpu.memory_space<vmem>>, vector<1x32x256xf32>
    %get3A_1387 = vector.shape_cast %get3A_1386 : vector<1x32x256xf32> to vector<32x256xf32>
    %lt3A_1388 = arith.cmpf olt, %get3A_1387, %select_n3A_1379 : vector<32x256xf32>
    %select_n3A_1389 = arith.select %lt3A_1388, %get3A_1387, %select_n3A_1379 : vector<32x256xi1>, vector<32x256xf32>
    %jit3A_1390 = arith.constant 138 : i32
    %broadcast_in_dim3A_1391 = vector.broadcast %jit3A_1390 : i32 to vector<32x256xi32>
    %select_n3A_1392 = arith.select %lt3A_1388, %broadcast_in_dim3A_1391, %select_n3A_1382 : vector<32x256xi1>, vector<32x256xi32>
    %get3A_1393 = arith.constant 0 : index
    %get3A_1394 = arith.constant 352 : index
    %get3A_1395 = arith.constant 0 : index
    %get3A_1396 = vector.load %arg2[%get3A_1393, %get3A_1394, %get3A_1395] : memref<1x4096x256xf32, #tpu.memory_space<vmem>>, vector<1x32x256xf32>
    %get3A_1397 = vector.shape_cast %get3A_1396 : vector<1x32x256xf32> to vector<32x256xf32>
    %lt3A_1398 = arith.cmpf olt, %get3A_1397, %select_n3A_1389 : vector<32x256xf32>
    %select_n3A_1399 = arith.select %lt3A_1398, %get3A_1397, %select_n3A_1389 : vector<32x256xi1>, vector<32x256xf32>
    %jit3A_1400 = arith.constant 139 : i32
    %broadcast_in_dim3A_1401 = vector.broadcast %jit3A_1400 : i32 to vector<32x256xi32>
    %select_n3A_1402 = arith.select %lt3A_1398, %broadcast_in_dim3A_1401, %select_n3A_1392 : vector<32x256xi1>, vector<32x256xi32>
    %get3A_1403 = arith.constant 0 : index
    %get3A_1404 = arith.constant 384 : index
    %get3A_1405 = arith.constant 0 : index
    %get3A_1406 = vector.load %arg2[%get3A_1403, %get3A_1404, %get3A_1405] : memref<1x4096x256xf32, #tpu.memory_space<vmem>>, vector<1x32x256xf32>
    %get3A_1407 = vector.shape_cast %get3A_1406 : vector<1x32x256xf32> to vector<32x256xf32>
    %lt3A_1408 = arith.cmpf olt, %get3A_1407, %select_n3A_1399 : vector<32x256xf32>
    %select_n3A_1409 = arith.select %lt3A_1408, %get3A_1407, %select_n3A_1399 : vector<32x256xi1>, vector<32x256xf32>
    %jit3A_1410 = arith.constant 140 : i32
    %broadcast_in_dim3A_1411 = vector.broadcast %jit3A_1410 : i32 to vector<32x256xi32>
    %select_n3A_1412 = arith.select %lt3A_1408, %broadcast_in_dim3A_1411, %select_n3A_1402 : vector<32x256xi1>, vector<32x256xi32>
    %get3A_1413 = arith.constant 0 : index
    %get3A_1414 = arith.constant 416 : index
    %get3A_1415 = arith.constant 0 : index
    %get3A_1416 = vector.load %arg2[%get3A_1413, %get3A_1414, %get3A_1415] : memref<1x4096x256xf32, #tpu.memory_space<vmem>>, vector<1x32x256xf32>
    %get3A_1417 = vector.shape_cast %get3A_1416 : vector<1x32x256xf32> to vector<32x256xf32>
    %lt3A_1418 = arith.cmpf olt, %get3A_1417, %select_n3A_1409 : vector<32x256xf32>
    %select_n3A_1419 = arith.select %lt3A_1418, %get3A_1417, %select_n3A_1409 : vector<32x256xi1>, vector<32x256xf32>
    %jit3A_1420 = arith.constant 141 : i32
    %broadcast_in_dim3A_1421 = vector.broadcast %jit3A_1420 : i32 to vector<32x256xi32>
    %select_n3A_1422 = arith.select %lt3A_1418, %broadcast_in_dim3A_1421, %select_n3A_1412 : vector<32x256xi1>, vector<32x256xi32>
    %get3A_1423 = arith.constant 0 : index
    %get3A_1424 = arith.constant 448 : index
    %get3A_1425 = arith.constant 0 : index
    %get3A_1426 = vector.load %arg2[%get3A_1423, %get3A_1424, %get3A_1425] : memref<1x4096x256xf32, #tpu.memory_space<vmem>>, vector<1x32x256xf32>
    %get3A_1427 = vector.shape_cast %get3A_1426 : vector<1x32x256xf32> to vector<32x256xf32>
    %lt3A_1428 = arith.cmpf olt, %get3A_1427, %select_n3A_1419 : vector<32x256xf32>
    %select_n3A_1429 = arith.select %lt3A_1428, %get3A_1427, %select_n3A_1419 : vector<32x256xi1>, vector<32x256xf32>
    %jit3A_1430 = arith.constant 142 : i32
    %broadcast_in_dim3A_1431 = vector.broadcast %jit3A_1430 : i32 to vector<32x256xi32>
    %select_n3A_1432 = arith.select %lt3A_1428, %broadcast_in_dim3A_1431, %select_n3A_1422 : vector<32x256xi1>, vector<32x256xi32>
    %get3A_1433 = arith.constant 0 : index
    %get3A_1434 = arith.constant 480 : index
    %get3A_1435 = arith.constant 0 : index
    %get3A_1436 = vector.load %arg2[%get3A_1433, %get3A_1434, %get3A_1435] : memref<1x4096x256xf32, #tpu.memory_space<vmem>>, vector<1x32x256xf32>
    %get3A_1437 = vector.shape_cast %get3A_1436 : vector<1x32x256xf32> to vector<32x256xf32>
    %lt3A_1438 = arith.cmpf olt, %get3A_1437, %select_n3A_1429 : vector<32x256xf32>
    %select_n3A_1439 = arith.select %lt3A_1438, %get3A_1437, %select_n3A_1429 : vector<32x256xi1>, vector<32x256xf32>
    %jit3A_1440 = arith.constant 143 : i32
    %broadcast_in_dim3A_1441 = vector.broadcast %jit3A_1440 : i32 to vector<32x256xi32>
    %select_n3A_1442 = arith.select %lt3A_1438, %broadcast_in_dim3A_1441, %select_n3A_1432 : vector<32x256xi1>, vector<32x256xi32>
    %get3A_1443 = arith.constant 0 : index
    %get3A_1444 = arith.constant 512 : index
    %get3A_1445 = arith.constant 0 : index
    %get3A_1446 = vector.load %arg2[%get3A_1443, %get3A_1444, %get3A_1445] : memref<1x4096x256xf32, #tpu.memory_space<vmem>>, vector<1x32x256xf32>
    %get3A_1447 = vector.shape_cast %get3A_1446 : vector<1x32x256xf32> to vector<32x256xf32>
    %lt3A_1448 = arith.cmpf olt, %get3A_1447, %select_n3A_1439 : vector<32x256xf32>
    %select_n3A_1449 = arith.select %lt3A_1448, %get3A_1447, %select_n3A_1439 : vector<32x256xi1>, vector<32x256xf32>
    %jit3A_1450 = arith.constant 144 : i32
    %broadcast_in_dim3A_1451 = vector.broadcast %jit3A_1450 : i32 to vector<32x256xi32>
    %select_n3A_1452 = arith.select %lt3A_1448, %broadcast_in_dim3A_1451, %select_n3A_1442 : vector<32x256xi1>, vector<32x256xi32>
    %get3A_1453 = arith.constant 0 : index
    %get3A_1454 = arith.constant 544 : index
    %get3A_1455 = arith.constant 0 : index
    %get3A_1456 = vector.load %arg2[%get3A_1453, %get3A_1454, %get3A_1455] : memref<1x4096x256xf32, #tpu.memory_space<vmem>>, vector<1x32x256xf32>
    %get3A_1457 = vector.shape_cast %get3A_1456 : vector<1x32x256xf32> to vector<32x256xf32>
    %lt3A_1458 = arith.cmpf olt, %get3A_1457, %select_n3A_1449 : vector<32x256xf32>
    %select_n3A_1459 = arith.select %lt3A_1458, %get3A_1457, %select_n3A_1449 : vector<32x256xi1>, vector<32x256xf32>
    %jit3A_1460 = arith.constant 145 : i32
    %broadcast_in_dim3A_1461 = vector.broadcast %jit3A_1460 : i32 to vector<32x256xi32>
    %select_n3A_1462 = arith.select %lt3A_1458, %broadcast_in_dim3A_1461, %select_n3A_1452 : vector<32x256xi1>, vector<32x256xi32>
    %get3A_1463 = arith.constant 0 : index
    %get3A_1464 = arith.constant 576 : index
    %get3A_1465 = arith.constant 0 : index
    %get3A_1466 = vector.load %arg2[%get3A_1463, %get3A_1464, %get3A_1465] : memref<1x4096x256xf32, #tpu.memory_space<vmem>>, vector<1x32x256xf32>
    %get3A_1467 = vector.shape_cast %get3A_1466 : vector<1x32x256xf32> to vector<32x256xf32>
    %lt3A_1468 = arith.cmpf olt, %get3A_1467, %select_n3A_1459 : vector<32x256xf32>
    %select_n3A_1469 = arith.select %lt3A_1468, %get3A_1467, %select_n3A_1459 : vector<32x256xi1>, vector<32x256xf32>
    %jit3A_1470 = arith.constant 146 : i32
    %broadcast_in_dim3A_1471 = vector.broadcast %jit3A_1470 : i32 to vector<32x256xi32>
    %select_n3A_1472 = arith.select %lt3A_1468, %broadcast_in_dim3A_1471, %select_n3A_1462 : vector<32x256xi1>, vector<32x256xi32>
    %get3A_1473 = arith.constant 0 : index
    %get3A_1474 = arith.constant 608 : index
    %get3A_1475 = arith.constant 0 : index
    %get3A_1476 = vector.load %arg2[%get3A_1473, %get3A_1474, %get3A_1475] : memref<1x4096x256xf32, #tpu.memory_space<vmem>>, vector<1x32x256xf32>
    %get3A_1477 = vector.shape_cast %get3A_1476 : vector<1x32x256xf32> to vector<32x256xf32>
    %lt3A_1478 = arith.cmpf olt, %get3A_1477, %select_n3A_1469 : vector<32x256xf32>
    %select_n3A_1479 = arith.select %lt3A_1478, %get3A_1477, %select_n3A_1469 : vector<32x256xi1>, vector<32x256xf32>
    %jit3A_1480 = arith.constant 147 : i32
    %broadcast_in_dim3A_1481 = vector.broadcast %jit3A_1480 : i32 to vector<32x256xi32>
    %select_n3A_1482 = arith.select %lt3A_1478, %broadcast_in_dim3A_1481, %select_n3A_1472 : vector<32x256xi1>, vector<32x256xi32>
    %get3A_1483 = arith.constant 0 : index
    %get3A_1484 = arith.constant 640 : index
    %get3A_1485 = arith.constant 0 : index
    %get3A_1486 = vector.load %arg2[%get3A_1483, %get3A_1484, %get3A_1485] : memref<1x4096x256xf32, #tpu.memory_space<vmem>>, vector<1x32x256xf32>
    %get3A_1487 = vector.shape_cast %get3A_1486 : vector<1x32x256xf32> to vector<32x256xf32>
    %lt3A_1488 = arith.cmpf olt, %get3A_1487, %select_n3A_1479 : vector<32x256xf32>
    %select_n3A_1489 = arith.select %lt3A_1488, %get3A_1487, %select_n3A_1479 : vector<32x256xi1>, vector<32x256xf32>
    %jit3A_1490 = arith.constant 148 : i32
    %broadcast_in_dim3A_1491 = vector.broadcast %jit3A_1490 : i32 to vector<32x256xi32>
    %select_n3A_1492 = arith.select %lt3A_1488, %broadcast_in_dim3A_1491, %select_n3A_1482 : vector<32x256xi1>, vector<32x256xi32>
    %get3A_1493 = arith.constant 0 : index
    %get3A_1494 = arith.constant 672 : index
    %get3A_1495 = arith.constant 0 : index
    %get3A_1496 = vector.load %arg2[%get3A_1493, %get3A_1494, %get3A_1495] : memref<1x4096x256xf32, #tpu.memory_space<vmem>>, vector<1x32x256xf32>
    %get3A_1497 = vector.shape_cast %get3A_1496 : vector<1x32x256xf32> to vector<32x256xf32>
    %lt3A_1498 = arith.cmpf olt, %get3A_1497, %select_n3A_1489 : vector<32x256xf32>
    %select_n3A_1499 = arith.select %lt3A_1498, %get3A_1497, %select_n3A_1489 : vector<32x256xi1>, vector<32x256xf32>
    %jit3A_1500 = arith.constant 149 : i32
    %broadcast_in_dim3A_1501 = vector.broadcast %jit3A_1500 : i32 to vector<32x256xi32>
    %select_n3A_1502 = arith.select %lt3A_1498, %broadcast_in_dim3A_1501, %select_n3A_1492 : vector<32x256xi1>, vector<32x256xi32>
    %get3A_1503 = arith.constant 0 : index
    %get3A_1504 = arith.constant 704 : index
    %get3A_1505 = arith.constant 0 : index
    %get3A_1506 = vector.load %arg2[%get3A_1503, %get3A_1504, %get3A_1505] : memref<1x4096x256xf32, #tpu.memory_space<vmem>>, vector<1x32x256xf32>
    %get3A_1507 = vector.shape_cast %get3A_1506 : vector<1x32x256xf32> to vector<32x256xf32>
    %lt3A_1508 = arith.cmpf olt, %get3A_1507, %select_n3A_1499 : vector<32x256xf32>
    %select_n3A_1509 = arith.select %lt3A_1508, %get3A_1507, %select_n3A_1499 : vector<32x256xi1>, vector<32x256xf32>
    %jit3A_1510 = arith.constant 150 : i32
    %broadcast_in_dim3A_1511 = vector.broadcast %jit3A_1510 : i32 to vector<32x256xi32>
    %select_n3A_1512 = arith.select %lt3A_1508, %broadcast_in_dim3A_1511, %select_n3A_1502 : vector<32x256xi1>, vector<32x256xi32>
    %get3A_1513 = arith.constant 0 : index
    %get3A_1514 = arith.constant 736 : index
    %get3A_1515 = arith.constant 0 : index
    %get3A_1516 = vector.load %arg2[%get3A_1513, %get3A_1514, %get3A_1515] : memref<1x4096x256xf32, #tpu.memory_space<vmem>>, vector<1x32x256xf32>
    %get3A_1517 = vector.shape_cast %get3A_1516 : vector<1x32x256xf32> to vector<32x256xf32>
    %lt3A_1518 = arith.cmpf olt, %get3A_1517, %select_n3A_1509 : vector<32x256xf32>
    %select_n3A_1519 = arith.select %lt3A_1518, %get3A_1517, %select_n3A_1509 : vector<32x256xi1>, vector<32x256xf32>
    %jit3A_1520 = arith.constant 151 : i32
    %broadcast_in_dim3A_1521 = vector.broadcast %jit3A_1520 : i32 to vector<32x256xi32>
    %select_n3A_1522 = arith.select %lt3A_1518, %broadcast_in_dim3A_1521, %select_n3A_1512 : vector<32x256xi1>, vector<32x256xi32>
    %get3A_1523 = arith.constant 0 : index
    %get3A_1524 = arith.constant 768 : index
    %get3A_1525 = arith.constant 0 : index
    %get3A_1526 = vector.load %arg2[%get3A_1523, %get3A_1524, %get3A_1525] : memref<1x4096x256xf32, #tpu.memory_space<vmem>>, vector<1x32x256xf32>
    %get3A_1527 = vector.shape_cast %get3A_1526 : vector<1x32x256xf32> to vector<32x256xf32>
    %lt3A_1528 = arith.cmpf olt, %get3A_1527, %select_n3A_1519 : vector<32x256xf32>
    %select_n3A_1529 = arith.select %lt3A_1528, %get3A_1527, %select_n3A_1519 : vector<32x256xi1>, vector<32x256xf32>
    %jit3A_1530 = arith.constant 152 : i32
    %broadcast_in_dim3A_1531 = vector.broadcast %jit3A_1530 : i32 to vector<32x256xi32>
    %select_n3A_1532 = arith.select %lt3A_1528, %broadcast_in_dim3A_1531, %select_n3A_1522 : vector<32x256xi1>, vector<32x256xi32>
    %get3A_1533 = arith.constant 0 : index
    %get3A_1534 = arith.constant 800 : index
    %get3A_1535 = arith.constant 0 : index
    %get3A_1536 = vector.load %arg2[%get3A_1533, %get3A_1534, %get3A_1535] : memref<1x4096x256xf32, #tpu.memory_space<vmem>>, vector<1x32x256xf32>
    %get3A_1537 = vector.shape_cast %get3A_1536 : vector<1x32x256xf32> to vector<32x256xf32>
    %lt3A_1538 = arith.cmpf olt, %get3A_1537, %select_n3A_1529 : vector<32x256xf32>
    %select_n3A_1539 = arith.select %lt3A_1538, %get3A_1537, %select_n3A_1529 : vector<32x256xi1>, vector<32x256xf32>
    %jit3A_1540 = arith.constant 153 : i32
    %broadcast_in_dim3A_1541 = vector.broadcast %jit3A_1540 : i32 to vector<32x256xi32>
    %select_n3A_1542 = arith.select %lt3A_1538, %broadcast_in_dim3A_1541, %select_n3A_1532 : vector<32x256xi1>, vector<32x256xi32>
    %get3A_1543 = arith.constant 0 : index
    %get3A_1544 = arith.constant 832 : index
    %get3A_1545 = arith.constant 0 : index
    %get3A_1546 = vector.load %arg2[%get3A_1543, %get3A_1544, %get3A_1545] : memref<1x4096x256xf32, #tpu.memory_space<vmem>>, vector<1x32x256xf32>
    %get3A_1547 = vector.shape_cast %get3A_1546 : vector<1x32x256xf32> to vector<32x256xf32>
    %lt3A_1548 = arith.cmpf olt, %get3A_1547, %select_n3A_1539 : vector<32x256xf32>
    %select_n3A_1549 = arith.select %lt3A_1548, %get3A_1547, %select_n3A_1539 : vector<32x256xi1>, vector<32x256xf32>
    %jit3A_1550 = arith.constant 154 : i32
    %broadcast_in_dim3A_1551 = vector.broadcast %jit3A_1550 : i32 to vector<32x256xi32>
    %select_n3A_1552 = arith.select %lt3A_1548, %broadcast_in_dim3A_1551, %select_n3A_1542 : vector<32x256xi1>, vector<32x256xi32>
    %get3A_1553 = arith.constant 0 : index
    %get3A_1554 = arith.constant 864 : index
    %get3A_1555 = arith.constant 0 : index
    %get3A_1556 = vector.load %arg2[%get3A_1553, %get3A_1554, %get3A_1555] : memref<1x4096x256xf32, #tpu.memory_space<vmem>>, vector<1x32x256xf32>
    %get3A_1557 = vector.shape_cast %get3A_1556 : vector<1x32x256xf32> to vector<32x256xf32>
    %lt3A_1558 = arith.cmpf olt, %get3A_1557, %select_n3A_1549 : vector<32x256xf32>
    %select_n3A_1559 = arith.select %lt3A_1558, %get3A_1557, %select_n3A_1549 : vector<32x256xi1>, vector<32x256xf32>
    %jit3A_1560 = arith.constant 155 : i32
    %broadcast_in_dim3A_1561 = vector.broadcast %jit3A_1560 : i32 to vector<32x256xi32>
    %select_n3A_1562 = arith.select %lt3A_1558, %broadcast_in_dim3A_1561, %select_n3A_1552 : vector<32x256xi1>, vector<32x256xi32>
    %get3A_1563 = arith.constant 0 : index
    %get3A_1564 = arith.constant 896 : index
    %get3A_1565 = arith.constant 0 : index
    %get3A_1566 = vector.load %arg2[%get3A_1563, %get3A_1564, %get3A_1565] : memref<1x4096x256xf32, #tpu.memory_space<vmem>>, vector<1x32x256xf32>
    %get3A_1567 = vector.shape_cast %get3A_1566 : vector<1x32x256xf32> to vector<32x256xf32>
    %lt3A_1568 = arith.cmpf olt, %get3A_1567, %select_n3A_1559 : vector<32x256xf32>
    %select_n3A_1569 = arith.select %lt3A_1568, %get3A_1567, %select_n3A_1559 : vector<32x256xi1>, vector<32x256xf32>
    %jit3A_1570 = arith.constant 156 : i32
    %broadcast_in_dim3A_1571 = vector.broadcast %jit3A_1570 : i32 to vector<32x256xi32>
    %select_n3A_1572 = arith.select %lt3A_1568, %broadcast_in_dim3A_1571, %select_n3A_1562 : vector<32x256xi1>, vector<32x256xi32>
    %get3A_1573 = arith.constant 0 : index
    %get3A_1574 = arith.constant 928 : index
    %get3A_1575 = arith.constant 0 : index
    %get3A_1576 = vector.load %arg2[%get3A_1573, %get3A_1574, %get3A_1575] : memref<1x4096x256xf32, #tpu.memory_space<vmem>>, vector<1x32x256xf32>
    %get3A_1577 = vector.shape_cast %get3A_1576 : vector<1x32x256xf32> to vector<32x256xf32>
    %lt3A_1578 = arith.cmpf olt, %get3A_1577, %select_n3A_1569 : vector<32x256xf32>
    %select_n3A_1579 = arith.select %lt3A_1578, %get3A_1577, %select_n3A_1569 : vector<32x256xi1>, vector<32x256xf32>
    %jit3A_1580 = arith.constant 157 : i32
    %broadcast_in_dim3A_1581 = vector.broadcast %jit3A_1580 : i32 to vector<32x256xi32>
    %select_n3A_1582 = arith.select %lt3A_1578, %broadcast_in_dim3A_1581, %select_n3A_1572 : vector<32x256xi1>, vector<32x256xi32>
    %get3A_1583 = arith.constant 0 : index
    %get3A_1584 = arith.constant 960 : index
    %get3A_1585 = arith.constant 0 : index
    %get3A_1586 = vector.load %arg2[%get3A_1583, %get3A_1584, %get3A_1585] : memref<1x4096x256xf32, #tpu.memory_space<vmem>>, vector<1x32x256xf32>
    %get3A_1587 = vector.shape_cast %get3A_1586 : vector<1x32x256xf32> to vector<32x256xf32>
    %lt3A_1588 = arith.cmpf olt, %get3A_1587, %select_n3A_1579 : vector<32x256xf32>
    %select_n3A_1589 = arith.select %lt3A_1588, %get3A_1587, %select_n3A_1579 : vector<32x256xi1>, vector<32x256xf32>
    %jit3A_1590 = arith.constant 158 : i32
    %broadcast_in_dim3A_1591 = vector.broadcast %jit3A_1590 : i32 to vector<32x256xi32>
    %select_n3A_1592 = arith.select %lt3A_1588, %broadcast_in_dim3A_1591, %select_n3A_1582 : vector<32x256xi1>, vector<32x256xi32>
    %get3A_1593 = arith.constant 0 : index
    %get3A_1594 = arith.constant 992 : index
    %get3A_1595 = arith.constant 0 : index
    %get3A_1596 = vector.load %arg2[%get3A_1593, %get3A_1594, %get3A_1595] : memref<1x4096x256xf32, #tpu.memory_space<vmem>>, vector<1x32x256xf32>
    %get3A_1597 = vector.shape_cast %get3A_1596 : vector<1x32x256xf32> to vector<32x256xf32>
    %lt3A_1598 = arith.cmpf olt, %get3A_1597, %select_n3A_1589 : vector<32x256xf32>
    %select_n3A_1599 = arith.select %lt3A_1598, %get3A_1597, %select_n3A_1589 : vector<32x256xi1>, vector<32x256xf32>
    %jit3A_1600 = arith.constant 159 : i32
    %broadcast_in_dim3A_1601 = vector.broadcast %jit3A_1600 : i32 to vector<32x256xi32>
    %select_n3A_1602 = arith.select %lt3A_1598, %broadcast_in_dim3A_1601, %select_n3A_1592 : vector<32x256xi1>, vector<32x256xi32>
    %get3A_1603 = arith.constant 0 : index
    %get3A_1604 = arith.constant 1024 : index
    %get3A_1605 = arith.constant 0 : index
    %get3A_1606 = vector.load %arg2[%get3A_1603, %get3A_1604, %get3A_1605] : memref<1x4096x256xf32, #tpu.memory_space<vmem>>, vector<1x32x256xf32>
    %get3A_1607 = vector.shape_cast %get3A_1606 : vector<1x32x256xf32> to vector<32x256xf32>
    %lt3A_1608 = arith.cmpf olt, %get3A_1607, %select_n3A_1599 : vector<32x256xf32>
    %select_n3A_1609 = arith.select %lt3A_1608, %get3A_1607, %select_n3A_1599 : vector<32x256xi1>, vector<32x256xf32>
    %jit3A_1610 = arith.constant 160 : i32
    %broadcast_in_dim3A_1611 = vector.broadcast %jit3A_1610 : i32 to vector<32x256xi32>
    %select_n3A_1612 = arith.select %lt3A_1608, %broadcast_in_dim3A_1611, %select_n3A_1602 : vector<32x256xi1>, vector<32x256xi32>
    %get3A_1613 = arith.constant 0 : index
    %get3A_1614 = arith.constant 1056 : index
    %get3A_1615 = arith.constant 0 : index
    %get3A_1616 = vector.load %arg2[%get3A_1613, %get3A_1614, %get3A_1615] : memref<1x4096x256xf32, #tpu.memory_space<vmem>>, vector<1x32x256xf32>
    %get3A_1617 = vector.shape_cast %get3A_1616 : vector<1x32x256xf32> to vector<32x256xf32>
    %lt3A_1618 = arith.cmpf olt, %get3A_1617, %select_n3A_1609 : vector<32x256xf32>
    %select_n3A_1619 = arith.select %lt3A_1618, %get3A_1617, %select_n3A_1609 : vector<32x256xi1>, vector<32x256xf32>
    %jit3A_1620 = arith.constant 161 : i32
    %broadcast_in_dim3A_1621 = vector.broadcast %jit3A_1620 : i32 to vector<32x256xi32>
    %select_n3A_1622 = arith.select %lt3A_1618, %broadcast_in_dim3A_1621, %select_n3A_1612 : vector<32x256xi1>, vector<32x256xi32>
    %get3A_1623 = arith.constant 0 : index
    %get3A_1624 = arith.constant 1088 : index
    %get3A_1625 = arith.constant 0 : index
    %get3A_1626 = vector.load %arg2[%get3A_1623, %get3A_1624, %get3A_1625] : memref<1x4096x256xf32, #tpu.memory_space<vmem>>, vector<1x32x256xf32>
    %get3A_1627 = vector.shape_cast %get3A_1626 : vector<1x32x256xf32> to vector<32x256xf32>
    %lt3A_1628 = arith.cmpf olt, %get3A_1627, %select_n3A_1619 : vector<32x256xf32>
    %select_n3A_1629 = arith.select %lt3A_1628, %get3A_1627, %select_n3A_1619 : vector<32x256xi1>, vector<32x256xf32>
    %jit3A_1630 = arith.constant 162 : i32
    %broadcast_in_dim3A_1631 = vector.broadcast %jit3A_1630 : i32 to vector<32x256xi32>
    %select_n3A_1632 = arith.select %lt3A_1628, %broadcast_in_dim3A_1631, %select_n3A_1622 : vector<32x256xi1>, vector<32x256xi32>
    %get3A_1633 = arith.constant 0 : index
    %get3A_1634 = arith.constant 1120 : index
    %get3A_1635 = arith.constant 0 : index
    %get3A_1636 = vector.load %arg2[%get3A_1633, %get3A_1634, %get3A_1635] : memref<1x4096x256xf32, #tpu.memory_space<vmem>>, vector<1x32x256xf32>
    %get3A_1637 = vector.shape_cast %get3A_1636 : vector<1x32x256xf32> to vector<32x256xf32>
    %lt3A_1638 = arith.cmpf olt, %get3A_1637, %select_n3A_1629 : vector<32x256xf32>
    %select_n3A_1639 = arith.select %lt3A_1638, %get3A_1637, %select_n3A_1629 : vector<32x256xi1>, vector<32x256xf32>
    %jit3A_1640 = arith.constant 163 : i32
    %broadcast_in_dim3A_1641 = vector.broadcast %jit3A_1640 : i32 to vector<32x256xi32>
    %select_n3A_1642 = arith.select %lt3A_1638, %broadcast_in_dim3A_1641, %select_n3A_1632 : vector<32x256xi1>, vector<32x256xi32>
    %get3A_1643 = arith.constant 0 : index
    %get3A_1644 = arith.constant 1152 : index
    %get3A_1645 = arith.constant 0 : index
    %get3A_1646 = vector.load %arg2[%get3A_1643, %get3A_1644, %get3A_1645] : memref<1x4096x256xf32, #tpu.memory_space<vmem>>, vector<1x32x256xf32>
    %get3A_1647 = vector.shape_cast %get3A_1646 : vector<1x32x256xf32> to vector<32x256xf32>
    %lt3A_1648 = arith.cmpf olt, %get3A_1647, %select_n3A_1639 : vector<32x256xf32>
    %select_n3A_1649 = arith.select %lt3A_1648, %get3A_1647, %select_n3A_1639 : vector<32x256xi1>, vector<32x256xf32>
    %jit3A_1650 = arith.constant 164 : i32
    %broadcast_in_dim3A_1651 = vector.broadcast %jit3A_1650 : i32 to vector<32x256xi32>
    %select_n3A_1652 = arith.select %lt3A_1648, %broadcast_in_dim3A_1651, %select_n3A_1642 : vector<32x256xi1>, vector<32x256xi32>
    %get3A_1653 = arith.constant 0 : index
    %get3A_1654 = arith.constant 1184 : index
    %get3A_1655 = arith.constant 0 : index
    %get3A_1656 = vector.load %arg2[%get3A_1653, %get3A_1654, %get3A_1655] : memref<1x4096x256xf32, #tpu.memory_space<vmem>>, vector<1x32x256xf32>
    %get3A_1657 = vector.shape_cast %get3A_1656 : vector<1x32x256xf32> to vector<32x256xf32>
    %lt3A_1658 = arith.cmpf olt, %get3A_1657, %select_n3A_1649 : vector<32x256xf32>
    %select_n3A_1659 = arith.select %lt3A_1658, %get3A_1657, %select_n3A_1649 : vector<32x256xi1>, vector<32x256xf32>
    %jit3A_1660 = arith.constant 165 : i32
    %broadcast_in_dim3A_1661 = vector.broadcast %jit3A_1660 : i32 to vector<32x256xi32>
    %select_n3A_1662 = arith.select %lt3A_1658, %broadcast_in_dim3A_1661, %select_n3A_1652 : vector<32x256xi1>, vector<32x256xi32>
    %get3A_1663 = arith.constant 0 : index
    %get3A_1664 = arith.constant 1216 : index
    %get3A_1665 = arith.constant 0 : index
    %get3A_1666 = vector.load %arg2[%get3A_1663, %get3A_1664, %get3A_1665] : memref<1x4096x256xf32, #tpu.memory_space<vmem>>, vector<1x32x256xf32>
    %get3A_1667 = vector.shape_cast %get3A_1666 : vector<1x32x256xf32> to vector<32x256xf32>
    %lt3A_1668 = arith.cmpf olt, %get3A_1667, %select_n3A_1659 : vector<32x256xf32>
    %select_n3A_1669 = arith.select %lt3A_1668, %get3A_1667, %select_n3A_1659 : vector<32x256xi1>, vector<32x256xf32>
    %jit3A_1670 = arith.constant 166 : i32
    %broadcast_in_dim3A_1671 = vector.broadcast %jit3A_1670 : i32 to vector<32x256xi32>
    %select_n3A_1672 = arith.select %lt3A_1668, %broadcast_in_dim3A_1671, %select_n3A_1662 : vector<32x256xi1>, vector<32x256xi32>
    %get3A_1673 = arith.constant 0 : index
    %get3A_1674 = arith.constant 1248 : index
    %get3A_1675 = arith.constant 0 : index
    %get3A_1676 = vector.load %arg2[%get3A_1673, %get3A_1674, %get3A_1675] : memref<1x4096x256xf32, #tpu.memory_space<vmem>>, vector<1x32x256xf32>
    %get3A_1677 = vector.shape_cast %get3A_1676 : vector<1x32x256xf32> to vector<32x256xf32>
    %lt3A_1678 = arith.cmpf olt, %get3A_1677, %select_n3A_1669 : vector<32x256xf32>
    %select_n3A_1679 = arith.select %lt3A_1678, %get3A_1677, %select_n3A_1669 : vector<32x256xi1>, vector<32x256xf32>
    %jit3A_1680 = arith.constant 167 : i32
    %broadcast_in_dim3A_1681 = vector.broadcast %jit3A_1680 : i32 to vector<32x256xi32>
    %select_n3A_1682 = arith.select %lt3A_1678, %broadcast_in_dim3A_1681, %select_n3A_1672 : vector<32x256xi1>, vector<32x256xi32>
    %get3A_1683 = arith.constant 0 : index
    %get3A_1684 = arith.constant 1280 : index
    %get3A_1685 = arith.constant 0 : index
    %get3A_1686 = vector.load %arg2[%get3A_1683, %get3A_1684, %get3A_1685] : memref<1x4096x256xf32, #tpu.memory_space<vmem>>, vector<1x32x256xf32>
    %get3A_1687 = vector.shape_cast %get3A_1686 : vector<1x32x256xf32> to vector<32x256xf32>
    %lt3A_1688 = arith.cmpf olt, %get3A_1687, %select_n3A_1679 : vector<32x256xf32>
    %select_n3A_1689 = arith.select %lt3A_1688, %get3A_1687, %select_n3A_1679 : vector<32x256xi1>, vector<32x256xf32>
    %jit3A_1690 = arith.constant 168 : i32
    %broadcast_in_dim3A_1691 = vector.broadcast %jit3A_1690 : i32 to vector<32x256xi32>
    %select_n3A_1692 = arith.select %lt3A_1688, %broadcast_in_dim3A_1691, %select_n3A_1682 : vector<32x256xi1>, vector<32x256xi32>
    %get3A_1693 = arith.constant 0 : index
    %get3A_1694 = arith.constant 1312 : index
    %get3A_1695 = arith.constant 0 : index
    %get3A_1696 = vector.load %arg2[%get3A_1693, %get3A_1694, %get3A_1695] : memref<1x4096x256xf32, #tpu.memory_space<vmem>>, vector<1x32x256xf32>
    %get3A_1697 = vector.shape_cast %get3A_1696 : vector<1x32x256xf32> to vector<32x256xf32>
    %lt3A_1698 = arith.cmpf olt, %get3A_1697, %select_n3A_1689 : vector<32x256xf32>
    %select_n3A_1699 = arith.select %lt3A_1698, %get3A_1697, %select_n3A_1689 : vector<32x256xi1>, vector<32x256xf32>
    %jit3A_1700 = arith.constant 169 : i32
    %broadcast_in_dim3A_1701 = vector.broadcast %jit3A_1700 : i32 to vector<32x256xi32>
    %select_n3A_1702 = arith.select %lt3A_1698, %broadcast_in_dim3A_1701, %select_n3A_1692 : vector<32x256xi1>, vector<32x256xi32>
    %get3A_1703 = arith.constant 0 : index
    %get3A_1704 = arith.constant 1344 : index
    %get3A_1705 = arith.constant 0 : index
    %get3A_1706 = vector.load %arg2[%get3A_1703, %get3A_1704, %get3A_1705] : memref<1x4096x256xf32, #tpu.memory_space<vmem>>, vector<1x32x256xf32>
    %get3A_1707 = vector.shape_cast %get3A_1706 : vector<1x32x256xf32> to vector<32x256xf32>
    %lt3A_1708 = arith.cmpf olt, %get3A_1707, %select_n3A_1699 : vector<32x256xf32>
    %select_n3A_1709 = arith.select %lt3A_1708, %get3A_1707, %select_n3A_1699 : vector<32x256xi1>, vector<32x256xf32>
    %jit3A_1710 = arith.constant 170 : i32
    %broadcast_in_dim3A_1711 = vector.broadcast %jit3A_1710 : i32 to vector<32x256xi32>
    %select_n3A_1712 = arith.select %lt3A_1708, %broadcast_in_dim3A_1711, %select_n3A_1702 : vector<32x256xi1>, vector<32x256xi32>
    %get3A_1713 = arith.constant 0 : index
    %get3A_1714 = arith.constant 1376 : index
    %get3A_1715 = arith.constant 0 : index
    %get3A_1716 = vector.load %arg2[%get3A_1713, %get3A_1714, %get3A_1715] : memref<1x4096x256xf32, #tpu.memory_space<vmem>>, vector<1x32x256xf32>
    %get3A_1717 = vector.shape_cast %get3A_1716 : vector<1x32x256xf32> to vector<32x256xf32>
    %lt3A_1718 = arith.cmpf olt, %get3A_1717, %select_n3A_1709 : vector<32x256xf32>
    %select_n3A_1719 = arith.select %lt3A_1718, %get3A_1717, %select_n3A_1709 : vector<32x256xi1>, vector<32x256xf32>
    %jit3A_1720 = arith.constant 171 : i32
    %broadcast_in_dim3A_1721 = vector.broadcast %jit3A_1720 : i32 to vector<32x256xi32>
    %select_n3A_1722 = arith.select %lt3A_1718, %broadcast_in_dim3A_1721, %select_n3A_1712 : vector<32x256xi1>, vector<32x256xi32>
    %get3A_1723 = arith.constant 0 : index
    %get3A_1724 = arith.constant 1408 : index
    %get3A_1725 = arith.constant 0 : index
    %get3A_1726 = vector.load %arg2[%get3A_1723, %get3A_1724, %get3A_1725] : memref<1x4096x256xf32, #tpu.memory_space<vmem>>, vector<1x32x256xf32>
    %get3A_1727 = vector.shape_cast %get3A_1726 : vector<1x32x256xf32> to vector<32x256xf32>
    %lt3A_1728 = arith.cmpf olt, %get3A_1727, %select_n3A_1719 : vector<32x256xf32>
    %select_n3A_1729 = arith.select %lt3A_1728, %get3A_1727, %select_n3A_1719 : vector<32x256xi1>, vector<32x256xf32>
    %jit3A_1730 = arith.constant 172 : i32
    %broadcast_in_dim3A_1731 = vector.broadcast %jit3A_1730 : i32 to vector<32x256xi32>
    %select_n3A_1732 = arith.select %lt3A_1728, %broadcast_in_dim3A_1731, %select_n3A_1722 : vector<32x256xi1>, vector<32x256xi32>
    %get3A_1733 = arith.constant 0 : index
    %get3A_1734 = arith.constant 1440 : index
    %get3A_1735 = arith.constant 0 : index
    %get3A_1736 = vector.load %arg2[%get3A_1733, %get3A_1734, %get3A_1735] : memref<1x4096x256xf32, #tpu.memory_space<vmem>>, vector<1x32x256xf32>
    %get3A_1737 = vector.shape_cast %get3A_1736 : vector<1x32x256xf32> to vector<32x256xf32>
    %lt3A_1738 = arith.cmpf olt, %get3A_1737, %select_n3A_1729 : vector<32x256xf32>
    %select_n3A_1739 = arith.select %lt3A_1738, %get3A_1737, %select_n3A_1729 : vector<32x256xi1>, vector<32x256xf32>
    %jit3A_1740 = arith.constant 173 : i32
    %broadcast_in_dim3A_1741 = vector.broadcast %jit3A_1740 : i32 to vector<32x256xi32>
    %select_n3A_1742 = arith.select %lt3A_1738, %broadcast_in_dim3A_1741, %select_n3A_1732 : vector<32x256xi1>, vector<32x256xi32>
    %get3A_1743 = arith.constant 0 : index
    %get3A_1744 = arith.constant 1472 : index
    %get3A_1745 = arith.constant 0 : index
    %get3A_1746 = vector.load %arg2[%get3A_1743, %get3A_1744, %get3A_1745] : memref<1x4096x256xf32, #tpu.memory_space<vmem>>, vector<1x32x256xf32>
    %get3A_1747 = vector.shape_cast %get3A_1746 : vector<1x32x256xf32> to vector<32x256xf32>
    %lt3A_1748 = arith.cmpf olt, %get3A_1747, %select_n3A_1739 : vector<32x256xf32>
    %select_n3A_1749 = arith.select %lt3A_1748, %get3A_1747, %select_n3A_1739 : vector<32x256xi1>, vector<32x256xf32>
    %jit3A_1750 = arith.constant 174 : i32
    %broadcast_in_dim3A_1751 = vector.broadcast %jit3A_1750 : i32 to vector<32x256xi32>
    %select_n3A_1752 = arith.select %lt3A_1748, %broadcast_in_dim3A_1751, %select_n3A_1742 : vector<32x256xi1>, vector<32x256xi32>
    %get3A_1753 = arith.constant 0 : index
    %get3A_1754 = arith.constant 1504 : index
    %get3A_1755 = arith.constant 0 : index
    %get3A_1756 = vector.load %arg2[%get3A_1753, %get3A_1754, %get3A_1755] : memref<1x4096x256xf32, #tpu.memory_space<vmem>>, vector<1x32x256xf32>
    %get3A_1757 = vector.shape_cast %get3A_1756 : vector<1x32x256xf32> to vector<32x256xf32>
    %lt3A_1758 = arith.cmpf olt, %get3A_1757, %select_n3A_1749 : vector<32x256xf32>
    %select_n3A_1759 = arith.select %lt3A_1758, %get3A_1757, %select_n3A_1749 : vector<32x256xi1>, vector<32x256xf32>
    %jit3A_1760 = arith.constant 175 : i32
    %broadcast_in_dim3A_1761 = vector.broadcast %jit3A_1760 : i32 to vector<32x256xi32>
    %select_n3A_1762 = arith.select %lt3A_1758, %broadcast_in_dim3A_1761, %select_n3A_1752 : vector<32x256xi1>, vector<32x256xi32>
    %get3A_1763 = arith.constant 0 : index
    %get3A_1764 = arith.constant 1536 : index
    %get3A_1765 = arith.constant 0 : index
    %get3A_1766 = vector.load %arg2[%get3A_1763, %get3A_1764, %get3A_1765] : memref<1x4096x256xf32, #tpu.memory_space<vmem>>, vector<1x32x256xf32>
    %get3A_1767 = vector.shape_cast %get3A_1766 : vector<1x32x256xf32> to vector<32x256xf32>
    %lt3A_1768 = arith.cmpf olt, %get3A_1767, %select_n3A_1759 : vector<32x256xf32>
    %select_n3A_1769 = arith.select %lt3A_1768, %get3A_1767, %select_n3A_1759 : vector<32x256xi1>, vector<32x256xf32>
    %jit3A_1770 = arith.constant 176 : i32
    %broadcast_in_dim3A_1771 = vector.broadcast %jit3A_1770 : i32 to vector<32x256xi32>
    %select_n3A_1772 = arith.select %lt3A_1768, %broadcast_in_dim3A_1771, %select_n3A_1762 : vector<32x256xi1>, vector<32x256xi32>
    %get3A_1773 = arith.constant 0 : index
    %get3A_1774 = arith.constant 1568 : index
    %get3A_1775 = arith.constant 0 : index
    %get3A_1776 = vector.load %arg2[%get3A_1773, %get3A_1774, %get3A_1775] : memref<1x4096x256xf32, #tpu.memory_space<vmem>>, vector<1x32x256xf32>
    %get3A_1777 = vector.shape_cast %get3A_1776 : vector<1x32x256xf32> to vector<32x256xf32>
    %lt3A_1778 = arith.cmpf olt, %get3A_1777, %select_n3A_1769 : vector<32x256xf32>
    %select_n3A_1779 = arith.select %lt3A_1778, %get3A_1777, %select_n3A_1769 : vector<32x256xi1>, vector<32x256xf32>
    %jit3A_1780 = arith.constant 177 : i32
    %broadcast_in_dim3A_1781 = vector.broadcast %jit3A_1780 : i32 to vector<32x256xi32>
    %select_n3A_1782 = arith.select %lt3A_1778, %broadcast_in_dim3A_1781, %select_n3A_1772 : vector<32x256xi1>, vector<32x256xi32>
    %get3A_1783 = arith.constant 0 : index
    %get3A_1784 = arith.constant 1600 : index
    %get3A_1785 = arith.constant 0 : index
    %get3A_1786 = vector.load %arg2[%get3A_1783, %get3A_1784, %get3A_1785] : memref<1x4096x256xf32, #tpu.memory_space<vmem>>, vector<1x32x256xf32>
    %get3A_1787 = vector.shape_cast %get3A_1786 : vector<1x32x256xf32> to vector<32x256xf32>
    %lt3A_1788 = arith.cmpf olt, %get3A_1787, %select_n3A_1779 : vector<32x256xf32>
    %select_n3A_1789 = arith.select %lt3A_1788, %get3A_1787, %select_n3A_1779 : vector<32x256xi1>, vector<32x256xf32>
    %jit3A_1790 = arith.constant 178 : i32
    %broadcast_in_dim3A_1791 = vector.broadcast %jit3A_1790 : i32 to vector<32x256xi32>
    %select_n3A_1792 = arith.select %lt3A_1788, %broadcast_in_dim3A_1791, %select_n3A_1782 : vector<32x256xi1>, vector<32x256xi32>
    %get3A_1793 = arith.constant 0 : index
    %get3A_1794 = arith.constant 1632 : index
    %get3A_1795 = arith.constant 0 : index
    %get3A_1796 = vector.load %arg2[%get3A_1793, %get3A_1794, %get3A_1795] : memref<1x4096x256xf32, #tpu.memory_space<vmem>>, vector<1x32x256xf32>
    %get3A_1797 = vector.shape_cast %get3A_1796 : vector<1x32x256xf32> to vector<32x256xf32>
    %lt3A_1798 = arith.cmpf olt, %get3A_1797, %select_n3A_1789 : vector<32x256xf32>
    %select_n3A_1799 = arith.select %lt3A_1798, %get3A_1797, %select_n3A_1789 : vector<32x256xi1>, vector<32x256xf32>
    %jit3A_1800 = arith.constant 179 : i32
    %broadcast_in_dim3A_1801 = vector.broadcast %jit3A_1800 : i32 to vector<32x256xi32>
    %select_n3A_1802 = arith.select %lt3A_1798, %broadcast_in_dim3A_1801, %select_n3A_1792 : vector<32x256xi1>, vector<32x256xi32>
    %get3A_1803 = arith.constant 0 : index
    %get3A_1804 = arith.constant 1664 : index
    %get3A_1805 = arith.constant 0 : index
    %get3A_1806 = vector.load %arg2[%get3A_1803, %get3A_1804, %get3A_1805] : memref<1x4096x256xf32, #tpu.memory_space<vmem>>, vector<1x32x256xf32>
    %get3A_1807 = vector.shape_cast %get3A_1806 : vector<1x32x256xf32> to vector<32x256xf32>
    %lt3A_1808 = arith.cmpf olt, %get3A_1807, %select_n3A_1799 : vector<32x256xf32>
    %select_n3A_1809 = arith.select %lt3A_1808, %get3A_1807, %select_n3A_1799 : vector<32x256xi1>, vector<32x256xf32>
    %jit3A_1810 = arith.constant 180 : i32
    %broadcast_in_dim3A_1811 = vector.broadcast %jit3A_1810 : i32 to vector<32x256xi32>
    %select_n3A_1812 = arith.select %lt3A_1808, %broadcast_in_dim3A_1811, %select_n3A_1802 : vector<32x256xi1>, vector<32x256xi32>
    %get3A_1813 = arith.constant 0 : index
    %get3A_1814 = arith.constant 1696 : index
    %get3A_1815 = arith.constant 0 : index
    %get3A_1816 = vector.load %arg2[%get3A_1813, %get3A_1814, %get3A_1815] : memref<1x4096x256xf32, #tpu.memory_space<vmem>>, vector<1x32x256xf32>
    %get3A_1817 = vector.shape_cast %get3A_1816 : vector<1x32x256xf32> to vector<32x256xf32>
    %lt3A_1818 = arith.cmpf olt, %get3A_1817, %select_n3A_1809 : vector<32x256xf32>
    %select_n3A_1819 = arith.select %lt3A_1818, %get3A_1817, %select_n3A_1809 : vector<32x256xi1>, vector<32x256xf32>
    %jit3A_1820 = arith.constant 181 : i32
    %broadcast_in_dim3A_1821 = vector.broadcast %jit3A_1820 : i32 to vector<32x256xi32>
    %select_n3A_1822 = arith.select %lt3A_1818, %broadcast_in_dim3A_1821, %select_n3A_1812 : vector<32x256xi1>, vector<32x256xi32>
    %get3A_1823 = arith.constant 0 : index
    %get3A_1824 = arith.constant 1728 : index
    %get3A_1825 = arith.constant 0 : index
    %get3A_1826 = vector.load %arg2[%get3A_1823, %get3A_1824, %get3A_1825] : memref<1x4096x256xf32, #tpu.memory_space<vmem>>, vector<1x32x256xf32>
    %get3A_1827 = vector.shape_cast %get3A_1826 : vector<1x32x256xf32> to vector<32x256xf32>
    %lt3A_1828 = arith.cmpf olt, %get3A_1827, %select_n3A_1819 : vector<32x256xf32>
    %select_n3A_1829 = arith.select %lt3A_1828, %get3A_1827, %select_n3A_1819 : vector<32x256xi1>, vector<32x256xf32>
    %jit3A_1830 = arith.constant 182 : i32
    %broadcast_in_dim3A_1831 = vector.broadcast %jit3A_1830 : i32 to vector<32x256xi32>
    %select_n3A_1832 = arith.select %lt3A_1828, %broadcast_in_dim3A_1831, %select_n3A_1822 : vector<32x256xi1>, vector<32x256xi32>
    %get3A_1833 = arith.constant 0 : index
    %get3A_1834 = arith.constant 1760 : index
    %get3A_1835 = arith.constant 0 : index
    %get3A_1836 = vector.load %arg2[%get3A_1833, %get3A_1834, %get3A_1835] : memref<1x4096x256xf32, #tpu.memory_space<vmem>>, vector<1x32x256xf32>
    %get3A_1837 = vector.shape_cast %get3A_1836 : vector<1x32x256xf32> to vector<32x256xf32>
    %lt3A_1838 = arith.cmpf olt, %get3A_1837, %select_n3A_1829 : vector<32x256xf32>
    %select_n3A_1839 = arith.select %lt3A_1838, %get3A_1837, %select_n3A_1829 : vector<32x256xi1>, vector<32x256xf32>
    %jit3A_1840 = arith.constant 183 : i32
    %broadcast_in_dim3A_1841 = vector.broadcast %jit3A_1840 : i32 to vector<32x256xi32>
    %select_n3A_1842 = arith.select %lt3A_1838, %broadcast_in_dim3A_1841, %select_n3A_1832 : vector<32x256xi1>, vector<32x256xi32>
    %get3A_1843 = arith.constant 0 : index
    %get3A_1844 = arith.constant 1792 : index
    %get3A_1845 = arith.constant 0 : index
    %get3A_1846 = vector.load %arg2[%get3A_1843, %get3A_1844, %get3A_1845] : memref<1x4096x256xf32, #tpu.memory_space<vmem>>, vector<1x32x256xf32>
    %get3A_1847 = vector.shape_cast %get3A_1846 : vector<1x32x256xf32> to vector<32x256xf32>
    %lt3A_1848 = arith.cmpf olt, %get3A_1847, %select_n3A_1839 : vector<32x256xf32>
    %select_n3A_1849 = arith.select %lt3A_1848, %get3A_1847, %select_n3A_1839 : vector<32x256xi1>, vector<32x256xf32>
    %jit3A_1850 = arith.constant 184 : i32
    %broadcast_in_dim3A_1851 = vector.broadcast %jit3A_1850 : i32 to vector<32x256xi32>
    %select_n3A_1852 = arith.select %lt3A_1848, %broadcast_in_dim3A_1851, %select_n3A_1842 : vector<32x256xi1>, vector<32x256xi32>
    %get3A_1853 = arith.constant 0 : index
    %get3A_1854 = arith.constant 1824 : index
    %get3A_1855 = arith.constant 0 : index
    %get3A_1856 = vector.load %arg2[%get3A_1853, %get3A_1854, %get3A_1855] : memref<1x4096x256xf32, #tpu.memory_space<vmem>>, vector<1x32x256xf32>
    %get3A_1857 = vector.shape_cast %get3A_1856 : vector<1x32x256xf32> to vector<32x256xf32>
    %lt3A_1858 = arith.cmpf olt, %get3A_1857, %select_n3A_1849 : vector<32x256xf32>
    %select_n3A_1859 = arith.select %lt3A_1858, %get3A_1857, %select_n3A_1849 : vector<32x256xi1>, vector<32x256xf32>
    %jit3A_1860 = arith.constant 185 : i32
    %broadcast_in_dim3A_1861 = vector.broadcast %jit3A_1860 : i32 to vector<32x256xi32>
    %select_n3A_1862 = arith.select %lt3A_1858, %broadcast_in_dim3A_1861, %select_n3A_1852 : vector<32x256xi1>, vector<32x256xi32>
    %get3A_1863 = arith.constant 0 : index
    %get3A_1864 = arith.constant 1856 : index
    %get3A_1865 = arith.constant 0 : index
    %get3A_1866 = vector.load %arg2[%get3A_1863, %get3A_1864, %get3A_1865] : memref<1x4096x256xf32, #tpu.memory_space<vmem>>, vector<1x32x256xf32>
    %get3A_1867 = vector.shape_cast %get3A_1866 : vector<1x32x256xf32> to vector<32x256xf32>
    %lt3A_1868 = arith.cmpf olt, %get3A_1867, %select_n3A_1859 : vector<32x256xf32>
    %select_n3A_1869 = arith.select %lt3A_1868, %get3A_1867, %select_n3A_1859 : vector<32x256xi1>, vector<32x256xf32>
    %jit3A_1870 = arith.constant 186 : i32
    %broadcast_in_dim3A_1871 = vector.broadcast %jit3A_1870 : i32 to vector<32x256xi32>
    %select_n3A_1872 = arith.select %lt3A_1868, %broadcast_in_dim3A_1871, %select_n3A_1862 : vector<32x256xi1>, vector<32x256xi32>
    %get3A_1873 = arith.constant 0 : index
    %get3A_1874 = arith.constant 1888 : index
    %get3A_1875 = arith.constant 0 : index
    %get3A_1876 = vector.load %arg2[%get3A_1873, %get3A_1874, %get3A_1875] : memref<1x4096x256xf32, #tpu.memory_space<vmem>>, vector<1x32x256xf32>
    %get3A_1877 = vector.shape_cast %get3A_1876 : vector<1x32x256xf32> to vector<32x256xf32>
    %lt3A_1878 = arith.cmpf olt, %get3A_1877, %select_n3A_1869 : vector<32x256xf32>
    %select_n3A_1879 = arith.select %lt3A_1878, %get3A_1877, %select_n3A_1869 : vector<32x256xi1>, vector<32x256xf32>
    %jit3A_1880 = arith.constant 187 : i32
    %broadcast_in_dim3A_1881 = vector.broadcast %jit3A_1880 : i32 to vector<32x256xi32>
    %select_n3A_1882 = arith.select %lt3A_1878, %broadcast_in_dim3A_1881, %select_n3A_1872 : vector<32x256xi1>, vector<32x256xi32>
    %get3A_1883 = arith.constant 0 : index
    %get3A_1884 = arith.constant 1920 : index
    %get3A_1885 = arith.constant 0 : index
    %get3A_1886 = vector.load %arg2[%get3A_1883, %get3A_1884, %get3A_1885] : memref<1x4096x256xf32, #tpu.memory_space<vmem>>, vector<1x32x256xf32>
    %get3A_1887 = vector.shape_cast %get3A_1886 : vector<1x32x256xf32> to vector<32x256xf32>
    %lt3A_1888 = arith.cmpf olt, %get3A_1887, %select_n3A_1879 : vector<32x256xf32>
    %select_n3A_1889 = arith.select %lt3A_1888, %get3A_1887, %select_n3A_1879 : vector<32x256xi1>, vector<32x256xf32>
    %jit3A_1890 = arith.constant 188 : i32
    %broadcast_in_dim3A_1891 = vector.broadcast %jit3A_1890 : i32 to vector<32x256xi32>
    %select_n3A_1892 = arith.select %lt3A_1888, %broadcast_in_dim3A_1891, %select_n3A_1882 : vector<32x256xi1>, vector<32x256xi32>
    %get3A_1893 = arith.constant 0 : index
    %get3A_1894 = arith.constant 1952 : index
    %get3A_1895 = arith.constant 0 : index
    %get3A_1896 = vector.load %arg2[%get3A_1893, %get3A_1894, %get3A_1895] : memref<1x4096x256xf32, #tpu.memory_space<vmem>>, vector<1x32x256xf32>
    %get3A_1897 = vector.shape_cast %get3A_1896 : vector<1x32x256xf32> to vector<32x256xf32>
    %lt3A_1898 = arith.cmpf olt, %get3A_1897, %select_n3A_1889 : vector<32x256xf32>
    %select_n3A_1899 = arith.select %lt3A_1898, %get3A_1897, %select_n3A_1889 : vector<32x256xi1>, vector<32x256xf32>
    %jit3A_1900 = arith.constant 189 : i32
    %broadcast_in_dim3A_1901 = vector.broadcast %jit3A_1900 : i32 to vector<32x256xi32>
    %select_n3A_1902 = arith.select %lt3A_1898, %broadcast_in_dim3A_1901, %select_n3A_1892 : vector<32x256xi1>, vector<32x256xi32>
    %get3A_1903 = arith.constant 0 : index
    %get3A_1904 = arith.constant 1984 : index
    %get3A_1905 = arith.constant 0 : index
    %get3A_1906 = vector.load %arg2[%get3A_1903, %get3A_1904, %get3A_1905] : memref<1x4096x256xf32, #tpu.memory_space<vmem>>, vector<1x32x256xf32>
    %get3A_1907 = vector.shape_cast %get3A_1906 : vector<1x32x256xf32> to vector<32x256xf32>
    %lt3A_1908 = arith.cmpf olt, %get3A_1907, %select_n3A_1899 : vector<32x256xf32>
    %select_n3A_1909 = arith.select %lt3A_1908, %get3A_1907, %select_n3A_1899 : vector<32x256xi1>, vector<32x256xf32>
    %jit3A_1910 = arith.constant 190 : i32
    %broadcast_in_dim3A_1911 = vector.broadcast %jit3A_1910 : i32 to vector<32x256xi32>
    %select_n3A_1912 = arith.select %lt3A_1908, %broadcast_in_dim3A_1911, %select_n3A_1902 : vector<32x256xi1>, vector<32x256xi32>
    %get3A_1913 = arith.constant 0 : index
    %get3A_1914 = arith.constant 2016 : index
    %get3A_1915 = arith.constant 0 : index
    %get3A_1916 = vector.load %arg2[%get3A_1913, %get3A_1914, %get3A_1915] : memref<1x4096x256xf32, #tpu.memory_space<vmem>>, vector<1x32x256xf32>
    %get3A_1917 = vector.shape_cast %get3A_1916 : vector<1x32x256xf32> to vector<32x256xf32>
    %lt3A_1918 = arith.cmpf olt, %get3A_1917, %select_n3A_1909 : vector<32x256xf32>
    %select_n3A_1919 = arith.select %lt3A_1918, %get3A_1917, %select_n3A_1909 : vector<32x256xi1>, vector<32x256xf32>
    %jit3A_1920 = arith.constant 191 : i32
    %broadcast_in_dim3A_1921 = vector.broadcast %jit3A_1920 : i32 to vector<32x256xi32>
    %select_n3A_1922 = arith.select %lt3A_1918, %broadcast_in_dim3A_1921, %select_n3A_1912 : vector<32x256xi1>, vector<32x256xi32>
    %get3A_1923 = arith.constant 0 : index
    %get3A_1924 = arith.constant 2048 : index
    %get3A_1925 = arith.constant 0 : index
    %get3A_1926 = vector.load %arg2[%get3A_1923, %get3A_1924, %get3A_1925] : memref<1x4096x256xf32, #tpu.memory_space<vmem>>, vector<1x32x256xf32>
    %get3A_1927 = vector.shape_cast %get3A_1926 : vector<1x32x256xf32> to vector<32x256xf32>
    %lt3A_1928 = arith.cmpf olt, %get3A_1927, %select_n3A_1919 : vector<32x256xf32>
    %select_n3A_1929 = arith.select %lt3A_1928, %get3A_1927, %select_n3A_1919 : vector<32x256xi1>, vector<32x256xf32>
    %jit3A_1930 = arith.constant 192 : i32
    %broadcast_in_dim3A_1931 = vector.broadcast %jit3A_1930 : i32 to vector<32x256xi32>
    %select_n3A_1932 = arith.select %lt3A_1928, %broadcast_in_dim3A_1931, %select_n3A_1922 : vector<32x256xi1>, vector<32x256xi32>
    %get3A_1933 = arith.constant 0 : index
    %get3A_1934 = arith.constant 2080 : index
    %get3A_1935 = arith.constant 0 : index
    %get3A_1936 = vector.load %arg2[%get3A_1933, %get3A_1934, %get3A_1935] : memref<1x4096x256xf32, #tpu.memory_space<vmem>>, vector<1x32x256xf32>
    %get3A_1937 = vector.shape_cast %get3A_1936 : vector<1x32x256xf32> to vector<32x256xf32>
    %lt3A_1938 = arith.cmpf olt, %get3A_1937, %select_n3A_1929 : vector<32x256xf32>
    %select_n3A_1939 = arith.select %lt3A_1938, %get3A_1937, %select_n3A_1929 : vector<32x256xi1>, vector<32x256xf32>
    %jit3A_1940 = arith.constant 193 : i32
    %broadcast_in_dim3A_1941 = vector.broadcast %jit3A_1940 : i32 to vector<32x256xi32>
    %select_n3A_1942 = arith.select %lt3A_1938, %broadcast_in_dim3A_1941, %select_n3A_1932 : vector<32x256xi1>, vector<32x256xi32>
    %get3A_1943 = arith.constant 0 : index
    %get3A_1944 = arith.constant 2112 : index
    %get3A_1945 = arith.constant 0 : index
    %get3A_1946 = vector.load %arg2[%get3A_1943, %get3A_1944, %get3A_1945] : memref<1x4096x256xf32, #tpu.memory_space<vmem>>, vector<1x32x256xf32>
    %get3A_1947 = vector.shape_cast %get3A_1946 : vector<1x32x256xf32> to vector<32x256xf32>
    %lt3A_1948 = arith.cmpf olt, %get3A_1947, %select_n3A_1939 : vector<32x256xf32>
    %select_n3A_1949 = arith.select %lt3A_1948, %get3A_1947, %select_n3A_1939 : vector<32x256xi1>, vector<32x256xf32>
    %jit3A_1950 = arith.constant 194 : i32
    %broadcast_in_dim3A_1951 = vector.broadcast %jit3A_1950 : i32 to vector<32x256xi32>
    %select_n3A_1952 = arith.select %lt3A_1948, %broadcast_in_dim3A_1951, %select_n3A_1942 : vector<32x256xi1>, vector<32x256xi32>
    %get3A_1953 = arith.constant 0 : index
    %get3A_1954 = arith.constant 2144 : index
    %get3A_1955 = arith.constant 0 : index
    %get3A_1956 = vector.load %arg2[%get3A_1953, %get3A_1954, %get3A_1955] : memref<1x4096x256xf32, #tpu.memory_space<vmem>>, vector<1x32x256xf32>
    %get3A_1957 = vector.shape_cast %get3A_1956 : vector<1x32x256xf32> to vector<32x256xf32>
    %lt3A_1958 = arith.cmpf olt, %get3A_1957, %select_n3A_1949 : vector<32x256xf32>
    %select_n3A_1959 = arith.select %lt3A_1958, %get3A_1957, %select_n3A_1949 : vector<32x256xi1>, vector<32x256xf32>
    %jit3A_1960 = arith.constant 195 : i32
    %broadcast_in_dim3A_1961 = vector.broadcast %jit3A_1960 : i32 to vector<32x256xi32>
    %select_n3A_1962 = arith.select %lt3A_1958, %broadcast_in_dim3A_1961, %select_n3A_1952 : vector<32x256xi1>, vector<32x256xi32>
    %get3A_1963 = arith.constant 0 : index
    %get3A_1964 = arith.constant 2176 : index
    %get3A_1965 = arith.constant 0 : index
    %get3A_1966 = vector.load %arg2[%get3A_1963, %get3A_1964, %get3A_1965] : memref<1x4096x256xf32, #tpu.memory_space<vmem>>, vector<1x32x256xf32>
    %get3A_1967 = vector.shape_cast %get3A_1966 : vector<1x32x256xf32> to vector<32x256xf32>
    %lt3A_1968 = arith.cmpf olt, %get3A_1967, %select_n3A_1959 : vector<32x256xf32>
    %select_n3A_1969 = arith.select %lt3A_1968, %get3A_1967, %select_n3A_1959 : vector<32x256xi1>, vector<32x256xf32>
    %jit3A_1970 = arith.constant 196 : i32
    %broadcast_in_dim3A_1971 = vector.broadcast %jit3A_1970 : i32 to vector<32x256xi32>
    %select_n3A_1972 = arith.select %lt3A_1968, %broadcast_in_dim3A_1971, %select_n3A_1962 : vector<32x256xi1>, vector<32x256xi32>
    %get3A_1973 = arith.constant 0 : index
    %get3A_1974 = arith.constant 2208 : index
    %get3A_1975 = arith.constant 0 : index
    %get3A_1976 = vector.load %arg2[%get3A_1973, %get3A_1974, %get3A_1975] : memref<1x4096x256xf32, #tpu.memory_space<vmem>>, vector<1x32x256xf32>
    %get3A_1977 = vector.shape_cast %get3A_1976 : vector<1x32x256xf32> to vector<32x256xf32>
    %lt3A_1978 = arith.cmpf olt, %get3A_1977, %select_n3A_1969 : vector<32x256xf32>
    %select_n3A_1979 = arith.select %lt3A_1978, %get3A_1977, %select_n3A_1969 : vector<32x256xi1>, vector<32x256xf32>
    %jit3A_1980 = arith.constant 197 : i32
    %broadcast_in_dim3A_1981 = vector.broadcast %jit3A_1980 : i32 to vector<32x256xi32>
    %select_n3A_1982 = arith.select %lt3A_1978, %broadcast_in_dim3A_1981, %select_n3A_1972 : vector<32x256xi1>, vector<32x256xi32>
    %get3A_1983 = arith.constant 0 : index
    %get3A_1984 = arith.constant 2240 : index
    %get3A_1985 = arith.constant 0 : index
    %get3A_1986 = vector.load %arg2[%get3A_1983, %get3A_1984, %get3A_1985] : memref<1x4096x256xf32, #tpu.memory_space<vmem>>, vector<1x32x256xf32>
    %get3A_1987 = vector.shape_cast %get3A_1986 : vector<1x32x256xf32> to vector<32x256xf32>
    %lt3A_1988 = arith.cmpf olt, %get3A_1987, %select_n3A_1979 : vector<32x256xf32>
    %select_n3A_1989 = arith.select %lt3A_1988, %get3A_1987, %select_n3A_1979 : vector<32x256xi1>, vector<32x256xf32>
    %jit3A_1990 = arith.constant 198 : i32
    %broadcast_in_dim3A_1991 = vector.broadcast %jit3A_1990 : i32 to vector<32x256xi32>
    %select_n3A_1992 = arith.select %lt3A_1988, %broadcast_in_dim3A_1991, %select_n3A_1982 : vector<32x256xi1>, vector<32x256xi32>
    %get3A_1993 = arith.constant 0 : index
    %get3A_1994 = arith.constant 2272 : index
    %get3A_1995 = arith.constant 0 : index
    %get3A_1996 = vector.load %arg2[%get3A_1993, %get3A_1994, %get3A_1995] : memref<1x4096x256xf32, #tpu.memory_space<vmem>>, vector<1x32x256xf32>
    %get3A_1997 = vector.shape_cast %get3A_1996 : vector<1x32x256xf32> to vector<32x256xf32>
    %lt3A_1998 = arith.cmpf olt, %get3A_1997, %select_n3A_1989 : vector<32x256xf32>
    %select_n3A_1999 = arith.select %lt3A_1998, %get3A_1997, %select_n3A_1989 : vector<32x256xi1>, vector<32x256xf32>
    %jit3A_2000 = arith.constant 199 : i32
    %broadcast_in_dim3A_2001 = vector.broadcast %jit3A_2000 : i32 to vector<32x256xi32>
    %select_n3A_2002 = arith.select %lt3A_1998, %broadcast_in_dim3A_2001, %select_n3A_1992 : vector<32x256xi1>, vector<32x256xi32>
    %get3A_2003 = arith.constant 0 : index
    %get3A_2004 = arith.constant 2304 : index
    %get3A_2005 = arith.constant 0 : index
    %get3A_2006 = vector.load %arg2[%get3A_2003, %get3A_2004, %get3A_2005] : memref<1x4096x256xf32, #tpu.memory_space<vmem>>, vector<1x32x256xf32>
    %get3A_2007 = vector.shape_cast %get3A_2006 : vector<1x32x256xf32> to vector<32x256xf32>
    %lt3A_2008 = arith.cmpf olt, %get3A_2007, %select_n3A_1999 : vector<32x256xf32>
    %select_n3A_2009 = arith.select %lt3A_2008, %get3A_2007, %select_n3A_1999 : vector<32x256xi1>, vector<32x256xf32>
    %jit3A_2010 = arith.constant 200 : i32
    %broadcast_in_dim3A_2011 = vector.broadcast %jit3A_2010 : i32 to vector<32x256xi32>
    %select_n3A_2012 = arith.select %lt3A_2008, %broadcast_in_dim3A_2011, %select_n3A_2002 : vector<32x256xi1>, vector<32x256xi32>
    %get3A_2013 = arith.constant 0 : index
    %get3A_2014 = arith.constant 2336 : index
    %get3A_2015 = arith.constant 0 : index
    %get3A_2016 = vector.load %arg2[%get3A_2013, %get3A_2014, %get3A_2015] : memref<1x4096x256xf32, #tpu.memory_space<vmem>>, vector<1x32x256xf32>
    %get3A_2017 = vector.shape_cast %get3A_2016 : vector<1x32x256xf32> to vector<32x256xf32>
    %lt3A_2018 = arith.cmpf olt, %get3A_2017, %select_n3A_2009 : vector<32x256xf32>
    %select_n3A_2019 = arith.select %lt3A_2018, %get3A_2017, %select_n3A_2009 : vector<32x256xi1>, vector<32x256xf32>
    %jit3A_2020 = arith.constant 201 : i32
    %broadcast_in_dim3A_2021 = vector.broadcast %jit3A_2020 : i32 to vector<32x256xi32>
    %select_n3A_2022 = arith.select %lt3A_2018, %broadcast_in_dim3A_2021, %select_n3A_2012 : vector<32x256xi1>, vector<32x256xi32>
    %get3A_2023 = arith.constant 0 : index
    %get3A_2024 = arith.constant 2368 : index
    %get3A_2025 = arith.constant 0 : index
    %get3A_2026 = vector.load %arg2[%get3A_2023, %get3A_2024, %get3A_2025] : memref<1x4096x256xf32, #tpu.memory_space<vmem>>, vector<1x32x256xf32>
    %get3A_2027 = vector.shape_cast %get3A_2026 : vector<1x32x256xf32> to vector<32x256xf32>
    %lt3A_2028 = arith.cmpf olt, %get3A_2027, %select_n3A_2019 : vector<32x256xf32>
    %select_n3A_2029 = arith.select %lt3A_2028, %get3A_2027, %select_n3A_2019 : vector<32x256xi1>, vector<32x256xf32>
    %jit3A_2030 = arith.constant 202 : i32
    %broadcast_in_dim3A_2031 = vector.broadcast %jit3A_2030 : i32 to vector<32x256xi32>
    %select_n3A_2032 = arith.select %lt3A_2028, %broadcast_in_dim3A_2031, %select_n3A_2022 : vector<32x256xi1>, vector<32x256xi32>
    %get3A_2033 = arith.constant 0 : index
    %get3A_2034 = arith.constant 2400 : index
    %get3A_2035 = arith.constant 0 : index
    %get3A_2036 = vector.load %arg2[%get3A_2033, %get3A_2034, %get3A_2035] : memref<1x4096x256xf32, #tpu.memory_space<vmem>>, vector<1x32x256xf32>
    %get3A_2037 = vector.shape_cast %get3A_2036 : vector<1x32x256xf32> to vector<32x256xf32>
    %lt3A_2038 = arith.cmpf olt, %get3A_2037, %select_n3A_2029 : vector<32x256xf32>
    %select_n3A_2039 = arith.select %lt3A_2038, %get3A_2037, %select_n3A_2029 : vector<32x256xi1>, vector<32x256xf32>
    %jit3A_2040 = arith.constant 203 : i32
    %broadcast_in_dim3A_2041 = vector.broadcast %jit3A_2040 : i32 to vector<32x256xi32>
    %select_n3A_2042 = arith.select %lt3A_2038, %broadcast_in_dim3A_2041, %select_n3A_2032 : vector<32x256xi1>, vector<32x256xi32>
    %get3A_2043 = arith.constant 0 : index
    %get3A_2044 = arith.constant 2432 : index
    %get3A_2045 = arith.constant 0 : index
    %get3A_2046 = vector.load %arg2[%get3A_2043, %get3A_2044, %get3A_2045] : memref<1x4096x256xf32, #tpu.memory_space<vmem>>, vector<1x32x256xf32>
    %get3A_2047 = vector.shape_cast %get3A_2046 : vector<1x32x256xf32> to vector<32x256xf32>
    %lt3A_2048 = arith.cmpf olt, %get3A_2047, %select_n3A_2039 : vector<32x256xf32>
    %select_n3A_2049 = arith.select %lt3A_2048, %get3A_2047, %select_n3A_2039 : vector<32x256xi1>, vector<32x256xf32>
    %jit3A_2050 = arith.constant 204 : i32
    %broadcast_in_dim3A_2051 = vector.broadcast %jit3A_2050 : i32 to vector<32x256xi32>
    %select_n3A_2052 = arith.select %lt3A_2048, %broadcast_in_dim3A_2051, %select_n3A_2042 : vector<32x256xi1>, vector<32x256xi32>
    %get3A_2053 = arith.constant 0 : index
    %get3A_2054 = arith.constant 2464 : index
    %get3A_2055 = arith.constant 0 : index
    %get3A_2056 = vector.load %arg2[%get3A_2053, %get3A_2054, %get3A_2055] : memref<1x4096x256xf32, #tpu.memory_space<vmem>>, vector<1x32x256xf32>
    %get3A_2057 = vector.shape_cast %get3A_2056 : vector<1x32x256xf32> to vector<32x256xf32>
    %lt3A_2058 = arith.cmpf olt, %get3A_2057, %select_n3A_2049 : vector<32x256xf32>
    %select_n3A_2059 = arith.select %lt3A_2058, %get3A_2057, %select_n3A_2049 : vector<32x256xi1>, vector<32x256xf32>
    %jit3A_2060 = arith.constant 205 : i32
    %broadcast_in_dim3A_2061 = vector.broadcast %jit3A_2060 : i32 to vector<32x256xi32>
    %select_n3A_2062 = arith.select %lt3A_2058, %broadcast_in_dim3A_2061, %select_n3A_2052 : vector<32x256xi1>, vector<32x256xi32>
    %get3A_2063 = arith.constant 0 : index
    %get3A_2064 = arith.constant 2496 : index
    %get3A_2065 = arith.constant 0 : index
    %get3A_2066 = vector.load %arg2[%get3A_2063, %get3A_2064, %get3A_2065] : memref<1x4096x256xf32, #tpu.memory_space<vmem>>, vector<1x32x256xf32>
    %get3A_2067 = vector.shape_cast %get3A_2066 : vector<1x32x256xf32> to vector<32x256xf32>
    %lt3A_2068 = arith.cmpf olt, %get3A_2067, %select_n3A_2059 : vector<32x256xf32>
    %select_n3A_2069 = arith.select %lt3A_2068, %get3A_2067, %select_n3A_2059 : vector<32x256xi1>, vector<32x256xf32>
    %jit3A_2070 = arith.constant 206 : i32
    %broadcast_in_dim3A_2071 = vector.broadcast %jit3A_2070 : i32 to vector<32x256xi32>
    %select_n3A_2072 = arith.select %lt3A_2068, %broadcast_in_dim3A_2071, %select_n3A_2062 : vector<32x256xi1>, vector<32x256xi32>
    %get3A_2073 = arith.constant 0 : index
    %get3A_2074 = arith.constant 2528 : index
    %get3A_2075 = arith.constant 0 : index
    %get3A_2076 = vector.load %arg2[%get3A_2073, %get3A_2074, %get3A_2075] : memref<1x4096x256xf32, #tpu.memory_space<vmem>>, vector<1x32x256xf32>
    %get3A_2077 = vector.shape_cast %get3A_2076 : vector<1x32x256xf32> to vector<32x256xf32>
    %lt3A_2078 = arith.cmpf olt, %get3A_2077, %select_n3A_2069 : vector<32x256xf32>
    %select_n3A_2079 = arith.select %lt3A_2078, %get3A_2077, %select_n3A_2069 : vector<32x256xi1>, vector<32x256xf32>
    %jit3A_2080 = arith.constant 207 : i32
    %broadcast_in_dim3A_2081 = vector.broadcast %jit3A_2080 : i32 to vector<32x256xi32>
    %select_n3A_2082 = arith.select %lt3A_2078, %broadcast_in_dim3A_2081, %select_n3A_2072 : vector<32x256xi1>, vector<32x256xi32>
    %get3A_2083 = arith.constant 0 : index
    %get3A_2084 = arith.constant 2560 : index
    %get3A_2085 = arith.constant 0 : index
    %get3A_2086 = vector.load %arg2[%get3A_2083, %get3A_2084, %get3A_2085] : memref<1x4096x256xf32, #tpu.memory_space<vmem>>, vector<1x32x256xf32>
    %get3A_2087 = vector.shape_cast %get3A_2086 : vector<1x32x256xf32> to vector<32x256xf32>
    %lt3A_2088 = arith.cmpf olt, %get3A_2087, %select_n3A_2079 : vector<32x256xf32>
    %select_n3A_2089 = arith.select %lt3A_2088, %get3A_2087, %select_n3A_2079 : vector<32x256xi1>, vector<32x256xf32>
    %jit3A_2090 = arith.constant 208 : i32
    %broadcast_in_dim3A_2091 = vector.broadcast %jit3A_2090 : i32 to vector<32x256xi32>
    %select_n3A_2092 = arith.select %lt3A_2088, %broadcast_in_dim3A_2091, %select_n3A_2082 : vector<32x256xi1>, vector<32x256xi32>
    %get3A_2093 = arith.constant 0 : index
    %get3A_2094 = arith.constant 2592 : index
    %get3A_2095 = arith.constant 0 : index
    %get3A_2096 = vector.load %arg2[%get3A_2093, %get3A_2094, %get3A_2095] : memref<1x4096x256xf32, #tpu.memory_space<vmem>>, vector<1x32x256xf32>
    %get3A_2097 = vector.shape_cast %get3A_2096 : vector<1x32x256xf32> to vector<32x256xf32>
    %lt3A_2098 = arith.cmpf olt, %get3A_2097, %select_n3A_2089 : vector<32x256xf32>
    %select_n3A_2099 = arith.select %lt3A_2098, %get3A_2097, %select_n3A_2089 : vector<32x256xi1>, vector<32x256xf32>
    %jit3A_2100 = arith.constant 209 : i32
    %broadcast_in_dim3A_2101 = vector.broadcast %jit3A_2100 : i32 to vector<32x256xi32>
    %select_n3A_2102 = arith.select %lt3A_2098, %broadcast_in_dim3A_2101, %select_n3A_2092 : vector<32x256xi1>, vector<32x256xi32>
    %get3A_2103 = arith.constant 0 : index
    %get3A_2104 = arith.constant 2624 : index
    %get3A_2105 = arith.constant 0 : index
    %get3A_2106 = vector.load %arg2[%get3A_2103, %get3A_2104, %get3A_2105] : memref<1x4096x256xf32, #tpu.memory_space<vmem>>, vector<1x32x256xf32>
    %get3A_2107 = vector.shape_cast %get3A_2106 : vector<1x32x256xf32> to vector<32x256xf32>
    %lt3A_2108 = arith.cmpf olt, %get3A_2107, %select_n3A_2099 : vector<32x256xf32>
    %select_n3A_2109 = arith.select %lt3A_2108, %get3A_2107, %select_n3A_2099 : vector<32x256xi1>, vector<32x256xf32>
    %jit3A_2110 = arith.constant 210 : i32
    %broadcast_in_dim3A_2111 = vector.broadcast %jit3A_2110 : i32 to vector<32x256xi32>
    %select_n3A_2112 = arith.select %lt3A_2108, %broadcast_in_dim3A_2111, %select_n3A_2102 : vector<32x256xi1>, vector<32x256xi32>
    %get3A_2113 = arith.constant 0 : index
    %get3A_2114 = arith.constant 2656 : index
    %get3A_2115 = arith.constant 0 : index
    %get3A_2116 = vector.load %arg2[%get3A_2113, %get3A_2114, %get3A_2115] : memref<1x4096x256xf32, #tpu.memory_space<vmem>>, vector<1x32x256xf32>
    %get3A_2117 = vector.shape_cast %get3A_2116 : vector<1x32x256xf32> to vector<32x256xf32>
    %lt3A_2118 = arith.cmpf olt, %get3A_2117, %select_n3A_2109 : vector<32x256xf32>
    %select_n3A_2119 = arith.select %lt3A_2118, %get3A_2117, %select_n3A_2109 : vector<32x256xi1>, vector<32x256xf32>
    %jit3A_2120 = arith.constant 211 : i32
    %broadcast_in_dim3A_2121 = vector.broadcast %jit3A_2120 : i32 to vector<32x256xi32>
    %select_n3A_2122 = arith.select %lt3A_2118, %broadcast_in_dim3A_2121, %select_n3A_2112 : vector<32x256xi1>, vector<32x256xi32>
    %get3A_2123 = arith.constant 0 : index
    %get3A_2124 = arith.constant 2688 : index
    %get3A_2125 = arith.constant 0 : index
    %get3A_2126 = vector.load %arg2[%get3A_2123, %get3A_2124, %get3A_2125] : memref<1x4096x256xf32, #tpu.memory_space<vmem>>, vector<1x32x256xf32>
    %get3A_2127 = vector.shape_cast %get3A_2126 : vector<1x32x256xf32> to vector<32x256xf32>
    %lt3A_2128 = arith.cmpf olt, %get3A_2127, %select_n3A_2119 : vector<32x256xf32>
    %select_n3A_2129 = arith.select %lt3A_2128, %get3A_2127, %select_n3A_2119 : vector<32x256xi1>, vector<32x256xf32>
    %jit3A_2130 = arith.constant 212 : i32
    %broadcast_in_dim3A_2131 = vector.broadcast %jit3A_2130 : i32 to vector<32x256xi32>
    %select_n3A_2132 = arith.select %lt3A_2128, %broadcast_in_dim3A_2131, %select_n3A_2122 : vector<32x256xi1>, vector<32x256xi32>
    %get3A_2133 = arith.constant 0 : index
    %get3A_2134 = arith.constant 2720 : index
    %get3A_2135 = arith.constant 0 : index
    %get3A_2136 = vector.load %arg2[%get3A_2133, %get3A_2134, %get3A_2135] : memref<1x4096x256xf32, #tpu.memory_space<vmem>>, vector<1x32x256xf32>
    %get3A_2137 = vector.shape_cast %get3A_2136 : vector<1x32x256xf32> to vector<32x256xf32>
    %lt3A_2138 = arith.cmpf olt, %get3A_2137, %select_n3A_2129 : vector<32x256xf32>
    %select_n3A_2139 = arith.select %lt3A_2138, %get3A_2137, %select_n3A_2129 : vector<32x256xi1>, vector<32x256xf32>
    %jit3A_2140 = arith.constant 213 : i32
    %broadcast_in_dim3A_2141 = vector.broadcast %jit3A_2140 : i32 to vector<32x256xi32>
    %select_n3A_2142 = arith.select %lt3A_2138, %broadcast_in_dim3A_2141, %select_n3A_2132 : vector<32x256xi1>, vector<32x256xi32>
    %get3A_2143 = arith.constant 0 : index
    %get3A_2144 = arith.constant 2752 : index
    %get3A_2145 = arith.constant 0 : index
    %get3A_2146 = vector.load %arg2[%get3A_2143, %get3A_2144, %get3A_2145] : memref<1x4096x256xf32, #tpu.memory_space<vmem>>, vector<1x32x256xf32>
    %get3A_2147 = vector.shape_cast %get3A_2146 : vector<1x32x256xf32> to vector<32x256xf32>
    %lt3A_2148 = arith.cmpf olt, %get3A_2147, %select_n3A_2139 : vector<32x256xf32>
    %select_n3A_2149 = arith.select %lt3A_2148, %get3A_2147, %select_n3A_2139 : vector<32x256xi1>, vector<32x256xf32>
    %jit3A_2150 = arith.constant 214 : i32
    %broadcast_in_dim3A_2151 = vector.broadcast %jit3A_2150 : i32 to vector<32x256xi32>
    %select_n3A_2152 = arith.select %lt3A_2148, %broadcast_in_dim3A_2151, %select_n3A_2142 : vector<32x256xi1>, vector<32x256xi32>
    %get3A_2153 = arith.constant 0 : index
    %get3A_2154 = arith.constant 2784 : index
    %get3A_2155 = arith.constant 0 : index
    %get3A_2156 = vector.load %arg2[%get3A_2153, %get3A_2154, %get3A_2155] : memref<1x4096x256xf32, #tpu.memory_space<vmem>>, vector<1x32x256xf32>
    %get3A_2157 = vector.shape_cast %get3A_2156 : vector<1x32x256xf32> to vector<32x256xf32>
    %lt3A_2158 = arith.cmpf olt, %get3A_2157, %select_n3A_2149 : vector<32x256xf32>
    %select_n3A_2159 = arith.select %lt3A_2158, %get3A_2157, %select_n3A_2149 : vector<32x256xi1>, vector<32x256xf32>
    %jit3A_2160 = arith.constant 215 : i32
    %broadcast_in_dim3A_2161 = vector.broadcast %jit3A_2160 : i32 to vector<32x256xi32>
    %select_n3A_2162 = arith.select %lt3A_2158, %broadcast_in_dim3A_2161, %select_n3A_2152 : vector<32x256xi1>, vector<32x256xi32>
    %get3A_2163 = arith.constant 0 : index
    %get3A_2164 = arith.constant 2816 : index
    %get3A_2165 = arith.constant 0 : index
    %get3A_2166 = vector.load %arg2[%get3A_2163, %get3A_2164, %get3A_2165] : memref<1x4096x256xf32, #tpu.memory_space<vmem>>, vector<1x32x256xf32>
    %get3A_2167 = vector.shape_cast %get3A_2166 : vector<1x32x256xf32> to vector<32x256xf32>
    %lt3A_2168 = arith.cmpf olt, %get3A_2167, %select_n3A_2159 : vector<32x256xf32>
    %select_n3A_2169 = arith.select %lt3A_2168, %get3A_2167, %select_n3A_2159 : vector<32x256xi1>, vector<32x256xf32>
    %jit3A_2170 = arith.constant 216 : i32
    %broadcast_in_dim3A_2171 = vector.broadcast %jit3A_2170 : i32 to vector<32x256xi32>
    %select_n3A_2172 = arith.select %lt3A_2168, %broadcast_in_dim3A_2171, %select_n3A_2162 : vector<32x256xi1>, vector<32x256xi32>
    %get3A_2173 = arith.constant 0 : index
    %get3A_2174 = arith.constant 2848 : index
    %get3A_2175 = arith.constant 0 : index
    %get3A_2176 = vector.load %arg2[%get3A_2173, %get3A_2174, %get3A_2175] : memref<1x4096x256xf32, #tpu.memory_space<vmem>>, vector<1x32x256xf32>
    %get3A_2177 = vector.shape_cast %get3A_2176 : vector<1x32x256xf32> to vector<32x256xf32>
    %lt3A_2178 = arith.cmpf olt, %get3A_2177, %select_n3A_2169 : vector<32x256xf32>
    %select_n3A_2179 = arith.select %lt3A_2178, %get3A_2177, %select_n3A_2169 : vector<32x256xi1>, vector<32x256xf32>
    %jit3A_2180 = arith.constant 217 : i32
    %broadcast_in_dim3A_2181 = vector.broadcast %jit3A_2180 : i32 to vector<32x256xi32>
    %select_n3A_2182 = arith.select %lt3A_2178, %broadcast_in_dim3A_2181, %select_n3A_2172 : vector<32x256xi1>, vector<32x256xi32>
    %get3A_2183 = arith.constant 0 : index
    %get3A_2184 = arith.constant 2880 : index
    %get3A_2185 = arith.constant 0 : index
    %get3A_2186 = vector.load %arg2[%get3A_2183, %get3A_2184, %get3A_2185] : memref<1x4096x256xf32, #tpu.memory_space<vmem>>, vector<1x32x256xf32>
    %get3A_2187 = vector.shape_cast %get3A_2186 : vector<1x32x256xf32> to vector<32x256xf32>
    %lt3A_2188 = arith.cmpf olt, %get3A_2187, %select_n3A_2179 : vector<32x256xf32>
    %select_n3A_2189 = arith.select %lt3A_2188, %get3A_2187, %select_n3A_2179 : vector<32x256xi1>, vector<32x256xf32>
    %jit3A_2190 = arith.constant 218 : i32
    %broadcast_in_dim3A_2191 = vector.broadcast %jit3A_2190 : i32 to vector<32x256xi32>
    %select_n3A_2192 = arith.select %lt3A_2188, %broadcast_in_dim3A_2191, %select_n3A_2182 : vector<32x256xi1>, vector<32x256xi32>
    %get3A_2193 = arith.constant 0 : index
    %get3A_2194 = arith.constant 2912 : index
    %get3A_2195 = arith.constant 0 : index
    %get3A_2196 = vector.load %arg2[%get3A_2193, %get3A_2194, %get3A_2195] : memref<1x4096x256xf32, #tpu.memory_space<vmem>>, vector<1x32x256xf32>
    %get3A_2197 = vector.shape_cast %get3A_2196 : vector<1x32x256xf32> to vector<32x256xf32>
    %lt3A_2198 = arith.cmpf olt, %get3A_2197, %select_n3A_2189 : vector<32x256xf32>
    %select_n3A_2199 = arith.select %lt3A_2198, %get3A_2197, %select_n3A_2189 : vector<32x256xi1>, vector<32x256xf32>
    %jit3A_2200 = arith.constant 219 : i32
    %broadcast_in_dim3A_2201 = vector.broadcast %jit3A_2200 : i32 to vector<32x256xi32>
    %select_n3A_2202 = arith.select %lt3A_2198, %broadcast_in_dim3A_2201, %select_n3A_2192 : vector<32x256xi1>, vector<32x256xi32>
    %get3A_2203 = arith.constant 0 : index
    %get3A_2204 = arith.constant 2944 : index
    %get3A_2205 = arith.constant 0 : index
    %get3A_2206 = vector.load %arg2[%get3A_2203, %get3A_2204, %get3A_2205] : memref<1x4096x256xf32, #tpu.memory_space<vmem>>, vector<1x32x256xf32>
    %get3A_2207 = vector.shape_cast %get3A_2206 : vector<1x32x256xf32> to vector<32x256xf32>
    %lt3A_2208 = arith.cmpf olt, %get3A_2207, %select_n3A_2199 : vector<32x256xf32>
    %select_n3A_2209 = arith.select %lt3A_2208, %get3A_2207, %select_n3A_2199 : vector<32x256xi1>, vector<32x256xf32>
    %jit3A_2210 = arith.constant 220 : i32
    %broadcast_in_dim3A_2211 = vector.broadcast %jit3A_2210 : i32 to vector<32x256xi32>
    %select_n3A_2212 = arith.select %lt3A_2208, %broadcast_in_dim3A_2211, %select_n3A_2202 : vector<32x256xi1>, vector<32x256xi32>
    %get3A_2213 = arith.constant 0 : index
    %get3A_2214 = arith.constant 2976 : index
    %get3A_2215 = arith.constant 0 : index
    %get3A_2216 = vector.load %arg2[%get3A_2213, %get3A_2214, %get3A_2215] : memref<1x4096x256xf32, #tpu.memory_space<vmem>>, vector<1x32x256xf32>
    %get3A_2217 = vector.shape_cast %get3A_2216 : vector<1x32x256xf32> to vector<32x256xf32>
    %lt3A_2218 = arith.cmpf olt, %get3A_2217, %select_n3A_2209 : vector<32x256xf32>
    %select_n3A_2219 = arith.select %lt3A_2218, %get3A_2217, %select_n3A_2209 : vector<32x256xi1>, vector<32x256xf32>
    %jit3A_2220 = arith.constant 221 : i32
    %broadcast_in_dim3A_2221 = vector.broadcast %jit3A_2220 : i32 to vector<32x256xi32>
    %select_n3A_2222 = arith.select %lt3A_2218, %broadcast_in_dim3A_2221, %select_n3A_2212 : vector<32x256xi1>, vector<32x256xi32>
    %get3A_2223 = arith.constant 0 : index
    %get3A_2224 = arith.constant 3008 : index
    %get3A_2225 = arith.constant 0 : index
    %get3A_2226 = vector.load %arg2[%get3A_2223, %get3A_2224, %get3A_2225] : memref<1x4096x256xf32, #tpu.memory_space<vmem>>, vector<1x32x256xf32>
    %get3A_2227 = vector.shape_cast %get3A_2226 : vector<1x32x256xf32> to vector<32x256xf32>
    %lt3A_2228 = arith.cmpf olt, %get3A_2227, %select_n3A_2219 : vector<32x256xf32>
    %select_n3A_2229 = arith.select %lt3A_2228, %get3A_2227, %select_n3A_2219 : vector<32x256xi1>, vector<32x256xf32>
    %jit3A_2230 = arith.constant 222 : i32
    %broadcast_in_dim3A_2231 = vector.broadcast %jit3A_2230 : i32 to vector<32x256xi32>
    %select_n3A_2232 = arith.select %lt3A_2228, %broadcast_in_dim3A_2231, %select_n3A_2222 : vector<32x256xi1>, vector<32x256xi32>
    %get3A_2233 = arith.constant 0 : index
    %get3A_2234 = arith.constant 3040 : index
    %get3A_2235 = arith.constant 0 : index
    %get3A_2236 = vector.load %arg2[%get3A_2233, %get3A_2234, %get3A_2235] : memref<1x4096x256xf32, #tpu.memory_space<vmem>>, vector<1x32x256xf32>
    %get3A_2237 = vector.shape_cast %get3A_2236 : vector<1x32x256xf32> to vector<32x256xf32>
    %lt3A_2238 = arith.cmpf olt, %get3A_2237, %select_n3A_2229 : vector<32x256xf32>
    %select_n3A_2239 = arith.select %lt3A_2238, %get3A_2237, %select_n3A_2229 : vector<32x256xi1>, vector<32x256xf32>
    %jit3A_2240 = arith.constant 223 : i32
    %broadcast_in_dim3A_2241 = vector.broadcast %jit3A_2240 : i32 to vector<32x256xi32>
    %select_n3A_2242 = arith.select %lt3A_2238, %broadcast_in_dim3A_2241, %select_n3A_2232 : vector<32x256xi1>, vector<32x256xi32>
    %get3A_2243 = arith.constant 0 : index
    %get3A_2244 = arith.constant 3072 : index
    %get3A_2245 = arith.constant 0 : index
    %get3A_2246 = vector.load %arg2[%get3A_2243, %get3A_2244, %get3A_2245] : memref<1x4096x256xf32, #tpu.memory_space<vmem>>, vector<1x32x256xf32>
    %get3A_2247 = vector.shape_cast %get3A_2246 : vector<1x32x256xf32> to vector<32x256xf32>
    %lt3A_2248 = arith.cmpf olt, %get3A_2247, %select_n3A_2239 : vector<32x256xf32>
    %select_n3A_2249 = arith.select %lt3A_2248, %get3A_2247, %select_n3A_2239 : vector<32x256xi1>, vector<32x256xf32>
    %jit3A_2250 = arith.constant 224 : i32
    %broadcast_in_dim3A_2251 = vector.broadcast %jit3A_2250 : i32 to vector<32x256xi32>
    %select_n3A_2252 = arith.select %lt3A_2248, %broadcast_in_dim3A_2251, %select_n3A_2242 : vector<32x256xi1>, vector<32x256xi32>
    %get3A_2253 = arith.constant 0 : index
    %get3A_2254 = arith.constant 3104 : index
    %get3A_2255 = arith.constant 0 : index
    %get3A_2256 = vector.load %arg2[%get3A_2253, %get3A_2254, %get3A_2255] : memref<1x4096x256xf32, #tpu.memory_space<vmem>>, vector<1x32x256xf32>
    %get3A_2257 = vector.shape_cast %get3A_2256 : vector<1x32x256xf32> to vector<32x256xf32>
    %lt3A_2258 = arith.cmpf olt, %get3A_2257, %select_n3A_2249 : vector<32x256xf32>
    %select_n3A_2259 = arith.select %lt3A_2258, %get3A_2257, %select_n3A_2249 : vector<32x256xi1>, vector<32x256xf32>
    %jit3A_2260 = arith.constant 225 : i32
    %broadcast_in_dim3A_2261 = vector.broadcast %jit3A_2260 : i32 to vector<32x256xi32>
    %select_n3A_2262 = arith.select %lt3A_2258, %broadcast_in_dim3A_2261, %select_n3A_2252 : vector<32x256xi1>, vector<32x256xi32>
    %get3A_2263 = arith.constant 0 : index
    %get3A_2264 = arith.constant 3136 : index
    %get3A_2265 = arith.constant 0 : index
    %get3A_2266 = vector.load %arg2[%get3A_2263, %get3A_2264, %get3A_2265] : memref<1x4096x256xf32, #tpu.memory_space<vmem>>, vector<1x32x256xf32>
    %get3A_2267 = vector.shape_cast %get3A_2266 : vector<1x32x256xf32> to vector<32x256xf32>
    %lt3A_2268 = arith.cmpf olt, %get3A_2267, %select_n3A_2259 : vector<32x256xf32>
    %select_n3A_2269 = arith.select %lt3A_2268, %get3A_2267, %select_n3A_2259 : vector<32x256xi1>, vector<32x256xf32>
    %jit3A_2270 = arith.constant 226 : i32
    %broadcast_in_dim3A_2271 = vector.broadcast %jit3A_2270 : i32 to vector<32x256xi32>
    %select_n3A_2272 = arith.select %lt3A_2268, %broadcast_in_dim3A_2271, %select_n3A_2262 : vector<32x256xi1>, vector<32x256xi32>
    %get3A_2273 = arith.constant 0 : index
    %get3A_2274 = arith.constant 3168 : index
    %get3A_2275 = arith.constant 0 : index
    %get3A_2276 = vector.load %arg2[%get3A_2273, %get3A_2274, %get3A_2275] : memref<1x4096x256xf32, #tpu.memory_space<vmem>>, vector<1x32x256xf32>
    %get3A_2277 = vector.shape_cast %get3A_2276 : vector<1x32x256xf32> to vector<32x256xf32>
    %lt3A_2278 = arith.cmpf olt, %get3A_2277, %select_n3A_2269 : vector<32x256xf32>
    %select_n3A_2279 = arith.select %lt3A_2278, %get3A_2277, %select_n3A_2269 : vector<32x256xi1>, vector<32x256xf32>
    %jit3A_2280 = arith.constant 227 : i32
    %broadcast_in_dim3A_2281 = vector.broadcast %jit3A_2280 : i32 to vector<32x256xi32>
    %select_n3A_2282 = arith.select %lt3A_2278, %broadcast_in_dim3A_2281, %select_n3A_2272 : vector<32x256xi1>, vector<32x256xi32>
    %get3A_2283 = arith.constant 0 : index
    %get3A_2284 = arith.constant 3200 : index
    %get3A_2285 = arith.constant 0 : index
    %get3A_2286 = vector.load %arg2[%get3A_2283, %get3A_2284, %get3A_2285] : memref<1x4096x256xf32, #tpu.memory_space<vmem>>, vector<1x32x256xf32>
    %get3A_2287 = vector.shape_cast %get3A_2286 : vector<1x32x256xf32> to vector<32x256xf32>
    %lt3A_2288 = arith.cmpf olt, %get3A_2287, %select_n3A_2279 : vector<32x256xf32>
    %select_n3A_2289 = arith.select %lt3A_2288, %get3A_2287, %select_n3A_2279 : vector<32x256xi1>, vector<32x256xf32>
    %jit3A_2290 = arith.constant 228 : i32
    %broadcast_in_dim3A_2291 = vector.broadcast %jit3A_2290 : i32 to vector<32x256xi32>
    %select_n3A_2292 = arith.select %lt3A_2288, %broadcast_in_dim3A_2291, %select_n3A_2282 : vector<32x256xi1>, vector<32x256xi32>
    %get3A_2293 = arith.constant 0 : index
    %get3A_2294 = arith.constant 3232 : index
    %get3A_2295 = arith.constant 0 : index
    %get3A_2296 = vector.load %arg2[%get3A_2293, %get3A_2294, %get3A_2295] : memref<1x4096x256xf32, #tpu.memory_space<vmem>>, vector<1x32x256xf32>
    %get3A_2297 = vector.shape_cast %get3A_2296 : vector<1x32x256xf32> to vector<32x256xf32>
    %lt3A_2298 = arith.cmpf olt, %get3A_2297, %select_n3A_2289 : vector<32x256xf32>
    %select_n3A_2299 = arith.select %lt3A_2298, %get3A_2297, %select_n3A_2289 : vector<32x256xi1>, vector<32x256xf32>
    %jit3A_2300 = arith.constant 229 : i32
    %broadcast_in_dim3A_2301 = vector.broadcast %jit3A_2300 : i32 to vector<32x256xi32>
    %select_n3A_2302 = arith.select %lt3A_2298, %broadcast_in_dim3A_2301, %select_n3A_2292 : vector<32x256xi1>, vector<32x256xi32>
    %get3A_2303 = arith.constant 0 : index
    %get3A_2304 = arith.constant 3264 : index
    %get3A_2305 = arith.constant 0 : index
    %get3A_2306 = vector.load %arg2[%get3A_2303, %get3A_2304, %get3A_2305] : memref<1x4096x256xf32, #tpu.memory_space<vmem>>, vector<1x32x256xf32>
    %get3A_2307 = vector.shape_cast %get3A_2306 : vector<1x32x256xf32> to vector<32x256xf32>
    %lt3A_2308 = arith.cmpf olt, %get3A_2307, %select_n3A_2299 : vector<32x256xf32>
    %select_n3A_2309 = arith.select %lt3A_2308, %get3A_2307, %select_n3A_2299 : vector<32x256xi1>, vector<32x256xf32>
    %jit3A_2310 = arith.constant 230 : i32
    %broadcast_in_dim3A_2311 = vector.broadcast %jit3A_2310 : i32 to vector<32x256xi32>
    %select_n3A_2312 = arith.select %lt3A_2308, %broadcast_in_dim3A_2311, %select_n3A_2302 : vector<32x256xi1>, vector<32x256xi32>
    %get3A_2313 = arith.constant 0 : index
    %get3A_2314 = arith.constant 3296 : index
    %get3A_2315 = arith.constant 0 : index
    %get3A_2316 = vector.load %arg2[%get3A_2313, %get3A_2314, %get3A_2315] : memref<1x4096x256xf32, #tpu.memory_space<vmem>>, vector<1x32x256xf32>
    %get3A_2317 = vector.shape_cast %get3A_2316 : vector<1x32x256xf32> to vector<32x256xf32>
    %lt3A_2318 = arith.cmpf olt, %get3A_2317, %select_n3A_2309 : vector<32x256xf32>
    %select_n3A_2319 = arith.select %lt3A_2318, %get3A_2317, %select_n3A_2309 : vector<32x256xi1>, vector<32x256xf32>
    %jit3A_2320 = arith.constant 231 : i32
    %broadcast_in_dim3A_2321 = vector.broadcast %jit3A_2320 : i32 to vector<32x256xi32>
    %select_n3A_2322 = arith.select %lt3A_2318, %broadcast_in_dim3A_2321, %select_n3A_2312 : vector<32x256xi1>, vector<32x256xi32>
    %get3A_2323 = arith.constant 0 : index
    %get3A_2324 = arith.constant 3328 : index
    %get3A_2325 = arith.constant 0 : index
    %get3A_2326 = vector.load %arg2[%get3A_2323, %get3A_2324, %get3A_2325] : memref<1x4096x256xf32, #tpu.memory_space<vmem>>, vector<1x32x256xf32>
    %get3A_2327 = vector.shape_cast %get3A_2326 : vector<1x32x256xf32> to vector<32x256xf32>
    %lt3A_2328 = arith.cmpf olt, %get3A_2327, %select_n3A_2319 : vector<32x256xf32>
    %select_n3A_2329 = arith.select %lt3A_2328, %get3A_2327, %select_n3A_2319 : vector<32x256xi1>, vector<32x256xf32>
    %jit3A_2330 = arith.constant 232 : i32
    %broadcast_in_dim3A_2331 = vector.broadcast %jit3A_2330 : i32 to vector<32x256xi32>
    %select_n3A_2332 = arith.select %lt3A_2328, %broadcast_in_dim3A_2331, %select_n3A_2322 : vector<32x256xi1>, vector<32x256xi32>
    %get3A_2333 = arith.constant 0 : index
    %get3A_2334 = arith.constant 3360 : index
    %get3A_2335 = arith.constant 0 : index
    %get3A_2336 = vector.load %arg2[%get3A_2333, %get3A_2334, %get3A_2335] : memref<1x4096x256xf32, #tpu.memory_space<vmem>>, vector<1x32x256xf32>
    %get3A_2337 = vector.shape_cast %get3A_2336 : vector<1x32x256xf32> to vector<32x256xf32>
    %lt3A_2338 = arith.cmpf olt, %get3A_2337, %select_n3A_2329 : vector<32x256xf32>
    %select_n3A_2339 = arith.select %lt3A_2338, %get3A_2337, %select_n3A_2329 : vector<32x256xi1>, vector<32x256xf32>
    %jit3A_2340 = arith.constant 233 : i32
    %broadcast_in_dim3A_2341 = vector.broadcast %jit3A_2340 : i32 to vector<32x256xi32>
    %select_n3A_2342 = arith.select %lt3A_2338, %broadcast_in_dim3A_2341, %select_n3A_2332 : vector<32x256xi1>, vector<32x256xi32>
    %get3A_2343 = arith.constant 0 : index
    %get3A_2344 = arith.constant 3392 : index
    %get3A_2345 = arith.constant 0 : index
    %get3A_2346 = vector.load %arg2[%get3A_2343, %get3A_2344, %get3A_2345] : memref<1x4096x256xf32, #tpu.memory_space<vmem>>, vector<1x32x256xf32>
    %get3A_2347 = vector.shape_cast %get3A_2346 : vector<1x32x256xf32> to vector<32x256xf32>
    %lt3A_2348 = arith.cmpf olt, %get3A_2347, %select_n3A_2339 : vector<32x256xf32>
    %select_n3A_2349 = arith.select %lt3A_2348, %get3A_2347, %select_n3A_2339 : vector<32x256xi1>, vector<32x256xf32>
    %jit3A_2350 = arith.constant 234 : i32
    %broadcast_in_dim3A_2351 = vector.broadcast %jit3A_2350 : i32 to vector<32x256xi32>
    %select_n3A_2352 = arith.select %lt3A_2348, %broadcast_in_dim3A_2351, %select_n3A_2342 : vector<32x256xi1>, vector<32x256xi32>
    %get3A_2353 = arith.constant 0 : index
    %get3A_2354 = arith.constant 3424 : index
    %get3A_2355 = arith.constant 0 : index
    %get3A_2356 = vector.load %arg2[%get3A_2353, %get3A_2354, %get3A_2355] : memref<1x4096x256xf32, #tpu.memory_space<vmem>>, vector<1x32x256xf32>
    %get3A_2357 = vector.shape_cast %get3A_2356 : vector<1x32x256xf32> to vector<32x256xf32>
    %lt3A_2358 = arith.cmpf olt, %get3A_2357, %select_n3A_2349 : vector<32x256xf32>
    %select_n3A_2359 = arith.select %lt3A_2358, %get3A_2357, %select_n3A_2349 : vector<32x256xi1>, vector<32x256xf32>
    %jit3A_2360 = arith.constant 235 : i32
    %broadcast_in_dim3A_2361 = vector.broadcast %jit3A_2360 : i32 to vector<32x256xi32>
    %select_n3A_2362 = arith.select %lt3A_2358, %broadcast_in_dim3A_2361, %select_n3A_2352 : vector<32x256xi1>, vector<32x256xi32>
    %get3A_2363 = arith.constant 0 : index
    %get3A_2364 = arith.constant 3456 : index
    %get3A_2365 = arith.constant 0 : index
    %get3A_2366 = vector.load %arg2[%get3A_2363, %get3A_2364, %get3A_2365] : memref<1x4096x256xf32, #tpu.memory_space<vmem>>, vector<1x32x256xf32>
    %get3A_2367 = vector.shape_cast %get3A_2366 : vector<1x32x256xf32> to vector<32x256xf32>
    %lt3A_2368 = arith.cmpf olt, %get3A_2367, %select_n3A_2359 : vector<32x256xf32>
    %select_n3A_2369 = arith.select %lt3A_2368, %get3A_2367, %select_n3A_2359 : vector<32x256xi1>, vector<32x256xf32>
    %jit3A_2370 = arith.constant 236 : i32
    %broadcast_in_dim3A_2371 = vector.broadcast %jit3A_2370 : i32 to vector<32x256xi32>
    %select_n3A_2372 = arith.select %lt3A_2368, %broadcast_in_dim3A_2371, %select_n3A_2362 : vector<32x256xi1>, vector<32x256xi32>
    %get3A_2373 = arith.constant 0 : index
    %get3A_2374 = arith.constant 3488 : index
    %get3A_2375 = arith.constant 0 : index
    %get3A_2376 = vector.load %arg2[%get3A_2373, %get3A_2374, %get3A_2375] : memref<1x4096x256xf32, #tpu.memory_space<vmem>>, vector<1x32x256xf32>
    %get3A_2377 = vector.shape_cast %get3A_2376 : vector<1x32x256xf32> to vector<32x256xf32>
    %lt3A_2378 = arith.cmpf olt, %get3A_2377, %select_n3A_2369 : vector<32x256xf32>
    %select_n3A_2379 = arith.select %lt3A_2378, %get3A_2377, %select_n3A_2369 : vector<32x256xi1>, vector<32x256xf32>
    %jit3A_2380 = arith.constant 237 : i32
    %broadcast_in_dim3A_2381 = vector.broadcast %jit3A_2380 : i32 to vector<32x256xi32>
    %select_n3A_2382 = arith.select %lt3A_2378, %broadcast_in_dim3A_2381, %select_n3A_2372 : vector<32x256xi1>, vector<32x256xi32>
    %get3A_2383 = arith.constant 0 : index
    %get3A_2384 = arith.constant 3520 : index
    %get3A_2385 = arith.constant 0 : index
    %get3A_2386 = vector.load %arg2[%get3A_2383, %get3A_2384, %get3A_2385] : memref<1x4096x256xf32, #tpu.memory_space<vmem>>, vector<1x32x256xf32>
    %get3A_2387 = vector.shape_cast %get3A_2386 : vector<1x32x256xf32> to vector<32x256xf32>
    %lt3A_2388 = arith.cmpf olt, %get3A_2387, %select_n3A_2379 : vector<32x256xf32>
    %select_n3A_2389 = arith.select %lt3A_2388, %get3A_2387, %select_n3A_2379 : vector<32x256xi1>, vector<32x256xf32>
    %jit3A_2390 = arith.constant 238 : i32
    %broadcast_in_dim3A_2391 = vector.broadcast %jit3A_2390 : i32 to vector<32x256xi32>
    %select_n3A_2392 = arith.select %lt3A_2388, %broadcast_in_dim3A_2391, %select_n3A_2382 : vector<32x256xi1>, vector<32x256xi32>
    %get3A_2393 = arith.constant 0 : index
    %get3A_2394 = arith.constant 3552 : index
    %get3A_2395 = arith.constant 0 : index
    %get3A_2396 = vector.load %arg2[%get3A_2393, %get3A_2394, %get3A_2395] : memref<1x4096x256xf32, #tpu.memory_space<vmem>>, vector<1x32x256xf32>
    %get3A_2397 = vector.shape_cast %get3A_2396 : vector<1x32x256xf32> to vector<32x256xf32>
    %lt3A_2398 = arith.cmpf olt, %get3A_2397, %select_n3A_2389 : vector<32x256xf32>
    %select_n3A_2399 = arith.select %lt3A_2398, %get3A_2397, %select_n3A_2389 : vector<32x256xi1>, vector<32x256xf32>
    %jit3A_2400 = arith.constant 239 : i32
    %broadcast_in_dim3A_2401 = vector.broadcast %jit3A_2400 : i32 to vector<32x256xi32>
    %select_n3A_2402 = arith.select %lt3A_2398, %broadcast_in_dim3A_2401, %select_n3A_2392 : vector<32x256xi1>, vector<32x256xi32>
    %get3A_2403 = arith.constant 0 : index
    %get3A_2404 = arith.constant 3584 : index
    %get3A_2405 = arith.constant 0 : index
    %get3A_2406 = vector.load %arg2[%get3A_2403, %get3A_2404, %get3A_2405] : memref<1x4096x256xf32, #tpu.memory_space<vmem>>, vector<1x32x256xf32>
    %get3A_2407 = vector.shape_cast %get3A_2406 : vector<1x32x256xf32> to vector<32x256xf32>
    %lt3A_2408 = arith.cmpf olt, %get3A_2407, %select_n3A_2399 : vector<32x256xf32>
    %select_n3A_2409 = arith.select %lt3A_2408, %get3A_2407, %select_n3A_2399 : vector<32x256xi1>, vector<32x256xf32>
    %jit3A_2410 = arith.constant 240 : i32
    %broadcast_in_dim3A_2411 = vector.broadcast %jit3A_2410 : i32 to vector<32x256xi32>
    %select_n3A_2412 = arith.select %lt3A_2408, %broadcast_in_dim3A_2411, %select_n3A_2402 : vector<32x256xi1>, vector<32x256xi32>
    %get3A_2413 = arith.constant 0 : index
    %get3A_2414 = arith.constant 3616 : index
    %get3A_2415 = arith.constant 0 : index
    %get3A_2416 = vector.load %arg2[%get3A_2413, %get3A_2414, %get3A_2415] : memref<1x4096x256xf32, #tpu.memory_space<vmem>>, vector<1x32x256xf32>
    %get3A_2417 = vector.shape_cast %get3A_2416 : vector<1x32x256xf32> to vector<32x256xf32>
    %lt3A_2418 = arith.cmpf olt, %get3A_2417, %select_n3A_2409 : vector<32x256xf32>
    %select_n3A_2419 = arith.select %lt3A_2418, %get3A_2417, %select_n3A_2409 : vector<32x256xi1>, vector<32x256xf32>
    %jit3A_2420 = arith.constant 241 : i32
    %broadcast_in_dim3A_2421 = vector.broadcast %jit3A_2420 : i32 to vector<32x256xi32>
    %select_n3A_2422 = arith.select %lt3A_2418, %broadcast_in_dim3A_2421, %select_n3A_2412 : vector<32x256xi1>, vector<32x256xi32>
    %get3A_2423 = arith.constant 0 : index
    %get3A_2424 = arith.constant 3648 : index
    %get3A_2425 = arith.constant 0 : index
    %get3A_2426 = vector.load %arg2[%get3A_2423, %get3A_2424, %get3A_2425] : memref<1x4096x256xf32, #tpu.memory_space<vmem>>, vector<1x32x256xf32>
    %get3A_2427 = vector.shape_cast %get3A_2426 : vector<1x32x256xf32> to vector<32x256xf32>
    %lt3A_2428 = arith.cmpf olt, %get3A_2427, %select_n3A_2419 : vector<32x256xf32>
    %select_n3A_2429 = arith.select %lt3A_2428, %get3A_2427, %select_n3A_2419 : vector<32x256xi1>, vector<32x256xf32>
    %jit3A_2430 = arith.constant 242 : i32
    %broadcast_in_dim3A_2431 = vector.broadcast %jit3A_2430 : i32 to vector<32x256xi32>
    %select_n3A_2432 = arith.select %lt3A_2428, %broadcast_in_dim3A_2431, %select_n3A_2422 : vector<32x256xi1>, vector<32x256xi32>
    %get3A_2433 = arith.constant 0 : index
    %get3A_2434 = arith.constant 3680 : index
    %get3A_2435 = arith.constant 0 : index
    %get3A_2436 = vector.load %arg2[%get3A_2433, %get3A_2434, %get3A_2435] : memref<1x4096x256xf32, #tpu.memory_space<vmem>>, vector<1x32x256xf32>
    %get3A_2437 = vector.shape_cast %get3A_2436 : vector<1x32x256xf32> to vector<32x256xf32>
    %lt3A_2438 = arith.cmpf olt, %get3A_2437, %select_n3A_2429 : vector<32x256xf32>
    %select_n3A_2439 = arith.select %lt3A_2438, %get3A_2437, %select_n3A_2429 : vector<32x256xi1>, vector<32x256xf32>
    %jit3A_2440 = arith.constant 243 : i32
    %broadcast_in_dim3A_2441 = vector.broadcast %jit3A_2440 : i32 to vector<32x256xi32>
    %select_n3A_2442 = arith.select %lt3A_2438, %broadcast_in_dim3A_2441, %select_n3A_2432 : vector<32x256xi1>, vector<32x256xi32>
    %get3A_2443 = arith.constant 0 : index
    %get3A_2444 = arith.constant 3712 : index
    %get3A_2445 = arith.constant 0 : index
    %get3A_2446 = vector.load %arg2[%get3A_2443, %get3A_2444, %get3A_2445] : memref<1x4096x256xf32, #tpu.memory_space<vmem>>, vector<1x32x256xf32>
    %get3A_2447 = vector.shape_cast %get3A_2446 : vector<1x32x256xf32> to vector<32x256xf32>
    %lt3A_2448 = arith.cmpf olt, %get3A_2447, %select_n3A_2439 : vector<32x256xf32>
    %select_n3A_2449 = arith.select %lt3A_2448, %get3A_2447, %select_n3A_2439 : vector<32x256xi1>, vector<32x256xf32>
    %jit3A_2450 = arith.constant 244 : i32
    %broadcast_in_dim3A_2451 = vector.broadcast %jit3A_2450 : i32 to vector<32x256xi32>
    %select_n3A_2452 = arith.select %lt3A_2448, %broadcast_in_dim3A_2451, %select_n3A_2442 : vector<32x256xi1>, vector<32x256xi32>
    %get3A_2453 = arith.constant 0 : index
    %get3A_2454 = arith.constant 3744 : index
    %get3A_2455 = arith.constant 0 : index
    %get3A_2456 = vector.load %arg2[%get3A_2453, %get3A_2454, %get3A_2455] : memref<1x4096x256xf32, #tpu.memory_space<vmem>>, vector<1x32x256xf32>
    %get3A_2457 = vector.shape_cast %get3A_2456 : vector<1x32x256xf32> to vector<32x256xf32>
    %lt3A_2458 = arith.cmpf olt, %get3A_2457, %select_n3A_2449 : vector<32x256xf32>
    %select_n3A_2459 = arith.select %lt3A_2458, %get3A_2457, %select_n3A_2449 : vector<32x256xi1>, vector<32x256xf32>
    %jit3A_2460 = arith.constant 245 : i32
    %broadcast_in_dim3A_2461 = vector.broadcast %jit3A_2460 : i32 to vector<32x256xi32>
    %select_n3A_2462 = arith.select %lt3A_2458, %broadcast_in_dim3A_2461, %select_n3A_2452 : vector<32x256xi1>, vector<32x256xi32>
    %get3A_2463 = arith.constant 0 : index
    %get3A_2464 = arith.constant 3776 : index
    %get3A_2465 = arith.constant 0 : index
    %get3A_2466 = vector.load %arg2[%get3A_2463, %get3A_2464, %get3A_2465] : memref<1x4096x256xf32, #tpu.memory_space<vmem>>, vector<1x32x256xf32>
    %get3A_2467 = vector.shape_cast %get3A_2466 : vector<1x32x256xf32> to vector<32x256xf32>
    %lt3A_2468 = arith.cmpf olt, %get3A_2467, %select_n3A_2459 : vector<32x256xf32>
    %select_n3A_2469 = arith.select %lt3A_2468, %get3A_2467, %select_n3A_2459 : vector<32x256xi1>, vector<32x256xf32>
    %jit3A_2470 = arith.constant 246 : i32
    %broadcast_in_dim3A_2471 = vector.broadcast %jit3A_2470 : i32 to vector<32x256xi32>
    %select_n3A_2472 = arith.select %lt3A_2468, %broadcast_in_dim3A_2471, %select_n3A_2462 : vector<32x256xi1>, vector<32x256xi32>
    %get3A_2473 = arith.constant 0 : index
    %get3A_2474 = arith.constant 3808 : index
    %get3A_2475 = arith.constant 0 : index
    %get3A_2476 = vector.load %arg2[%get3A_2473, %get3A_2474, %get3A_2475] : memref<1x4096x256xf32, #tpu.memory_space<vmem>>, vector<1x32x256xf32>
    %get3A_2477 = vector.shape_cast %get3A_2476 : vector<1x32x256xf32> to vector<32x256xf32>
    %lt3A_2478 = arith.cmpf olt, %get3A_2477, %select_n3A_2469 : vector<32x256xf32>
    %select_n3A_2479 = arith.select %lt3A_2478, %get3A_2477, %select_n3A_2469 : vector<32x256xi1>, vector<32x256xf32>
    %jit3A_2480 = arith.constant 247 : i32
    %broadcast_in_dim3A_2481 = vector.broadcast %jit3A_2480 : i32 to vector<32x256xi32>
    %select_n3A_2482 = arith.select %lt3A_2478, %broadcast_in_dim3A_2481, %select_n3A_2472 : vector<32x256xi1>, vector<32x256xi32>
    %get3A_2483 = arith.constant 0 : index
    %get3A_2484 = arith.constant 3840 : index
    %get3A_2485 = arith.constant 0 : index
    %get3A_2486 = vector.load %arg2[%get3A_2483, %get3A_2484, %get3A_2485] : memref<1x4096x256xf32, #tpu.memory_space<vmem>>, vector<1x32x256xf32>
    %get3A_2487 = vector.shape_cast %get3A_2486 : vector<1x32x256xf32> to vector<32x256xf32>
    %lt3A_2488 = arith.cmpf olt, %get3A_2487, %select_n3A_2479 : vector<32x256xf32>
    %select_n3A_2489 = arith.select %lt3A_2488, %get3A_2487, %select_n3A_2479 : vector<32x256xi1>, vector<32x256xf32>
    %jit3A_2490 = arith.constant 248 : i32
    %broadcast_in_dim3A_2491 = vector.broadcast %jit3A_2490 : i32 to vector<32x256xi32>
    %select_n3A_2492 = arith.select %lt3A_2488, %broadcast_in_dim3A_2491, %select_n3A_2482 : vector<32x256xi1>, vector<32x256xi32>
    %get3A_2493 = arith.constant 0 : index
    %get3A_2494 = arith.constant 3872 : index
    %get3A_2495 = arith.constant 0 : index
    %get3A_2496 = vector.load %arg2[%get3A_2493, %get3A_2494, %get3A_2495] : memref<1x4096x256xf32, #tpu.memory_space<vmem>>, vector<1x32x256xf32>
    %get3A_2497 = vector.shape_cast %get3A_2496 : vector<1x32x256xf32> to vector<32x256xf32>
    %lt3A_2498 = arith.cmpf olt, %get3A_2497, %select_n3A_2489 : vector<32x256xf32>
    %select_n3A_2499 = arith.select %lt3A_2498, %get3A_2497, %select_n3A_2489 : vector<32x256xi1>, vector<32x256xf32>
    %jit3A_2500 = arith.constant 249 : i32
    %broadcast_in_dim3A_2501 = vector.broadcast %jit3A_2500 : i32 to vector<32x256xi32>
    %select_n3A_2502 = arith.select %lt3A_2498, %broadcast_in_dim3A_2501, %select_n3A_2492 : vector<32x256xi1>, vector<32x256xi32>
    %get3A_2503 = arith.constant 0 : index
    %get3A_2504 = arith.constant 3904 : index
    %get3A_2505 = arith.constant 0 : index
    %get3A_2506 = vector.load %arg2[%get3A_2503, %get3A_2504, %get3A_2505] : memref<1x4096x256xf32, #tpu.memory_space<vmem>>, vector<1x32x256xf32>
    %get3A_2507 = vector.shape_cast %get3A_2506 : vector<1x32x256xf32> to vector<32x256xf32>
    %lt3A_2508 = arith.cmpf olt, %get3A_2507, %select_n3A_2499 : vector<32x256xf32>
    %select_n3A_2509 = arith.select %lt3A_2508, %get3A_2507, %select_n3A_2499 : vector<32x256xi1>, vector<32x256xf32>
    %jit3A_2510 = arith.constant 250 : i32
    %broadcast_in_dim3A_2511 = vector.broadcast %jit3A_2510 : i32 to vector<32x256xi32>
    %select_n3A_2512 = arith.select %lt3A_2508, %broadcast_in_dim3A_2511, %select_n3A_2502 : vector<32x256xi1>, vector<32x256xi32>
    %get3A_2513 = arith.constant 0 : index
    %get3A_2514 = arith.constant 3936 : index
    %get3A_2515 = arith.constant 0 : index
    %get3A_2516 = vector.load %arg2[%get3A_2513, %get3A_2514, %get3A_2515] : memref<1x4096x256xf32, #tpu.memory_space<vmem>>, vector<1x32x256xf32>
    %get3A_2517 = vector.shape_cast %get3A_2516 : vector<1x32x256xf32> to vector<32x256xf32>
    %lt3A_2518 = arith.cmpf olt, %get3A_2517, %select_n3A_2509 : vector<32x256xf32>
    %select_n3A_2519 = arith.select %lt3A_2518, %get3A_2517, %select_n3A_2509 : vector<32x256xi1>, vector<32x256xf32>
    %jit3A_2520 = arith.constant 251 : i32
    %broadcast_in_dim3A_2521 = vector.broadcast %jit3A_2520 : i32 to vector<32x256xi32>
    %select_n3A_2522 = arith.select %lt3A_2518, %broadcast_in_dim3A_2521, %select_n3A_2512 : vector<32x256xi1>, vector<32x256xi32>
    %get3A_2523 = arith.constant 0 : index
    %get3A_2524 = arith.constant 3968 : index
    %get3A_2525 = arith.constant 0 : index
    %get3A_2526 = vector.load %arg2[%get3A_2523, %get3A_2524, %get3A_2525] : memref<1x4096x256xf32, #tpu.memory_space<vmem>>, vector<1x32x256xf32>
    %get3A_2527 = vector.shape_cast %get3A_2526 : vector<1x32x256xf32> to vector<32x256xf32>
    %lt3A_2528 = arith.cmpf olt, %get3A_2527, %select_n3A_2519 : vector<32x256xf32>
    %select_n3A_2529 = arith.select %lt3A_2528, %get3A_2527, %select_n3A_2519 : vector<32x256xi1>, vector<32x256xf32>
    %jit3A_2530 = arith.constant 252 : i32
    %broadcast_in_dim3A_2531 = vector.broadcast %jit3A_2530 : i32 to vector<32x256xi32>
    %select_n3A_2532 = arith.select %lt3A_2528, %broadcast_in_dim3A_2531, %select_n3A_2522 : vector<32x256xi1>, vector<32x256xi32>
    %get3A_2533 = arith.constant 0 : index
    %get3A_2534 = arith.constant 4000 : index
    %get3A_2535 = arith.constant 0 : index
    %get3A_2536 = vector.load %arg2[%get3A_2533, %get3A_2534, %get3A_2535] : memref<1x4096x256xf32, #tpu.memory_space<vmem>>, vector<1x32x256xf32>
    %get3A_2537 = vector.shape_cast %get3A_2536 : vector<1x32x256xf32> to vector<32x256xf32>
    %lt3A_2538 = arith.cmpf olt, %get3A_2537, %select_n3A_2529 : vector<32x256xf32>
    %select_n3A_2539 = arith.select %lt3A_2538, %get3A_2537, %select_n3A_2529 : vector<32x256xi1>, vector<32x256xf32>
    %jit3A_2540 = arith.constant 253 : i32
    %broadcast_in_dim3A_2541 = vector.broadcast %jit3A_2540 : i32 to vector<32x256xi32>
    %select_n3A_2542 = arith.select %lt3A_2538, %broadcast_in_dim3A_2541, %select_n3A_2532 : vector<32x256xi1>, vector<32x256xi32>
    %get3A_2543 = arith.constant 0 : index
    %get3A_2544 = arith.constant 4032 : index
    %get3A_2545 = arith.constant 0 : index
    %get3A_2546 = vector.load %arg2[%get3A_2543, %get3A_2544, %get3A_2545] : memref<1x4096x256xf32, #tpu.memory_space<vmem>>, vector<1x32x256xf32>
    %get3A_2547 = vector.shape_cast %get3A_2546 : vector<1x32x256xf32> to vector<32x256xf32>
    %lt3A_2548 = arith.cmpf olt, %get3A_2547, %select_n3A_2539 : vector<32x256xf32>
    %select_n3A_2549 = arith.select %lt3A_2548, %get3A_2547, %select_n3A_2539 : vector<32x256xi1>, vector<32x256xf32>
    %jit3A_2550 = arith.constant 254 : i32
    %broadcast_in_dim3A_2551 = vector.broadcast %jit3A_2550 : i32 to vector<32x256xi32>
    %select_n3A_2552 = arith.select %lt3A_2548, %broadcast_in_dim3A_2551, %select_n3A_2542 : vector<32x256xi1>, vector<32x256xi32>
    %get3A_2553 = arith.constant 0 : index
    %get3A_2554 = arith.constant 4064 : index
    %get3A_2555 = arith.constant 0 : index
    %get3A_2556 = vector.load %arg2[%get3A_2553, %get3A_2554, %get3A_2555] : memref<1x4096x256xf32, #tpu.memory_space<vmem>>, vector<1x32x256xf32>
    %get3A_2557 = vector.shape_cast %get3A_2556 : vector<1x32x256xf32> to vector<32x256xf32>
    %lt3A_2558 = arith.cmpf olt, %get3A_2557, %select_n3A_2549 : vector<32x256xf32>
    %select_n3A_2559 = arith.select %lt3A_2558, %get3A_2557, %select_n3A_2549 : vector<32x256xi1>, vector<32x256xf32>
    %jit3A_2560 = arith.constant 255 : i32
    %broadcast_in_dim3A_2561 = vector.broadcast %jit3A_2560 : i32 to vector<32x256xi32>
    %select_n3A_2562 = arith.select %lt3A_2558, %broadcast_in_dim3A_2561, %select_n3A_2552 : vector<32x256xi1>, vector<32x256xi32>
    %lt3A_2563 = arith.cmpf olt, %select_n3A_2559, %select_n3A_1275 : vector<32x256xf32>
    %select_n3A_2564 = arith.select %lt3A_2563, %select_n3A_2559, %select_n3A_1275 : vector<32x256xi1>, vector<32x256xf32>
    %select_n3A_2565 = arith.select %lt3A_2563, %select_n3A_2562, %select_n3A_1278 : vector<32x256xi1>, vector<32x256xi32>
    %reduce_min3A = arith.constant dense<0x7F800000> : vector<256xf32>
    %reduce_min3A_2566 = vector.multi_reduction <minimumf>, %select_n3A_2564, %reduce_min3A [0] : vector<32x256xf32> to vector<256xf32>
    %iota3A = tpu.iota {dimensions = array<i32: 0>} : vector<32x256xi32>
    %mul3A = arith.constant 32 : i32
    %mul3A_2567 = vector.broadcast %mul3A : i32 to vector<32x256xi32>
    %mul3A_2568 = arith.muli %select_n3A_2565, %mul3A_2567 : vector<32x256xi32>
    %add3A = arith.addi %mul3A_2568, %iota3A : vector<32x256xi32>
    %broadcast_in_dim3A_2569 = vector.shape_cast %reduce_min3A_2566 : vector<256xf32> to vector<1x256xf32>
    %eq3A = vector.broadcast %broadcast_in_dim3A_2569 : vector<1x256xf32> to vector<32x256xf32>
    %eq3A_2570 = arith.cmpf oeq, %select_n3A_2564, %eq3A : vector<32x256xf32>
    %jit3A_2571 = arith.constant 1073741824 : i32
    %broadcast_in_dim3A_2572 = vector.broadcast %jit3A_2571 : i32 to vector<32x256xi32>
    %select_n3A_2573 = arith.select %eq3A_2570, %add3A, %broadcast_in_dim3A_2572 : vector<32x256xi1>, vector<32x256xi32>
    %reduce_min3A_2574 = arith.constant dense<2147483647> : vector<256xi32>
    %reduce_min3A_2575 = vector.multi_reduction <minsi>, %select_n3A_2573, %reduce_min3A_2574 [0] : vector<32x256xi32> to vector<256xi32>
    %swap3A = arith.constant 0 : index
    %swap3A_2576 = arith.constant 0 : index
    %swap3A_2577 = arith.constant 0 : index
    %swap3A_2578 = vector.load %arg3[%swap3A, %swap3A_2576, %swap3A_2577] : memref<1x1x256xi32, #tpu.memory_space<vmem>>, vector<1x1x256xi32>
    %swap3A_2579 = vector.shape_cast %swap3A_2578 : vector<1x1x256xi32> to vector<256xi32>
    %swap3A_2580 = vector.shape_cast %reduce_min3A_2575 : vector<256xi32> to vector<1x1x256xi32>
    tpu.vector_store %arg3[%swap3A, %swap3A_2576, %swap3A_2577], %swap3A_2580 {strides = array<i32>} : memref<1x1x256xi32, #tpu.memory_space<vmem>>, vector<1x1x256xi32>,
    return
  }
  func.func @transform_0(%arg0: i32) -> (i32, i32, i32) {
    %c0_i32 = arith.constant 0 : i32
    %c0_i32_0 = arith.constant 0 : i32
    %c0_i32_1 = arith.constant 0 : i32
    return %arg0, %c0_i32, %c0_i32_0 : i32, i32, i32
  }
  func.func @transform_1(%arg0: i32) -> (i32, i32, i32) {
    %c1_i32 = arith.constant 1 : i32
    %c0_i32 = arith.constant 0 : i32
    %c0_i32_0 = arith.constant 0 : i32
    return %arg0, %c1_i32, %c0_i32 : i32, i32, i32
  }
  func.func @transform_2(%arg0: i32) -> (i32, i32, i32) {
    %c0_i32 = arith.constant 0 : i32
    %c0_i32_0 = arith.constant 0 : i32
    %c0_i32_1 = arith.constant 0 : i32
    return %arg0, %c0_i32, %c0_i32_0 : i32, i32, i32
  }
}

</mosaic_0001>

<sc_bundles>
// kernel: kernel.4.cloned.1.call-start
scs
__scs_entry_jumppad:
0x0: {  	(pc) =	sbr.rel $0x88, $3  }
0x1: {  	(tag) =	ssettag $0x0;
	lr =	simm.s32 $0x1  }
0x2: {  	[smem:$0x3FA0] =	sst lr;
	_ =	strace $0xD0000000  }
0x3: {  	_ = 	snop  }
0x4: {  	_ = 	snop  }
0x5: {  	_ = 	snop  }
0x6: {  	_ = 	snop  }
0x7: {  	_ = 	snop  }
__scs_overlays_trampoline_lowered:
0x8: {  	[smem:$0x3FAF] =	sst s0  }
0x9: {  	[smem:$0x3FB0] =	sst s1  }
0xa: {  	[smem:$0x3FB1] =	sst s2  }
0xb: {  	[smem:$0x3FB2] =	sst s3  }
0xc: {  	[smem:$0x3FB3] =	sst s4  }
0xd: {  	[smem:$0x3FB4] =	sst s5  }
0xe: {  	[smem:$0x3FB5] =	sst s6  }
0xf: {  	[smem:$0x3FB6] =	sst s7  }
0x10: {  	[smem:$0x3FB7] =	sst s8  }
0x11: {  	[smem:$0x3FB8] =	sst s9;
	s0 =	simm.s32 @!p0 $0x0  }
0x12: {  	s1 =	sld [smem:$0x3F9E];
	s0 =	simm.s32 @p0 $0x1  }
0x13: {  	[smem:$0x3FB9] =	sst s0;
	s0 =	simm.s32 @!p1 $0x0  }
0x14: {  	s2 =	sld [smem:$0x3F9D];
	s0 =	simm.s32 @p1 $0x1  }
0x15: {  	[smem:$0x3FBA] =	sst s0;
	s0 =	simm.s32 @!p2 $0x0  }
0x16: {  	s3 =	sld [smem:$0x3FDB];
	s0 =	simm.s32 @p2 $0x1  }
0x17: {  	s4 =	simm.s32 $0x1BF5;
	[smem:$0x3FBC] =	sst s0  }
0x18: {  	s0 =	sld [smem:$0x3F9F];
	_ =	swait.ge [sflag:s4], $0x0  }
0x19: {  	s7 =	sld [smem:$0x3FA0]  }
0x1a: {  	s8 =	sadd.s32 $0xFFFFE003, lr  }
0x1b: {  	s9 =	sadd.s32 $0xFFFFFEF7, lr;
	s5 =	simm.s32 $0xFFFFFFFF;
	p2 =	slt.u32 s8, $0xFFFFF086  }
0x1c: {  	p1 =	slt.u32 s9, $0xF7A;
	s5 =	simm.s32 @!p2 $0x0  }
0x1d: {  	s5 =	simm.s32 @p1 $0x1;
	p0 =	seq.s32 s7, s2  }
0x1e: {  	s7 =	smul.u32 @!p0 $0xF7A, s2;
	p2 =	seq.s32 @!p0 s5, $0x0  }
0x1f: {  	s9 =	smul.u32 $0xF7A, s1;
	s8 =	simm.s32 @!p0 $0x1BF5;
	p2 =	por !p2, p0  }
0x20: {  	[sflag:s8] =	ssyncset.s32 @!p0 $0xFFFFF086;
	s6 =	sadd.s32 @!p0 s3, s7;
	s7 =	simm.s32 @!p0 $0x108  }
0x21: {  	s3 =	sadd.s32 s3, s9;
	s6 =	sadd.s32 @!p0 $0x88, s6;
	s7 =	simm.s32 @p2 $0x1082  }
0x22: {  	[simem:s7], [sflag:s8] =	dma.local @!p0 [hbm:s6], $0xF7A  }
0x23: {  	s9 =	sor.u32 $0xD0000000, s2;
	s6 =	simm.s32 $0x108;
	_ =	swait.ge @!p0 [sflag:s8], $0x0  }
0x24: {  	s3 =	sadd.s32 $0x88, s3;
	s6 =	simm.s32 @!p1 $0x1082;
	[sflag:s4] =	ssyncset.s32 $0xFFFFF086  }
0x25: {  	[simem:s6], [sflag:s4] =	dma.local [hbm:s3], $0xF7A  }
0x26: {  	[smem:$0x3FA0] =	sst s1;
	(tag) =	ssettag s2;
	_ =	strace s9  }
0x27: {  	s1 =	sld [smem:$0x3FB0]  }
0x28: {  	s2 =	sld [smem:$0x3FB1]  }
0x29: {  	s4 =	sld [smem:$0x3FB3]  }
0x2a: {  	p0 =	seq.s32 s5, $0x0;
	s5 =	sld [smem:$0x3FB4]  }
0x2b: {  	s6 =	sld [smem:$0x3FB5]  }
0x2c: {  	s7 =	sld [smem:$0x3FB6]  }
0x2d: {  	s3 =	simm.s32 $0x108;
	s8 =	sld [smem:$0x3FB7]  }
0x2e: {  	s3 =	simm.s32 @!p0 $0x1082;
	s9 =	sld [smem:$0x3FB8]  }
0x2f: {  	lr =	sadd.s32 s0, s3;
	s0 =	sld [smem:$0x3FAF]  }
0x30: {  	s3 =	sld [smem:$0x3FB2]  }
0x31: {  	[smem:$0x3FBB] =	sst s10  }
0x32: {  	s10 =	sld [smem:$0x3FB9];
	_ =	sdelay $0x3  }
0x33: {  	p0 =	seq.s32 s10, $0x1;
	s10 =	sld [smem:$0x3FBB];
	_ =	sdelay $0x3  }
0x34: {  	[smem:$0x3FBB] =	sst s10  }
0x35: {  	s10 =	sld [smem:$0x3FBA];
	_ =	sdelay $0x3  }
0x36: {  	p1 =	seq.s32 s10, $0x1;
	s10 =	sld [smem:$0x3FBB];
	_ =	sdelay $0x3  }
0x37: {  	[smem:$0x3FBB] =	sst s10  }
0x38: {  	s10 =	sld [smem:$0x3FBC]  }
0x39: {  	_ = 	snop;
	(pc) =	sbr.ind lr, $3  }
0x3a: {  	_ = 	snop  }
0x3b: {  	_ = 	snop  }
0x3c: {  	p2 =	seq.s32 s10, $0x1;
	s10 =	sld [smem:$0x3FBB]  }
0x3d: {  	_ =	shalt  }
0x3e: {  	_ =	shalt  }
0x3f: {  	_ =	shalt  }
0x40: {  	_ =	shalt  }
0x41: {  	_ =	shalt  }
0x42: {  	_ =	shalt  }
0x43: {  	_ =	shalt  }
0x44: {  	_ =	shalt  }
0x45: {  	_ =	shalt  }
0x46: {  	_ =	shalt  }
0x47: {  	_ =	shalt  }
0x48: {  	_ =	shalt  }
0x49: {  	_ =	shalt  }
0x4a: {  	_ =	shalt  }
0x4b: {  	_ =	shalt  }
0x4c: {  	_ =	shalt  }
0x4d: {  	_ =	shalt  }
0x4e: {  	_ =	shalt  }
0x4f: {  	_ =	shalt  }
0x50: {  	_ =	shalt  }
0x51: {  	_ =	shalt  }
0x52: {  	_ =	shalt  }
0x53: {  	_ =	shalt  }
0x54: {  	_ =	shalt  }
0x55: {  	_ =	shalt  }
0x56: {  	_ =	shalt  }
0x57: {  	_ =	shalt  }
0x58: {  	_ =	shalt  }
0x59: {  	_ =	shalt  }
0x5a: {  	_ =	shalt  }
0x5b: {  	_ =	shalt  }
0x5c: {  	_ =	shalt  }
0x5d: {  	_ =	shalt  }
0x5e: {  	_ =	shalt  }
0x5f: {  	_ =	shalt  }
0x60: {  	_ =	shalt  }
0x61: {  	_ =	shalt  }
0x62: {  	_ =	shalt  }
0x63: {  	_ =	shalt  }
0x64: {  	_ =	shalt  }
0x65: {  	_ =	shalt  }
0x66: {  	_ =	shalt  }
0x67: {  	_ =	shalt  }
0x68: {  	_ =	shalt  }
0x69: {  	_ =	shalt  }
0x6a: {  	_ =	shalt  }
0x6b: {  	_ =	shalt  }
0x6c: {  	_ =	shalt  }
0x6d: {  	_ =	shalt  }
0x6e: {  	_ =	shalt  }
0x6f: {  	_ =	shalt  }
0x70: {  	_ =	shalt  }
0x71: {  	_ =	shalt  }
0x72: {  	_ =	shalt  }
0x73: {  	_ =	shalt  }
0x74: {  	_ =	shalt  }
0x75: {  	_ =	shalt  }
0x76: {  	_ =	shalt  }
0x77: {  	_ =	shalt  }
0x78: {  	_ =	shalt  }
0x79: {  	_ =	shalt  }
0x7a: {  	_ =	shalt  }
0x7b: {  	_ =	shalt  }
0x7c: {  	_ =	shalt  }
0x7d: {  	_ =	shalt  }
0x7e: {  	_ =	shalt  }
0x7f: {  	_ =	shalt  }
0x80: {  	_ =	shalt  }
0x81: {  	_ =	shalt  }
0x82: {  	_ =	shalt  }
0x83: {  	_ =	shalt  }
0x84: {  	_ =	shalt  }
0x85: {  	_ =	shalt  }
0x86: {  	_ =	shalt  }
0x87: {  	_ =	shalt  }
.Lfunc_end0:
.L_simem_size_0:
called_computation_lowered:
.L_overlay_start_0:
0x88: {  	s2 =	sld [smem:$0x3FD9]  }
0x89: {  	s3 =	sld [smem:$0x3FFE];
	_ =	sdelay $0x1  }
0x8a: {  	s1 =	srdreg.scid  }
0x8b: {  	s0 =	sand.u32 $0x1, s1  }
0x8c: {  	s18 =	sshll.u32 s0, $0xA;
	s2 =	sadd.s32 s3, s2  }
0x8d: {  	s2 =	sadd.s32 s2, s18  }
0x8e: {  	[smem:$0x3FC7] =	sst s2  }
0x8f: {  	_ = 	snop  }
0x90: {  	s2 =	sld [smem:$0x3FC9]  }
0x91: {  	s19 =	sld [smem:$0x3FD0];
	(tm) =	ssettm $0x1  }
0x92: {  	s4 =	sld [smem:$0x3FFB];
	_ =	sdelay $0x3  }
0x93: {  	_ =	strace s4  }
0x94: {  	s4 =	sld [smem:$0x3FFC];
	_ =	sdelay $0x3  }
0x95: {  	_ =	strace s4  }
0x96: {  	s4 =	sld [smem:$0x3FFD];
	_ =	sdelay $0x3  }
0x97: {  	_ =	strace s4  }
0x98: {  	_ =	strace $0x8FFFFFFF  }
0x99: {  	s20 =	sld [smem:$0x3FDB];
	_ =	sdelay $0x1  }
0x9a: {  	s5 =	simm.s32 $_scs_section_size  }
0x9b: {  	s6 =	simm.s32 $_size__tile_overlayer_lowered;
	s7 =	simm.s32 $_tile_overlayer_lowered  }
0x9c: {  	s23 =	simm.s32 $0x1BFF;
	s22 =	sshll.u32 s7, $0x1;
	s4 =	sadd.s32 s5, s20  }
0x9d: {  	s8 =	simm.s32 $0x0;
	s21 =	sshll.u32 s6, $0x1;
	s6 =	sadd.s32 s22, s4  }
0x9e: {  	[timem:s8], [sflag:s23] =	dma.local [hbm:s6], s21  }
0x9f: {  	_ =	swait.ge [sflag:s23], s21  }
0xa0: {  	s5 =	ssub.s32 $0x0, s21;
	[sflag:s23] =	ssyncset.done $0x0  }
0xa1: {  	[sflag:s23] =	ssyncadd.s32 s5;
	_ =	sdelay $0x1  }
0xa2: {  	s24 =	simm.s32 $0x1B8B  }
0xa3: {  	_ =	swait.ge [sflag:s24], $0x1  }
0xa4: {  	[sflag:s24] =	ssyncset.done $0x0  }
0xa5: {  	s25 =	simm.s32 $0x1B8E;
	[sflag:s24] =	ssyncadd.s32 $0xFFFFFFFF  }
0xa6: {  	s26 =	simm.s32 $execute0_lowered;
	[smem:$0x3FD2] =	sst s25  }
0xa7: {  	s5 =	sshll.u32 s26, $0x1;
	_ =	strace $0x80000046;
	[dreg:$0x1] =	wrdreg $0xFFFFFFFF  }
0xa8: {  	s28 =	simm.s32 $_size_execute0_lowered;
	s4 =	sadd.s32 s4, s5;
	[dreg:$0x0] =	wrdreg $0x0  }
0xa9: {  	s5 =	sshll.u32 s28, $0x1;
	[dreg:$0x2] =	wrdreg s4  }
0xaa: {  	[dreg:$0x3] =	wrdreg s5  }
0xab: {  	[dreg:$0x4] =	wrdreg $0xC0  }
0xac: {  	_ =	task [dreg:s8], $0x5FFFF  }
0xad: {  	[dreg:$0x1] =	wrdreg $0xFFFFFFFF  }
0xae: {  	[dreg:$0x0] =	wrdreg $0x60  }
0xaf: {  	[dreg:$0x2] =	wrdreg s2  }
0xb0: {  	[dreg:$0x3] =	wrdreg s19  }
0xb1: {  	[dreg:$0x4] =	wrdreg $0x101000  }
0xb2: {  	[dreg:$0x5] =	wrdreg $0x101800  }
0xb3: {  	[dreg:$0x6] =	wrdreg $0x9  }
0xb4: {  	_ =	task.clear_ibuf [dreg:s8], $0x7FFFF;
	_ =	strace $0x90000046  }
0xb5: {  	s29 =	simm.s32 $0x9;
	_ =	strace $0x80000048  }
0xb6: {  	_ =	swait.ge [sflag:s29], $0x1  }
0xb7: {  	[sflag:s29] =	ssyncadd.s32 $0xFFFFFFFF  }
0xb8: {  	_ =	strace $0x90000048  }
0xb9: {  	_ =	sfence  }
0xba: {  	s30 =	sld [smem:$0x0];
	_ =	sdelay $0x2  }
0xbb: {  	s31 =	sshll.u32 s1, $0xD;
	s1 =	sshrl.u32 s1, $0x2  }
0xbc: {  	s3 =	sand.u32 $0x4000, s31;
	s1 =	sadd.s32 s1, s30  }
0xbd: {  	s0 =	sor.u32 s3, s0;
	s1 =	sshll.u32 s1, $0x11  }
0xbe: {  	s0 =	sor.u32 s1, s0  }
0xbf: {  	s0 =	sadd.s32 $0x8F2B, s0  }
0xc0: {  	[sflag:s0] =	ssyncadd.remote.s32 $0x1  }
0xc1: {  	_ =	sfence.sel $0xFFFF  }
0xc2: {  	[dreg:$0x0] =	wrdreg $0xFFFFFFFF;
	(pc) =	sbr.abs _section_cstart, $3  }
0xc3: {  	[dreg:$0x1] =	wrdreg $0xFFFFFFFF  }
0xc4: {  	_ =	task.clear_ibuf [dreg:s8], $0x2FFFF;
	_ =	strace $0x9FFFFFFF  }
0xc5: {  	(tm) =	ssettm $0x7FFFFFFF  }
tec
execute0_lowered:
.L_overlay_start_1:
0x0: {  	(tag) =	ssettag $0x1  }
0x1: {  	s6 =	rddreg [dreg:$0x0]  }
0x2: {  	s11 =	rddreg [dreg:$0x1]  }
0x3: {  	s9 =	rddreg [dreg:$0x2]  }
0x4: {  	s10 =	rddreg [dreg:$0x3]  }
0x5: {  	s2 =	srdreg.scid;
	s0 =	rddreg [dreg:$0x4]  }
0x6: {  	s1 =	stileid.u32;
	s16 =	simm.s32 $0x1;
	s17 =	simm.s32 $0x2  }
0x7: {  	s19 =	simm.s32 $0x3;
	s20 =	simm.s32 $0x10080;
	s7 =	sand.u32 $0x1, s2  }
0x8: {  	s2 =	simm.s32 $0x0;
	s3 =	sand.u32 $0x7, s1;
	s8 =	sshll.u32 s1, $0x7  }
0x9: {  	s31 =	sshll.u32 s1, $0xA;
	p0 =	sgt.u32 s1, $0x1;
	s4 =	sshll.u32 s7, $0x15  }
0xa: {  	s5 =	sshll.u32 s3, $0x12;
	[smem:$0x7FF] =	sst s2;
	s12 =	sand.u32 $0x400, s8  }
0xb: {  	s13 =	ssub.s32 $0x2, s7;
	s18 =	sshll.u32 s3, $0xA;
	s30 =	sshll.u32 s7, $0x8  }
0xc: {  	s7 =	sadd.s32 s8, s9;
	s9 =	sadd.s32 s31, s9;
	s4 =	sor.u32 $0x1C00000, s4  }
0xd: {  	_ =	strace $0x80000047;
	s14 =	sshrl.u32 s13, $0x1;
	s21 =	sor.u32 $0x100, s18  }
0xe: {  	s22 =	sor.u32 $0x200, s18;
	s23 =	sor.u32 $0x300, s18;
	v50 =	vmov s18;
	s18 =	simm.s32 $0x10000  }
0xf: {  	s5 =	sor.u32 s5, s4;
	s13 =	ssub.s32 s13, s14;
	s26 =	sshll.u32 s21, $0x8  }
0x10: {  	s28 =	sshll.u32 s22, $0x8;
	s15 =	sshll.u32 s23, $0x8;
	v1 =	vmov s21;
	s21 =	simm.s32 $0x10200  }
0x11: {  	v2 =	vmov s22;
	v3 =	vmov s23;
	s22 =	simm.s32 $0x10600;
	s23 =	simm.s32 $0x0;
	s5 =	sor.u32 s12, s5  }
0x12: {  	s14 =	sor.u32 s4, s28;
	s25 =	sshrl.u32 s5, $0x3;
	s5 =	sor.u32 s4, s26  }
0x13: {  	s4 =	sor.u32 s4, s15;
	s14 =	sor.u32 s12, s14;
	s15 =	simm.s32 $0x8000  }
0x14: {  	s3 =	sadd.s32 s6, s25;
	s5 =	sor.u32 s12, s5;
	s12 =	sor.u32 s12, s4  }
.Ltmp0:
0x15: {  	s29 =	sshrl.u32 s14, $0x3;
	s5 =	sshrl.u32 s5, $0x3;
	(pc) =	sbr.rel .LBB2_1-.Ltmp0, $4  }
0x16: {  	s14 =	simm.s32 $0x800;
	s12 =	sshrl.u32 s12, $0x3;
	s4 =	sadd.s32 s6, s5  }
0x17: {  	s5 =	sadd.s32 s6, s29;
	s6 =	sadd.s32 s6, s12;
	s12 =	sadd.s32 s8, s30  }
0x18: {  	s8 =	sadd.s32 s8, s10;
	s10 =	sadd.s32 s31, s10;
	s12 =	sshrl.u32 s12, $0x3  }
0x19: {  	s11 =	sadd.s32 s11, s12;
	s12 =	smax.u32 s13, $0x1;
	s13 =	simm.s32 $0x400  }
.LBB2_11:
0x1a: {  	s23 =	sadd.s32 $0x1, s23  }
0x1b: {  	p1 =	sne.s32 s23, s12  }
.Ltmp1:
0x1c: {  	_ = 	snop;
	(pc) =	sbr.rel @!p1 .LBB2_12-.Ltmp1, $1  }
0x1d: {  	_ =	sdelay $0x3  }
.LBB2_1:
0x1e: {  	[tilespmem:s2], [sflag:$0x1] =	stream.strided.gather [hbm4b:s3+s13], $0x8000, s14, s13, $0x38;
	[tilespmem:$0x10A00] =	vst v63  }
0x1f: {  	_ = 	snop  }
0x20: {  	[tilespmem:s15], [sflag:$0x2] =	stream.strided.gather [hbm4b:s4+s13], $0x8000, s14, s13, $0x38;
	[tilespmem:$0x10A00] =	vst v63  }
0x21: {  	_ =	swait.ge [sflag:s16], $0x8000  }
0x22: {  	[sflag:s16] =	ssyncset.done $0x0  }
0x23: {  	s24 =	simm.s32 $0x0;
	[sflag:s16] =	ssyncadd.s32 $0xFFFF8000  }
0x24: {  	v4 =	vld [tilespmem:s24+$0x0]  }
0x25: {  	v6 =	vld [tilespmem:s24+$0x10]  }
0x26: {  	v7 =	vld [tilespmem:s24+$0x20]  }
0x27: {  	v8 =	vld [tilespmem:s24+$0x30]  }
0x28: {  	v9 =	vld [tilespmem:s24+$0x40]  }
0x29: {  	v10 =	vld [tilespmem:s24+$0x50]  }
0x2a: {  	v11 =	vld [tilespmem:s24+$0x60];
	_ =	sdelay $0x1  }
0x2b: {  	v12 =	vimm.f32 $+Inf;
	v13 =	vld [tilespmem:s24+$0x70]  }
0x2c: {  	v5 =	vimm.s32 $0x0;
	s24 =	simm.s32 $0x80;
	vm0 =	vlt.f32 v4, v12;
	vm1 =	vlt.f32 v6, v12  }
0x2d: {  	v18 =	vld [tilespmem:s24+$0x0];
	vm2 =	vlt.f32 v7, v12;
	vm3 =	vlt.f32 v8, v12;
	vm4 =	vlt.f32 v9, v12  }
0x2e: {  	v22 =	vld [tilespmem:s24+$0x10];
	vm5 =	vlt.f32 v10, v12;
	vm6 =	vlt.f32 v11, v12;
	v19 =	vsel vm0, v4, v12  }
0x2f: {  	v20 =	vld [tilespmem:s24+$0x20];
	v4 =	vsel vm0, v50, v5;
	v14 =	vsel vm1, v6, v12;
	v21 =	vsel vm2, v7, v12  }
0x30: {  	v23 =	vld [tilespmem:s24+$0x30];
	v6 =	vsel vm3, v8, v12;
	v7 =	vsel vm4, v9, v12;
	vm0 =	vlt.f32 v13, v12  }
0x31: {  	v25 =	vld [tilespmem:s24+$0x40];
	v8 =	vsel vm5, v10, v12;
	v9 =	vsel vm6, v11, v12;
	v11 =	vsel vm1, v50, v5  }
0x32: {  	v24 =	vld [tilespmem:s24+$0x50];
	v15 =	vsel vm4, v50, v5;
	v16 =	vsel vm5, v50, v5;
	v17 =	vsel vm6, v50, v5  }
0x33: {  	s25 =	simm.s32 $0x400;
	v27 =	vmovc v50;
	v26 =	vld [tilespmem:s24+$0x60];
	v10 =	vsel vm0, v13, v12;
	v12 =	vsel vm2, v50, v5;
	v13 =	vsel vm3, v50, v5  }
.LBB2_2:
0x34: {  	p1 =	sne.s32 s25, $0x1FE00;
	v28 =	vld [tilespmem:s24+$0x70];
	v5 =	vsel vm0, v27, v5  }
0x35: {  	s24 =	sshra.s32 s25, $0x2;
	vm0 =	vlt.f32 v18, v19;
	vm1 =	vlt.f32 v22, v14;
	v27 =	vadd.s32 $0x1, v27  }
0x36: {  	v19 =	vsel vm0, v18, v19;
	v4 =	vsel vm0, v27, v4;
	v14 =	vsel vm1, v22, v14;
	v18 =	vld [tilespmem:s24+$0x0]  }
0x37: {  	vm2 =	vlt.f32 v20, v21;
	vm3 =	vlt.f32 v23, v6;
	vm4 =	vlt.f32 v25, v7;
	v22 =	vld [tilespmem:s24+$0x10]  }
.Ltmp2:
0x38: {  	v21 =	vsel vm2, v20, v21;
	v6 =	vsel vm3, v23, v6;
	v7 =	vsel vm4, v25, v7;
	v20 =	vld [tilespmem:s24+$0x20];
	(pc) =	sbr.rel @p1 .LBB2_2-.Ltmp2, $4  }
0x39: {  	vm5 =	vlt.f32 v24, v8;
	vm6 =	vlt.f32 v26, v9;
	v23 =	vld [tilespmem:s24+$0x30];
	vm0 =	vlt.f32 v28, v10  }
0x3a: {  	v8 =	vsel vm5, v24, v8;
	v9 =	vsel vm6, v26, v9;
	v25 =	vld [tilespmem:s24+$0x40];
	v10 =	vsel vm0, v28, v10  }
0x3b: {  	v11 =	vsel vm1, v27, v11;
	v12 =	vsel vm2, v27, v12;
	v13 =	vsel vm3, v27, v13;
	v24 =	vld [tilespmem:s24+$0x50]  }
0x3c: {  	s25 =	sadd.s32 $0x200, s25;
	v15 =	vsel vm4, v27, v15;
	v16 =	vsel vm5, v27, v16;
	v17 =	vsel vm6, v27, v17;
	v26 =	vld [tilespmem:s24+$0x60]  }
0x3d: {  	s30 =	simm.s32 $0x0  }
0x3e: {  	v28 =	vld [tilespmem:s24+$0x70];
	[tilespmem:s30], [sflag:$0x1] =	stream.strided.gather [hbm4b:s5+s13], $0x8000, s14, s13, $0x38  }
0x3f: {  	_ =	swait.ge [sflag:s17], $0x8000  }
0x40: {  	[sflag:s17] =	ssyncset.done $0x0  }
0x41: {  	s31 =	simm.s32 $0x0;
	[sflag:s17] =	ssyncadd.s32 $0xFFFF8000  }
0x42: {  	v5 =	vsel vm0, v27, v5;
	vm0 =	vlt.f32 v22, v14;
	v29 =	vld [tilespmem:s31+$0x8000]  }
0x43: {  	vm1 =	vlt.f32 v18, v19;
	v14 =	vsel vm0, v22, v14;
	v22 =	vld [tilespmem:s31+$0x8010]  }
0x44: {  	v19 =	vsel vm1, v18, v19;
	v18 =	vadd.s32 $0x1, v27;
	vm3 =	vlt.f32 v23, v6;
	v27 =	vld [tilespmem:s31+$0x8020]  }
0x45: {  	vm2 =	vlt.f32 v20, v21;
	vm4 =	vlt.f32 v25, v7;
	v6 =	vsel vm3, v23, v6;
	v23 =	vld [tilespmem:s31+$0x8030]  }
0x46: {  	v4 =	vsel vm1, v18, v4;
	v7 =	vsel vm4, v25, v7;
	vm1 =	vlt.f32 v24, v8;
	v25 =	vld [tilespmem:s31+$0x8040]  }
0x47: {  	v21 =	vsel vm2, v20, v21;
	vm5 =	vlt.f32 v26, v9;
	v8 =	vsel vm1, v24, v8;
	v24 =	vld [tilespmem:s31+$0x8050]  }
0x48: {  	v11 =	vsel vm0, v18, v11;
	v12 =	vsel vm2, v18, v12;
	v9 =	vsel vm5, v26, v9;
	v26 =	vld [tilespmem:s31+$0x8060]  }
0x49: {  	v13 =	vsel vm3, v18, v13;
	v15 =	vsel vm4, v18, v15;
	vm6 =	vlt.f32 v28, v10  }
0x4a: {  	v16 =	vsel vm1, v18, v16;
	v17 =	vsel vm5, v18, v17;
	v10 =	vsel vm6, v28, v10;
	v28 =	vld [tilespmem:s31+$0x8070]  }
0x4b: {  	s24 =	simm.s32 $0x80;
	v5 =	vsel vm6, v18, v5;
	vm0 =	vlt.f32 v29, v19;
	vm1 =	vlt.f32 v22, v14  }
0x4c: {  	v20 =	vld [tilespmem:s24+$0x8020];
	vm2 =	vlt.f32 v27, v21;
	vm3 =	vlt.f32 v23, v6;
	vm13 =	vlt.f32 v25, v7  }
0x4d: {  	v18 =	vld [tilespmem:s24+$0x8000];
	vm14 =	vlt.f32 v24, v8;
	vm15 =	vlt.f32 v26, v9;
	v19 =	vsel vm0, v29, v19  }
0x4e: {  	v4 =	vsel vm0, v1, v4;
	v14 =	vsel vm1, v22, v14;
	v22 =	vld [tilespmem:s24+$0x8010];
	v21 =	vsel vm2, v27, v21  }
0x4f: {  	v6 =	vsel vm3, v23, v6;
	v7 =	vsel vm13, v25, v7;
	v23 =	vld [tilespmem:s24+$0x8030];
	vm0 =	vlt.f32 v28, v10  }
0x50: {  	v25 =	vld [tilespmem:s24+$0x8040];
	v8 =	vsel vm14, v24, v8;
	v9 =	vsel vm15, v26, v9;
	v11 =	vsel vm1, v1, v11  }
0x51: {  	v24 =	vld [tilespmem:s24+$0x8050];
	v12 =	vsel vm2, v1, v12;
	v13 =	vsel vm3, v1, v13;
	v15 =	vsel vm13, v1, v15  }
0x52: {  	s25 =	simm.s32 $0x400;
	v26 =	vld [tilespmem:s24+$0x8060];
	v16 =	vsel vm14, v1, v16;
	v17 =	vsel vm15, v1, v17;
	v27 =	vmovc v1;
	v10 =	vsel vm0, v28, v10  }
.LBB2_4:
0x53: {  	p1 =	sne.s32 s25, $0x1FE00;
	v28 =	vld [tilespmem:s24+$0x8070];
	v5 =	vsel vm0, v27, v5  }
0x54: {  	s24 =	sshra.s32 s25, $0x2;
	vm0 =	vlt.f32 v18, v19;
	vm1 =	vlt.f32 v22, v14;
	v27 =	vadd.s32 $0x1, v27  }
0x55: {  	v19 =	vsel vm0, v18, v19;
	v4 =	vsel vm0, v27, v4;
	v14 =	vsel vm1, v22, v14;
	v18 =	vld [tilespmem:s24+$0x8000]  }
0x56: {  	vm2 =	vlt.f32 v20, v21;
	vm3 =	vlt.f32 v23, v6;
	vm4 =	vlt.f32 v25, v7;
	v22 =	vld [tilespmem:s24+$0x8010]  }
.Ltmp3:
0x57: {  	v21 =	vsel vm2, v20, v21;
	v6 =	vsel vm3, v23, v6;
	v7 =	vsel vm4, v25, v7;
	v20 =	vld [tilespmem:s24+$0x8020];
	(pc) =	sbr.rel @p1 .LBB2_4-.Ltmp3, $4  }
0x58: {  	vm5 =	vlt.f32 v24, v8;
	vm6 =	vlt.f32 v26, v9;
	v23 =	vld [tilespmem:s24+$0x8030];
	vm0 =	vlt.f32 v28, v10  }
0x59: {  	v8 =	vsel vm5, v24, v8;
	v9 =	vsel vm6, v26, v9;
	v25 =	vld [tilespmem:s24+$0x8040];
	v10 =	vsel vm0, v28, v10  }
0x5a: {  	v11 =	vsel vm1, v27, v11;
	v12 =	vsel vm2, v27, v12;
	v13 =	vsel vm3, v27, v13;
	v24 =	vld [tilespmem:s24+$0x8050]  }
0x5b: {  	s25 =	sadd.s32 $0x200, s25;
	v15 =	vsel vm4, v27, v15;
	v16 =	vsel vm5, v27, v16;
	v17 =	vsel vm6, v27, v17;
	v26 =	vld [tilespmem:s24+$0x8060]  }
0x5c: {  	v28 =	vld [tilespmem:s24+$0x8070];
	[tilespmem:s15], [sflag:$0x2] =	stream.strided.gather [hbm4b:s6+s13], $0x8000, s14, s13, $0x38  }
0x5d: {  	_ =	swait.ge [sflag:s16], $0x8000  }
0x5e: {  	[sflag:s16] =	ssyncset.done $0x0  }
0x5f: {  	vm1 =	vlt.f32 v18, v19;
	s31 =	simm.s32 $0x0;
	[sflag:s16] =	ssyncadd.s32 $0xFFFF8000  }
0x60: {  	v5 =	vsel vm0, v27, v5;
	vm0 =	vlt.f32 v22, v14;
	vm2 =	vlt.f32 v20, v21;
	v29 =	vld [tilespmem:s31+$0x0]  }
0x61: {  	v19 =	vsel vm1, v18, v19;
	v18 =	vadd.s32 $0x1, v27;
	v14 =	vsel vm0, v22, v14;
	v22 =	vld [tilespmem:s31+$0x10]  }
0x62: {  	vm3 =	vlt.f32 v23, v6;
	v21 =	vsel vm2, v20, v21;
	vm4 =	vlt.f32 v25, v7;
	v27 =	vld [tilespmem:s31+$0x20]  }
0x63: {  	v4 =	vsel vm1, v18, v4;
	v6 =	vsel vm3, v23, v6;
	v11 =	vsel vm0, v18, v11;
	v23 =	vld [tilespmem:s31+$0x30]  }
0x64: {  	v12 =	vsel vm2, v18, v12;
	v7 =	vsel vm4, v25, v7;
	vm1 =	vlt.f32 v24, v8;
	v25 =	vld [tilespmem:s31+$0x40]  }
0x65: {  	v13 =	vsel vm3, v18, v13;
	v15 =	vsel vm4, v18, v15;
	v8 =	vsel vm1, v24, v8;
	v24 =	vld [tilespmem:s31+$0x50]  }
0x66: {  	vm5 =	vlt.f32 v26, v9;
	v16 =	vsel vm1, v18, v16;
	vm6 =	vlt.f32 v28, v10  }
0x67: {  	s24 =	simm.s32 $0x80;
	v9 =	vsel vm5, v26, v9;
	v26 =	vld [tilespmem:s31+$0x60];
	v17 =	vsel vm5, v18, v17;
	v10 =	vsel vm6, v28, v10  }
0x68: {  	v20 =	vld [tilespmem:s24+$0x20];
	v5 =	vsel vm6, v18, v5;
	vm0 =	vlt.f32 v29, v19;
	vm1 =	vlt.f32 v22, v14  }
0x69: {  	v28 =	vld [tilespmem:s31+$0x70];
	vm2 =	vlt.f32 v27, v21;
	vm3 =	vlt.f32 v23, v6;
	vm13 =	vlt.f32 v25, v7  }
0x6a: {  	v18 =	vld [tilespmem:s24+$0x0];
	vm14 =	vlt.f32 v24, v8;
	v19 =	vsel vm0, v29, v19;
	v4 =	vsel vm0, v2, v4  }
0x6b: {  	v14 =	vsel vm1, v22, v14;
	v22 =	vld [tilespmem:s24+$0x10];
	v21 =	vsel vm2, v27, v21;
	v6 =	vsel vm3, v23, v6  }
0x6c: {  	v7 =	vsel vm13, v25, v7;
	v23 =	vld [tilespmem:s24+$0x30];
	vm15 =	vlt.f32 v26, v9;
	v8 =	vsel vm14, v24, v8  }
0x6d: {  	v25 =	vld [tilespmem:s24+$0x40];
	v11 =	vsel vm1, v2, v11;
	v12 =	vsel vm2, v2, v12;
	v13 =	vsel vm3, v2, v13  }
0x6e: {  	v24 =	vld [tilespmem:s24+$0x50];
	v15 =	vsel vm13, v2, v15;
	v16 =	vsel vm14, v2, v16;
	vm0 =	vlt.f32 v28, v10  }
0x6f: {  	s25 =	simm.s32 $0x400;
	v27 =	vmovc v2;
	v9 =	vsel vm15, v26, v9;
	v26 =	vld [tilespmem:s24+$0x60];
	v17 =	vsel vm15, v2, v17;
	v10 =	vsel vm0, v28, v10  }
.LBB2_6:
0x70: {  	p1 =	sne.s32 s25, $0x1FE00;
	v28 =	vld [tilespmem:s24+$0x70];
	v5 =	vsel vm0, v27, v5  }
0x71: {  	s24 =	sshra.s32 s25, $0x2;
	vm0 =	vlt.f32 v18, v19;
	vm1 =	vlt.f32 v22, v14;
	v27 =	vadd.s32 $0x1, v27  }
0x72: {  	v19 =	vsel vm0, v18, v19;
	v4 =	vsel vm0, v27, v4;
	v14 =	vsel vm1, v22, v14;
	v18 =	vld [tilespmem:s24+$0x0]  }
0x73: {  	vm2 =	vlt.f32 v20, v21;
	vm3 =	vlt.f32 v23, v6;
	vm4 =	vlt.f32 v25, v7;
	v22 =	vld [tilespmem:s24+$0x10]  }
.Ltmp4:
0x74: {  	v21 =	vsel vm2, v20, v21;
	v6 =	vsel vm3, v23, v6;
	v7 =	vsel vm4, v25, v7;
	v20 =	vld [tilespmem:s24+$0x20];
	(pc) =	sbr.rel @p1 .LBB2_6-.Ltmp4, $4  }
0x75: {  	vm5 =	vlt.f32 v24, v8;
	vm6 =	vlt.f32 v26, v9;
	v23 =	vld [tilespmem:s24+$0x30];
	vm0 =	vlt.f32 v28, v10  }
0x76: {  	v8 =	vsel vm5, v24, v8;
	v9 =	vsel vm6, v26, v9;
	v25 =	vld [tilespmem:s24+$0x40];
	v10 =	vsel vm0, v28, v10  }
0x77: {  	v11 =	vsel vm1, v27, v11;
	v12 =	vsel vm2, v27, v12;
	v13 =	vsel vm3, v27, v13;
	v24 =	vld [tilespmem:s24+$0x50]  }
0x78: {  	s25 =	sadd.s32 $0x200, s25;
	v15 =	vsel vm4, v27, v15;
	v16 =	vsel vm5, v27, v16;
	v17 =	vsel vm6, v27, v17;
	v26 =	vld [tilespmem:s24+$0x60]  }
0x79: {  	v28 =	vld [tilespmem:s24+$0x70];
	_ =	swait.ge [sflag:s17], $0x8000  }
0x7a: {  	[sflag:s17] =	ssyncset.done $0x0  }
0x7b: {  	vm1 =	vlt.f32 v18, v19;
	s31 =	simm.s32 $0x0;
	[sflag:s17] =	ssyncadd.s32 $0xFFFF8000  }
0x7c: {  	v5 =	vsel vm0, v27, v5;
	vm0 =	vlt.f32 v22, v14;
	vm2 =	vlt.f32 v20, v21;
	v29 =	vld [tilespmem:s31+$0x8000]  }
0x7d: {  	v18 =	vsel vm1, v18, v19;
	v19 =	vadd.s32 $0x1, v27;
	v14 =	vsel vm0, v22, v14;
	v22 =	vld [tilespmem:s31+$0x8010]  }
0x7e: {  	vm3 =	vlt.f32 v23, v6;
	v27 =	vsel vm2, v20, v21;
	vm4 =	vlt.f32 v25, v7;
	v30 =	vld [tilespmem:s31+$0x8020]  }
0x7f: {  	v21 =	vsel vm1, v19, v4;
	v6 =	vsel vm3, v23, v6;
	v11 =	vsel vm0, v19, v11;
	v23 =	vld [tilespmem:s31+$0x8030]  }
0x80: {  	v31 =	vsel vm3, v19, v13;
	v7 =	vsel vm4, v25, v7;
	vm1 =	vlt.f32 v24, v8;
	v25 =	vld [tilespmem:s31+$0x8040]  }
0x81: {  	v32 =	vld [tilespmem:s31+$0x8060];
	v33 =	vsel vm4, v19, v15;
	vm5 =	vlt.f32 v26, v9;
	v8 =	vsel vm1, v24, v8  }
0x82: {  	v16 =	vsel vm1, v19, v16;
	vm6 =	vlt.f32 v28, v10;
	v9 =	vsel vm5, v26, v9  }
0x83: {  	s24 =	simm.s32 $0x80;
	v15 =	vld [tilespmem:s31+$0x8070];
	v34 =	vsel vm5, v19, v17;
	v24 =	vsel vm6, v28, v10;
	v28 =	vsel vm2, v19, v12  }
0x84: {  	v13 =	vld [tilespmem:s24+$0x8020];
	v4 =	vsel vm6, v19, v5;
	vm0 =	vlt.f32 v29, v18;
	vm1 =	vlt.f32 v22, v14  }
0x85: {  	v26 =	vld [tilespmem:s31+$0x8050];
	vm2 =	vlt.f32 v30, v27;
	vm3 =	vlt.f32 v23, v6;
	vm13 =	vlt.f32 v25, v7  }
0x86: {  	v19 =	vld [tilespmem:s24+$0x8000];
	vm15 =	vlt.f32 v32, v9;
	v20 =	vsel vm0, v29, v18;
	v17 =	vsel vm0, v3, v21  }
0x87: {  	v12 =	vsel vm1, v22, v14;
	v21 =	vld [tilespmem:s24+$0x8010];
	v14 =	vsel vm2, v30, v27;
	v10 =	vsel vm3, v23, v6  }
0x88: {  	v7 =	vsel vm13, v25, v7;
	v18 =	vld [tilespmem:s24+$0x8030];
	vm0 =	vlt.f32 v15, v24;
	v6 =	vsel vm15, v32, v9  }
0x89: {  	v23 =	vld [tilespmem:s24+$0x8040];
	v27 =	vsel vm1, v3, v11;
	v25 =	vsel vm3, v3, v31;
	v11 =	vsel vm15, v3, v34  }
0x8a: {  	v22 =	vld [tilespmem:s24+$0x8060];
	vm14 =	vlt.f32 v26, v8;
	v5 =	vsel vm0, v15, v24;
	v24 =	vsel vm13, v3, v33  }
0x8b: {  	s25 =	simm.s32 $0x400;
	v9 =	vmovc v3;
	v15 =	vld [tilespmem:s24+$0x8050];
	v8 =	vsel vm14, v26, v8;
	v26 =	vsel vm2, v3, v28;
	v16 =	vsel vm14, v3, v16  }
.LBB2_8:
0x8c: {  	p1 =	sne.s32 s25, $0x1FE00;
	v28 =	vld [tilespmem:s24+$0x8070];
	v4 =	vsel vm0, v9, v4  }
0x8d: {  	s24 =	sshra.s32 s25, $0x2;
	vm0 =	vlt.f32 v19, v20;
	vm1 =	vlt.f32 v21, v12;
	v9 =	vadd.s32 $0x1, v9  }
0x8e: {  	v20 =	vsel vm0, v19, v20;
	v17 =	vsel vm0, v9, v17;
	v12 =	vsel vm1, v21, v12;
	v19 =	vld [tilespmem:s24+$0x8000]  }
0x8f: {  	vm2 =	vlt.f32 v13, v14;
	vm3 =	vlt.f32 v18, v10;
	vm4 =	vlt.f32 v23, v7;
	v21 =	vld [tilespmem:s24+$0x8010]  }
.Ltmp5:
0x90: {  	v14 =	vsel vm2, v13, v14;
	v10 =	vsel vm3, v18, v10;
	v7 =	vsel vm4, v23, v7;
	v13 =	vld [tilespmem:s24+$0x8020];
	(pc) =	sbr.rel @p1 .LBB2_8-.Ltmp5, $4  }
0x91: {  	vm5 =	vlt.f32 v15, v8;
	vm6 =	vlt.f32 v22, v6;
	v18 =	vld [tilespmem:s24+$0x8030];
	vm0 =	vlt.f32 v28, v5  }
0x92: {  	v8 =	vsel vm5, v15, v8;
	v6 =	vsel vm6, v22, v6;
	v23 =	vld [tilespmem:s24+$0x8040];
	v5 =	vsel vm0, v28, v5  }
0x93: {  	v27 =	vsel vm1, v9, v27;
	v26 =	vsel vm2, v9, v26;
	v25 =	vsel vm3, v9, v25;
	v15 =	vld [tilespmem:s24+$0x8050]  }
0x94: {  	s25 =	sadd.s32 $0x200, s25;
	v24 =	vsel vm4, v9, v24;
	v16 =	vsel vm5, v9, v16;
	v11 =	vsel vm6, v9, v11;
	v22 =	vld [tilespmem:s24+$0x8060]  }
0x95: {  	vm1 =	vlt.f32 v19, v20  }
0x96: {  	v55 =	vadd.s32 $0x1, v9;
	v19 =	vsel vm1, v19, v20  }
0x97: {  	v28 =	vld [tilespmem:s24+$0x8070];
	vm10 =	vlt.f32 v21, v12;
	v17 =	vsel vm1, v55, v17;
	[tilespmem:$0x10000] =	vst v19  }
0x98: {  	v12 =	vsel vm10, v21, v12;
	[tilespmem:$0x10080] =	vst v17  }
0x99: {  	vm2 =	vlt.f32 v13, v14;
	v56 =	vsel vm10, v55, v27;
	[tilespmem:$0x10010] =	vst v12  }
0x9a: {  	v57 =	vsel vm2, v13, v14;
	[tilespmem:$0x10090] =	vst v56  }
0x9b: {  	vm11 =	vlt.f32 v18, v10;
	v58 =	vsel vm2, v55, v26;
	[tilespmem:$0x10020] =	vst v57  }
0x9c: {  	v10 =	vsel vm11, v18, v10;
	[tilespmem:$0x100A0] =	vst v58  }
0x9d: {  	vm12 =	vlt.f32 v23, v7;
	v59 =	vsel vm11, v55, v25;
	[tilespmem:$0x10030] =	vst v10  }
0x9e: {  	v7 =	vsel vm12, v23, v7;
	[tilespmem:$0x100B0] =	vst v59  }
0x9f: {  	vm13 =	vlt.f32 v15, v8;
	v60 =	vsel vm12, v55, v24;
	[tilespmem:$0x10040] =	vst v7  }
0xa0: {  	v61 =	vsel vm13, v15, v8;
	[tilespmem:$0x100C0] =	vst v60  }
0xa1: {  	vm14 =	vlt.f32 v22, v6;
	v62 =	vsel vm13, v55, v16;
	[tilespmem:$0x10050] =	vst v61  }
0xa2: {  	v6 =	vsel vm14, v22, v6;
	[tilespmem:$0x100D0] =	vst v62  }
0xa3: {  	vm15 =	vlt.f32 v28, v5;
	v63 =	vsel vm14, v55, v11;
	[tilespmem:$0x10060] =	vst v6  }
0xa4: {  	v4 =	vsel vm0, v9, v4;
	v5 =	vsel vm15, v28, v5;
	[tilespmem:$0x100E0] =	vst v63  }
0xa5: {  	v4 =	vsel vm15, v55, v4;
	[tilespmem:$0x10070] =	vst v5  }
0xa6: {  	[tilespmem:$0x100F0] =	vst v4  }
0xa7: {  	[spmem:s7] =	stream.linear.scatter [tilespmem:s18], [sflag:$0x3], $0x80, $0x38;
	[tilespmem:$0x10A00] =	vst v63  }
0xa8: {  	_ =	swait.ge [sflag:s19], $0x80  }
0xa9: {  	[sflag:s19] =	ssyncset.done $0x0  }
0xaa: {  	[sflag:s19] =	ssyncadd.s32 $0xFFFFFF80  }
0xab: {  	[spmem:s8] =	stream.linear.scatter [tilespmem:s20], [sflag:$0x3], $0x80, $0x38;
	[tilespmem:$0x10A00] =	vst v63  }
.Ltmp6:
0xac: {  	_ =	swait.ge [sflag:s19], $0x80;
	(pc) =	sbr.rel @p0 .LBB2_11-.Ltmp6, $3  }
0xad: {  	[sflag:s19] =	ssyncset.done $0x0  }
0xae: {  	[sflag:s19] =	ssyncadd.s32 $0xFFFFFF80  }
0xaf: {  	[bflag:$0x0] =	sbarrier.arrive $0xFFFF;
	_ =	sdelay $0x1  }
0xb0: {  	[tilespmem:s21], [sflag:$0x3] =	stream.linear.gather [spmem:s9], $0x400, $0x38;
	[tilespmem:$0x10A00] =	vst v63  }
0xb1: {  	_ =	swait.ge [sflag:s19], $0x400  }
0xb2: {  	[sflag:s19] =	ssyncset.done $0x0  }
0xb3: {  	[sflag:s19] =	ssyncadd.s32 $0xFFFFFC00  }
0xb4: {  	[tilespmem:s22], [sflag:$0x3] =	stream.linear.gather [spmem:s10], $0x400, $0x38;
	[tilespmem:$0x10A00] =	vst v63  }
0xb5: {  	_ =	swait.ge [sflag:s19], $0x400  }
0xb6: {  	[sflag:s19] =	ssyncset.done $0x0  }
0xb7: {  	[sflag:s19] =	ssyncadd.s32 $0xFFFFFC00  }
0xb8: {  	v6 =	vld [tilespmem:$0x10200]  }
0xb9: {  	v7 =	vld [tilespmem:$0x10600]  }
0xba: {  	v8 =	vld [tilespmem:$0x10280]  }
0xbb: {  	v20 =	vld [tilespmem:$0x10680]  }
0xbc: {  	v11 =	vld [tilespmem:$0x10300]  }
0xbd: {  	v21 =	vld [tilespmem:$0x10700]  }
0xbe: {  	v19 =	vld [tilespmem:$0x10380]  }
0xbf: {  	v22 =	vld [tilespmem:$0x10780]  }
0xc0: {  	v23 =	vld [tilespmem:$0x10400]  }
0xc1: {  	v24 =	vld [tilespmem:$0x10800]  }
0xc2: {  	v25 =	vld [tilespmem:$0x10480]  }
0xc3: {  	v26 =	vld [tilespmem:$0x10880]  }
0xc4: {  	v27 =	vld [tilespmem:$0x10500]  }
0xc5: {  	v28 =	vld [tilespmem:$0x10900]  }
0xc6: {  	v29 =	vld [tilespmem:$0x10580]  }
0xc7: {  	v30 =	vld [tilespmem:$0x10980]  }
0xc8: {  	v15 =	vld [tilespmem:$0x10210]  }
0xc9: {  	v31 =	vld [tilespmem:$0x10610]  }
0xca: {  	v32 =	vld [tilespmem:$0x10290]  }
0xcb: {  	v33 =	vld [tilespmem:$0x10690]  }
0xcc: {  	v34 =	vld [tilespmem:$0x10310]  }
0xcd: {  	v35 =	vld [tilespmem:$0x10710]  }
0xce: {  	v36 =	vld [tilespmem:$0x10390]  }
0xcf: {  	v37 =	vld [tilespmem:$0x10790]  }
0xd0: {  	v38 =	vld [tilespmem:$0x10410]  }
0xd1: {  	v39 =	vld [tilespmem:$0x10810]  }
0xd2: {  	v40 =	vld [tilespmem:$0x10490]  }
0xd3: {  	v41 =	vld [tilespmem:$0x10890]  }
0xd4: {  	v42 =	vld [tilespmem:$0x10510]  }
0xd5: {  	v4 =	vld [tilespmem:$0x10910]  }
0xd6: {  	v44 =	vld [tilespmem:$0x10590]  }
0xd7: {  	v0 =	vld [tilespmem:$0x10990]  }
0xd8: {  	v45 =	vld [tilespmem:$0x10220]  }
0xd9: {  	v5 =	vld [tilespmem:$0x10620]  }
0xda: {  	v47 =	vld [tilespmem:$0x102A0]  }
0xdb: {  	v48 =	vld [tilespmem:$0x106A0]  }
0xdc: {  	v49 =	vld [tilespmem:$0x10320]  }
0xdd: {  	v9 =	vld [tilespmem:$0x10720]  }
0xde: {  	v51 =	vld [tilespmem:$0x103A0]  }
0xdf: {  	v10 =	vld [tilespmem:$0x107A0]  }
0xe0: {  	v53 =	vld [tilespmem:$0x10420]  }
0xe1: {  	v12 =	vld [tilespmem:$0x10820]  }
0xe2: {  	v55 =	vld [tilespmem:$0x104A0]  }
0xe3: {  	v13 =	vld [tilespmem:$0x108A0]  }
0xe4: {  	v57 =	vld [tilespmem:$0x10520]  }
0xe5: {  	v16 =	vld [tilespmem:$0x10920]  }
0xe6: {  	v17 =	vld [tilespmem:$0x105A0]  }
0xe7: {  	v61 =	vld [tilespmem:$0x10230]  }
0xe8: {  	v63 =	vld [tilespmem:$0x102B0]  }
0xe9: {  	v14 =	vld [tilespmem:$0x10730]  }
0xea: {  	v62 =	vld [tilespmem:$0x103B0]  }
0xeb: {  	v58 =	vld [tilespmem:$0x107B0]  }
0xec: {  	v60 =	vld [tilespmem:$0x10430]  }
0xed: {  	v59 =	vld [tilespmem:$0x10830]  }
0xee: {  	v18 =	vld [tilespmem:$0x108B0]  }
0xef: {  	v43 =	vld [tilespmem:$0x10930]  }
0xf0: {  	v46 =	vld [tilespmem:$0x105B0]  }
0xf1: {  	v52 =	vld [tilespmem:$0x109B0]  }
0xf2: {  	v54 =	vld [tilespmem:$0x10640]  }
0xf3: {  	v56 =	vld [tilespmem:$0x10240]  }
0xf4: {  	[tilespmem:$0x1FEF0] =	vst v0;
	v0 =	vld [tilespmem:$0x109A0]  }
0xf5: {  	[tilespmem:$0x1FF40] =	vst v58;
	v58 =	vld [tilespmem:$0x104B0]  }
0xf6: {  	[tilespmem:$0x1FF60] =	vst v59;
	v59 =	vld [tilespmem:$0x10530]  }
0xf7: {  	[tilespmem:$0x1FFA0] =	vst v54;
	v54 =	vld [tilespmem:$0x102C0]  }
0xf8: {  	[tilespmem:$0x1FF70] =	vst v18;
	v18 =	vld [tilespmem:$0x106C0]  }
0xf9: {  	[tilespmem:$0x1FF90] =	vst v52;
	v52 =	vld [tilespmem:$0x10340]  }
0xfa: {  	[tilespmem:$0x1FF80] =	vst v43;
	v43 =	vld [tilespmem:$0x10740]  }
0xfb: {  	[tilespmem:$0x1FF50] =	vst v46;
	v46 =	vld [tilespmem:$0x107C0]  }
0xfc: {  	[tilespmem:$0x1FF30] =	vst v14;
	v14 =	vld [tilespmem:$0x104C0];
	vm0 =	vlt.f32 v8, v6  }
0xfd: {  	vm1 =	vlt.f32 v32, v15;
	v6 =	vsel vm0, v8, v6;
	v8 =	vld [tilespmem:$0x10540]  }
0xfe: {  	v15 =	vsel vm1, v32, v15;
	v32 =	vld [tilespmem:$0x10940]  }
0xff: {  	v7 =	vsel vm0, v20, v7;
	v20 =	vld [tilespmem:$0x103D0]  }
0x100: {  	v33 =	vsel vm1, v33, v31;
	v31 =	vld [tilespmem:$0x105D0];
	vm6 =	vlt.f32 v11, v6  }
0x101: {  	vm2 =	vlt.f32 v34, v15;
	v11 =	vsel vm6, v11, v6;
	v6 =	vld [tilespmem:$0x105C0]  }
0x102: {  	v34 =	vsel vm2, v34, v15;
	v15 =	vld [tilespmem:$0x109C0]  }
0x103: {  	v7 =	vsel vm6, v21, v7;
	v21 =	vld [tilespmem:$0x107D0]  }
0x104: {  	[tilespmem:$0x1FF00] =	vst v0;
	v0 =	vld [tilespmem:$0x10630]  }
0x105: {  	[tilespmem:$0x1FFC0] =	vst v43;
	v43 =	vld [tilespmem:$0x103C0]  }
0x106: {  	[tilespmem:$0x1FFD0] =	vst v46;
	v46 =	vld [tilespmem:$0x10440]  }
0x107: {  	vm7 =	vlt.f32 v19, v11;
	[tilespmem:$0x1FFB0] =	vst v18;
	v18 =	vld [tilespmem:$0x10840]  }
0x108: {  	vm3 =	vlt.f32 v36, v34;
	v11 =	vsel vm7, v19, v11;
	v19 =	vld [tilespmem:$0x10250]  }
0x109: {  	v36 =	vsel vm3, v36, v34;
	v34 =	vld [tilespmem:$0x10650]  }
0x10a: {  	v7 =	vsel vm7, v22, v7;
	v22 =	vsel vm2, v35, v33;
	v33 =	vld [tilespmem:$0x109D0]  }
0x10b: {  	v35 =	vld [tilespmem:$0x107E0];
	vm8 =	vlt.f32 v23, v11  }
0x10c: {  	vm4 =	vlt.f32 v38, v36;
	v11 =	vsel vm8, v23, v11;
	v23 =	vld [tilespmem:$0x102D0]  }
0x10d: {  	v36 =	vsel vm4, v38, v36;
	v38 =	vld [tilespmem:$0x106D0];
	vm9 =	vlt.f32 v25, v11  }
0x10e: {  	vm5 =	vlt.f32 v40, v36;
	v11 =	vsel vm9, v25, v11;
	v25 =	vld [tilespmem:$0x10350]  }
0x10f: {  	v22 =	vsel vm3, v37, v22;
	v7 =	vsel vm8, v24, v7;
	v36 =	vsel vm5, v40, v36;
	v40 =	vld [tilespmem:$0x10750]  }
0x110: {  	v22 =	vsel vm4, v39, v22;
	v7 =	vsel vm9, v26, v7;
	v26 =	vld [tilespmem:$0x104D0]  }
0x111: {  	v22 =	vsel vm5, v41, v22;
	v41 =	vld [tilespmem:$0x1FEF0]  }
0x112: {  	[tilespmem:$0x1FF10] =	vst v0;
	v0 =	vld [tilespmem:$0x106B0]  }
0x113: {  	[tilespmem:$0x1FFE0] =	vst v18;
	v18 =	vld [tilespmem:$0x108C0];
	vm10 =	vlt.f32 v27, v11  }
0x114: {  	v11 =	vsel vm10, v27, v11;
	v27 =	vld [tilespmem:$0x10850]  }
0x115: {  	vm11 =	vlt.f32 v42, v36;
	v7 =	vsel vm10, v28, v7;
	v28 =	vld [tilespmem:$0x108D0]  }
0x116: {  	vm1 =	vlt.f32 v63, v61;
	v4 =	vsel vm11, v4, v22;
	v22 =	vld [tilespmem:$0x10660]  }
0x117: {  	v37 =	vsel vm1, v63, v61;
	v61 =	vld [tilespmem:$0x1FFE0]  }
0x118: {  	vm12 =	vlt.f32 v29, v11;
	v11 =	vld [tilespmem:$0x10450]  }
0x119: {  	vm15 =	vlt.f32 v47, v45;
	v29 =	vsel vm11, v42, v36;
	v42 =	vld [tilespmem:$0x1FF00]  }
0x11a: {  	v36 =	vsel vm15, v47, v45;
	v47 =	vld [tilespmem:$0x1FF30]  }
0x11b: {  	vm0 =	vlt.f32 v44, v29;
	v29 =	vld [tilespmem:$0x10550]  }
0x11c: {  	v7 =	vsel vm12, v30, v7;
	v30 =	vld [tilespmem:$0x10950]  }
0x11d: {  	v5 =	vsel vm15, v48, v5;
	vm9 =	vlt.f32 v49, v36;
	v44 =	vld [tilespmem:$0x1FF10]  }
0x11e: {  	v5 =	vsel vm9, v9, v5;
	v9 =	vld [tilespmem:$0x10260]  }
0x11f: {  	v24 =	vsel vm9, v49, v36;
	v49 =	vld [tilespmem:$0x1FF40]  }
0x120: {  	v36 =	vld [tilespmem:$0x10460]  }
0x121: {  	[tilespmem:$0x1FF20] =	vst v0;
	v0 =	vld [tilespmem:$0x10330]  }
0x122: {  	v4 =	vsel vm0, v41, v4;
	vm0 =	vlt.f32 v23, v19;
	[tilespmem:$0x1FFF0] =	vst v18;
	v18 =	vld [tilespmem:$0x103E0]  }
0x123: {  	v19 =	vsel vm0, v23, v19;
	v23 =	vld [tilespmem:$0x108E0]  }
0x124: {  	vm10 =	vlt.f32 v51, v24;
	v45 =	vld [tilespmem:$0x1FF20]  }
0x125: {  	v24 =	vsel vm10, v51, v24;
	v51 =	vld [tilespmem:$0x1FF50]  }
0x126: {  	v5 =	vsel vm10, v10, v5;
	v63 =	vld [tilespmem:$0x1FFF0];
	vm11 =	vlt.f32 v53, v24  }
0x127: {  	v5 =	vsel vm11, v12, v5;
	v12 =	vld [tilespmem:$0x102E0];
	vm12 =	vlt.f32 v0, v37  }
0x128: {  	v24 =	vsel vm11, v53, v24;
	vm11 =	vlt.f32 v54, v56;
	v53 =	vld [tilespmem:$0x1FF70];
	v0 =	vsel vm12, v0, v37  }
0x129: {  	v48 =	vsel vm11, v54, v56;
	v54 =	vld [tilespmem:$0x1FF80];
	vm14 =	vlt.f32 v62, v0  }
0x12a: {  	vm13 =	vlt.f32 v55, v24;
	v56 =	vld [tilespmem:$0x1FFA0];
	v0 =	vsel vm14, v62, v0  }
0x12b: {  	v39 =	vsel vm13, v55, v24;
	v5 =	vsel vm13, v13, v5;
	v13 =	vld [tilespmem:$0x106E0];
	vm8 =	vlt.f32 v60, v0  }
0x12c: {  	v24 =	vld [tilespmem:$0x10860];
	vm15 =	vlt.f32 v57, v39;
	v0 =	vsel vm8, v60, v0  }
0x12d: {  	v55 =	vld [tilespmem:$0x1FF90];
	v10 =	vsel vm15, v57, v39;
	vm10 =	vlt.f32 v58, v0  }
0x12e: {  	v57 =	vld [tilespmem:$0x1FFB0];
	vm9 =	vlt.f32 v17, v10;
	v17 =	vsel vm1, v45, v44;
	v0 =	vsel vm10, v58, v0  }
0x12f: {  	v37 =	vld [tilespmem:$0x104E0];
	v5 =	vsel vm15, v16, v5;
	v17 =	vsel vm12, v47, v17;
	vm12 =	vlt.f32 v59, v0  }
0x130: {  	v5 =	vsel vm9, v42, v5;
	v58 =	vld [tilespmem:$0x1FFC0];
	v0 =	vsel vm12, v59, v0  }
0x131: {  	vm9 =	vlt.f32 v25, v19;
	v17 =	vsel vm14, v49, v17;
	vm14 =	vlt.f32 v51, v0;
	v0 =	vld [tilespmem:$0x1FF60]  }
0x132: {  	vm13 =	vlt.f32 v52, v48;
	v19 =	vsel vm9, v25, v19;
	v59 =	vld [tilespmem:$0x1FFD0]  }
0x133: {  	v52 =	vsel vm13, v52, v48;
	v48 =	vld [tilespmem:$0x10370];
	v41 =	vsel vm11, v57, v56;
	vm11 =	vlt.f32 v20, v19  }
0x134: {  	v16 =	vld [tilespmem:$0x10760];
	v60 =	vsel vm11, v20, v19  }
0x135: {  	vm15 =	vlt.f32 v43, v52;
	v39 =	vld [tilespmem:$0x10560];
	v41 =	vsel vm13, v58, v41;
	vm13 =	vlt.f32 v11, v60  }
0x136: {  	v62 =	vld [tilespmem:$0x10270];
	v11 =	vsel vm13, v11, v60;
	v0 =	vsel vm8, v0, v17;
	v17 =	vsel vm15, v43, v52  }
0x137: {  	v45 =	vld [tilespmem:$0x102F0];
	v41 =	vsel vm15, v59, v41;
	vm15 =	vlt.f32 v26, v11;
	vm8 =	vlt.f32 v46, v17  }
0x138: {  	v47 =	vld [tilespmem:$0x106F0];
	v0 =	vsel vm10, v53, v0;
	v11 =	vsel vm15, v26, v11;
	v17 =	vsel vm8, v46, v17  }
0x139: {  	v43 =	vld [tilespmem:$0x10670];
	v0 =	vsel vm12, v54, v0;
	v20 =	vsel vm8, v61, v41;
	vm10 =	vlt.f32 v14, v17  }
0x13a: {  	v10 =	vld [tilespmem:$0x10360];
	v46 =	vsel vm0, v38, v34;
	vm8 =	vlt.f32 v29, v11;
	v14 =	vsel vm10, v14, v17  }
0x13b: {  	v42 =	vld [tilespmem:$0x105E0];
	v0 =	vsel vm14, v55, v0;
	v11 =	vsel vm8, v29, v11;
	vm12 =	vlt.f32 v8, v14  }
0x13c: {  	v25 =	vld [tilespmem:$0x10960];
	v20 =	vsel vm10, v63, v20;
	vm10 =	vlt.f32 v31, v11;
	v8 =	vsel vm12, v8, v14  }
0x13d: {  	v49 =	vld [tilespmem:$0x10770];
	v44 =	vsel vm12, v32, v20;
	vm12 =	vlt.f32 v45, v62;
	vm14 =	vlt.f32 v6, v8  }
0x13e: {  	v56 =	vld [tilespmem:$0x104F0];
	v8 =	vsel vm12, v45, v62;
	v60 =	vsel vm12, v47, v43;
	v6 =	vsel vm14, v15, v44  }
0x13f: {  	v52 =	vld [tilespmem:$0x103F0];
	v15 =	vsel vm9, v40, v46;
	vm9 =	vlt.f32 v12, v9;
	vm14 =	vlt.f32 v48, v8  }
0x140: {  	v53 =	vld [tilespmem:$0x107F0];
	v15 =	vsel vm11, v21, v15;
	v9 =	vsel vm9, v12, v9;
	v13 =	vsel vm9, v13, v22  }
0x141: {  	v54 =	vld [tilespmem:$0x10470];
	v8 =	vsel vm14, v48, v8;
	v51 =	vsel vm13, v27, v15;
	vm11 =	vlt.f32 v10, v9  }
0x142: {  	[tilespmem:$0x10090] =	vst v4;
	v57 =	vld [tilespmem:$0x108F0];
	v4 =	vsel vm14, v49, v60;
	v11 =	vsel vm15, v28, v51;
	v9 =	vsel vm11, v10, v9  }
0x143: {  	v55 =	vld [tilespmem:$0x10870];
	v13 =	vsel vm11, v16, v13;
	v11 =	vsel vm8, v30, v11;
	vm13 =	vlt.f32 v18, v9  }
0x144: {  	v19 =	vld [tilespmem:$0x109E0];
	vm8 =	vlt.f32 v52, v8;
	v11 =	vsel vm10, v33, v11;
	v9 =	vsel vm13, v18, v9  }
0x145: {  	v58 =	vld [tilespmem:$0x10570];
	v13 =	vsel vm13, v35, v13;
	v8 =	vsel vm8, v52, v8;
	vm15 =	vlt.f32 v36, v9  }
0x146: {  	v59 =	vld [tilespmem:$0x10970];
	v4 =	vsel vm8, v53, v4;
	vm10 =	vlt.f32 v54, v8;
	v9 =	vsel vm15, v36, v9  }
0x147: {  	v61 =	vld [tilespmem:$0x105F0];
	v13 =	vsel vm15, v24, v13;
	v8 =	vsel vm10, v54, v8;
	vm9 =	vlt.f32 v37, v9  }
0x148: {  	[tilespmem:$0x100B0] =	vst v0;
	v62 =	vld [tilespmem:$0x109F0];
	v0 =	vsel vm10, v55, v4;
	vm12 =	vlt.f32 v56, v8;
	v9 =	vsel vm9, v37, v9  }
0x149: {  	[tilespmem:$0x10080] =	vst v7;
	v13 =	vsel vm9, v23, v13;
	v8 =	vsel vm12, v56, v8;
	vm11 =	vlt.f32 v39, v9  }
0x14a: {  	[tilespmem:$0x100A0] =	vst v5;
	v0 =	vsel vm12, v57, v0;
	vm13 =	vlt.f32 v58, v8;
	v5 =	vsel vm11, v39, v9  }
0x14b: {  	[tilespmem:$0x100C0] =	vst v6;
	v63 =	vsel vm11, v25, v13;
	v4 =	vsel vm13, v58, v8;
	vm14 =	vlt.f32 v42, v5  }
0x14c: {  	[tilespmem:$0x100D0] =	vst v11;
	v0 =	vsel vm13, v59, v0;
	vm15 =	vlt.f32 v61, v4;
	v5 =	vsel vm14, v19, v63  }
0x14d: {  	v0 =	vsel vm15, v62, v0;
	[tilespmem:$0x100E0] =	vst v5  }
.Ltmp7:
0x14e: {  	[tilespmem:$0x100F0] =	vst v0;
	(pc) =	sbr.rel .LBB2_11-.Ltmp7, $4  }
0x14f: {  	[hbm4b:s11+s2] =	stream.linear.scatter [tilespmem:s20], [sflag:$0x3], $0x80, $0x38;
	[tilespmem:$0x10A00] =	vst v63  }
0x150: {  	_ =	swait.ge [sflag:s19], $0x80  }
0x151: {  	[sflag:s19] =	ssyncset.done $0x0  }
0x152: {  	[sflag:s19] =	ssyncadd.s32 $0xFFFFFF80  }
.LBB2_12:
0x153: {  	_ =	sfence.sel $0x180000  }
0x154: {  	[bflag:$0x0] =	sbarrier.arrive $0xFFFF  }
0x155: {  	p0 =	sne.s32 s1, $0x0;
	_ =	strace $0x90000047  }
0x156: {  	s0 =	sadd.s32 @!p0 $0x100000, s0;
	[bflag:$0x2] =	sbarrier.arrive $0xFFFF  }
0x157: {  	[sflag:s0] =	ssyncadd.tile.s32 @!p0 $0x1;
	_ =	shalt  }
.Lfunc_end2:
_tile_overlayer_lowered:
.L_overlay_start_2:
0x158: {  	(tag) =	ssettag $0x2  }
0x159: {  	s0 =	rddreg [dreg:$0x0];
	s2 =	stileid.u32  }
0x15a: {  	s1 =	rddreg [dreg:$0x1];
	p0 =	sne.s32 s2, $0x0  }
0x15b: {  	s3 =	rddreg [dreg:$0x2];
	[bflag:$0x3] =	sbarrier.arrive $0xFFFF;
	s2 =	simm.s32 @!p0 $0x1C03  }
0x15c: {  	[timem:s3], [sflag:s2] =	dma.local @!p0 [hbm:s0], s1  }
0x15d: {  	s0 =	simm.s32 @!p0 $0x3  }
0x15e: {  	_ =	swait.ge @!p0 [sflag:s0], s1  }
0x15f: {  	s1 =	ssub.s32 @!p0 $0x0, s1;
	[sflag:s0] =	ssyncset.done @!p0 $0x0  }
0x160: {  	[sflag:s0] =	ssyncadd.s32 @!p0 s1  }
0x161: {  	[bflag:$0x3] =	sbarrier.arrive $0xFFFF  }
0x162: {  	_ =	shalt  }

</sc_bundles>
